<compile_context>
chip_gen: v7x
topology: tpu7x:2x2x1
jax: 0.10.2.dev20260603
libtpu: 0.0.44.dev20260713+nightly
codegen_flags: <defaults>
</compile_context>

<pallas_src>
import functools
import math

import jax
import jax.numpy as jnp
from jax import lax
from jax.experimental import pallas as pl
from jax.experimental.pallas import tpu as pltpu
from jax.experimental.pallas import tpu_sc as plsc

D_MODEL = 64
SCALE = math.sqrt(D_MODEL)

_NC = 2
_NS = 16
_NW = _NC * _NS
_CH = 128
_K = 2
_NSLOT = 4


def _make_kernel(B: int):
    n_chunks = B // (_NW * _CH)
    n_groups = n_chunks // _K
    assert B % (_NW * _CH * _K) == 0 and n_groups % _NSLOT == 0
    mesh = plsc.VectorSubcoreMesh(core_axis_name="c", subcore_axis_name="s")

    @functools.partial(
        pl.kernel,
        out_type=jax.ShapeDtypeStruct((_NW * n_chunks, _CH, D_MODEL),
                                      jnp.float32),
        mesh=mesh,
        scratch_types=[
            pltpu.VMEM((n_chunks, _CH), jnp.int32),
            [pltpu.VMEM((_K, _CH, D_MODEL), jnp.float32)
             for _ in range(_NSLOT)],
            pltpu.SemaphoreType.DMA((_NSLOT * _K,)),
            pltpu.SemaphoreType.DMA((_NSLOT,)),
        ],
        compiler_params=pltpu.CompilerParams(use_tc_tiling_on_sc=False),
    )
    def embed(idx_hbm, table_hbm, out_hbm, idx_v, slots, gsem, osem):
        wid = lax.axis_index("s") * _NC + lax.axis_index("c")
        cbase = wid * n_chunks
        pltpu.sync_copy(idx_hbm.at[wid], idx_v)

        def fire_group(g, s):
            for k in range(_K):
                pltpu.async_copy(table_hbm.at[idx_v.at[g * _K + k]],
                                 slots[s].at[k], gsem.at[s * _K + k])

        def wo_copy(s, g):
            return pltpu.make_async_copy(
                slots[s], out_hbm.at[pl.ds(cbase + g * _K, _K)], osem.at[s])

        fire_group(0, 0)
        fire_group(1, 1)

        @pl.loop(0, n_groups, step=_NSLOT)
        def body(r):
            for j in range(_NSLOT):
                t = r + j
                s = j
                s2 = (j + 2) % _NSLOT

                @pl.when(t >= 2)
                def _():
                    wo_copy(s2, t - 2).wait()

                @pl.when(t + 2 < n_groups)
                def _():
                    fire_group(t + 2, s2)

                for k in range(_K):
                    pltpu.make_async_copy(
                        table_hbm.at[idx_v.at[t * _K + k]],
                        slots[s].at[k], gsem.at[s * _K + k]).wait()

                def row_body(rr, _):
                    for k in range(_K):
                        for c in range(D_MODEL // 16):
                            sl = pl.ds(c * 16, 16)
                            slots[s][k, rr, sl] = slots[s][k, rr, sl] * SCALE
                    return ()
                lax.fori_loop(0, _CH, row_body, (), unroll=8)

                pltpu.async_copy(
                    slots[s], out_hbm.at[pl.ds(cbase + t * _K, _K)],
                    osem.at[s])

        for t in (n_groups - 2, n_groups - 1):
            wo_copy(t % _NSLOT, t).wait()

    return embed


@jax.jit
def kernel(x, table):
    orig_shape = x.shape
    B = x.size
    idx = x.reshape(_NW, B // (_NW * _CH), _CH).astype(jnp.int32)
    out = _make_kernel(B)(idx, table)
    return out.reshape(*orig_shape, D_MODEL)

# --- scband reference (transcript-rebuilt; emitter-appended) ---
"""Pipeline reference for scband-embedding-90417651516455 (READ-ONLY COPY).

The authoritative reference and input builder live on the scoring server;
editing this copy changes nothing except your own understanding.
"""

import jax, jax.numpy as jnp
import numpy as np
import math

D_MODEL = 64
VOCAB = 1000000

def setup_inputs(seed: int = 0) -> dict:
    key = jax.random.key(seed)
    k1, k2 = jax.random.split(key)
    x = jax.random.randint(k1, (4096, 200), 0, VOCAB, dtype=jnp.int64)
    table = jax.random.normal(k2, (VOCAB, D_MODEL), dtype=jnp.float32)
    return {"x": x, "table": table}

def reference(x, table):
    # torch.nn.Embedding lookup followed by sqrt(dModel) scaling
    out = jnp.take(table, x, axis=0)
    return out * math.sqrt(D_MODEL)

if __name__ == "__main__":
    import jax
    _d = setup_inputs()
    print(jax.jit(kernel)(*tuple(_d.values())))

</pallas_src>

<mosaic_0001>
#map = affine_map<(d0, d1) -> (0, 0, 0)>
#map1 = affine_map<(d0, d1) -> (0, 0)>
module attributes {stable_mosaic.version = 14 : i64} {
  func.func @embed(%arg0: i32, %arg1: i32, %arg2: memref<32x200x128xi32, #tpu.memory_space<hbm>>, %arg3: memref<1000000x64xf32, #tpu.memory_space<hbm>>, %arg4: memref<6400x128x64xf32, #tpu.memory_space<hbm>>, %arg5: memref<200x128xi32, #tpu.memory_space<vmem>>, %arg6: memref<2x128x64xf32, #tpu.memory_space<vmem>>, %arg7: memref<2x128x64xf32, #tpu.memory_space<vmem>>, %arg8: memref<2x128x64xf32, #tpu.memory_space<vmem>>, %arg9: memref<2x128x64xf32, #tpu.memory_space<vmem>>, %arg10: memref<8x!tpu.dma_semaphore, #tpu.memory_space<semaphore_mem>>, %arg11: memref<4x!tpu.dma_semaphore, #tpu.memory_space<semaphore_mem>>) attributes {dimension_semantics = [#tpu.dimension_semantics<core_parallel>, #tpu.dimension_semantics<subcore_parallel>], iteration_bounds = array<i64: 2, 16>, scalar_prefetch = 0 : i64, scratch_operands = 7 : i64, tpu.core_type = #tpu.core_type<sc_vector_subcore>, window_params = [{transform_indices = #map}, {transform_indices = #map1}, {transform_indices = #map}]} {
    %mul3A = arith.constant 2 : i32
    %mul3A_0 = arith.muli %arg1, %mul3A : i32
    %add3A = arith.addi %mul3A_0, %arg0 : i32
    %mul3A_1 = arith.constant 200 : i32
    %mul3A_2 = arith.muli %add3A, %mul3A_1 : i32
    "tpu.region"() ({
      %run_scoped3A = tpu.sem_alloc : memref<!tpu.dma_semaphore, #tpu.memory_space<semaphore_mem>>
      %dma_start3A_87 = arith.constant 0 : i32
      %dma_start3A_88 = arith.constant 0 : i32
      %dma_start3A_89 = tpu.memref_slice %arg2[%add3A, %dma_start3A_87, %dma_start3A_88] : memref<32x200x128xi32, #tpu.memory_space<hbm>> -> memref<1x200x128xi32, #tpu.memory_space<hbm>>
      %dma_start3A_90 = tpu.memref_squeeze %dma_start3A_89 : memref<1x200x128xi32, #tpu.memory_space<hbm>> -> memref<200x128xi32, #tpu.memory_space<hbm>>
      %dma_start3A_91 = arith.constant 0 : i32
      %dma_start3A_92 = arith.constant 0 : i32
      %dma_start3A_93 = tpu.memref_slice %arg2[%add3A, %dma_start3A_91, %dma_start3A_92] : memref<32x200x128xi32, #tpu.memory_space<hbm>> -> memref<1x200x128xi32, #tpu.memory_space<hbm>>
      %dma_start3A_94 = tpu.memref_squeeze %dma_start3A_93 : memref<1x200x128xi32, #tpu.memory_space<hbm>> -> memref<200x128xi32, #tpu.memory_space<hbm>>
      tpu.enqueue_dma source(%dma_start3A_94 : memref<200x128xi32, #tpu.memory_space<hbm>>) target(%arg5 : memref<200x128xi32, #tpu.memory_space<vmem>>) target_semaphore(%run_scoped3A : memref<!tpu.dma_semaphore, #tpu.memory_space<semaphore_mem>>)
      %dma_wait3A_95 = arith.constant 0 : i32
      %dma_wait3A_96 = arith.constant 0 : i32
      %dma_wait3A_97 = tpu.memref_slice %arg2[%add3A, %dma_wait3A_95, %dma_wait3A_96] : memref<32x200x128xi32, #tpu.memory_space<hbm>> -> memref<1x200x128xi32, #tpu.memory_space<hbm>>
      %dma_wait3A_98 = tpu.memref_squeeze %dma_wait3A_97 : memref<1x200x128xi32, #tpu.memory_space<hbm>> -> memref<200x128xi32, #tpu.memory_space<hbm>>
      %dma_wait3A_99 = arith.constant 0 : i32
      %dma_wait3A_100 = arith.constant 0 : i32
      %dma_wait3A_101 = tpu.memref_slice %arg2[%add3A, %dma_wait3A_99, %dma_wait3A_100] : memref<32x200x128xi32, #tpu.memory_space<hbm>> -> memref<1x200x128xi32, #tpu.memory_space<hbm>>
      %dma_wait3A_102 = tpu.memref_squeeze %dma_wait3A_101 : memref<1x200x128xi32, #tpu.memory_space<hbm>> -> memref<200x128xi32, #tpu.memory_space<hbm>>
      tpu.wait_dma2 semaphore(%run_scoped3A : memref<!tpu.dma_semaphore, #tpu.memory_space<semaphore_mem>>) src(%dma_wait3A_102 : memref<200x128xi32, #tpu.memory_space<hbm>>) dst(%arg5 : memref<200x128xi32, #tpu.memory_space<vmem>>)
      tpu.yield
    }) : () -> ()
    %dma_start3A = arith.constant 0 : i32
    %dma_start3A_3 = arith.constant 0 : i32
    %dma_start3A_4 = arith.constant 0 : i32
    %dma_start3A_5 = arith.constant 0 : i32
    %dma_start3A_6 = arith.constant 0 : i32
    %dma_start3A_7 = tpu.memref_slice %arg6[%dma_start3A_3, %dma_start3A_5, %dma_start3A_6] : memref<2x128x64xf32, #tpu.memory_space<vmem>> -> memref<1x128x64xf32, #tpu.memory_space<vmem>>
    %dma_start3A_8 = tpu.memref_squeeze %dma_start3A_7 : memref<1x128x64xf32, #tpu.memory_space<vmem>> -> memref<128x64xf32, #tpu.memory_space<vmem>>
    %dma_start3A_9 = arith.constant 0 : i32
    %dma_start3A_10 = tpu.memref_slice %arg5[%dma_start3A, %dma_start3A_9] : memref<200x128xi32, #tpu.memory_space<vmem>> -> memref<1x128xi32, #tpu.memory_space<vmem>>
    %dma_start3A_11 = tpu.memref_squeeze %dma_start3A_10 : memref<1x128xi32, #tpu.memory_space<vmem>> -> memref<128xi32, #tpu.memory_space<vmem>>
    %dma_start3A_12 = arith.constant 0 : i32
    %dma_start3A_13 = arith.constant 0 : i32
    %dma_start3A_14 = tpu.memref_slice %arg3[%dma_start3A_12, %dma_start3A_13] : memref<1000000x64xf32, #tpu.memory_space<hbm>> -> memref<1000000x64xf32, #tpu.memory_space<hbm>>
    %dma_start3A_15 = tpu.memref_slice %arg10[%dma_start3A_4] : memref<8x!tpu.dma_semaphore, #tpu.memory_space<semaphore_mem>> -> memref<1x!tpu.dma_semaphore, #tpu.memory_space<semaphore_mem>>
    %dma_start3A_16 = tpu.memref_squeeze %dma_start3A_15 : memref<1x!tpu.dma_semaphore, #tpu.memory_space<semaphore_mem>> -> memref<!tpu.dma_semaphore, #tpu.memory_space<semaphore_mem>>
    tpu.enqueue_indirect_dma source(%dma_start3A_14 : memref<1000000x64xf32, #tpu.memory_space<hbm>>) target(%dma_start3A_8 : memref<128x64xf32, #tpu.memory_space<vmem>>) offsets(%dma_start3A_11 : memref<128xi32, #tpu.memory_space<vmem>>) semaphore(%dma_start3A_16 : memref<!tpu.dma_semaphore, #tpu.memory_space<semaphore_mem>>)
    %dma_start3A_17 = arith.constant 1 : i32
    %dma_start3A_18 = arith.constant 1 : i32
    %dma_start3A_19 = arith.constant 1 : i32
    %dma_start3A_20 = arith.constant 0 : i32
    %dma_start3A_21 = arith.constant 0 : i32
    %dma_start3A_22 = tpu.memref_slice %arg6[%dma_start3A_18, %dma_start3A_20, %dma_start3A_21] : memref<2x128x64xf32, #tpu.memory_space<vmem>> -> memref<1x128x64xf32, #tpu.memory_space<vmem>>
    %dma_start3A_23 = tpu.memref_squeeze %dma_start3A_22 : memref<1x128x64xf32, #tpu.memory_space<vmem>> -> memref<128x64xf32, #tpu.memory_space<vmem>>
    %dma_start3A_24 = arith.constant 0 : i32
    %dma_start3A_25 = tpu.memref_slice %arg5[%dma_start3A_17, %dma_start3A_24] : memref<200x128xi32, #tpu.memory_space<vmem>> -> memref<1x128xi32, #tpu.memory_space<vmem>>
    %dma_start3A_26 = tpu.memref_squeeze %dma_start3A_25 : memref<1x128xi32, #tpu.memory_space<vmem>> -> memref<128xi32, #tpu.memory_space<vmem>>
    %dma_start3A_27 = arith.constant 0 : i32
    %dma_start3A_28 = arith.constant 0 : i32
    %dma_start3A_29 = tpu.memref_slice %arg3[%dma_start3A_27, %dma_start3A_28] : memref<1000000x64xf32, #tpu.memory_space<hbm>> -> memref<1000000x64xf32, #tpu.memory_space<hbm>>
    %dma_start3A_30 = tpu.memref_slice %arg10[%dma_start3A_19] : memref<8x!tpu.dma_semaphore, #tpu.memory_space<semaphore_mem>> -> memref<1x!tpu.dma_semaphore, #tpu.memory_space<semaphore_mem>>
    %dma_start3A_31 = tpu.memref_squeeze %dma_start3A_30 : memref<1x!tpu.dma_semaphore, #tpu.memory_space<semaphore_mem>> -> memref<!tpu.dma_semaphore, #tpu.memory_space<semaphore_mem>>
    tpu.enqueue_indirect_dma source(%dma_start3A_29 : memref<1000000x64xf32, #tpu.memory_space<hbm>>) target(%dma_start3A_23 : memref<128x64xf32, #tpu.memory_space<vmem>>) offsets(%dma_start3A_26 : memref<128xi32, #tpu.memory_space<vmem>>) semaphore(%dma_start3A_31 : memref<!tpu.dma_semaphore, #tpu.memory_space<semaphore_mem>>)
    %dma_start3A_32 = arith.constant 2 : i32
    %dma_start3A_33 = arith.constant 0 : i32
    %dma_start3A_34 = arith.constant 2 : i32
    %dma_start3A_35 = arith.constant 0 : i32
    %dma_start3A_36 = arith.constant 0 : i32
    %dma_start3A_37 = tpu.memref_slice %arg7[%dma_start3A_33, %dma_start3A_35, %dma_start3A_36] : memref<2x128x64xf32, #tpu.memory_space<vmem>> -> memref<1x128x64xf32, #tpu.memory_space<vmem>>
    %dma_start3A_38 = tpu.memref_squeeze %dma_start3A_37 : memref<1x128x64xf32, #tpu.memory_space<vmem>> -> memref<128x64xf32, #tpu.memory_space<vmem>>
    %dma_start3A_39 = arith.constant 0 : i32
    %dma_start3A_40 = tpu.memref_slice %arg5[%dma_start3A_32, %dma_start3A_39] : memref<200x128xi32, #tpu.memory_space<vmem>> -> memref<1x128xi32, #tpu.memory_space<vmem>>
    %dma_start3A_41 = tpu.memref_squeeze %dma_start3A_40 : memref<1x128xi32, #tpu.memory_space<vmem>> -> memref<128xi32, #tpu.memory_space<vmem>>
    %dma_start3A_42 = arith.constant 0 : i32
    %dma_start3A_43 = arith.constant 0 : i32
    %dma_start3A_44 = tpu.memref_slice %arg3[%dma_start3A_42, %dma_start3A_43] : memref<1000000x64xf32, #tpu.memory_space<hbm>> -> memref<1000000x64xf32, #tpu.memory_space<hbm>>
    %dma_start3A_45 = tpu.memref_slice %arg10[%dma_start3A_34] : memref<8x!tpu.dma_semaphore, #tpu.memory_space<semaphore_mem>> -> memref<1x!tpu.dma_semaphore, #tpu.memory_space<semaphore_mem>>
    %dma_start3A_46 = tpu.memref_squeeze %dma_start3A_45 : memref<1x!tpu.dma_semaphore, #tpu.memory_space<semaphore_mem>> -> memref<!tpu.dma_semaphore, #tpu.memory_space<semaphore_mem>>
    tpu.enqueue_indirect_dma source(%dma_start3A_44 : memref<1000000x64xf32, #tpu.memory_space<hbm>>) target(%dma_start3A_38 : memref<128x64xf32, #tpu.memory_space<vmem>>) offsets(%dma_start3A_41 : memref<128xi32, #tpu.memory_space<vmem>>) semaphore(%dma_start3A_46 : memref<!tpu.dma_semaphore, #tpu.memory_space<semaphore_mem>>)
    %dma_start3A_47 = arith.constant 3 : i32
    %dma_start3A_48 = arith.constant 1 : i32
    %dma_start3A_49 = arith.constant 3 : i32
    %dma_start3A_50 = arith.constant 0 : i32
    %dma_start3A_51 = arith.constant 0 : i32
    %dma_start3A_52 = tpu.memref_slice %arg7[%dma_start3A_48, %dma_start3A_50, %dma_start3A_51] : memref<2x128x64xf32, #tpu.memory_space<vmem>> -> memref<1x128x64xf32, #tpu.memory_space<vmem>>
    %dma_start3A_53 = tpu.memref_squeeze %dma_start3A_52 : memref<1x128x64xf32, #tpu.memory_space<vmem>> -> memref<128x64xf32, #tpu.memory_space<vmem>>
    %dma_start3A_54 = arith.constant 0 : i32
    %dma_start3A_55 = tpu.memref_slice %arg5[%dma_start3A_47, %dma_start3A_54] : memref<200x128xi32, #tpu.memory_space<vmem>> -> memref<1x128xi32, #tpu.memory_space<vmem>>
    %dma_start3A_56 = tpu.memref_squeeze %dma_start3A_55 : memref<1x128xi32, #tpu.memory_space<vmem>> -> memref<128xi32, #tpu.memory_space<vmem>>
    %dma_start3A_57 = arith.constant 0 : i32
    %dma_start3A_58 = arith.constant 0 : i32
    %dma_start3A_59 = tpu.memref_slice %arg3[%dma_start3A_57, %dma_start3A_58] : memref<1000000x64xf32, #tpu.memory_space<hbm>> -> memref<1000000x64xf32, #tpu.memory_space<hbm>>
    %dma_start3A_60 = tpu.memref_slice %arg10[%dma_start3A_49] : memref<8x!tpu.dma_semaphore, #tpu.memory_space<semaphore_mem>> -> memref<1x!tpu.dma_semaphore, #tpu.memory_space<semaphore_mem>>
    %dma_start3A_61 = tpu.memref_squeeze %dma_start3A_60 : memref<1x!tpu.dma_semaphore, #tpu.memory_space<semaphore_mem>> -> memref<!tpu.dma_semaphore, #tpu.memory_space<semaphore_mem>>
    tpu.enqueue_indirect_dma source(%dma_start3A_59 : memref<1000000x64xf32, #tpu.memory_space<hbm>>) target(%dma_start3A_53 : memref<128x64xf32, #tpu.memory_space<vmem>>) offsets(%dma_start3A_56 : memref<128xi32, #tpu.memory_space<vmem>>) semaphore(%dma_start3A_61 : memref<!tpu.dma_semaphore, #tpu.memory_space<semaphore_mem>>)
    %scan3A = arith.constant 0 : i32
    %scan3A_62 = arith.constant 25 : i32
    %scan3A_63 = arith.addi %scan3A, %scan3A_62 : i32
    %scan3A_64 = arith.constant 1 : i32
    scf.for %scan3A_87 = %scan3A to %scan3A_63 step %scan3A_64  : i32 {
      %mul3A_88 = arith.constant 4 : i32
      %mul3A_89 = arith.muli %scan3A_87, %mul3A_88 : i32
      %add3A_90 = arith.constant 0 : i32
      %add3A_91 = arith.addi %add3A_90, %mul3A_89 : i32
      %add3A_92 = arith.constant 0 : i32
      %add3A_93 = arith.addi %add3A_91, %add3A_92 : i32
      %ge3A = arith.constant 2 : i32
      %ge3A_94 = arith.cmpi sge, %add3A_93, %ge3A : i32
      %convert_element_type3A = arith.extui %ge3A_94 : i1 to i32
      %cond3A = arith.constant 0 : i32
      %cond3A_95 = arith.cmpi ne, %convert_element_type3A, %cond3A : i32
      scf.if %cond3A_95 {
        %sub3A = arith.constant 2 : i32
        %sub3A_356 = arith.subi %add3A_93, %sub3A : i32
        %mul3A_357 = arith.constant 2 : i32
        %mul3A_358 = arith.muli %sub3A_356, %mul3A_357 : i32
        %add3A_359 = arith.addi %mul3A_2, %mul3A_358 : i32
        %dma_wait3A_360 = arith.constant 2 : i32
        %dma_wait3A_361 = arith.constant 0 : i32
        %dma_wait3A_362 = arith.constant 0 : i32
        %dma_wait3A_363 = tpu.memref_slice %arg4[%add3A_359, %dma_wait3A_361, %dma_wait3A_362] : memref<6400x128x64xf32, #tpu.memory_space<hbm>> -> memref<2x128x64xf32, #tpu.memory_space<hbm>>
        %dma_wait3A_364 = tpu.memref_slice %arg11[%dma_wait3A_360] : memref<4x!tpu.dma_semaphore, #tpu.memory_space<semaphore_mem>> -> memref<1x!tpu.dma_semaphore, #tpu.memory_space<semaphore_mem>>
        %dma_wait3A_365 = tpu.memref_squeeze %dma_wait3A_364 : memref<1x!tpu.dma_semaphore, #tpu.memory_space<semaphore_mem>> -> memref<!tpu.dma_semaphore, #tpu.memory_space<semaphore_mem>>
        %dma_wait3A_366 = arith.constant 0 : i32
        %dma_wait3A_367 = arith.constant 0 : i32
        %dma_wait3A_368 = tpu.memref_slice %arg4[%add3A_359, %dma_wait3A_366, %dma_wait3A_367] : memref<6400x128x64xf32, #tpu.memory_space<hbm>> -> memref<2x128x64xf32, #tpu.memory_space<hbm>>
        tpu.wait_dma2 semaphore(%dma_wait3A_365 : memref<!tpu.dma_semaphore, #tpu.memory_space<semaphore_mem>>) src(%arg8 : memref<2x128x64xf32, #tpu.memory_space<vmem>>) dst(%dma_wait3A_368 : memref<2x128x64xf32, #tpu.memory_space<hbm>>)
      } else {
      }
      %add3A_96 = arith.constant 2 : i32
      %add3A_97 = arith.addi %add3A_93, %add3A_96 : i32
      %lt3A = arith.constant 100 : i32
      %lt3A_98 = arith.cmpi slt, %add3A_97, %lt3A : i32
      %convert_element_type3A_99 = arith.extui %lt3A_98 : i1 to i32
      %cond3A_100 = arith.constant 0 : i32
      %cond3A_101 = arith.cmpi ne, %convert_element_type3A_99, %cond3A_100 : i32
      scf.if %cond3A_101 {
        %add3A_356 = arith.constant 2 : i32
        %add3A_357 = arith.addi %add3A_93, %add3A_356 : i32
        %mul3A_358 = arith.constant 2 : i32
        %mul3A_359 = arith.muli %add3A_357, %mul3A_358 : i32
        %add3A_360 = arith.constant 0 : i32
        %add3A_361 = arith.addi %mul3A_359, %add3A_360 : i32
        %dma_start3A_362 = arith.constant 0 : i32
        %dma_start3A_363 = arith.constant 4 : i32
        %dma_start3A_364 = arith.constant 0 : i32
        %dma_start3A_365 = arith.constant 0 : i32
        %dma_start3A_366 = tpu.memref_slice %arg8[%dma_start3A_362, %dma_start3A_364, %dma_start3A_365] : memref<2x128x64xf32, #tpu.memory_space<vmem>> -> memref<1x128x64xf32, #tpu.memory_space<vmem>>
        %dma_start3A_367 = tpu.memref_squeeze %dma_start3A_366 : memref<1x128x64xf32, #tpu.memory_space<vmem>> -> memref<128x64xf32, #tpu.memory_space<vmem>>
        %dma_start3A_368 = arith.constant 0 : i32
        %dma_start3A_369 = tpu.memref_slice %arg5[%add3A_361, %dma_start3A_368] : memref<200x128xi32, #tpu.memory_space<vmem>> -> memref<1x128xi32, #tpu.memory_space<vmem>>
        %dma_start3A_370 = tpu.memref_squeeze %dma_start3A_369 : memref<1x128xi32, #tpu.memory_space<vmem>> -> memref<128xi32, #tpu.memory_space<vmem>>
        %dma_start3A_371 = arith.constant 0 : i32
        %dma_start3A_372 = arith.constant 0 : i32
        %dma_start3A_373 = tpu.memref_slice %arg3[%dma_start3A_371, %dma_start3A_372] : memref<1000000x64xf32, #tpu.memory_space<hbm>> -> memref<1000000x64xf32, #tpu.memory_space<hbm>>
        %dma_start3A_374 = tpu.memref_slice %arg10[%dma_start3A_363] : memref<8x!tpu.dma_semaphore, #tpu.memory_space<semaphore_mem>> -> memref<1x!tpu.dma_semaphore, #tpu.memory_space<semaphore_mem>>
        %dma_start3A_375 = tpu.memref_squeeze %dma_start3A_374 : memref<1x!tpu.dma_semaphore, #tpu.memory_space<semaphore_mem>> -> memref<!tpu.dma_semaphore, #tpu.memory_space<semaphore_mem>>
        tpu.enqueue_indirect_dma source(%dma_start3A_373 : memref<1000000x64xf32, #tpu.memory_space<hbm>>) target(%dma_start3A_367 : memref<128x64xf32, #tpu.memory_space<vmem>>) offsets(%dma_start3A_370 : memref<128xi32, #tpu.memory_space<vmem>>) semaphore(%dma_start3A_375 : memref<!tpu.dma_semaphore, #tpu.memory_space<semaphore_mem>>)
        %mul3A_376 = arith.constant 2 : i32
        %mul3A_377 = arith.muli %add3A_357, %mul3A_376 : i32
        %add3A_378 = arith.constant 1 : i32
        %add3A_379 = arith.addi %mul3A_377, %add3A_378 : i32
        %dma_start3A_380 = arith.constant 1 : i32
        %dma_start3A_381 = arith.constant 5 : i32
        %dma_start3A_382 = arith.constant 0 : i32
        %dma_start3A_383 = arith.constant 0 : i32
        %dma_start3A_384 = tpu.memref_slice %arg8[%dma_start3A_380, %dma_start3A_382, %dma_start3A_383] : memref<2x128x64xf32, #tpu.memory_space<vmem>> -> memref<1x128x64xf32, #tpu.memory_space<vmem>>
        %dma_start3A_385 = tpu.memref_squeeze %dma_start3A_384 : memref<1x128x64xf32, #tpu.memory_space<vmem>> -> memref<128x64xf32, #tpu.memory_space<vmem>>
        %dma_start3A_386 = arith.constant 0 : i32
        %dma_start3A_387 = tpu.memref_slice %arg5[%add3A_379, %dma_start3A_386] : memref<200x128xi32, #tpu.memory_space<vmem>> -> memref<1x128xi32, #tpu.memory_space<vmem>>
        %dma_start3A_388 = tpu.memref_squeeze %dma_start3A_387 : memref<1x128xi32, #tpu.memory_space<vmem>> -> memref<128xi32, #tpu.memory_space<vmem>>
        %dma_start3A_389 = arith.constant 0 : i32
        %dma_start3A_390 = arith.constant 0 : i32
        %dma_start3A_391 = tpu.memref_slice %arg3[%dma_start3A_389, %dma_start3A_390] : memref<1000000x64xf32, #tpu.memory_space<hbm>> -> memref<1000000x64xf32, #tpu.memory_space<hbm>>
        %dma_start3A_392 = tpu.memref_slice %arg10[%dma_start3A_381] : memref<8x!tpu.dma_semaphore, #tpu.memory_space<semaphore_mem>> -> memref<1x!tpu.dma_semaphore, #tpu.memory_space<semaphore_mem>>
        %dma_start3A_393 = tpu.memref_squeeze %dma_start3A_392 : memref<1x!tpu.dma_semaphore, #tpu.memory_space<semaphore_mem>> -> memref<!tpu.dma_semaphore, #tpu.memory_space<semaphore_mem>>
        tpu.enqueue_indirect_dma source(%dma_start3A_391 : memref<1000000x64xf32, #tpu.memory_space<hbm>>) target(%dma_start3A_385 : memref<128x64xf32, #tpu.memory_space<vmem>>) offsets(%dma_start3A_388 : memref<128xi32, #tpu.memory_space<vmem>>) semaphore(%dma_start3A_393 : memref<!tpu.dma_semaphore, #tpu.memory_space<semaphore_mem>>)
      } else {
      }
      %mul3A_102 = arith.constant 2 : i32
      %mul3A_103 = arith.muli %add3A_93, %mul3A_102 : i32
      %add3A_104 = arith.constant 0 : i32
      %add3A_105 = arith.addi %mul3A_103, %add3A_104 : i32
      %dma_wait3A_106 = arith.constant 0 : i32
      %dma_wait3A_107 = arith.constant 0 : i32
      %dma_wait3A_108 = arith.constant 0 : i32
      %dma_wait3A_109 = arith.constant 0 : i32
      %dma_wait3A_110 = tpu.memref_slice %arg6[%dma_wait3A_106, %dma_wait3A_108, %dma_wait3A_109] : memref<2x128x64xf32, #tpu.memory_space<vmem>> -> memref<1x128x64xf32, #tpu.memory_space<vmem>>
      %dma_wait3A_111 = tpu.memref_squeeze %dma_wait3A_110 : memref<1x128x64xf32, #tpu.memory_space<vmem>> -> memref<128x64xf32, #tpu.memory_space<vmem>>
      %dma_wait3A_112 = arith.constant 0 : i32
      %dma_wait3A_113 = tpu.memref_slice %arg5[%add3A_105, %dma_wait3A_112] : memref<200x128xi32, #tpu.memory_space<vmem>> -> memref<1x128xi32, #tpu.memory_space<vmem>>
      %dma_wait3A_114 = tpu.memref_squeeze %dma_wait3A_113 : memref<1x128xi32, #tpu.memory_space<vmem>> -> memref<128xi32, #tpu.memory_space<vmem>>
      %dma_wait3A_115 = arith.constant 0 : i32
      %dma_wait3A_116 = arith.constant 0 : i32
      %dma_wait3A_117 = tpu.memref_slice %arg3[%dma_wait3A_115, %dma_wait3A_116] : memref<1000000x64xf32, #tpu.memory_space<hbm>> -> memref<1000000x64xf32, #tpu.memory_space<hbm>>
      %dma_wait3A_118 = tpu.memref_slice %arg10[%dma_wait3A_107] : memref<8x!tpu.dma_semaphore, #tpu.memory_space<semaphore_mem>> -> memref<1x!tpu.dma_semaphore, #tpu.memory_space<semaphore_mem>>
      %dma_wait3A_119 = tpu.memref_squeeze %dma_wait3A_118 : memref<1x!tpu.dma_semaphore, #tpu.memory_space<semaphore_mem>> -> memref<!tpu.dma_semaphore, #tpu.memory_space<semaphore_mem>>
      tpu.wait_indirect_dma semaphore(%dma_wait3A_119 : memref<!tpu.dma_semaphore, #tpu.memory_space<semaphore_mem>>) src(%dma_wait3A_117 : memref<1000000x64xf32, #tpu.memory_space<hbm>>) dst(%dma_wait3A_111 : memref<128x64xf32, #tpu.memory_space<vmem>>)
      %mul3A_120 = arith.constant 2 : i32
      %mul3A_121 = arith.muli %add3A_93, %mul3A_120 : i32
      %add3A_122 = arith.constant 1 : i32
      %add3A_123 = arith.addi %mul3A_121, %add3A_122 : i32
      %dma_wait3A_124 = arith.constant 1 : i32
      %dma_wait3A_125 = arith.constant 1 : i32
      %dma_wait3A_126 = arith.constant 0 : i32
      %dma_wait3A_127 = arith.constant 0 : i32
      %dma_wait3A_128 = tpu.memref_slice %arg6[%dma_wait3A_124, %dma_wait3A_126, %dma_wait3A_127] : memref<2x128x64xf32, #tpu.memory_space<vmem>> -> memref<1x128x64xf32, #tpu.memory_space<vmem>>
      %dma_wait3A_129 = tpu.memref_squeeze %dma_wait3A_128 : memref<1x128x64xf32, #tpu.memory_space<vmem>> -> memref<128x64xf32, #tpu.memory_space<vmem>>
      %dma_wait3A_130 = arith.constant 0 : i32
      %dma_wait3A_131 = tpu.memref_slice %arg5[%add3A_123, %dma_wait3A_130] : memref<200x128xi32, #tpu.memory_space<vmem>> -> memref<1x128xi32, #tpu.memory_space<vmem>>
      %dma_wait3A_132 = tpu.memref_squeeze %dma_wait3A_131 : memref<1x128xi32, #tpu.memory_space<vmem>> -> memref<128xi32, #tpu.memory_space<vmem>>
      %dma_wait3A_133 = arith.constant 0 : i32
      %dma_wait3A_134 = arith.constant 0 : i32
      %dma_wait3A_135 = tpu.memref_slice %arg3[%dma_wait3A_133, %dma_wait3A_134] : memref<1000000x64xf32, #tpu.memory_space<hbm>> -> memref<1000000x64xf32, #tpu.memory_space<hbm>>
      %dma_wait3A_136 = tpu.memref_slice %arg10[%dma_wait3A_125] : memref<8x!tpu.dma_semaphore, #tpu.memory_space<semaphore_mem>> -> memref<1x!tpu.dma_semaphore, #tpu.memory_space<semaphore_mem>>
      %dma_wait3A_137 = tpu.memref_squeeze %dma_wait3A_136 : memref<1x!tpu.dma_semaphore, #tpu.memory_space<semaphore_mem>> -> memref<!tpu.dma_semaphore, #tpu.memory_space<semaphore_mem>>
      tpu.wait_indirect_dma semaphore(%dma_wait3A_137 : memref<!tpu.dma_semaphore, #tpu.memory_space<semaphore_mem>>) src(%dma_wait3A_135 : memref<1000000x64xf32, #tpu.memory_space<hbm>>) dst(%dma_wait3A_129 : memref<128x64xf32, #tpu.memory_space<vmem>>)
      %scan3A_138 = arith.constant 0 : i32
      %scan3A_139 = arith.constant 128 : i32
      %scan3A_140 = arith.addi %scan3A_138, %scan3A_139 : i32
      %scan3A_141 = arith.constant 8 : i32
      scf.for %scan3A_356 = %scan3A_138 to %scan3A_140 step %scan3A_141  : i32 {
        %get3A = arith.constant 0 : i32
        %get3A_357 = arith.index_cast %get3A : i32 to index
        %get3A_358 = arith.index_cast %scan3A_356 : i32 to index
        %get3A_359 = arith.constant 0 : index
        %get3A_360 = tpu.vector_load %arg6[%get3A_357, %get3A_358, %get3A_359] {strides = array<i32>} : memref<2x128x64xf32, #tpu.memory_space<vmem>>, vector<1x1x16xf32>,
        %get3A_361 = vector.shape_cast %get3A_360 : vector<1x1x16xf32> to vector<16xf32>
        %mul3A_362 = arith.constant 8.000000e+00 : f32
        %mul3A_363 = vector.broadcast %mul3A_362 : f32 to vector<16xf32>
        %mul3A_364 = arith.mulf %get3A_361, %mul3A_363 : vector<16xf32>
        %swap3A = arith.constant 0 : i32
        %swap3A_365 = arith.index_cast %swap3A : i32 to index
        %swap3A_366 = arith.index_cast %scan3A_356 : i32 to index
        %swap3A_367 = arith.constant 0 : index
        %swap3A_368 = tpu.vector_load %arg6[%swap3A_365, %swap3A_366, %swap3A_367] {strides = array<i32>} : memref<2x128x64xf32, #tpu.memory_space<vmem>>, vector<1x1x16xf32>,
        %swap3A_369 = vector.shape_cast %swap3A_368 : vector<1x1x16xf32> to vector<16xf32>
        %swap3A_370 = vector.shape_cast %mul3A_364 : vector<16xf32> to vector<1x1x16xf32>
        tpu.vector_store %arg6[%swap3A_365, %swap3A_366, %swap3A_367], %swap3A_370 {strides = array<i32>} : memref<2x128x64xf32, #tpu.memory_space<vmem>>, vector<1x1x16xf32>,
        %get3A_371 = arith.constant 0 : i32
        %get3A_372 = arith.index_cast %get3A_371 : i32 to index
        %get3A_373 = arith.index_cast %scan3A_356 : i32 to index
        %get3A_374 = arith.constant 16 : index
        %get3A_375 = tpu.vector_load %arg6[%get3A_372, %get3A_373, %get3A_374] {strides = array<i32>} : memref<2x128x64xf32, #tpu.memory_space<vmem>>, vector<1x1x16xf32>,
        %get3A_376 = vector.shape_cast %get3A_375 : vector<1x1x16xf32> to vector<16xf32>
        %mul3A_377 = arith.constant 8.000000e+00 : f32
        %mul3A_378 = vector.broadcast %mul3A_377 : f32 to vector<16xf32>
        %mul3A_379 = arith.mulf %get3A_376, %mul3A_378 : vector<16xf32>
        %swap3A_380 = arith.constant 0 : i32
        %swap3A_381 = arith.index_cast %swap3A_380 : i32 to index
        %swap3A_382 = arith.index_cast %scan3A_356 : i32 to index
        %swap3A_383 = arith.constant 16 : index
        %swap3A_384 = tpu.vector_load %arg6[%swap3A_381, %swap3A_382, %swap3A_383] {strides = array<i32>} : memref<2x128x64xf32, #tpu.memory_space<vmem>>, vector<1x1x16xf32>,
        %swap3A_385 = vector.shape_cast %swap3A_384 : vector<1x1x16xf32> to vector<16xf32>
        %swap3A_386 = vector.shape_cast %mul3A_379 : vector<16xf32> to vector<1x1x16xf32>
        tpu.vector_store %arg6[%swap3A_381, %swap3A_382, %swap3A_383], %swap3A_386 {strides = array<i32>} : memref<2x128x64xf32, #tpu.memory_space<vmem>>, vector<1x1x16xf32>,
        %get3A_387 = arith.constant 0 : i32
        %get3A_388 = arith.index_cast %get3A_387 : i32 to index
        %get3A_389 = arith.index_cast %scan3A_356 : i32 to index
        %get3A_390 = arith.constant 32 : index
        %get3A_391 = tpu.vector_load %arg6[%get3A_388, %get3A_389, %get3A_390] {strides = array<i32>} : memref<2x128x64xf32, #tpu.memory_space<vmem>>, vector<1x1x16xf32>,
        %get3A_392 = vector.shape_cast %get3A_391 : vector<1x1x16xf32> to vector<16xf32>
        %mul3A_393 = arith.constant 8.000000e+00 : f32
        %mul3A_394 = vector.broadcast %mul3A_393 : f32 to vector<16xf32>
        %mul3A_395 = arith.mulf %get3A_392, %mul3A_394 : vector<16xf32>
        %swap3A_396 = arith.constant 0 : i32
        %swap3A_397 = arith.index_cast %swap3A_396 : i32 to index
        %swap3A_398 = arith.index_cast %scan3A_356 : i32 to index
        %swap3A_399 = arith.constant 32 : index
        %swap3A_400 = tpu.vector_load %arg6[%swap3A_397, %swap3A_398, %swap3A_399] {strides = array<i32>} : memref<2x128x64xf32, #tpu.memory_space<vmem>>, vector<1x1x16xf32>,
        %swap3A_401 = vector.shape_cast %swap3A_400 : vector<1x1x16xf32> to vector<16xf32>
        %swap3A_402 = vector.shape_cast %mul3A_395 : vector<16xf32> to vector<1x1x16xf32>
        tpu.vector_store %arg6[%swap3A_397, %swap3A_398, %swap3A_399], %swap3A_402 {strides = array<i32>} : memref<2x128x64xf32, #tpu.memory_space<vmem>>, vector<1x1x16xf32>,
        %get3A_403 = arith.constant 0 : i32
        %get3A_404 = arith.index_cast %get3A_403 : i32 to index
        %get3A_405 = arith.index_cast %scan3A_356 : i32 to index
        %get3A_406 = arith.constant 48 : index
        %get3A_407 = tpu.vector_load %arg6[%get3A_404, %get3A_405, %get3A_406] {strides = array<i32>} : memref<2x128x64xf32, #tpu.memory_space<vmem>>, vector<1x1x16xf32>,
        %get3A_408 = vector.shape_cast %get3A_407 : vector<1x1x16xf32> to vector<16xf32>
        %mul3A_409 = arith.constant 8.000000e+00 : f32
        %mul3A_410 = vector.broadcast %mul3A_409 : f32 to vector<16xf32>
        %mul3A_411 = arith.mulf %get3A_408, %mul3A_410 : vector<16xf32>
        %swap3A_412 = arith.constant 0 : i32
        %swap3A_413 = arith.index_cast %swap3A_412 : i32 to index
        %swap3A_414 = arith.index_cast %scan3A_356 : i32 to index
        %swap3A_415 = arith.constant 48 : index
        %swap3A_416 = tpu.vector_load %arg6[%swap3A_413, %swap3A_414, %swap3A_415] {strides = array<i32>} : memref<2x128x64xf32, #tpu.memory_space<vmem>>, vector<1x1x16xf32>,
        %swap3A_417 = vector.shape_cast %swap3A_416 : vector<1x1x16xf32> to vector<16xf32>
        %swap3A_418 = vector.shape_cast %mul3A_411 : vector<16xf32> to vector<1x1x16xf32>
        tpu.vector_store %arg6[%swap3A_413, %swap3A_414, %swap3A_415], %swap3A_418 {strides = array<i32>} : memref<2x128x64xf32, #tpu.memory_space<vmem>>, vector<1x1x16xf32>,
        %get3A_419 = arith.constant 1 : i32
        %get3A_420 = arith.index_cast %get3A_419 : i32 to index
        %get3A_421 = arith.index_cast %scan3A_356 : i32 to index
        %get3A_422 = arith.constant 0 : index
        %get3A_423 = tpu.vector_load %arg6[%get3A_420, %get3A_421, %get3A_422] {strides = array<i32>} : memref<2x128x64xf32, #tpu.memory_space<vmem>>, vector<1x1x16xf32>,
        %get3A_424 = vector.shape_cast %get3A_423 : vector<1x1x16xf32> to vector<16xf32>
        %mul3A_425 = arith.constant 8.000000e+00 : f32
        %mul3A_426 = vector.broadcast %mul3A_425 : f32 to vector<16xf32>
        %mul3A_427 = arith.mulf %get3A_424, %mul3A_426 : vector<16xf32>
        %swap3A_428 = arith.constant 1 : i32
        %swap3A_429 = arith.index_cast %swap3A_428 : i32 to index
        %swap3A_430 = arith.index_cast %scan3A_356 : i32 to index
        %swap3A_431 = arith.constant 0 : index
        %swap3A_432 = tpu.vector_load %arg6[%swap3A_429, %swap3A_430, %swap3A_431] {strides = array<i32>} : memref<2x128x64xf32, #tpu.memory_space<vmem>>, vector<1x1x16xf32>,
        %swap3A_433 = vector.shape_cast %swap3A_432 : vector<1x1x16xf32> to vector<16xf32>
        %swap3A_434 = vector.shape_cast %mul3A_427 : vector<16xf32> to vector<1x1x16xf32>
        tpu.vector_store %arg6[%swap3A_429, %swap3A_430, %swap3A_431], %swap3A_434 {strides = array<i32>} : memref<2x128x64xf32, #tpu.memory_space<vmem>>, vector<1x1x16xf32>,
        %get3A_435 = arith.constant 1 : i32
        %get3A_436 = arith.index_cast %get3A_435 : i32 to index
        %get3A_437 = arith.index_cast %scan3A_356 : i32 to index
        %get3A_438 = arith.constant 16 : index
        %get3A_439 = tpu.vector_load %arg6[%get3A_436, %get3A_437, %get3A_438] {strides = array<i32>} : memref<2x128x64xf32, #tpu.memory_space<vmem>>, vector<1x1x16xf32>,
        %get3A_440 = vector.shape_cast %get3A_439 : vector<1x1x16xf32> to vector<16xf32>
        %mul3A_441 = arith.constant 8.000000e+00 : f32
        %mul3A_442 = vector.broadcast %mul3A_441 : f32 to vector<16xf32>
        %mul3A_443 = arith.mulf %get3A_440, %mul3A_442 : vector<16xf32>
        %swap3A_444 = arith.constant 1 : i32
        %swap3A_445 = arith.index_cast %swap3A_444 : i32 to index
        %swap3A_446 = arith.index_cast %scan3A_356 : i32 to index
        %swap3A_447 = arith.constant 16 : index
        %swap3A_448 = tpu.vector_load %arg6[%swap3A_445, %swap3A_446, %swap3A_447] {strides = array<i32>} : memref<2x128x64xf32, #tpu.memory_space<vmem>>, vector<1x1x16xf32>,
        %swap3A_449 = vector.shape_cast %swap3A_448 : vector<1x1x16xf32> to vector<16xf32>
        %swap3A_450 = vector.shape_cast %mul3A_443 : vector<16xf32> to vector<1x1x16xf32>
        tpu.vector_store %arg6[%swap3A_445, %swap3A_446, %swap3A_447], %swap3A_450 {strides = array<i32>} : memref<2x128x64xf32, #tpu.memory_space<vmem>>, vector<1x1x16xf32>,
        %get3A_451 = arith.constant 1 : i32
        %get3A_452 = arith.index_cast %get3A_451 : i32 to index
        %get3A_453 = arith.index_cast %scan3A_356 : i32 to index
        %get3A_454 = arith.constant 32 : index
        %get3A_455 = tpu.vector_load %arg6[%get3A_452, %get3A_453, %get3A_454] {strides = array<i32>} : memref<2x128x64xf32, #tpu.memory_space<vmem>>, vector<1x1x16xf32>,
        %get3A_456 = vector.shape_cast %get3A_455 : vector<1x1x16xf32> to vector<16xf32>
        %mul3A_457 = arith.constant 8.000000e+00 : f32
        %mul3A_458 = vector.broadcast %mul3A_457 : f32 to vector<16xf32>
        %mul3A_459 = arith.mulf %get3A_456, %mul3A_458 : vector<16xf32>
        %swap3A_460 = arith.constant 1 : i32
        %swap3A_461 = arith.index_cast %swap3A_460 : i32 to index
        %swap3A_462 = arith.index_cast %scan3A_356 : i32 to index
        %swap3A_463 = arith.constant 32 : index
        %swap3A_464 = tpu.vector_load %arg6[%swap3A_461, %swap3A_462, %swap3A_463] {strides = array<i32>} : memref<2x128x64xf32, #tpu.memory_space<vmem>>, vector<1x1x16xf32>,
        %swap3A_465 = vector.shape_cast %swap3A_464 : vector<1x1x16xf32> to vector<16xf32>
        %swap3A_466 = vector.shape_cast %mul3A_459 : vector<16xf32> to vector<1x1x16xf32>
        tpu.vector_store %arg6[%swap3A_461, %swap3A_462, %swap3A_463], %swap3A_466 {strides = array<i32>} : memref<2x128x64xf32, #tpu.memory_space<vmem>>, vector<1x1x16xf32>,
        %get3A_467 = arith.constant 1 : i32
        %get3A_468 = arith.index_cast %get3A_467 : i32 to index
        %get3A_469 = arith.index_cast %scan3A_356 : i32 to index
        %get3A_470 = arith.constant 48 : index
        %get3A_471 = tpu.vector_load %arg6[%get3A_468, %get3A_469, %get3A_470] {strides = array<i32>} : memref<2x128x64xf32, #tpu.memory_space<vmem>>, vector<1x1x16xf32>,
        %get3A_472 = vector.shape_cast %get3A_471 : vector<1x1x16xf32> to vector<16xf32>
        %mul3A_473 = arith.constant 8.000000e+00 : f32
        %mul3A_474 = vector.broadcast %mul3A_473 : f32 to vector<16xf32>
        %mul3A_475 = arith.mulf %get3A_472, %mul3A_474 : vector<16xf32>
        %swap3A_476 = arith.constant 1 : i32
        %swap3A_477 = arith.index_cast %swap3A_476 : i32 to index
        %swap3A_478 = arith.index_cast %scan3A_356 : i32 to index
        %swap3A_479 = arith.constant 48 : index
        %swap3A_480 = tpu.vector_load %arg6[%swap3A_477, %swap3A_478, %swap3A_479] {strides = array<i32>} : memref<2x128x64xf32, #tpu.memory_space<vmem>>, vector<1x1x16xf32>,
        %swap3A_481 = vector.shape_cast %swap3A_480 : vector<1x1x16xf32> to vector<16xf32>
        %swap3A_482 = vector.shape_cast %mul3A_475 : vector<16xf32> to vector<1x1x16xf32>
        tpu.vector_store %arg6[%swap3A_477, %swap3A_478, %swap3A_479], %swap3A_482 {strides = array<i32>} : memref<2x128x64xf32, #tpu.memory_space<vmem>>, vector<1x1x16xf32>,
        %scan3A_483 = arith.constant 1 : i32
        %scan3A_484 = arith.addi %scan3A_356, %scan3A_483 : i32
        %get3A_485 = arith.constant 0 : i32
        %get3A_486 = arith.index_cast %get3A_485 : i32 to index
        %get3A_487 = arith.index_cast %scan3A_484 : i32 to index
        %get3A_488 = arith.constant 0 : index
        %get3A_489 = tpu.vector_load %arg6[%get3A_486, %get3A_487, %get3A_488] {strides = array<i32>} : memref<2x128x64xf32, #tpu.memory_space<vmem>>, vector<1x1x16xf32>,
        %get3A_490 = vector.shape_cast %get3A_489 : vector<1x1x16xf32> to vector<16xf32>
        %mul3A_491 = arith.constant 8.000000e+00 : f32
        %mul3A_492 = vector.broadcast %mul3A_491 : f32 to vector<16xf32>
        %mul3A_493 = arith.mulf %get3A_490, %mul3A_492 : vector<16xf32>
        %swap3A_494 = arith.constant 0 : i32
        %swap3A_495 = arith.index_cast %swap3A_494 : i32 to index
        %swap3A_496 = arith.index_cast %scan3A_484 : i32 to index
        %swap3A_497 = arith.constant 0 : index
        %swap3A_498 = tpu.vector_load %arg6[%swap3A_495, %swap3A_496, %swap3A_497] {strides = array<i32>} : memref<2x128x64xf32, #tpu.memory_space<vmem>>, vector<1x1x16xf32>,
        %swap3A_499 = vector.shape_cast %swap3A_498 : vector<1x1x16xf32> to vector<16xf32>
        %swap3A_500 = vector.shape_cast %mul3A_493 : vector<16xf32> to vector<1x1x16xf32>
        tpu.vector_store %arg6[%swap3A_495, %swap3A_496, %swap3A_497], %swap3A_500 {strides = array<i32>} : memref<2x128x64xf32, #tpu.memory_space<vmem>>, vector<1x1x16xf32>,
        %get3A_501 = arith.constant 0 : i32
        %get3A_502 = arith.index_cast %get3A_501 : i32 to index
        %get3A_503 = arith.index_cast %scan3A_484 : i32 to index
        %get3A_504 = arith.constant 16 : index
        %get3A_505 = tpu.vector_load %arg6[%get3A_502, %get3A_503, %get3A_504] {strides = array<i32>} : memref<2x128x64xf32, #tpu.memory_space<vmem>>, vector<1x1x16xf32>,
        %get3A_506 = vector.shape_cast %get3A_505 : vector<1x1x16xf32> to vector<16xf32>
        %mul3A_507 = arith.constant 8.000000e+00 : f32
        %mul3A_508 = vector.broadcast %mul3A_507 : f32 to vector<16xf32>
        %mul3A_509 = arith.mulf %get3A_506, %mul3A_508 : vector<16xf32>
        %swap3A_510 = arith.constant 0 : i32
        %swap3A_511 = arith.index_cast %swap3A_510 : i32 to index
        %swap3A_512 = arith.index_cast %scan3A_484 : i32 to index
        %swap3A_513 = arith.constant 16 : index
        %swap3A_514 = tpu.vector_load %arg6[%swap3A_511, %swap3A_512, %swap3A_513] {strides = array<i32>} : memref<2x128x64xf32, #tpu.memory_space<vmem>>, vector<1x1x16xf32>,
        %swap3A_515 = vector.shape_cast %swap3A_514 : vector<1x1x16xf32> to vector<16xf32>
        %swap3A_516 = vector.shape_cast %mul3A_509 : vector<16xf32> to vector<1x1x16xf32>
        tpu.vector_store %arg6[%swap3A_511, %swap3A_512, %swap3A_513], %swap3A_516 {strides = array<i32>} : memref<2x128x64xf32, #tpu.memory_space<vmem>>, vector<1x1x16xf32>,
        %get3A_517 = arith.constant 0 : i32
        %get3A_518 = arith.index_cast %get3A_517 : i32 to index
        %get3A_519 = arith.index_cast %scan3A_484 : i32 to index
        %get3A_520 = arith.constant 32 : index
        %get3A_521 = tpu.vector_load %arg6[%get3A_518, %get3A_519, %get3A_520] {strides = array<i32>} : memref<2x128x64xf32, #tpu.memory_space<vmem>>, vector<1x1x16xf32>,
        %get3A_522 = vector.shape_cast %get3A_521 : vector<1x1x16xf32> to vector<16xf32>
        %mul3A_523 = arith.constant 8.000000e+00 : f32
        %mul3A_524 = vector.broadcast %mul3A_523 : f32 to vector<16xf32>
        %mul3A_525 = arith.mulf %get3A_522, %mul3A_524 : vector<16xf32>
        %swap3A_526 = arith.constant 0 : i32
        %swap3A_527 = arith.index_cast %swap3A_526 : i32 to index
        %swap3A_528 = arith.index_cast %scan3A_484 : i32 to index
        %swap3A_529 = arith.constant 32 : index
        %swap3A_530 = tpu.vector_load %arg6[%swap3A_527, %swap3A_528, %swap3A_529] {strides = array<i32>} : memref<2x128x64xf32, #tpu.memory_space<vmem>>, vector<1x1x16xf32>,
        %swap3A_531 = vector.shape_cast %swap3A_530 : vector<1x1x16xf32> to vector<16xf32>
        %swap3A_532 = vector.shape_cast %mul3A_525 : vector<16xf32> to vector<1x1x16xf32>
        tpu.vector_store %arg6[%swap3A_527, %swap3A_528, %swap3A_529], %swap3A_532 {strides = array<i32>} : memref<2x128x64xf32, #tpu.memory_space<vmem>>, vector<1x1x16xf32>,
        %get3A_533 = arith.constant 0 : i32
        %get3A_534 = arith.index_cast %get3A_533 : i32 to index
        %get3A_535 = arith.index_cast %scan3A_484 : i32 to index
        %get3A_536 = arith.constant 48 : index
        %get3A_537 = tpu.vector_load %arg6[%get3A_534, %get3A_535, %get3A_536] {strides = array<i32>} : memref<2x128x64xf32, #tpu.memory_space<vmem>>, vector<1x1x16xf32>,
        %get3A_538 = vector.shape_cast %get3A_537 : vector<1x1x16xf32> to vector<16xf32>
        %mul3A_539 = arith.constant 8.000000e+00 : f32
        %mul3A_540 = vector.broadcast %mul3A_539 : f32 to vector<16xf32>
        %mul3A_541 = arith.mulf %get3A_538, %mul3A_540 : vector<16xf32>
        %swap3A_542 = arith.constant 0 : i32
        %swap3A_543 = arith.index_cast %swap3A_542 : i32 to index
        %swap3A_544 = arith.index_cast %scan3A_484 : i32 to index
        %swap3A_545 = arith.constant 48 : index
        %swap3A_546 = tpu.vector_load %arg6[%swap3A_543, %swap3A_544, %swap3A_545] {strides = array<i32>} : memref<2x128x64xf32, #tpu.memory_space<vmem>>, vector<1x1x16xf32>,
        %swap3A_547 = vector.shape_cast %swap3A_546 : vector<1x1x16xf32> to vector<16xf32>
        %swap3A_548 = vector.shape_cast %mul3A_541 : vector<16xf32> to vector<1x1x16xf32>
        tpu.vector_store %arg6[%swap3A_543, %swap3A_544, %swap3A_545], %swap3A_548 {strides = array<i32>} : memref<2x128x64xf32, #tpu.memory_space<vmem>>, vector<1x1x16xf32>,
        %get3A_549 = arith.constant 1 : i32
        %get3A_550 = arith.index_cast %get3A_549 : i32 to index
        %get3A_551 = arith.index_cast %scan3A_484 : i32 to index
        %get3A_552 = arith.constant 0 : index
        %get3A_553 = tpu.vector_load %arg6[%get3A_550, %get3A_551, %get3A_552] {strides = array<i32>} : memref<2x128x64xf32, #tpu.memory_space<vmem>>, vector<1x1x16xf32>,
        %get3A_554 = vector.shape_cast %get3A_553 : vector<1x1x16xf32> to vector<16xf32>
        %mul3A_555 = arith.constant 8.000000e+00 : f32
        %mul3A_556 = vector.broadcast %mul3A_555 : f32 to vector<16xf32>
        %mul3A_557 = arith.mulf %get3A_554, %mul3A_556 : vector<16xf32>
        %swap3A_558 = arith.constant 1 : i32
        %swap3A_559 = arith.index_cast %swap3A_558 : i32 to index
        %swap3A_560 = arith.index_cast %scan3A_484 : i32 to index
        %swap3A_561 = arith.constant 0 : index
        %swap3A_562 = tpu.vector_load %arg6[%swap3A_559, %swap3A_560, %swap3A_561] {strides = array<i32>} : memref<2x128x64xf32, #tpu.memory_space<vmem>>, vector<1x1x16xf32>,
        %swap3A_563 = vector.shape_cast %swap3A_562 : vector<1x1x16xf32> to vector<16xf32>
        %swap3A_564 = vector.shape_cast %mul3A_557 : vector<16xf32> to vector<1x1x16xf32>
        tpu.vector_store %arg6[%swap3A_559, %swap3A_560, %swap3A_561], %swap3A_564 {strides = array<i32>} : memref<2x128x64xf32, #tpu.memory_space<vmem>>, vector<1x1x16xf32>,
        %get3A_565 = arith.constant 1 : i32
        %get3A_566 = arith.index_cast %get3A_565 : i32 to index
        %get3A_567 = arith.index_cast %scan3A_484 : i32 to index
        %get3A_568 = arith.constant 16 : index
        %get3A_569 = tpu.vector_load %arg6[%get3A_566, %get3A_567, %get3A_568] {strides = array<i32>} : memref<2x128x64xf32, #tpu.memory_space<vmem>>, vector<1x1x16xf32>,
        %get3A_570 = vector.shape_cast %get3A_569 : vector<1x1x16xf32> to vector<16xf32>
        %mul3A_571 = arith.constant 8.000000e+00 : f32
        %mul3A_572 = vector.broadcast %mul3A_571 : f32 to vector<16xf32>
        %mul3A_573 = arith.mulf %get3A_570, %mul3A_572 : vector<16xf32>
        %swap3A_574 = arith.constant 1 : i32
        %swap3A_575 = arith.index_cast %swap3A_574 : i32 to index
        %swap3A_576 = arith.index_cast %scan3A_484 : i32 to index
        %swap3A_577 = arith.constant 16 : index
        %swap3A_578 = tpu.vector_load %arg6[%swap3A_575, %swap3A_576, %swap3A_577] {strides = array<i32>} : memref<2x128x64xf32, #tpu.memory_space<vmem>>, vector<1x1x16xf32>,
        %swap3A_579 = vector.shape_cast %swap3A_578 : vector<1x1x16xf32> to vector<16xf32>
        %swap3A_580 = vector.shape_cast %mul3A_573 : vector<16xf32> to vector<1x1x16xf32>
        tpu.vector_store %arg6[%swap3A_575, %swap3A_576, %swap3A_577], %swap3A_580 {strides = array<i32>} : memref<2x128x64xf32, #tpu.memory_space<vmem>>, vector<1x1x16xf32>,
        %get3A_581 = arith.constant 1 : i32
        %get3A_582 = arith.index_cast %get3A_581 : i32 to index
        %get3A_583 = arith.index_cast %scan3A_484 : i32 to index
        %get3A_584 = arith.constant 32 : index
        %get3A_585 = tpu.vector_load %arg6[%get3A_582, %get3A_583, %get3A_584] {strides = array<i32>} : memref<2x128x64xf32, #tpu.memory_space<vmem>>, vector<1x1x16xf32>,
        %get3A_586 = vector.shape_cast %get3A_585 : vector<1x1x16xf32> to vector<16xf32>
        %mul3A_587 = arith.constant 8.000000e+00 : f32
        %mul3A_588 = vector.broadcast %mul3A_587 : f32 to vector<16xf32>
        %mul3A_589 = arith.mulf %get3A_586, %mul3A_588 : vector<16xf32>
        %swap3A_590 = arith.constant 1 : i32
        %swap3A_591 = arith.index_cast %swap3A_590 : i32 to index
        %swap3A_592 = arith.index_cast %scan3A_484 : i32 to index
        %swap3A_593 = arith.constant 32 : index
        %swap3A_594 = tpu.vector_load %arg6[%swap3A_591, %swap3A_592, %swap3A_593] {strides = array<i32>} : memref<2x128x64xf32, #tpu.memory_space<vmem>>, vector<1x1x16xf32>,
        %swap3A_595 = vector.shape_cast %swap3A_594 : vector<1x1x16xf32> to vector<16xf32>
        %swap3A_596 = vector.shape_cast %mul3A_589 : vector<16xf32> to vector<1x1x16xf32>
        tpu.vector_store %arg6[%swap3A_591, %swap3A_592, %swap3A_593], %swap3A_596 {strides = array<i32>} : memref<2x128x64xf32, #tpu.memory_space<vmem>>, vector<1x1x16xf32>,
        %get3A_597 = arith.constant 1 : i32
        %get3A_598 = arith.index_cast %get3A_597 : i32 to index
        %get3A_599 = arith.index_cast %scan3A_484 : i32 to index
        %get3A_600 = arith.constant 48 : index
        %get3A_601 = tpu.vector_load %arg6[%get3A_598, %get3A_599, %get3A_600] {strides = array<i32>} : memref<2x128x64xf32, #tpu.memory_space<vmem>>, vector<1x1x16xf32>,
        %get3A_602 = vector.shape_cast %get3A_601 : vector<1x1x16xf32> to vector<16xf32>
        %mul3A_603 = arith.constant 8.000000e+00 : f32
        %mul3A_604 = vector.broadcast %mul3A_603 : f32 to vector<16xf32>
        %mul3A_605 = arith.mulf %get3A_602, %mul3A_604 : vector<16xf32>
        %swap3A_606 = arith.constant 1 : i32
        %swap3A_607 = arith.index_cast %swap3A_606 : i32 to index
        %swap3A_608 = arith.index_cast %scan3A_484 : i32 to index
        %swap3A_609 = arith.constant 48 : index
        %swap3A_610 = tpu.vector_load %arg6[%swap3A_607, %swap3A_608, %swap3A_609] {strides = array<i32>} : memref<2x128x64xf32, #tpu.memory_space<vmem>>, vector<1x1x16xf32>,
        %swap3A_611 = vector.shape_cast %swap3A_610 : vector<1x1x16xf32> to vector<16xf32>
        %swap3A_612 = vector.shape_cast %mul3A_605 : vector<16xf32> to vector<1x1x16xf32>
        tpu.vector_store %arg6[%swap3A_607, %swap3A_608, %swap3A_609], %swap3A_612 {strides = array<i32>} : memref<2x128x64xf32, #tpu.memory_space<vmem>>, vector<1x1x16xf32>,
        %scan3A_613 = arith.constant 2 : i32
        %scan3A_614 = arith.addi %scan3A_356, %scan3A_613 : i32
        %get3A_615 = arith.constant 0 : i32
        %get3A_616 = arith.index_cast %get3A_615 : i32 to index
        %get3A_617 = arith.index_cast %scan3A_614 : i32 to index
        %get3A_618 = arith.constant 0 : index
        %get3A_619 = tpu.vector_load %arg6[%get3A_616, %get3A_617, %get3A_618] {strides = array<i32>} : memref<2x128x64xf32, #tpu.memory_space<vmem>>, vector<1x1x16xf32>,
        %get3A_620 = vector.shape_cast %get3A_619 : vector<1x1x16xf32> to vector<16xf32>
        %mul3A_621 = arith.constant 8.000000e+00 : f32
        %mul3A_622 = vector.broadcast %mul3A_621 : f32 to vector<16xf32>
        %mul3A_623 = arith.mulf %get3A_620, %mul3A_622 : vector<16xf32>
        %swap3A_624 = arith.constant 0 : i32
        %swap3A_625 = arith.index_cast %swap3A_624 : i32 to index
        %swap3A_626 = arith.index_cast %scan3A_614 : i32 to index
        %swap3A_627 = arith.constant 0 : index
        %swap3A_628 = tpu.vector_load %arg6[%swap3A_625, %swap3A_626, %swap3A_627] {strides = array<i32>} : memref<2x128x64xf32, #tpu.memory_space<vmem>>, vector<1x1x16xf32>,
        %swap3A_629 = vector.shape_cast %swap3A_628 : vector<1x1x16xf32> to vector<16xf32>
        %swap3A_630 = vector.shape_cast %mul3A_623 : vector<16xf32> to vector<1x1x16xf32>
        tpu.vector_store %arg6[%swap3A_625, %swap3A_626, %swap3A_627], %swap3A_630 {strides = array<i32>} : memref<2x128x64xf32, #tpu.memory_space<vmem>>, vector<1x1x16xf32>,
        %get3A_631 = arith.constant 0 : i32
        %get3A_632 = arith.index_cast %get3A_631 : i32 to index
        %get3A_633 = arith.index_cast %scan3A_614 : i32 to index
        %get3A_634 = arith.constant 16 : index
        %get3A_635 = tpu.vector_load %arg6[%get3A_632, %get3A_633, %get3A_634] {strides = array<i32>} : memref<2x128x64xf32, #tpu.memory_space<vmem>>, vector<1x1x16xf32>,
        %get3A_636 = vector.shape_cast %get3A_635 : vector<1x1x16xf32> to vector<16xf32>
        %mul3A_637 = arith.constant 8.000000e+00 : f32
        %mul3A_638 = vector.broadcast %mul3A_637 : f32 to vector<16xf32>
        %mul3A_639 = arith.mulf %get3A_636, %mul3A_638 : vector<16xf32>
        %swap3A_640 = arith.constant 0 : i32
        %swap3A_641 = arith.index_cast %swap3A_640 : i32 to index
        %swap3A_642 = arith.index_cast %scan3A_614 : i32 to index
        %swap3A_643 = arith.constant 16 : index
        %swap3A_644 = tpu.vector_load %arg6[%swap3A_641, %swap3A_642, %swap3A_643] {strides = array<i32>} : memref<2x128x64xf32, #tpu.memory_space<vmem>>, vector<1x1x16xf32>,
        %swap3A_645 = vector.shape_cast %swap3A_644 : vector<1x1x16xf32> to vector<16xf32>
        %swap3A_646 = vector.shape_cast %mul3A_639 : vector<16xf32> to vector<1x1x16xf32>
        tpu.vector_store %arg6[%swap3A_641, %swap3A_642, %swap3A_643], %swap3A_646 {strides = array<i32>} : memref<2x128x64xf32, #tpu.memory_space<vmem>>, vector<1x1x16xf32>,
        %get3A_647 = arith.constant 0 : i32
        %get3A_648 = arith.index_cast %get3A_647 : i32 to index
        %get3A_649 = arith.index_cast %scan3A_614 : i32 to index
        %get3A_650 = arith.constant 32 : index
        %get3A_651 = tpu.vector_load %arg6[%get3A_648, %get3A_649, %get3A_650] {strides = array<i32>} : memref<2x128x64xf32, #tpu.memory_space<vmem>>, vector<1x1x16xf32>,
        %get3A_652 = vector.shape_cast %get3A_651 : vector<1x1x16xf32> to vector<16xf32>
        %mul3A_653 = arith.constant 8.000000e+00 : f32
        %mul3A_654 = vector.broadcast %mul3A_653 : f32 to vector<16xf32>
        %mul3A_655 = arith.mulf %get3A_652, %mul3A_654 : vector<16xf32>
        %swap3A_656 = arith.constant 0 : i32
        %swap3A_657 = arith.index_cast %swap3A_656 : i32 to index
        %swap3A_658 = arith.index_cast %scan3A_614 : i32 to index
        %swap3A_659 = arith.constant 32 : index
        %swap3A_660 = tpu.vector_load %arg6[%swap3A_657, %swap3A_658, %swap3A_659] {strides = array<i32>} : memref<2x128x64xf32, #tpu.memory_space<vmem>>, vector<1x1x16xf32>,
        %swap3A_661 = vector.shape_cast %swap3A_660 : vector<1x1x16xf32> to vector<16xf32>
        %swap3A_662 = vector.shape_cast %mul3A_655 : vector<16xf32> to vector<1x1x16xf32>
        tpu.vector_store %arg6[%swap3A_657, %swap3A_658, %swap3A_659], %swap3A_662 {strides = array<i32>} : memref<2x128x64xf32, #tpu.memory_space<vmem>>, vector<1x1x16xf32>,
        %get3A_663 = arith.constant 0 : i32
        %get3A_664 = arith.index_cast %get3A_663 : i32 to index
        %get3A_665 = arith.index_cast %scan3A_614 : i32 to index
        %get3A_666 = arith.constant 48 : index
        %get3A_667 = tpu.vector_load %arg6[%get3A_664, %get3A_665, %get3A_666] {strides = array<i32>} : memref<2x128x64xf32, #tpu.memory_space<vmem>>, vector<1x1x16xf32>,
        %get3A_668 = vector.shape_cast %get3A_667 : vector<1x1x16xf32> to vector<16xf32>
        %mul3A_669 = arith.constant 8.000000e+00 : f32
        %mul3A_670 = vector.broadcast %mul3A_669 : f32 to vector<16xf32>
        %mul3A_671 = arith.mulf %get3A_668, %mul3A_670 : vector<16xf32>
        %swap3A_672 = arith.constant 0 : i32
        %swap3A_673 = arith.index_cast %swap3A_672 : i32 to index
        %swap3A_674 = arith.index_cast %scan3A_614 : i32 to index
        %swap3A_675 = arith.constant 48 : index
        %swap3A_676 = tpu.vector_load %arg6[%swap3A_673, %swap3A_674, %swap3A_675] {strides = array<i32>} : memref<2x128x64xf32, #tpu.memory_space<vmem>>, vector<1x1x16xf32>,
        %swap3A_677 = vector.shape_cast %swap3A_676 : vector<1x1x16xf32> to vector<16xf32>
        %swap3A_678 = vector.shape_cast %mul3A_671 : vector<16xf32> to vector<1x1x16xf32>
        tpu.vector_store %arg6[%swap3A_673, %swap3A_674, %swap3A_675], %swap3A_678 {strides = array<i32>} : memref<2x128x64xf32, #tpu.memory_space<vmem>>, vector<1x1x16xf32>,
        %get3A_679 = arith.constant 1 : i32
        %get3A_680 = arith.index_cast %get3A_679 : i32 to index
        %get3A_681 = arith.index_cast %scan3A_614 : i32 to index
        %get3A_682 = arith.constant 0 : index
        %get3A_683 = tpu.vector_load %arg6[%get3A_680, %get3A_681, %get3A_682] {strides = array<i32>} : memref<2x128x64xf32, #tpu.memory_space<vmem>>, vector<1x1x16xf32>,
        %get3A_684 = vector.shape_cast %get3A_683 : vector<1x1x16xf32> to vector<16xf32>
        %mul3A_685 = arith.constant 8.000000e+00 : f32
        %mul3A_686 = vector.broadcast %mul3A_685 : f32 to vector<16xf32>
        %mul3A_687 = arith.mulf %get3A_684, %mul3A_686 : vector<16xf32>
        %swap3A_688 = arith.constant 1 : i32
        %swap3A_689 = arith.index_cast %swap3A_688 : i32 to index
        %swap3A_690 = arith.index_cast %scan3A_614 : i32 to index
        %swap3A_691 = arith.constant 0 : index
        %swap3A_692 = tpu.vector_load %arg6[%swap3A_689, %swap3A_690, %swap3A_691] {strides = array<i32>} : memref<2x128x64xf32, #tpu.memory_space<vmem>>, vector<1x1x16xf32>,
        %swap3A_693 = vector.shape_cast %swap3A_692 : vector<1x1x16xf32> to vector<16xf32>
        %swap3A_694 = vector.shape_cast %mul3A_687 : vector<16xf32> to vector<1x1x16xf32>
        tpu.vector_store %arg6[%swap3A_689, %swap3A_690, %swap3A_691], %swap3A_694 {strides = array<i32>} : memref<2x128x64xf32, #tpu.memory_space<vmem>>, vector<1x1x16xf32>,
        %get3A_695 = arith.constant 1 : i32
        %get3A_696 = arith.index_cast %get3A_695 : i32 to index
        %get3A_697 = arith.index_cast %scan3A_614 : i32 to index
        %get3A_698 = arith.constant 16 : index
        %get3A_699 = tpu.vector_load %arg6[%get3A_696, %get3A_697, %get3A_698] {strides = array<i32>} : memref<2x128x64xf32, #tpu.memory_space<vmem>>, vector<1x1x16xf32>,
        %get3A_700 = vector.shape_cast %get3A_699 : vector<1x1x16xf32> to vector<16xf32>
        %mul3A_701 = arith.constant 8.000000e+00 : f32
        %mul3A_702 = vector.broadcast %mul3A_701 : f32 to vector<16xf32>
        %mul3A_703 = arith.mulf %get3A_700, %mul3A_702 : vector<16xf32>
        %swap3A_704 = arith.constant 1 : i32
        %swap3A_705 = arith.index_cast %swap3A_704 : i32 to index
        %swap3A_706 = arith.index_cast %scan3A_614 : i32 to index
        %swap3A_707 = arith.constant 16 : index
        %swap3A_708 = tpu.vector_load %arg6[%swap3A_705, %swap3A_706, %swap3A_707] {strides = array<i32>} : memref<2x128x64xf32, #tpu.memory_space<vmem>>, vector<1x1x16xf32>,
        %swap3A_709 = vector.shape_cast %swap3A_708 : vector<1x1x16xf32> to vector<16xf32>
        %swap3A_710 = vector.shape_cast %mul3A_703 : vector<16xf32> to vector<1x1x16xf32>
        tpu.vector_store %arg6[%swap3A_705, %swap3A_706, %swap3A_707], %swap3A_710 {strides = array<i32>} : memref<2x128x64xf32, #tpu.memory_space<vmem>>, vector<1x1x16xf32>,
        %get3A_711 = arith.constant 1 : i32
        %get3A_712 = arith.index_cast %get3A_711 : i32 to index
        %get3A_713 = arith.index_cast %scan3A_614 : i32 to index
        %get3A_714 = arith.constant 32 : index
        %get3A_715 = tpu.vector_load %arg6[%get3A_712, %get3A_713, %get3A_714] {strides = array<i32>} : memref<2x128x64xf32, #tpu.memory_space<vmem>>, vector<1x1x16xf32>,
        %get3A_716 = vector.shape_cast %get3A_715 : vector<1x1x16xf32> to vector<16xf32>
        %mul3A_717 = arith.constant 8.000000e+00 : f32
        %mul3A_718 = vector.broadcast %mul3A_717 : f32 to vector<16xf32>
        %mul3A_719 = arith.mulf %get3A_716, %mul3A_718 : vector<16xf32>
        %swap3A_720 = arith.constant 1 : i32
        %swap3A_721 = arith.index_cast %swap3A_720 : i32 to index
        %swap3A_722 = arith.index_cast %scan3A_614 : i32 to index
        %swap3A_723 = arith.constant 32 : index
        %swap3A_724 = tpu.vector_load %arg6[%swap3A_721, %swap3A_722, %swap3A_723] {strides = array<i32>} : memref<2x128x64xf32, #tpu.memory_space<vmem>>, vector<1x1x16xf32>,
        %swap3A_725 = vector.shape_cast %swap3A_724 : vector<1x1x16xf32> to vector<16xf32>
        %swap3A_726 = vector.shape_cast %mul3A_719 : vector<16xf32> to vector<1x1x16xf32>
        tpu.vector_store %arg6[%swap3A_721, %swap3A_722, %swap3A_723], %swap3A_726 {strides = array<i32>} : memref<2x128x64xf32, #tpu.memory_space<vmem>>, vector<1x1x16xf32>,
        %get3A_727 = arith.constant 1 : i32
        %get3A_728 = arith.index_cast %get3A_727 : i32 to index
        %get3A_729 = arith.index_cast %scan3A_614 : i32 to index
        %get3A_730 = arith.constant 48 : index
        %get3A_731 = tpu.vector_load %arg6[%get3A_728, %get3A_729, %get3A_730] {strides = array<i32>} : memref<2x128x64xf32, #tpu.memory_space<vmem>>, vector<1x1x16xf32>,
        %get3A_732 = vector.shape_cast %get3A_731 : vector<1x1x16xf32> to vector<16xf32>
        %mul3A_733 = arith.constant 8.000000e+00 : f32
        %mul3A_734 = vector.broadcast %mul3A_733 : f32 to vector<16xf32>
        %mul3A_735 = arith.mulf %get3A_732, %mul3A_734 : vector<16xf32>
        %swap3A_736 = arith.constant 1 : i32
        %swap3A_737 = arith.index_cast %swap3A_736 : i32 to index
        %swap3A_738 = arith.index_cast %scan3A_614 : i32 to index
        %swap3A_739 = arith.constant 48 : index
        %swap3A_740 = tpu.vector_load %arg6[%swap3A_737, %swap3A_738, %swap3A_739] {strides = array<i32>} : memref<2x128x64xf32, #tpu.memory_space<vmem>>, vector<1x1x16xf32>,
        %swap3A_741 = vector.shape_cast %swap3A_740 : vector<1x1x16xf32> to vector<16xf32>
        %swap3A_742 = vector.shape_cast %mul3A_735 : vector<16xf32> to vector<1x1x16xf32>
        tpu.vector_store %arg6[%swap3A_737, %swap3A_738, %swap3A_739], %swap3A_742 {strides = array<i32>} : memref<2x128x64xf32, #tpu.memory_space<vmem>>, vector<1x1x16xf32>,
        %scan3A_743 = arith.constant 3 : i32
        %scan3A_744 = arith.addi %scan3A_356, %scan3A_743 : i32
        %get3A_745 = arith.constant 0 : i32
        %get3A_746 = arith.index_cast %get3A_745 : i32 to index
        %get3A_747 = arith.index_cast %scan3A_744 : i32 to index
        %get3A_748 = arith.constant 0 : index
        %get3A_749 = tpu.vector_load %arg6[%get3A_746, %get3A_747, %get3A_748] {strides = array<i32>} : memref<2x128x64xf32, #tpu.memory_space<vmem>>, vector<1x1x16xf32>,
        %get3A_750 = vector.shape_cast %get3A_749 : vector<1x1x16xf32> to vector<16xf32>
        %mul3A_751 = arith.constant 8.000000e+00 : f32
        %mul3A_752 = vector.broadcast %mul3A_751 : f32 to vector<16xf32>
        %mul3A_753 = arith.mulf %get3A_750, %mul3A_752 : vector<16xf32>
        %swap3A_754 = arith.constant 0 : i32
        %swap3A_755 = arith.index_cast %swap3A_754 : i32 to index
        %swap3A_756 = arith.index_cast %scan3A_744 : i32 to index
        %swap3A_757 = arith.constant 0 : index
        %swap3A_758 = tpu.vector_load %arg6[%swap3A_755, %swap3A_756, %swap3A_757] {strides = array<i32>} : memref<2x128x64xf32, #tpu.memory_space<vmem>>, vector<1x1x16xf32>,
        %swap3A_759 = vector.shape_cast %swap3A_758 : vector<1x1x16xf32> to vector<16xf32>
        %swap3A_760 = vector.shape_cast %mul3A_753 : vector<16xf32> to vector<1x1x16xf32>
        tpu.vector_store %arg6[%swap3A_755, %swap3A_756, %swap3A_757], %swap3A_760 {strides = array<i32>} : memref<2x128x64xf32, #tpu.memory_space<vmem>>, vector<1x1x16xf32>,
        %get3A_761 = arith.constant 0 : i32
        %get3A_762 = arith.index_cast %get3A_761 : i32 to index
        %get3A_763 = arith.index_cast %scan3A_744 : i32 to index
        %get3A_764 = arith.constant 16 : index
        %get3A_765 = tpu.vector_load %arg6[%get3A_762, %get3A_763, %get3A_764] {strides = array<i32>} : memref<2x128x64xf32, #tpu.memory_space<vmem>>, vector<1x1x16xf32>,
        %get3A_766 = vector.shape_cast %get3A_765 : vector<1x1x16xf32> to vector<16xf32>
        %mul3A_767 = arith.constant 8.000000e+00 : f32
        %mul3A_768 = vector.broadcast %mul3A_767 : f32 to vector<16xf32>
        %mul3A_769 = arith.mulf %get3A_766, %mul3A_768 : vector<16xf32>
        %swap3A_770 = arith.constant 0 : i32
        %swap3A_771 = arith.index_cast %swap3A_770 : i32 to index
        %swap3A_772 = arith.index_cast %scan3A_744 : i32 to index
        %swap3A_773 = arith.constant 16 : index
        %swap3A_774 = tpu.vector_load %arg6[%swap3A_771, %swap3A_772, %swap3A_773] {strides = array<i32>} : memref<2x128x64xf32, #tpu.memory_space<vmem>>, vector<1x1x16xf32>,
        %swap3A_775 = vector.shape_cast %swap3A_774 : vector<1x1x16xf32> to vector<16xf32>
        %swap3A_776 = vector.shape_cast %mul3A_769 : vector<16xf32> to vector<1x1x16xf32>
        tpu.vector_store %arg6[%swap3A_771, %swap3A_772, %swap3A_773], %swap3A_776 {strides = array<i32>} : memref<2x128x64xf32, #tpu.memory_space<vmem>>, vector<1x1x16xf32>,
        %get3A_777 = arith.constant 0 : i32
        %get3A_778 = arith.index_cast %get3A_777 : i32 to index
        %get3A_779 = arith.index_cast %scan3A_744 : i32 to index
        %get3A_780 = arith.constant 32 : index
        %get3A_781 = tpu.vector_load %arg6[%get3A_778, %get3A_779, %get3A_780] {strides = array<i32>} : memref<2x128x64xf32, #tpu.memory_space<vmem>>, vector<1x1x16xf32>,
        %get3A_782 = vector.shape_cast %get3A_781 : vector<1x1x16xf32> to vector<16xf32>
        %mul3A_783 = arith.constant 8.000000e+00 : f32
        %mul3A_784 = vector.broadcast %mul3A_783 : f32 to vector<16xf32>
        %mul3A_785 = arith.mulf %get3A_782, %mul3A_784 : vector<16xf32>
        %swap3A_786 = arith.constant 0 : i32
        %swap3A_787 = arith.index_cast %swap3A_786 : i32 to index
        %swap3A_788 = arith.index_cast %scan3A_744 : i32 to index
        %swap3A_789 = arith.constant 32 : index
        %swap3A_790 = tpu.vector_load %arg6[%swap3A_787, %swap3A_788, %swap3A_789] {strides = array<i32>} : memref<2x128x64xf32, #tpu.memory_space<vmem>>, vector<1x1x16xf32>,
        %swap3A_791 = vector.shape_cast %swap3A_790 : vector<1x1x16xf32> to vector<16xf32>
        %swap3A_792 = vector.shape_cast %mul3A_785 : vector<16xf32> to vector<1x1x16xf32>
        tpu.vector_store %arg6[%swap3A_787, %swap3A_788, %swap3A_789], %swap3A_792 {strides = array<i32>} : memref<2x128x64xf32, #tpu.memory_space<vmem>>, vector<1x1x16xf32>,
        %get3A_793 = arith.constant 0 : i32
        %get3A_794 = arith.index_cast %get3A_793 : i32 to index
        %get3A_795 = arith.index_cast %scan3A_744 : i32 to index
        %get3A_796 = arith.constant 48 : index
        %get3A_797 = tpu.vector_load %arg6[%get3A_794, %get3A_795, %get3A_796] {strides = array<i32>} : memref<2x128x64xf32, #tpu.memory_space<vmem>>, vector<1x1x16xf32>,
        %get3A_798 = vector.shape_cast %get3A_797 : vector<1x1x16xf32> to vector<16xf32>
        %mul3A_799 = arith.constant 8.000000e+00 : f32
        %mul3A_800 = vector.broadcast %mul3A_799 : f32 to vector<16xf32>
        %mul3A_801 = arith.mulf %get3A_798, %mul3A_800 : vector<16xf32>
        %swap3A_802 = arith.constant 0 : i32
        %swap3A_803 = arith.index_cast %swap3A_802 : i32 to index
        %swap3A_804 = arith.index_cast %scan3A_744 : i32 to index
        %swap3A_805 = arith.constant 48 : index
        %swap3A_806 = tpu.vector_load %arg6[%swap3A_803, %swap3A_804, %swap3A_805] {strides = array<i32>} : memref<2x128x64xf32, #tpu.memory_space<vmem>>, vector<1x1x16xf32>,
        %swap3A_807 = vector.shape_cast %swap3A_806 : vector<1x1x16xf32> to vector<16xf32>
        %swap3A_808 = vector.shape_cast %mul3A_801 : vector<16xf32> to vector<1x1x16xf32>
        tpu.vector_store %arg6[%swap3A_803, %swap3A_804, %swap3A_805], %swap3A_808 {strides = array<i32>} : memref<2x128x64xf32, #tpu.memory_space<vmem>>, vector<1x1x16xf32>,
        %get3A_809 = arith.constant 1 : i32
        %get3A_810 = arith.index_cast %get3A_809 : i32 to index
        %get3A_811 = arith.index_cast %scan3A_744 : i32 to index
        %get3A_812 = arith.constant 0 : index
        %get3A_813 = tpu.vector_load %arg6[%get3A_810, %get3A_811, %get3A_812] {strides = array<i32>} : memref<2x128x64xf32, #tpu.memory_space<vmem>>, vector<1x1x16xf32>,
        %get3A_814 = vector.shape_cast %get3A_813 : vector<1x1x16xf32> to vector<16xf32>
        %mul3A_815 = arith.constant 8.000000e+00 : f32
        %mul3A_816 = vector.broadcast %mul3A_815 : f32 to vector<16xf32>
        %mul3A_817 = arith.mulf %get3A_814, %mul3A_816 : vector<16xf32>
        %swap3A_818 = arith.constant 1 : i32
        %swap3A_819 = arith.index_cast %swap3A_818 : i32 to index
        %swap3A_820 = arith.index_cast %scan3A_744 : i32 to index
        %swap3A_821 = arith.constant 0 : index
        %swap3A_822 = tpu.vector_load %arg6[%swap3A_819, %swap3A_820, %swap3A_821] {strides = array<i32>} : memref<2x128x64xf32, #tpu.memory_space<vmem>>, vector<1x1x16xf32>,
        %swap3A_823 = vector.shape_cast %swap3A_822 : vector<1x1x16xf32> to vector<16xf32>
        %swap3A_824 = vector.shape_cast %mul3A_817 : vector<16xf32> to vector<1x1x16xf32>
        tpu.vector_store %arg6[%swap3A_819, %swap3A_820, %swap3A_821], %swap3A_824 {strides = array<i32>} : memref<2x128x64xf32, #tpu.memory_space<vmem>>, vector<1x1x16xf32>,
        %get3A_825 = arith.constant 1 : i32
        %get3A_826 = arith.index_cast %get3A_825 : i32 to index
        %get3A_827 = arith.index_cast %scan3A_744 : i32 to index
        %get3A_828 = arith.constant 16 : index
        %get3A_829 = tpu.vector_load %arg6[%get3A_826, %get3A_827, %get3A_828] {strides = array<i32>} : memref<2x128x64xf32, #tpu.memory_space<vmem>>, vector<1x1x16xf32>,
        %get3A_830 = vector.shape_cast %get3A_829 : vector<1x1x16xf32> to vector<16xf32>
        %mul3A_831 = arith.constant 8.000000e+00 : f32
        %mul3A_832 = vector.broadcast %mul3A_831 : f32 to vector<16xf32>
        %mul3A_833 = arith.mulf %get3A_830, %mul3A_832 : vector<16xf32>
        %swap3A_834 = arith.constant 1 : i32
        %swap3A_835 = arith.index_cast %swap3A_834 : i32 to index
        %swap3A_836 = arith.index_cast %scan3A_744 : i32 to index
        %swap3A_837 = arith.constant 16 : index
        %swap3A_838 = tpu.vector_load %arg6[%swap3A_835, %swap3A_836, %swap3A_837] {strides = array<i32>} : memref<2x128x64xf32, #tpu.memory_space<vmem>>, vector<1x1x16xf32>,
        %swap3A_839 = vector.shape_cast %swap3A_838 : vector<1x1x16xf32> to vector<16xf32>
        %swap3A_840 = vector.shape_cast %mul3A_833 : vector<16xf32> to vector<1x1x16xf32>
        tpu.vector_store %arg6[%swap3A_835, %swap3A_836, %swap3A_837], %swap3A_840 {strides = array<i32>} : memref<2x128x64xf32, #tpu.memory_space<vmem>>, vector<1x1x16xf32>,
        %get3A_841 = arith.constant 1 : i32
        %get3A_842 = arith.index_cast %get3A_841 : i32 to index
        %get3A_843 = arith.index_cast %scan3A_744 : i32 to index
        %get3A_844 = arith.constant 32 : index
        %get3A_845 = tpu.vector_load %arg6[%get3A_842, %get3A_843, %get3A_844] {strides = array<i32>} : memref<2x128x64xf32, #tpu.memory_space<vmem>>, vector<1x1x16xf32>,
        %get3A_846 = vector.shape_cast %get3A_845 : vector<1x1x16xf32> to vector<16xf32>
        %mul3A_847 = arith.constant 8.000000e+00 : f32
        %mul3A_848 = vector.broadcast %mul3A_847 : f32 to vector<16xf32>
        %mul3A_849 = arith.mulf %get3A_846, %mul3A_848 : vector<16xf32>
        %swap3A_850 = arith.constant 1 : i32
        %swap3A_851 = arith.index_cast %swap3A_850 : i32 to index
        %swap3A_852 = arith.index_cast %scan3A_744 : i32 to index
        %swap3A_853 = arith.constant 32 : index
        %swap3A_854 = tpu.vector_load %arg6[%swap3A_851, %swap3A_852, %swap3A_853] {strides = array<i32>} : memref<2x128x64xf32, #tpu.memory_space<vmem>>, vector<1x1x16xf32>,
        %swap3A_855 = vector.shape_cast %swap3A_854 : vector<1x1x16xf32> to vector<16xf32>
        %swap3A_856 = vector.shape_cast %mul3A_849 : vector<16xf32> to vector<1x1x16xf32>
        tpu.vector_store %arg6[%swap3A_851, %swap3A_852, %swap3A_853], %swap3A_856 {strides = array<i32>} : memref<2x128x64xf32, #tpu.memory_space<vmem>>, vector<1x1x16xf32>,
        %get3A_857 = arith.constant 1 : i32
        %get3A_858 = arith.index_cast %get3A_857 : i32 to index
        %get3A_859 = arith.index_cast %scan3A_744 : i32 to index
        %get3A_860 = arith.constant 48 : index
        %get3A_861 = tpu.vector_load %arg6[%get3A_858, %get3A_859, %get3A_860] {strides = array<i32>} : memref<2x128x64xf32, #tpu.memory_space<vmem>>, vector<1x1x16xf32>,
        %get3A_862 = vector.shape_cast %get3A_861 : vector<1x1x16xf32> to vector<16xf32>
        %mul3A_863 = arith.constant 8.000000e+00 : f32
        %mul3A_864 = vector.broadcast %mul3A_863 : f32 to vector<16xf32>
        %mul3A_865 = arith.mulf %get3A_862, %mul3A_864 : vector<16xf32>
        %swap3A_866 = arith.constant 1 : i32
        %swap3A_867 = arith.index_cast %swap3A_866 : i32 to index
        %swap3A_868 = arith.index_cast %scan3A_744 : i32 to index
        %swap3A_869 = arith.constant 48 : index
        %swap3A_870 = tpu.vector_load %arg6[%swap3A_867, %swap3A_868, %swap3A_869] {strides = array<i32>} : memref<2x128x64xf32, #tpu.memory_space<vmem>>, vector<1x1x16xf32>,
        %swap3A_871 = vector.shape_cast %swap3A_870 : vector<1x1x16xf32> to vector<16xf32>
        %swap3A_872 = vector.shape_cast %mul3A_865 : vector<16xf32> to vector<1x1x16xf32>
        tpu.vector_store %arg6[%swap3A_867, %swap3A_868, %swap3A_869], %swap3A_872 {strides = array<i32>} : memref<2x128x64xf32, #tpu.memory_space<vmem>>, vector<1x1x16xf32>,
        %scan3A_873 = arith.constant 4 : i32
        %scan3A_874 = arith.addi %scan3A_356, %scan3A_873 : i32
        %get3A_875 = arith.constant 0 : i32
        %get3A_876 = arith.index_cast %get3A_875 : i32 to index
        %get3A_877 = arith.index_cast %scan3A_874 : i32 to index
        %get3A_878 = arith.constant 0 : index
        %get3A_879 = tpu.vector_load %arg6[%get3A_876, %get3A_877, %get3A_878] {strides = array<i32>} : memref<2x128x64xf32, #tpu.memory_space<vmem>>, vector<1x1x16xf32>,
        %get3A_880 = vector.shape_cast %get3A_879 : vector<1x1x16xf32> to vector<16xf32>
        %mul3A_881 = arith.constant 8.000000e+00 : f32
        %mul3A_882 = vector.broadcast %mul3A_881 : f32 to vector<16xf32>
        %mul3A_883 = arith.mulf %get3A_880, %mul3A_882 : vector<16xf32>
        %swap3A_884 = arith.constant 0 : i32
        %swap3A_885 = arith.index_cast %swap3A_884 : i32 to index
        %swap3A_886 = arith.index_cast %scan3A_874 : i32 to index
        %swap3A_887 = arith.constant 0 : index
        %swap3A_888 = tpu.vector_load %arg6[%swap3A_885, %swap3A_886, %swap3A_887] {strides = array<i32>} : memref<2x128x64xf32, #tpu.memory_space<vmem>>, vector<1x1x16xf32>,
        %swap3A_889 = vector.shape_cast %swap3A_888 : vector<1x1x16xf32> to vector<16xf32>
        %swap3A_890 = vector.shape_cast %mul3A_883 : vector<16xf32> to vector<1x1x16xf32>
        tpu.vector_store %arg6[%swap3A_885, %swap3A_886, %swap3A_887], %swap3A_890 {strides = array<i32>} : memref<2x128x64xf32, #tpu.memory_space<vmem>>, vector<1x1x16xf32>,
        %get3A_891 = arith.constant 0 : i32
        %get3A_892 = arith.index_cast %get3A_891 : i32 to index
        %get3A_893 = arith.index_cast %scan3A_874 : i32 to index
        %get3A_894 = arith.constant 16 : index
        %get3A_895 = tpu.vector_load %arg6[%get3A_892, %get3A_893, %get3A_894] {strides = array<i32>} : memref<2x128x64xf32, #tpu.memory_space<vmem>>, vector<1x1x16xf32>,
        %get3A_896 = vector.shape_cast %get3A_895 : vector<1x1x16xf32> to vector<16xf32>
        %mul3A_897 = arith.constant 8.000000e+00 : f32
        %mul3A_898 = vector.broadcast %mul3A_897 : f32 to vector<16xf32>
        %mul3A_899 = arith.mulf %get3A_896, %mul3A_898 : vector<16xf32>
        %swap3A_900 = arith.constant 0 : i32
        %swap3A_901 = arith.index_cast %swap3A_900 : i32 to index
        %swap3A_902 = arith.index_cast %scan3A_874 : i32 to index
        %swap3A_903 = arith.constant 16 : index
        %swap3A_904 = tpu.vector_load %arg6[%swap3A_901, %swap3A_902, %swap3A_903] {strides = array<i32>} : memref<2x128x64xf32, #tpu.memory_space<vmem>>, vector<1x1x16xf32>,
        %swap3A_905 = vector.shape_cast %swap3A_904 : vector<1x1x16xf32> to vector<16xf32>
        %swap3A_906 = vector.shape_cast %mul3A_899 : vector<16xf32> to vector<1x1x16xf32>
        tpu.vector_store %arg6[%swap3A_901, %swap3A_902, %swap3A_903], %swap3A_906 {strides = array<i32>} : memref<2x128x64xf32, #tpu.memory_space<vmem>>, vector<1x1x16xf32>,
        %get3A_907 = arith.constant 0 : i32
        %get3A_908 = arith.index_cast %get3A_907 : i32 to index
        %get3A_909 = arith.index_cast %scan3A_874 : i32 to index
        %get3A_910 = arith.constant 32 : index
        %get3A_911 = tpu.vector_load %arg6[%get3A_908, %get3A_909, %get3A_910] {strides = array<i32>} : memref<2x128x64xf32, #tpu.memory_space<vmem>>, vector<1x1x16xf32>,
        %get3A_912 = vector.shape_cast %get3A_911 : vector<1x1x16xf32> to vector<16xf32>
        %mul3A_913 = arith.constant 8.000000e+00 : f32
        %mul3A_914 = vector.broadcast %mul3A_913 : f32 to vector<16xf32>
        %mul3A_915 = arith.mulf %get3A_912, %mul3A_914 : vector<16xf32>
        %swap3A_916 = arith.constant 0 : i32
        %swap3A_917 = arith.index_cast %swap3A_916 : i32 to index
        %swap3A_918 = arith.index_cast %scan3A_874 : i32 to index
        %swap3A_919 = arith.constant 32 : index
        %swap3A_920 = tpu.vector_load %arg6[%swap3A_917, %swap3A_918, %swap3A_919] {strides = array<i32>} : memref<2x128x64xf32, #tpu.memory_space<vmem>>, vector<1x1x16xf32>,
        %swap3A_921 = vector.shape_cast %swap3A_920 : vector<1x1x16xf32> to vector<16xf32>
        %swap3A_922 = vector.shape_cast %mul3A_915 : vector<16xf32> to vector<1x1x16xf32>
        tpu.vector_store %arg6[%swap3A_917, %swap3A_918, %swap3A_919], %swap3A_922 {strides = array<i32>} : memref<2x128x64xf32, #tpu.memory_space<vmem>>, vector<1x1x16xf32>,
        %get3A_923 = arith.constant 0 : i32
        %get3A_924 = arith.index_cast %get3A_923 : i32 to index
        %get3A_925 = arith.index_cast %scan3A_874 : i32 to index
        %get3A_926 = arith.constant 48 : index
        %get3A_927 = tpu.vector_load %arg6[%get3A_924, %get3A_925, %get3A_926] {strides = array<i32>} : memref<2x128x64xf32, #tpu.memory_space<vmem>>, vector<1x1x16xf32>,
        %get3A_928 = vector.shape_cast %get3A_927 : vector<1x1x16xf32> to vector<16xf32>
        %mul3A_929 = arith.constant 8.000000e+00 : f32
        %mul3A_930 = vector.broadcast %mul3A_929 : f32 to vector<16xf32>
        %mul3A_931 = arith.mulf %get3A_928, %mul3A_930 : vector<16xf32>
        %swap3A_932 = arith.constant 0 : i32
        %swap3A_933 = arith.index_cast %swap3A_932 : i32 to index
        %swap3A_934 = arith.index_cast %scan3A_874 : i32 to index
        %swap3A_935 = arith.constant 48 : index
        %swap3A_936 = tpu.vector_load %arg6[%swap3A_933, %swap3A_934, %swap3A_935] {strides = array<i32>} : memref<2x128x64xf32, #tpu.memory_space<vmem>>, vector<1x1x16xf32>,
        %swap3A_937 = vector.shape_cast %swap3A_936 : vector<1x1x16xf32> to vector<16xf32>
        %swap3A_938 = vector.shape_cast %mul3A_931 : vector<16xf32> to vector<1x1x16xf32>
        tpu.vector_store %arg6[%swap3A_933, %swap3A_934, %swap3A_935], %swap3A_938 {strides = array<i32>} : memref<2x128x64xf32, #tpu.memory_space<vmem>>, vector<1x1x16xf32>,
        %get3A_939 = arith.constant 1 : i32
        %get3A_940 = arith.index_cast %get3A_939 : i32 to index
        %get3A_941 = arith.index_cast %scan3A_874 : i32 to index
        %get3A_942 = arith.constant 0 : index
        %get3A_943 = tpu.vector_load %arg6[%get3A_940, %get3A_941, %get3A_942] {strides = array<i32>} : memref<2x128x64xf32, #tpu.memory_space<vmem>>, vector<1x1x16xf32>,
        %get3A_944 = vector.shape_cast %get3A_943 : vector<1x1x16xf32> to vector<16xf32>
        %mul3A_945 = arith.constant 8.000000e+00 : f32
        %mul3A_946 = vector.broadcast %mul3A_945 : f32 to vector<16xf32>
        %mul3A_947 = arith.mulf %get3A_944, %mul3A_946 : vector<16xf32>
        %swap3A_948 = arith.constant 1 : i32
        %swap3A_949 = arith.index_cast %swap3A_948 : i32 to index
        %swap3A_950 = arith.index_cast %scan3A_874 : i32 to index
        %swap3A_951 = arith.constant 0 : index
        %swap3A_952 = tpu.vector_load %arg6[%swap3A_949, %swap3A_950, %swap3A_951] {strides = array<i32>} : memref<2x128x64xf32, #tpu.memory_space<vmem>>, vector<1x1x16xf32>,
        %swap3A_953 = vector.shape_cast %swap3A_952 : vector<1x1x16xf32> to vector<16xf32>
        %swap3A_954 = vector.shape_cast %mul3A_947 : vector<16xf32> to vector<1x1x16xf32>
        tpu.vector_store %arg6[%swap3A_949, %swap3A_950, %swap3A_951], %swap3A_954 {strides = array<i32>} : memref<2x128x64xf32, #tpu.memory_space<vmem>>, vector<1x1x16xf32>,
        %get3A_955 = arith.constant 1 : i32
        %get3A_956 = arith.index_cast %get3A_955 : i32 to index
        %get3A_957 = arith.index_cast %scan3A_874 : i32 to index
        %get3A_958 = arith.constant 16 : index
        %get3A_959 = tpu.vector_load %arg6[%get3A_956, %get3A_957, %get3A_958] {strides = array<i32>} : memref<2x128x64xf32, #tpu.memory_space<vmem>>, vector<1x1x16xf32>,
        %get3A_960 = vector.shape_cast %get3A_959 : vector<1x1x16xf32> to vector<16xf32>
        %mul3A_961 = arith.constant 8.000000e+00 : f32
        %mul3A_962 = vector.broadcast %mul3A_961 : f32 to vector<16xf32>
        %mul3A_963 = arith.mulf %get3A_960, %mul3A_962 : vector<16xf32>
        %swap3A_964 = arith.constant 1 : i32
        %swap3A_965 = arith.index_cast %swap3A_964 : i32 to index
        %swap3A_966 = arith.index_cast %scan3A_874 : i32 to index
        %swap3A_967 = arith.constant 16 : index
        %swap3A_968 = tpu.vector_load %arg6[%swap3A_965, %swap3A_966, %swap3A_967] {strides = array<i32>} : memref<2x128x64xf32, #tpu.memory_space<vmem>>, vector<1x1x16xf32>,
        %swap3A_969 = vector.shape_cast %swap3A_968 : vector<1x1x16xf32> to vector<16xf32>
        %swap3A_970 = vector.shape_cast %mul3A_963 : vector<16xf32> to vector<1x1x16xf32>
        tpu.vector_store %arg6[%swap3A_965, %swap3A_966, %swap3A_967], %swap3A_970 {strides = array<i32>} : memref<2x128x64xf32, #tpu.memory_space<vmem>>, vector<1x1x16xf32>,
        %get3A_971 = arith.constant 1 : i32
        %get3A_972 = arith.index_cast %get3A_971 : i32 to index
        %get3A_973 = arith.index_cast %scan3A_874 : i32 to index
        %get3A_974 = arith.constant 32 : index
        %get3A_975 = tpu.vector_load %arg6[%get3A_972, %get3A_973, %get3A_974] {strides = array<i32>} : memref<2x128x64xf32, #tpu.memory_space<vmem>>, vector<1x1x16xf32>,
        %get3A_976 = vector.shape_cast %get3A_975 : vector<1x1x16xf32> to vector<16xf32>
        %mul3A_977 = arith.constant 8.000000e+00 : f32
        %mul3A_978 = vector.broadcast %mul3A_977 : f32 to vector<16xf32>
        %mul3A_979 = arith.mulf %get3A_976, %mul3A_978 : vector<16xf32>
        %swap3A_980 = arith.constant 1 : i32
        %swap3A_981 = arith.index_cast %swap3A_980 : i32 to index
        %swap3A_982 = arith.index_cast %scan3A_874 : i32 to index
        %swap3A_983 = arith.constant 32 : index
        %swap3A_984 = tpu.vector_load %arg6[%swap3A_981, %swap3A_982, %swap3A_983] {strides = array<i32>} : memref<2x128x64xf32, #tpu.memory_space<vmem>>, vector<1x1x16xf32>,
        %swap3A_985 = vector.shape_cast %swap3A_984 : vector<1x1x16xf32> to vector<16xf32>
        %swap3A_986 = vector.shape_cast %mul3A_979 : vector<16xf32> to vector<1x1x16xf32>
        tpu.vector_store %arg6[%swap3A_981, %swap3A_982, %swap3A_983], %swap3A_986 {strides = array<i32>} : memref<2x128x64xf32, #tpu.memory_space<vmem>>, vector<1x1x16xf32>,
        %get3A_987 = arith.constant 1 : i32
        %get3A_988 = arith.index_cast %get3A_987 : i32 to index
        %get3A_989 = arith.index_cast %scan3A_874 : i32 to index
        %get3A_990 = arith.constant 48 : index
        %get3A_991 = tpu.vector_load %arg6[%get3A_988, %get3A_989, %get3A_990] {strides = array<i32>} : memref<2x128x64xf32, #tpu.memory_space<vmem>>, vector<1x1x16xf32>,
        %get3A_992 = vector.shape_cast %get3A_991 : vector<1x1x16xf32> to vector<16xf32>
        %mul3A_993 = arith.constant 8.000000e+00 : f32
        %mul3A_994 = vector.broadcast %mul3A_993 : f32 to vector<16xf32>
        %mul3A_995 = arith.mulf %get3A_992, %mul3A_994 : vector<16xf32>
        %swap3A_996 = arith.constant 1 : i32
        %swap3A_997 = arith.index_cast %swap3A_996 : i32 to index
        %swap3A_998 = arith.index_cast %scan3A_874 : i32 to index
        %swap3A_999 = arith.constant 48 : index
        %swap3A_1000 = tpu.vector_load %arg6[%swap3A_997, %swap3A_998, %swap3A_999] {strides = array<i32>} : memref<2x128x64xf32, #tpu.memory_space<vmem>>, vector<1x1x16xf32>,
        %swap3A_1001 = vector.shape_cast %swap3A_1000 : vector<1x1x16xf32> to vector<16xf32>
        %swap3A_1002 = vector.shape_cast %mul3A_995 : vector<16xf32> to vector<1x1x16xf32>
        tpu.vector_store %arg6[%swap3A_997, %swap3A_998, %swap3A_999], %swap3A_1002 {strides = array<i32>} : memref<2x128x64xf32, #tpu.memory_space<vmem>>, vector<1x1x16xf32>,
        %scan3A_1003 = arith.constant 5 : i32
        %scan3A_1004 = arith.addi %scan3A_356, %scan3A_1003 : i32
        %get3A_1005 = arith.constant 0 : i32
        %get3A_1006 = arith.index_cast %get3A_1005 : i32 to index
        %get3A_1007 = arith.index_cast %scan3A_1004 : i32 to index
        %get3A_1008 = arith.constant 0 : index
        %get3A_1009 = tpu.vector_load %arg6[%get3A_1006, %get3A_1007, %get3A_1008] {strides = array<i32>} : memref<2x128x64xf32, #tpu.memory_space<vmem>>, vector<1x1x16xf32>,
        %get3A_1010 = vector.shape_cast %get3A_1009 : vector<1x1x16xf32> to vector<16xf32>
        %mul3A_1011 = arith.constant 8.000000e+00 : f32
        %mul3A_1012 = vector.broadcast %mul3A_1011 : f32 to vector<16xf32>
        %mul3A_1013 = arith.mulf %get3A_1010, %mul3A_1012 : vector<16xf32>
        %swap3A_1014 = arith.constant 0 : i32
        %swap3A_1015 = arith.index_cast %swap3A_1014 : i32 to index
        %swap3A_1016 = arith.index_cast %scan3A_1004 : i32 to index
        %swap3A_1017 = arith.constant 0 : index
        %swap3A_1018 = tpu.vector_load %arg6[%swap3A_1015, %swap3A_1016, %swap3A_1017] {strides = array<i32>} : memref<2x128x64xf32, #tpu.memory_space<vmem>>, vector<1x1x16xf32>,
        %swap3A_1019 = vector.shape_cast %swap3A_1018 : vector<1x1x16xf32> to vector<16xf32>
        %swap3A_1020 = vector.shape_cast %mul3A_1013 : vector<16xf32> to vector<1x1x16xf32>
        tpu.vector_store %arg6[%swap3A_1015, %swap3A_1016, %swap3A_1017], %swap3A_1020 {strides = array<i32>} : memref<2x128x64xf32, #tpu.memory_space<vmem>>, vector<1x1x16xf32>,
        %get3A_1021 = arith.constant 0 : i32
        %get3A_1022 = arith.index_cast %get3A_1021 : i32 to index
        %get3A_1023 = arith.index_cast %scan3A_1004 : i32 to index
        %get3A_1024 = arith.constant 16 : index
        %get3A_1025 = tpu.vector_load %arg6[%get3A_1022, %get3A_1023, %get3A_1024] {strides = array<i32>} : memref<2x128x64xf32, #tpu.memory_space<vmem>>, vector<1x1x16xf32>,
        %get3A_1026 = vector.shape_cast %get3A_1025 : vector<1x1x16xf32> to vector<16xf32>
        %mul3A_1027 = arith.constant 8.000000e+00 : f32
        %mul3A_1028 = vector.broadcast %mul3A_1027 : f32 to vector<16xf32>
        %mul3A_1029 = arith.mulf %get3A_1026, %mul3A_1028 : vector<16xf32>
        %swap3A_1030 = arith.constant 0 : i32
        %swap3A_1031 = arith.index_cast %swap3A_1030 : i32 to index
        %swap3A_1032 = arith.index_cast %scan3A_1004 : i32 to index
        %swap3A_1033 = arith.constant 16 : index
        %swap3A_1034 = tpu.vector_load %arg6[%swap3A_1031, %swap3A_1032, %swap3A_1033] {strides = array<i32>} : memref<2x128x64xf32, #tpu.memory_space<vmem>>, vector<1x1x16xf32>,
        %swap3A_1035 = vector.shape_cast %swap3A_1034 : vector<1x1x16xf32> to vector<16xf32>
        %swap3A_1036 = vector.shape_cast %mul3A_1029 : vector<16xf32> to vector<1x1x16xf32>
        tpu.vector_store %arg6[%swap3A_1031, %swap3A_1032, %swap3A_1033], %swap3A_1036 {strides = array<i32>} : memref<2x128x64xf32, #tpu.memory_space<vmem>>, vector<1x1x16xf32>,
        %get3A_1037 = arith.constant 0 : i32
        %get3A_1038 = arith.index_cast %get3A_1037 : i32 to index
        %get3A_1039 = arith.index_cast %scan3A_1004 : i32 to index
        %get3A_1040 = arith.constant 32 : index
        %get3A_1041 = tpu.vector_load %arg6[%get3A_1038, %get3A_1039, %get3A_1040] {strides = array<i32>} : memref<2x128x64xf32, #tpu.memory_space<vmem>>, vector<1x1x16xf32>,
        %get3A_1042 = vector.shape_cast %get3A_1041 : vector<1x1x16xf32> to vector<16xf32>
        %mul3A_1043 = arith.constant 8.000000e+00 : f32
        %mul3A_1044 = vector.broadcast %mul3A_1043 : f32 to vector<16xf32>
        %mul3A_1045 = arith.mulf %get3A_1042, %mul3A_1044 : vector<16xf32>
        %swap3A_1046 = arith.constant 0 : i32
        %swap3A_1047 = arith.index_cast %swap3A_1046 : i32 to index
        %swap3A_1048 = arith.index_cast %scan3A_1004 : i32 to index
        %swap3A_1049 = arith.constant 32 : index
        %swap3A_1050 = tpu.vector_load %arg6[%swap3A_1047, %swap3A_1048, %swap3A_1049] {strides = array<i32>} : memref<2x128x64xf32, #tpu.memory_space<vmem>>, vector<1x1x16xf32>,
        %swap3A_1051 = vector.shape_cast %swap3A_1050 : vector<1x1x16xf32> to vector<16xf32>
        %swap3A_1052 = vector.shape_cast %mul3A_1045 : vector<16xf32> to vector<1x1x16xf32>
        tpu.vector_store %arg6[%swap3A_1047, %swap3A_1048, %swap3A_1049], %swap3A_1052 {strides = array<i32>} : memref<2x128x64xf32, #tpu.memory_space<vmem>>, vector<1x1x16xf32>,
        %get3A_1053 = arith.constant 0 : i32
        %get3A_1054 = arith.index_cast %get3A_1053 : i32 to index
        %get3A_1055 = arith.index_cast %scan3A_1004 : i32 to index
        %get3A_1056 = arith.constant 48 : index
        %get3A_1057 = tpu.vector_load %arg6[%get3A_1054, %get3A_1055, %get3A_1056] {strides = array<i32>} : memref<2x128x64xf32, #tpu.memory_space<vmem>>, vector<1x1x16xf32>,
        %get3A_1058 = vector.shape_cast %get3A_1057 : vector<1x1x16xf32> to vector<16xf32>
        %mul3A_1059 = arith.constant 8.000000e+00 : f32
        %mul3A_1060 = vector.broadcast %mul3A_1059 : f32 to vector<16xf32>
        %mul3A_1061 = arith.mulf %get3A_1058, %mul3A_1060 : vector<16xf32>
        %swap3A_1062 = arith.constant 0 : i32
        %swap3A_1063 = arith.index_cast %swap3A_1062 : i32 to index
        %swap3A_1064 = arith.index_cast %scan3A_1004 : i32 to index
        %swap3A_1065 = arith.constant 48 : index
        %swap3A_1066 = tpu.vector_load %arg6[%swap3A_1063, %swap3A_1064, %swap3A_1065] {strides = array<i32>} : memref<2x128x64xf32, #tpu.memory_space<vmem>>, vector<1x1x16xf32>,
        %swap3A_1067 = vector.shape_cast %swap3A_1066 : vector<1x1x16xf32> to vector<16xf32>
        %swap3A_1068 = vector.shape_cast %mul3A_1061 : vector<16xf32> to vector<1x1x16xf32>
        tpu.vector_store %arg6[%swap3A_1063, %swap3A_1064, %swap3A_1065], %swap3A_1068 {strides = array<i32>} : memref<2x128x64xf32, #tpu.memory_space<vmem>>, vector<1x1x16xf32>,
        %get3A_1069 = arith.constant 1 : i32
        %get3A_1070 = arith.index_cast %get3A_1069 : i32 to index
        %get3A_1071 = arith.index_cast %scan3A_1004 : i32 to index
        %get3A_1072 = arith.constant 0 : index
        %get3A_1073 = tpu.vector_load %arg6[%get3A_1070, %get3A_1071, %get3A_1072] {strides = array<i32>} : memref<2x128x64xf32, #tpu.memory_space<vmem>>, vector<1x1x16xf32>,
        %get3A_1074 = vector.shape_cast %get3A_1073 : vector<1x1x16xf32> to vector<16xf32>
        %mul3A_1075 = arith.constant 8.000000e+00 : f32
        %mul3A_1076 = vector.broadcast %mul3A_1075 : f32 to vector<16xf32>
        %mul3A_1077 = arith.mulf %get3A_1074, %mul3A_1076 : vector<16xf32>
        %swap3A_1078 = arith.constant 1 : i32
        %swap3A_1079 = arith.index_cast %swap3A_1078 : i32 to index
        %swap3A_1080 = arith.index_cast %scan3A_1004 : i32 to index
        %swap3A_1081 = arith.constant 0 : index
        %swap3A_1082 = tpu.vector_load %arg6[%swap3A_1079, %swap3A_1080, %swap3A_1081] {strides = array<i32>} : memref<2x128x64xf32, #tpu.memory_space<vmem>>, vector<1x1x16xf32>,
        %swap3A_1083 = vector.shape_cast %swap3A_1082 : vector<1x1x16xf32> to vector<16xf32>
        %swap3A_1084 = vector.shape_cast %mul3A_1077 : vector<16xf32> to vector<1x1x16xf32>
        tpu.vector_store %arg6[%swap3A_1079, %swap3A_1080, %swap3A_1081], %swap3A_1084 {strides = array<i32>} : memref<2x128x64xf32, #tpu.memory_space<vmem>>, vector<1x1x16xf32>,
        %get3A_1085 = arith.constant 1 : i32
        %get3A_1086 = arith.index_cast %get3A_1085 : i32 to index
        %get3A_1087 = arith.index_cast %scan3A_1004 : i32 to index
        %get3A_1088 = arith.constant 16 : index
        %get3A_1089 = tpu.vector_load %arg6[%get3A_1086, %get3A_1087, %get3A_1088] {strides = array<i32>} : memref<2x128x64xf32, #tpu.memory_space<vmem>>, vector<1x1x16xf32>,
        %get3A_1090 = vector.shape_cast %get3A_1089 : vector<1x1x16xf32> to vector<16xf32>
        %mul3A_1091 = arith.constant 8.000000e+00 : f32
        %mul3A_1092 = vector.broadcast %mul3A_1091 : f32 to vector<16xf32>
        %mul3A_1093 = arith.mulf %get3A_1090, %mul3A_1092 : vector<16xf32>
        %swap3A_1094 = arith.constant 1 : i32
        %swap3A_1095 = arith.index_cast %swap3A_1094 : i32 to index
        %swap3A_1096 = arith.index_cast %scan3A_1004 : i32 to index
        %swap3A_1097 = arith.constant 16 : index
        %swap3A_1098 = tpu.vector_load %arg6[%swap3A_1095, %swap3A_1096, %swap3A_1097] {strides = array<i32>} : memref<2x128x64xf32, #tpu.memory_space<vmem>>, vector<1x1x16xf32>,
        %swap3A_1099 = vector.shape_cast %swap3A_1098 : vector<1x1x16xf32> to vector<16xf32>
        %swap3A_1100 = vector.shape_cast %mul3A_1093 : vector<16xf32> to vector<1x1x16xf32>
        tpu.vector_store %arg6[%swap3A_1095, %swap3A_1096, %swap3A_1097], %swap3A_1100 {strides = array<i32>} : memref<2x128x64xf32, #tpu.memory_space<vmem>>, vector<1x1x16xf32>,
        %get3A_1101 = arith.constant 1 : i32
        %get3A_1102 = arith.index_cast %get3A_1101 : i32 to index
        %get3A_1103 = arith.index_cast %scan3A_1004 : i32 to index
        %get3A_1104 = arith.constant 32 : index
        %get3A_1105 = tpu.vector_load %arg6[%get3A_1102, %get3A_1103, %get3A_1104] {strides = array<i32>} : memref<2x128x64xf32, #tpu.memory_space<vmem>>, vector<1x1x16xf32>,
        %get3A_1106 = vector.shape_cast %get3A_1105 : vector<1x1x16xf32> to vector<16xf32>
        %mul3A_1107 = arith.constant 8.000000e+00 : f32
        %mul3A_1108 = vector.broadcast %mul3A_1107 : f32 to vector<16xf32>
        %mul3A_1109 = arith.mulf %get3A_1106, %mul3A_1108 : vector<16xf32>
        %swap3A_1110 = arith.constant 1 : i32
        %swap3A_1111 = arith.index_cast %swap3A_1110 : i32 to index
        %swap3A_1112 = arith.index_cast %scan3A_1004 : i32 to index
        %swap3A_1113 = arith.constant 32 : index
        %swap3A_1114 = tpu.vector_load %arg6[%swap3A_1111, %swap3A_1112, %swap3A_1113] {strides = array<i32>} : memref<2x128x64xf32, #tpu.memory_space<vmem>>, vector<1x1x16xf32>,
        %swap3A_1115 = vector.shape_cast %swap3A_1114 : vector<1x1x16xf32> to vector<16xf32>
        %swap3A_1116 = vector.shape_cast %mul3A_1109 : vector<16xf32> to vector<1x1x16xf32>
        tpu.vector_store %arg6[%swap3A_1111, %swap3A_1112, %swap3A_1113], %swap3A_1116 {strides = array<i32>} : memref<2x128x64xf32, #tpu.memory_space<vmem>>, vector<1x1x16xf32>,
        %get3A_1117 = arith.constant 1 : i32
        %get3A_1118 = arith.index_cast %get3A_1117 : i32 to index
        %get3A_1119 = arith.index_cast %scan3A_1004 : i32 to index
        %get3A_1120 = arith.constant 48 : index
        %get3A_1121 = tpu.vector_load %arg6[%get3A_1118, %get3A_1119, %get3A_1120] {strides = array<i32>} : memref<2x128x64xf32, #tpu.memory_space<vmem>>, vector<1x1x16xf32>,
        %get3A_1122 = vector.shape_cast %get3A_1121 : vector<1x1x16xf32> to vector<16xf32>
        %mul3A_1123 = arith.constant 8.000000e+00 : f32
        %mul3A_1124 = vector.broadcast %mul3A_1123 : f32 to vector<16xf32>
        %mul3A_1125 = arith.mulf %get3A_1122, %mul3A_1124 : vector<16xf32>
        %swap3A_1126 = arith.constant 1 : i32
        %swap3A_1127 = arith.index_cast %swap3A_1126 : i32 to index
        %swap3A_1128 = arith.index_cast %scan3A_1004 : i32 to index
        %swap3A_1129 = arith.constant 48 : index
        %swap3A_1130 = tpu.vector_load %arg6[%swap3A_1127, %swap3A_1128, %swap3A_1129] {strides = array<i32>} : memref<2x128x64xf32, #tpu.memory_space<vmem>>, vector<1x1x16xf32>,
        %swap3A_1131 = vector.shape_cast %swap3A_1130 : vector<1x1x16xf32> to vector<16xf32>
        %swap3A_1132 = vector.shape_cast %mul3A_1125 : vector<16xf32> to vector<1x1x16xf32>
        tpu.vector_store %arg6[%swap3A_1127, %swap3A_1128, %swap3A_1129], %swap3A_1132 {strides = array<i32>} : memref<2x128x64xf32, #tpu.memory_space<vmem>>, vector<1x1x16xf32>,
        %scan3A_1133 = arith.constant 6 : i32
        %scan3A_1134 = arith.addi %scan3A_356, %scan3A_1133 : i32
        %get3A_1135 = arith.constant 0 : i32
        %get3A_1136 = arith.index_cast %get3A_1135 : i32 to index
        %get3A_1137 = arith.index_cast %scan3A_1134 : i32 to index
        %get3A_1138 = arith.constant 0 : index
        %get3A_1139 = tpu.vector_load %arg6[%get3A_1136, %get3A_1137, %get3A_1138] {strides = array<i32>} : memref<2x128x64xf32, #tpu.memory_space<vmem>>, vector<1x1x16xf32>,
        %get3A_1140 = vector.shape_cast %get3A_1139 : vector<1x1x16xf32> to vector<16xf32>
        %mul3A_1141 = arith.constant 8.000000e+00 : f32
        %mul3A_1142 = vector.broadcast %mul3A_1141 : f32 to vector<16xf32>
        %mul3A_1143 = arith.mulf %get3A_1140, %mul3A_1142 : vector<16xf32>
        %swap3A_1144 = arith.constant 0 : i32
        %swap3A_1145 = arith.index_cast %swap3A_1144 : i32 to index
        %swap3A_1146 = arith.index_cast %scan3A_1134 : i32 to index
        %swap3A_1147 = arith.constant 0 : index
        %swap3A_1148 = tpu.vector_load %arg6[%swap3A_1145, %swap3A_1146, %swap3A_1147] {strides = array<i32>} : memref<2x128x64xf32, #tpu.memory_space<vmem>>, vector<1x1x16xf32>,
        %swap3A_1149 = vector.shape_cast %swap3A_1148 : vector<1x1x16xf32> to vector<16xf32>
        %swap3A_1150 = vector.shape_cast %mul3A_1143 : vector<16xf32> to vector<1x1x16xf32>
        tpu.vector_store %arg6[%swap3A_1145, %swap3A_1146, %swap3A_1147], %swap3A_1150 {strides = array<i32>} : memref<2x128x64xf32, #tpu.memory_space<vmem>>, vector<1x1x16xf32>,
        %get3A_1151 = arith.constant 0 : i32
        %get3A_1152 = arith.index_cast %get3A_1151 : i32 to index
        %get3A_1153 = arith.index_cast %scan3A_1134 : i32 to index
        %get3A_1154 = arith.constant 16 : index
        %get3A_1155 = tpu.vector_load %arg6[%get3A_1152, %get3A_1153, %get3A_1154] {strides = array<i32>} : memref<2x128x64xf32, #tpu.memory_space<vmem>>, vector<1x1x16xf32>,
        %get3A_1156 = vector.shape_cast %get3A_1155 : vector<1x1x16xf32> to vector<16xf32>
        %mul3A_1157 = arith.constant 8.000000e+00 : f32
        %mul3A_1158 = vector.broadcast %mul3A_1157 : f32 to vector<16xf32>
        %mul3A_1159 = arith.mulf %get3A_1156, %mul3A_1158 : vector<16xf32>
        %swap3A_1160 = arith.constant 0 : i32
        %swap3A_1161 = arith.index_cast %swap3A_1160 : i32 to index
        %swap3A_1162 = arith.index_cast %scan3A_1134 : i32 to index
        %swap3A_1163 = arith.constant 16 : index
        %swap3A_1164 = tpu.vector_load %arg6[%swap3A_1161, %swap3A_1162, %swap3A_1163] {strides = array<i32>} : memref<2x128x64xf32, #tpu.memory_space<vmem>>, vector<1x1x16xf32>,
        %swap3A_1165 = vector.shape_cast %swap3A_1164 : vector<1x1x16xf32> to vector<16xf32>
        %swap3A_1166 = vector.shape_cast %mul3A_1159 : vector<16xf32> to vector<1x1x16xf32>
        tpu.vector_store %arg6[%swap3A_1161, %swap3A_1162, %swap3A_1163], %swap3A_1166 {strides = array<i32>} : memref<2x128x64xf32, #tpu.memory_space<vmem>>, vector<1x1x16xf32>,
        %get3A_1167 = arith.constant 0 : i32
        %get3A_1168 = arith.index_cast %get3A_1167 : i32 to index
        %get3A_1169 = arith.index_cast %scan3A_1134 : i32 to index
        %get3A_1170 = arith.constant 32 : index
        %get3A_1171 = tpu.vector_load %arg6[%get3A_1168, %get3A_1169, %get3A_1170] {strides = array<i32>} : memref<2x128x64xf32, #tpu.memory_space<vmem>>, vector<1x1x16xf32>,
        %get3A_1172 = vector.shape_cast %get3A_1171 : vector<1x1x16xf32> to vector<16xf32>
        %mul3A_1173 = arith.constant 8.000000e+00 : f32
        %mul3A_1174 = vector.broadcast %mul3A_1173 : f32 to vector<16xf32>
        %mul3A_1175 = arith.mulf %get3A_1172, %mul3A_1174 : vector<16xf32>
        %swap3A_1176 = arith.constant 0 : i32
        %swap3A_1177 = arith.index_cast %swap3A_1176 : i32 to index
        %swap3A_1178 = arith.index_cast %scan3A_1134 : i32 to index
        %swap3A_1179 = arith.constant 32 : index
        %swap3A_1180 = tpu.vector_load %arg6[%swap3A_1177, %swap3A_1178, %swap3A_1179] {strides = array<i32>} : memref<2x128x64xf32, #tpu.memory_space<vmem>>, vector<1x1x16xf32>,
        %swap3A_1181 = vector.shape_cast %swap3A_1180 : vector<1x1x16xf32> to vector<16xf32>
        %swap3A_1182 = vector.shape_cast %mul3A_1175 : vector<16xf32> to vector<1x1x16xf32>
        tpu.vector_store %arg6[%swap3A_1177, %swap3A_1178, %swap3A_1179], %swap3A_1182 {strides = array<i32>} : memref<2x128x64xf32, #tpu.memory_space<vmem>>, vector<1x1x16xf32>,
        %get3A_1183 = arith.constant 0 : i32
        %get3A_1184 = arith.index_cast %get3A_1183 : i32 to index
        %get3A_1185 = arith.index_cast %scan3A_1134 : i32 to index
        %get3A_1186 = arith.constant 48 : index
        %get3A_1187 = tpu.vector_load %arg6[%get3A_1184, %get3A_1185, %get3A_1186] {strides = array<i32>} : memref<2x128x64xf32, #tpu.memory_space<vmem>>, vector<1x1x16xf32>,
        %get3A_1188 = vector.shape_cast %get3A_1187 : vector<1x1x16xf32> to vector<16xf32>
        %mul3A_1189 = arith.constant 8.000000e+00 : f32
        %mul3A_1190 = vector.broadcast %mul3A_1189 : f32 to vector<16xf32>
        %mul3A_1191 = arith.mulf %get3A_1188, %mul3A_1190 : vector<16xf32>
        %swap3A_1192 = arith.constant 0 : i32
        %swap3A_1193 = arith.index_cast %swap3A_1192 : i32 to index
        %swap3A_1194 = arith.index_cast %scan3A_1134 : i32 to index
        %swap3A_1195 = arith.constant 48 : index
        %swap3A_1196 = tpu.vector_load %arg6[%swap3A_1193, %swap3A_1194, %swap3A_1195] {strides = array<i32>} : memref<2x128x64xf32, #tpu.memory_space<vmem>>, vector<1x1x16xf32>,
        %swap3A_1197 = vector.shape_cast %swap3A_1196 : vector<1x1x16xf32> to vector<16xf32>
        %swap3A_1198 = vector.shape_cast %mul3A_1191 : vector<16xf32> to vector<1x1x16xf32>
        tpu.vector_store %arg6[%swap3A_1193, %swap3A_1194, %swap3A_1195], %swap3A_1198 {strides = array<i32>} : memref<2x128x64xf32, #tpu.memory_space<vmem>>, vector<1x1x16xf32>,
        %get3A_1199 = arith.constant 1 : i32
        %get3A_1200 = arith.index_cast %get3A_1199 : i32 to index
        %get3A_1201 = arith.index_cast %scan3A_1134 : i32 to index
        %get3A_1202 = arith.constant 0 : index
        %get3A_1203 = tpu.vector_load %arg6[%get3A_1200, %get3A_1201, %get3A_1202] {strides = array<i32>} : memref<2x128x64xf32, #tpu.memory_space<vmem>>, vector<1x1x16xf32>,
        %get3A_1204 = vector.shape_cast %get3A_1203 : vector<1x1x16xf32> to vector<16xf32>
        %mul3A_1205 = arith.constant 8.000000e+00 : f32
        %mul3A_1206 = vector.broadcast %mul3A_1205 : f32 to vector<16xf32>
        %mul3A_1207 = arith.mulf %get3A_1204, %mul3A_1206 : vector<16xf32>
        %swap3A_1208 = arith.constant 1 : i32
        %swap3A_1209 = arith.index_cast %swap3A_1208 : i32 to index
        %swap3A_1210 = arith.index_cast %scan3A_1134 : i32 to index
        %swap3A_1211 = arith.constant 0 : index
        %swap3A_1212 = tpu.vector_load %arg6[%swap3A_1209, %swap3A_1210, %swap3A_1211] {strides = array<i32>} : memref<2x128x64xf32, #tpu.memory_space<vmem>>, vector<1x1x16xf32>,
        %swap3A_1213 = vector.shape_cast %swap3A_1212 : vector<1x1x16xf32> to vector<16xf32>
        %swap3A_1214 = vector.shape_cast %mul3A_1207 : vector<16xf32> to vector<1x1x16xf32>
        tpu.vector_store %arg6[%swap3A_1209, %swap3A_1210, %swap3A_1211], %swap3A_1214 {strides = array<i32>} : memref<2x128x64xf32, #tpu.memory_space<vmem>>, vector<1x1x16xf32>,
        %get3A_1215 = arith.constant 1 : i32
        %get3A_1216 = arith.index_cast %get3A_1215 : i32 to index
        %get3A_1217 = arith.index_cast %scan3A_1134 : i32 to index
        %get3A_1218 = arith.constant 16 : index
        %get3A_1219 = tpu.vector_load %arg6[%get3A_1216, %get3A_1217, %get3A_1218] {strides = array<i32>} : memref<2x128x64xf32, #tpu.memory_space<vmem>>, vector<1x1x16xf32>,
        %get3A_1220 = vector.shape_cast %get3A_1219 : vector<1x1x16xf32> to vector<16xf32>
        %mul3A_1221 = arith.constant 8.000000e+00 : f32
        %mul3A_1222 = vector.broadcast %mul3A_1221 : f32 to vector<16xf32>
        %mul3A_1223 = arith.mulf %get3A_1220, %mul3A_1222 : vector<16xf32>
        %swap3A_1224 = arith.constant 1 : i32
        %swap3A_1225 = arith.index_cast %swap3A_1224 : i32 to index
        %swap3A_1226 = arith.index_cast %scan3A_1134 : i32 to index
        %swap3A_1227 = arith.constant 16 : index
        %swap3A_1228 = tpu.vector_load %arg6[%swap3A_1225, %swap3A_1226, %swap3A_1227] {strides = array<i32>} : memref<2x128x64xf32, #tpu.memory_space<vmem>>, vector<1x1x16xf32>,
        %swap3A_1229 = vector.shape_cast %swap3A_1228 : vector<1x1x16xf32> to vector<16xf32>
        %swap3A_1230 = vector.shape_cast %mul3A_1223 : vector<16xf32> to vector<1x1x16xf32>
        tpu.vector_store %arg6[%swap3A_1225, %swap3A_1226, %swap3A_1227], %swap3A_1230 {strides = array<i32>} : memref<2x128x64xf32, #tpu.memory_space<vmem>>, vector<1x1x16xf32>,
        %get3A_1231 = arith.constant 1 : i32
        %get3A_1232 = arith.index_cast %get3A_1231 : i32 to index
        %get3A_1233 = arith.index_cast %scan3A_1134 : i32 to index
        %get3A_1234 = arith.constant 32 : index
        %get3A_1235 = tpu.vector_load %arg6[%get3A_1232, %get3A_1233, %get3A_1234] {strides = array<i32>} : memref<2x128x64xf32, #tpu.memory_space<vmem>>, vector<1x1x16xf32>,
        %get3A_1236 = vector.shape_cast %get3A_1235 : vector<1x1x16xf32> to vector<16xf32>
        %mul3A_1237 = arith.constant 8.000000e+00 : f32
        %mul3A_1238 = vector.broadcast %mul3A_1237 : f32 to vector<16xf32>
        %mul3A_1239 = arith.mulf %get3A_1236, %mul3A_1238 : vector<16xf32>
        %swap3A_1240 = arith.constant 1 : i32
        %swap3A_1241 = arith.index_cast %swap3A_1240 : i32 to index
        %swap3A_1242 = arith.index_cast %scan3A_1134 : i32 to index
        %swap3A_1243 = arith.constant 32 : index
        %swap3A_1244 = tpu.vector_load %arg6[%swap3A_1241, %swap3A_1242, %swap3A_1243] {strides = array<i32>} : memref<2x128x64xf32, #tpu.memory_space<vmem>>, vector<1x1x16xf32>,
        %swap3A_1245 = vector.shape_cast %swap3A_1244 : vector<1x1x16xf32> to vector<16xf32>
        %swap3A_1246 = vector.shape_cast %mul3A_1239 : vector<16xf32> to vector<1x1x16xf32>
        tpu.vector_store %arg6[%swap3A_1241, %swap3A_1242, %swap3A_1243], %swap3A_1246 {strides = array<i32>} : memref<2x128x64xf32, #tpu.memory_space<vmem>>, vector<1x1x16xf32>,
        %get3A_1247 = arith.constant 1 : i32
        %get3A_1248 = arith.index_cast %get3A_1247 : i32 to index
        %get3A_1249 = arith.index_cast %scan3A_1134 : i32 to index
        %get3A_1250 = arith.constant 48 : index
        %get3A_1251 = tpu.vector_load %arg6[%get3A_1248, %get3A_1249, %get3A_1250] {strides = array<i32>} : memref<2x128x64xf32, #tpu.memory_space<vmem>>, vector<1x1x16xf32>,
        %get3A_1252 = vector.shape_cast %get3A_1251 : vector<1x1x16xf32> to vector<16xf32>
        %mul3A_1253 = arith.constant 8.000000e+00 : f32
        %mul3A_1254 = vector.broadcast %mul3A_1253 : f32 to vector<16xf32>
        %mul3A_1255 = arith.mulf %get3A_1252, %mul3A_1254 : vector<16xf32>
        %swap3A_1256 = arith.constant 1 : i32
        %swap3A_1257 = arith.index_cast %swap3A_1256 : i32 to index
        %swap3A_1258 = arith.index_cast %scan3A_1134 : i32 to index
        %swap3A_1259 = arith.constant 48 : index
        %swap3A_1260 = tpu.vector_load %arg6[%swap3A_1257, %swap3A_1258, %swap3A_1259] {strides = array<i32>} : memref<2x128x64xf32, #tpu.memory_space<vmem>>, vector<1x1x16xf32>,
        %swap3A_1261 = vector.shape_cast %swap3A_1260 : vector<1x1x16xf32> to vector<16xf32>
        %swap3A_1262 = vector.shape_cast %mul3A_1255 : vector<16xf32> to vector<1x1x16xf32>
        tpu.vector_store %arg6[%swap3A_1257, %swap3A_1258, %swap3A_1259], %swap3A_1262 {strides = array<i32>} : memref<2x128x64xf32, #tpu.memory_space<vmem>>, vector<1x1x16xf32>,
        %scan3A_1263 = arith.constant 7 : i32
        %scan3A_1264 = arith.addi %scan3A_356, %scan3A_1263 : i32
        %get3A_1265 = arith.constant 0 : i32
        %get3A_1266 = arith.index_cast %get3A_1265 : i32 to index
        %get3A_1267 = arith.index_cast %scan3A_1264 : i32 to index
        %get3A_1268 = arith.constant 0 : index
        %get3A_1269 = tpu.vector_load %arg6[%get3A_1266, %get3A_1267, %get3A_1268] {strides = array<i32>} : memref<2x128x64xf32, #tpu.memory_space<vmem>>, vector<1x1x16xf32>,
        %get3A_1270 = vector.shape_cast %get3A_1269 : vector<1x1x16xf32> to vector<16xf32>
        %mul3A_1271 = arith.constant 8.000000e+00 : f32
        %mul3A_1272 = vector.broadcast %mul3A_1271 : f32 to vector<16xf32>
        %mul3A_1273 = arith.mulf %get3A_1270, %mul3A_1272 : vector<16xf32>
        %swap3A_1274 = arith.constant 0 : i32
        %swap3A_1275 = arith.index_cast %swap3A_1274 : i32 to index
        %swap3A_1276 = arith.index_cast %scan3A_1264 : i32 to index
        %swap3A_1277 = arith.constant 0 : index
        %swap3A_1278 = tpu.vector_load %arg6[%swap3A_1275, %swap3A_1276, %swap3A_1277] {strides = array<i32>} : memref<2x128x64xf32, #tpu.memory_space<vmem>>, vector<1x1x16xf32>,
        %swap3A_1279 = vector.shape_cast %swap3A_1278 : vector<1x1x16xf32> to vector<16xf32>
        %swap3A_1280 = vector.shape_cast %mul3A_1273 : vector<16xf32> to vector<1x1x16xf32>
        tpu.vector_store %arg6[%swap3A_1275, %swap3A_1276, %swap3A_1277], %swap3A_1280 {strides = array<i32>} : memref<2x128x64xf32, #tpu.memory_space<vmem>>, vector<1x1x16xf32>,
        %get3A_1281 = arith.constant 0 : i32
        %get3A_1282 = arith.index_cast %get3A_1281 : i32 to index
        %get3A_1283 = arith.index_cast %scan3A_1264 : i32 to index
        %get3A_1284 = arith.constant 16 : index
        %get3A_1285 = tpu.vector_load %arg6[%get3A_1282, %get3A_1283, %get3A_1284] {strides = array<i32>} : memref<2x128x64xf32, #tpu.memory_space<vmem>>, vector<1x1x16xf32>,
        %get3A_1286 = vector.shape_cast %get3A_1285 : vector<1x1x16xf32> to vector<16xf32>
        %mul3A_1287 = arith.constant 8.000000e+00 : f32
        %mul3A_1288 = vector.broadcast %mul3A_1287 : f32 to vector<16xf32>
        %mul3A_1289 = arith.mulf %get3A_1286, %mul3A_1288 : vector<16xf32>
        %swap3A_1290 = arith.constant 0 : i32
        %swap3A_1291 = arith.index_cast %swap3A_1290 : i32 to index
        %swap3A_1292 = arith.index_cast %scan3A_1264 : i32 to index
        %swap3A_1293 = arith.constant 16 : index
        %swap3A_1294 = tpu.vector_load %arg6[%swap3A_1291, %swap3A_1292, %swap3A_1293] {strides = array<i32>} : memref<2x128x64xf32, #tpu.memory_space<vmem>>, vector<1x1x16xf32>,
        %swap3A_1295 = vector.shape_cast %swap3A_1294 : vector<1x1x16xf32> to vector<16xf32>
        %swap3A_1296 = vector.shape_cast %mul3A_1289 : vector<16xf32> to vector<1x1x16xf32>
        tpu.vector_store %arg6[%swap3A_1291, %swap3A_1292, %swap3A_1293], %swap3A_1296 {strides = array<i32>} : memref<2x128x64xf32, #tpu.memory_space<vmem>>, vector<1x1x16xf32>,
        %get3A_1297 = arith.constant 0 : i32
        %get3A_1298 = arith.index_cast %get3A_1297 : i32 to index
        %get3A_1299 = arith.index_cast %scan3A_1264 : i32 to index
        %get3A_1300 = arith.constant 32 : index
        %get3A_1301 = tpu.vector_load %arg6[%get3A_1298, %get3A_1299, %get3A_1300] {strides = array<i32>} : memref<2x128x64xf32, #tpu.memory_space<vmem>>, vector<1x1x16xf32>,
        %get3A_1302 = vector.shape_cast %get3A_1301 : vector<1x1x16xf32> to vector<16xf32>
        %mul3A_1303 = arith.constant 8.000000e+00 : f32
        %mul3A_1304 = vector.broadcast %mul3A_1303 : f32 to vector<16xf32>
        %mul3A_1305 = arith.mulf %get3A_1302, %mul3A_1304 : vector<16xf32>
        %swap3A_1306 = arith.constant 0 : i32
        %swap3A_1307 = arith.index_cast %swap3A_1306 : i32 to index
        %swap3A_1308 = arith.index_cast %scan3A_1264 : i32 to index
        %swap3A_1309 = arith.constant 32 : index
        %swap3A_1310 = tpu.vector_load %arg6[%swap3A_1307, %swap3A_1308, %swap3A_1309] {strides = array<i32>} : memref<2x128x64xf32, #tpu.memory_space<vmem>>, vector<1x1x16xf32>,
        %swap3A_1311 = vector.shape_cast %swap3A_1310 : vector<1x1x16xf32> to vector<16xf32>
        %swap3A_1312 = vector.shape_cast %mul3A_1305 : vector<16xf32> to vector<1x1x16xf32>
        tpu.vector_store %arg6[%swap3A_1307, %swap3A_1308, %swap3A_1309], %swap3A_1312 {strides = array<i32>} : memref<2x128x64xf32, #tpu.memory_space<vmem>>, vector<1x1x16xf32>,
        %get3A_1313 = arith.constant 0 : i32
        %get3A_1314 = arith.index_cast %get3A_1313 : i32 to index
        %get3A_1315 = arith.index_cast %scan3A_1264 : i32 to index
        %get3A_1316 = arith.constant 48 : index
        %get3A_1317 = tpu.vector_load %arg6[%get3A_1314, %get3A_1315, %get3A_1316] {strides = array<i32>} : memref<2x128x64xf32, #tpu.memory_space<vmem>>, vector<1x1x16xf32>,
        %get3A_1318 = vector.shape_cast %get3A_1317 : vector<1x1x16xf32> to vector<16xf32>
        %mul3A_1319 = arith.constant 8.000000e+00 : f32
        %mul3A_1320 = vector.broadcast %mul3A_1319 : f32 to vector<16xf32>
        %mul3A_1321 = arith.mulf %get3A_1318, %mul3A_1320 : vector<16xf32>
        %swap3A_1322 = arith.constant 0 : i32
        %swap3A_1323 = arith.index_cast %swap3A_1322 : i32 to index
        %swap3A_1324 = arith.index_cast %scan3A_1264 : i32 to index
        %swap3A_1325 = arith.constant 48 : index
        %swap3A_1326 = tpu.vector_load %arg6[%swap3A_1323, %swap3A_1324, %swap3A_1325] {strides = array<i32>} : memref<2x128x64xf32, #tpu.memory_space<vmem>>, vector<1x1x16xf32>,
        %swap3A_1327 = vector.shape_cast %swap3A_1326 : vector<1x1x16xf32> to vector<16xf32>
        %swap3A_1328 = vector.shape_cast %mul3A_1321 : vector<16xf32> to vector<1x1x16xf32>
        tpu.vector_store %arg6[%swap3A_1323, %swap3A_1324, %swap3A_1325], %swap3A_1328 {strides = array<i32>} : memref<2x128x64xf32, #tpu.memory_space<vmem>>, vector<1x1x16xf32>,
        %get3A_1329 = arith.constant 1 : i32
        %get3A_1330 = arith.index_cast %get3A_1329 : i32 to index
        %get3A_1331 = arith.index_cast %scan3A_1264 : i32 to index
        %get3A_1332 = arith.constant 0 : index
        %get3A_1333 = tpu.vector_load %arg6[%get3A_1330, %get3A_1331, %get3A_1332] {strides = array<i32>} : memref<2x128x64xf32, #tpu.memory_space<vmem>>, vector<1x1x16xf32>,
        %get3A_1334 = vector.shape_cast %get3A_1333 : vector<1x1x16xf32> to vector<16xf32>
        %mul3A_1335 = arith.constant 8.000000e+00 : f32
        %mul3A_1336 = vector.broadcast %mul3A_1335 : f32 to vector<16xf32>
        %mul3A_1337 = arith.mulf %get3A_1334, %mul3A_1336 : vector<16xf32>
        %swap3A_1338 = arith.constant 1 : i32
        %swap3A_1339 = arith.index_cast %swap3A_1338 : i32 to index
        %swap3A_1340 = arith.index_cast %scan3A_1264 : i32 to index
        %swap3A_1341 = arith.constant 0 : index
        %swap3A_1342 = tpu.vector_load %arg6[%swap3A_1339, %swap3A_1340, %swap3A_1341] {strides = array<i32>} : memref<2x128x64xf32, #tpu.memory_space<vmem>>, vector<1x1x16xf32>,
        %swap3A_1343 = vector.shape_cast %swap3A_1342 : vector<1x1x16xf32> to vector<16xf32>
        %swap3A_1344 = vector.shape_cast %mul3A_1337 : vector<16xf32> to vector<1x1x16xf32>
        tpu.vector_store %arg6[%swap3A_1339, %swap3A_1340, %swap3A_1341], %swap3A_1344 {strides = array<i32>} : memref<2x128x64xf32, #tpu.memory_space<vmem>>, vector<1x1x16xf32>,
        %get3A_1345 = arith.constant 1 : i32
        %get3A_1346 = arith.index_cast %get3A_1345 : i32 to index
        %get3A_1347 = arith.index_cast %scan3A_1264 : i32 to index
        %get3A_1348 = arith.constant 16 : index
        %get3A_1349 = tpu.vector_load %arg6[%get3A_1346, %get3A_1347, %get3A_1348] {strides = array<i32>} : memref<2x128x64xf32, #tpu.memory_space<vmem>>, vector<1x1x16xf32>,
        %get3A_1350 = vector.shape_cast %get3A_1349 : vector<1x1x16xf32> to vector<16xf32>
        %mul3A_1351 = arith.constant 8.000000e+00 : f32
        %mul3A_1352 = vector.broadcast %mul3A_1351 : f32 to vector<16xf32>
        %mul3A_1353 = arith.mulf %get3A_1350, %mul3A_1352 : vector<16xf32>
        %swap3A_1354 = arith.constant 1 : i32
        %swap3A_1355 = arith.index_cast %swap3A_1354 : i32 to index
        %swap3A_1356 = arith.index_cast %scan3A_1264 : i32 to index
        %swap3A_1357 = arith.constant 16 : index
        %swap3A_1358 = tpu.vector_load %arg6[%swap3A_1355, %swap3A_1356, %swap3A_1357] {strides = array<i32>} : memref<2x128x64xf32, #tpu.memory_space<vmem>>, vector<1x1x16xf32>,
        %swap3A_1359 = vector.shape_cast %swap3A_1358 : vector<1x1x16xf32> to vector<16xf32>
        %swap3A_1360 = vector.shape_cast %mul3A_1353 : vector<16xf32> to vector<1x1x16xf32>
        tpu.vector_store %arg6[%swap3A_1355, %swap3A_1356, %swap3A_1357], %swap3A_1360 {strides = array<i32>} : memref<2x128x64xf32, #tpu.memory_space<vmem>>, vector<1x1x16xf32>,
        %get3A_1361 = arith.constant 1 : i32
        %get3A_1362 = arith.index_cast %get3A_1361 : i32 to index
        %get3A_1363 = arith.index_cast %scan3A_1264 : i32 to index
        %get3A_1364 = arith.constant 32 : index
        %get3A_1365 = tpu.vector_load %arg6[%get3A_1362, %get3A_1363, %get3A_1364] {strides = array<i32>} : memref<2x128x64xf32, #tpu.memory_space<vmem>>, vector<1x1x16xf32>,
        %get3A_1366 = vector.shape_cast %get3A_1365 : vector<1x1x16xf32> to vector<16xf32>
        %mul3A_1367 = arith.constant 8.000000e+00 : f32
        %mul3A_1368 = vector.broadcast %mul3A_1367 : f32 to vector<16xf32>
        %mul3A_1369 = arith.mulf %get3A_1366, %mul3A_1368 : vector<16xf32>
        %swap3A_1370 = arith.constant 1 : i32
        %swap3A_1371 = arith.index_cast %swap3A_1370 : i32 to index
        %swap3A_1372 = arith.index_cast %scan3A_1264 : i32 to index
        %swap3A_1373 = arith.constant 32 : index
        %swap3A_1374 = tpu.vector_load %arg6[%swap3A_1371, %swap3A_1372, %swap3A_1373] {strides = array<i32>} : memref<2x128x64xf32, #tpu.memory_space<vmem>>, vector<1x1x16xf32>,
        %swap3A_1375 = vector.shape_cast %swap3A_1374 : vector<1x1x16xf32> to vector<16xf32>
        %swap3A_1376 = vector.shape_cast %mul3A_1369 : vector<16xf32> to vector<1x1x16xf32>
        tpu.vector_store %arg6[%swap3A_1371, %swap3A_1372, %swap3A_1373], %swap3A_1376 {strides = array<i32>} : memref<2x128x64xf32, #tpu.memory_space<vmem>>, vector<1x1x16xf32>,
        %get3A_1377 = arith.constant 1 : i32
        %get3A_1378 = arith.index_cast %get3A_1377 : i32 to index
        %get3A_1379 = arith.index_cast %scan3A_1264 : i32 to index
        %get3A_1380 = arith.constant 48 : index
        %get3A_1381 = tpu.vector_load %arg6[%get3A_1378, %get3A_1379, %get3A_1380] {strides = array<i32>} : memref<2x128x64xf32, #tpu.memory_space<vmem>>, vector<1x1x16xf32>,
        %get3A_1382 = vector.shape_cast %get3A_1381 : vector<1x1x16xf32> to vector<16xf32>
        %mul3A_1383 = arith.constant 8.000000e+00 : f32
        %mul3A_1384 = vector.broadcast %mul3A_1383 : f32 to vector<16xf32>
        %mul3A_1385 = arith.mulf %get3A_1382, %mul3A_1384 : vector<16xf32>
        %swap3A_1386 = arith.constant 1 : i32
        %swap3A_1387 = arith.index_cast %swap3A_1386 : i32 to index
        %swap3A_1388 = arith.index_cast %scan3A_1264 : i32 to index
        %swap3A_1389 = arith.constant 48 : index
        %swap3A_1390 = tpu.vector_load %arg6[%swap3A_1387, %swap3A_1388, %swap3A_1389] {strides = array<i32>} : memref<2x128x64xf32, #tpu.memory_space<vmem>>, vector<1x1x16xf32>,
        %swap3A_1391 = vector.shape_cast %swap3A_1390 : vector<1x1x16xf32> to vector<16xf32>
        %swap3A_1392 = vector.shape_cast %mul3A_1385 : vector<16xf32> to vector<1x1x16xf32>
        tpu.vector_store %arg6[%swap3A_1387, %swap3A_1388, %swap3A_1389], %swap3A_1392 {strides = array<i32>} : memref<2x128x64xf32, #tpu.memory_space<vmem>>, vector<1x1x16xf32>,
      }
      %scan3A_142 = arith.constant 128 : i32
      %mul3A_143 = arith.constant 2 : i32
      %mul3A_144 = arith.muli %add3A_93, %mul3A_143 : i32
      %add3A_145 = arith.addi %mul3A_2, %mul3A_144 : i32
      %dma_start3A_146 = arith.constant 0 : i32
      %dma_start3A_147 = arith.constant 0 : i32
      %dma_start3A_148 = arith.constant 0 : i32
      %dma_start3A_149 = tpu.memref_slice %arg4[%add3A_145, %dma_start3A_147, %dma_start3A_148] : memref<6400x128x64xf32, #tpu.memory_space<hbm>> -> memref<2x128x64xf32, #tpu.memory_space<hbm>>
      %dma_start3A_150 = tpu.memref_slice %arg11[%dma_start3A_146] : memref<4x!tpu.dma_semaphore, #tpu.memory_space<semaphore_mem>> -> memref<1x!tpu.dma_semaphore, #tpu.memory_space<semaphore_mem>>
      %dma_start3A_151 = tpu.memref_squeeze %dma_start3A_150 : memref<1x!tpu.dma_semaphore, #tpu.memory_space<semaphore_mem>> -> memref<!tpu.dma_semaphore, #tpu.memory_space<semaphore_mem>>
      %dma_start3A_152 = arith.constant 0 : i32
      %dma_start3A_153 = arith.constant 0 : i32
      %dma_start3A_154 = tpu.memref_slice %arg4[%add3A_145, %dma_start3A_152, %dma_start3A_153] : memref<6400x128x64xf32, #tpu.memory_space<hbm>> -> memref<2x128x64xf32, #tpu.memory_space<hbm>>
      tpu.enqueue_dma source(%arg6 : memref<2x128x64xf32, #tpu.memory_space<vmem>>) target(%dma_start3A_154 : memref<2x128x64xf32, #tpu.memory_space<hbm>>) target_semaphore(%dma_start3A_151 : memref<!tpu.dma_semaphore, #tpu.memory_space<semaphore_mem>>)
      %add3A_155 = arith.constant 1 : i32
      %add3A_156 = arith.addi %add3A_91, %add3A_155 : i32
      %ge3A_157 = arith.constant 2 : i32
      %ge3A_158 = arith.cmpi sge, %add3A_156, %ge3A_157 : i32
      %convert_element_type3A_159 = arith.extui %ge3A_158 : i1 to i32
      %cond3A_160 = arith.constant 0 : i32
      %cond3A_161 = arith.cmpi ne, %convert_element_type3A_159, %cond3A_160 : i32
      scf.if %cond3A_161 {
        %sub3A = arith.constant 2 : i32
        %sub3A_356 = arith.subi %add3A_156, %sub3A : i32
        %mul3A_357 = arith.constant 2 : i32
        %mul3A_358 = arith.muli %sub3A_356, %mul3A_357 : i32
        %add3A_359 = arith.addi %mul3A_2, %mul3A_358 : i32
        %dma_wait3A_360 = arith.constant 3 : i32
        %dma_wait3A_361 = arith.constant 0 : i32
        %dma_wait3A_362 = arith.constant 0 : i32
        %dma_wait3A_363 = tpu.memref_slice %arg4[%add3A_359, %dma_wait3A_361, %dma_wait3A_362] : memref<6400x128x64xf32, #tpu.memory_space<hbm>> -> memref<2x128x64xf32, #tpu.memory_space<hbm>>
        %dma_wait3A_364 = tpu.memref_slice %arg11[%dma_wait3A_360] : memref<4x!tpu.dma_semaphore, #tpu.memory_space<semaphore_mem>> -> memref<1x!tpu.dma_semaphore, #tpu.memory_space<semaphore_mem>>
        %dma_wait3A_365 = tpu.memref_squeeze %dma_wait3A_364 : memref<1x!tpu.dma_semaphore, #tpu.memory_space<semaphore_mem>> -> memref<!tpu.dma_semaphore, #tpu.memory_space<semaphore_mem>>
        %dma_wait3A_366 = arith.constant 0 : i32
        %dma_wait3A_367 = arith.constant 0 : i32
        %dma_wait3A_368 = tpu.memref_slice %arg4[%add3A_359, %dma_wait3A_366, %dma_wait3A_367] : memref<6400x128x64xf32, #tpu.memory_space<hbm>> -> memref<2x128x64xf32, #tpu.memory_space<hbm>>
        tpu.wait_dma2 semaphore(%dma_wait3A_365 : memref<!tpu.dma_semaphore, #tpu.memory_space<semaphore_mem>>) src(%arg9 : memref<2x128x64xf32, #tpu.memory_space<vmem>>) dst(%dma_wait3A_368 : memref<2x128x64xf32, #tpu.memory_space<hbm>>)
      } else {
      }
      %add3A_162 = arith.constant 2 : i32
      %add3A_163 = arith.addi %add3A_156, %add3A_162 : i32
      %lt3A_164 = arith.constant 100 : i32
      %lt3A_165 = arith.cmpi slt, %add3A_163, %lt3A_164 : i32
      %convert_element_type3A_166 = arith.extui %lt3A_165 : i1 to i32
      %cond3A_167 = arith.constant 0 : i32
      %cond3A_168 = arith.cmpi ne, %convert_element_type3A_166, %cond3A_167 : i32
      scf.if %cond3A_168 {
        %add3A_356 = arith.constant 2 : i32
        %add3A_357 = arith.addi %add3A_156, %add3A_356 : i32
        %mul3A_358 = arith.constant 2 : i32
        %mul3A_359 = arith.muli %add3A_357, %mul3A_358 : i32
        %add3A_360 = arith.constant 0 : i32
        %add3A_361 = arith.addi %mul3A_359, %add3A_360 : i32
        %dma_start3A_362 = arith.constant 0 : i32
        %dma_start3A_363 = arith.constant 6 : i32
        %dma_start3A_364 = arith.constant 0 : i32
        %dma_start3A_365 = arith.constant 0 : i32
        %dma_start3A_366 = tpu.memref_slice %arg9[%dma_start3A_362, %dma_start3A_364, %dma_start3A_365] : memref<2x128x64xf32, #tpu.memory_space<vmem>> -> memref<1x128x64xf32, #tpu.memory_space<vmem>>
        %dma_start3A_367 = tpu.memref_squeeze %dma_start3A_366 : memref<1x128x64xf32, #tpu.memory_space<vmem>> -> memref<128x64xf32, #tpu.memory_space<vmem>>
        %dma_start3A_368 = arith.constant 0 : i32
        %dma_start3A_369 = tpu.memref_slice %arg5[%add3A_361, %dma_start3A_368] : memref<200x128xi32, #tpu.memory_space<vmem>> -> memref<1x128xi32, #tpu.memory_space<vmem>>
        %dma_start3A_370 = tpu.memref_squeeze %dma_start3A_369 : memref<1x128xi32, #tpu.memory_space<vmem>> -> memref<128xi32, #tpu.memory_space<vmem>>
        %dma_start3A_371 = arith.constant 0 : i32
        %dma_start3A_372 = arith.constant 0 : i32
        %dma_start3A_373 = tpu.memref_slice %arg3[%dma_start3A_371, %dma_start3A_372] : memref<1000000x64xf32, #tpu.memory_space<hbm>> -> memref<1000000x64xf32, #tpu.memory_space<hbm>>
        %dma_start3A_374 = tpu.memref_slice %arg10[%dma_start3A_363] : memref<8x!tpu.dma_semaphore, #tpu.memory_space<semaphore_mem>> -> memref<1x!tpu.dma_semaphore, #tpu.memory_space<semaphore_mem>>
        %dma_start3A_375 = tpu.memref_squeeze %dma_start3A_374 : memref<1x!tpu.dma_semaphore, #tpu.memory_space<semaphore_mem>> -> memref<!tpu.dma_semaphore, #tpu.memory_space<semaphore_mem>>
        tpu.enqueue_indirect_dma source(%dma_start3A_373 : memref<1000000x64xf32, #tpu.memory_space<hbm>>) target(%dma_start3A_367 : memref<128x64xf32, #tpu.memory_space<vmem>>) offsets(%dma_start3A_370 : memref<128xi32, #tpu.memory_space<vmem>>) semaphore(%dma_start3A_375 : memref<!tpu.dma_semaphore, #tpu.memory_space<semaphore_mem>>)
        %mul3A_376 = arith.constant 2 : i32
        %mul3A_377 = arith.muli %add3A_357, %mul3A_376 : i32
        %add3A_378 = arith.constant 1 : i32
        %add3A_379 = arith.addi %mul3A_377, %add3A_378 : i32
        %dma_start3A_380 = arith.constant 1 : i32
        %dma_start3A_381 = arith.constant 7 : i32
        %dma_start3A_382 = arith.constant 0 : i32
        %dma_start3A_383 = arith.constant 0 : i32
        %dma_start3A_384 = tpu.memref_slice %arg9[%dma_start3A_380, %dma_start3A_382, %dma_start3A_383] : memref<2x128x64xf32, #tpu.memory_space<vmem>> -> memref<1x128x64xf32, #tpu.memory_space<vmem>>
        %dma_start3A_385 = tpu.memref_squeeze %dma_start3A_384 : memref<1x128x64xf32, #tpu.memory_space<vmem>> -> memref<128x64xf32, #tpu.memory_space<vmem>>
        %dma_start3A_386 = arith.constant 0 : i32
        %dma_start3A_387 = tpu.memref_slice %arg5[%add3A_379, %dma_start3A_386] : memref<200x128xi32, #tpu.memory_space<vmem>> -> memref<1x128xi32, #tpu.memory_space<vmem>>
        %dma_start3A_388 = tpu.memref_squeeze %dma_start3A_387 : memref<1x128xi32, #tpu.memory_space<vmem>> -> memref<128xi32, #tpu.memory_space<vmem>>
        %dma_start3A_389 = arith.constant 0 : i32
        %dma_start3A_390 = arith.constant 0 : i32
        %dma_start3A_391 = tpu.memref_slice %arg3[%dma_start3A_389, %dma_start3A_390] : memref<1000000x64xf32, #tpu.memory_space<hbm>> -> memref<1000000x64xf32, #tpu.memory_space<hbm>>
        %dma_start3A_392 = tpu.memref_slice %arg10[%dma_start3A_381] : memref<8x!tpu.dma_semaphore, #tpu.memory_space<semaphore_mem>> -> memref<1x!tpu.dma_semaphore, #tpu.memory_space<semaphore_mem>>
        %dma_start3A_393 = tpu.memref_squeeze %dma_start3A_392 : memref<1x!tpu.dma_semaphore, #tpu.memory_space<semaphore_mem>> -> memref<!tpu.dma_semaphore, #tpu.memory_space<semaphore_mem>>
        tpu.enqueue_indirect_dma source(%dma_start3A_391 : memref<1000000x64xf32, #tpu.memory_space<hbm>>) target(%dma_start3A_385 : memref<128x64xf32, #tpu.memory_space<vmem>>) offsets(%dma_start3A_388 : memref<128xi32, #tpu.memory_space<vmem>>) semaphore(%dma_start3A_393 : memref<!tpu.dma_semaphore, #tpu.memory_space<semaphore_mem>>)
      } else {
      }
      %mul3A_169 = arith.constant 2 : i32
      %mul3A_170 = arith.muli %add3A_156, %mul3A_169 : i32
      %add3A_171 = arith.constant 0 : i32
      %add3A_172 = arith.addi %mul3A_170, %add3A_171 : i32
      %dma_wait3A_173 = arith.constant 0 : i32
      %dma_wait3A_174 = arith.constant 2 : i32
      %dma_wait3A_175 = arith.constant 0 : i32
      %dma_wait3A_176 = arith.constant 0 : i32
      %dma_wait3A_177 = tpu.memref_slice %arg7[%dma_wait3A_173, %dma_wait3A_175, %dma_wait3A_176] : memref<2x128x64xf32, #tpu.memory_space<vmem>> -> memref<1x128x64xf32, #tpu.memory_space<vmem>>
      %dma_wait3A_178 = tpu.memref_squeeze %dma_wait3A_177 : memref<1x128x64xf32, #tpu.memory_space<vmem>> -> memref<128x64xf32, #tpu.memory_space<vmem>>
      %dma_wait3A_179 = arith.constant 0 : i32
      %dma_wait3A_180 = tpu.memref_slice %arg5[%add3A_172, %dma_wait3A_179] : memref<200x128xi32, #tpu.memory_space<vmem>> -> memref<1x128xi32, #tpu.memory_space<vmem>>
      %dma_wait3A_181 = tpu.memref_squeeze %dma_wait3A_180 : memref<1x128xi32, #tpu.memory_space<vmem>> -> memref<128xi32, #tpu.memory_space<vmem>>
      %dma_wait3A_182 = arith.constant 0 : i32
      %dma_wait3A_183 = arith.constant 0 : i32
      %dma_wait3A_184 = tpu.memref_slice %arg3[%dma_wait3A_182, %dma_wait3A_183] : memref<1000000x64xf32, #tpu.memory_space<hbm>> -> memref<1000000x64xf32, #tpu.memory_space<hbm>>
      %dma_wait3A_185 = tpu.memref_slice %arg10[%dma_wait3A_174] : memref<8x!tpu.dma_semaphore, #tpu.memory_space<semaphore_mem>> -> memref<1x!tpu.dma_semaphore, #tpu.memory_space<semaphore_mem>>
      %dma_wait3A_186 = tpu.memref_squeeze %dma_wait3A_185 : memref<1x!tpu.dma_semaphore, #tpu.memory_space<semaphore_mem>> -> memref<!tpu.dma_semaphore, #tpu.memory_space<semaphore_mem>>
      tpu.wait_indirect_dma semaphore(%dma_wait3A_186 : memref<!tpu.dma_semaphore, #tpu.memory_space<semaphore_mem>>) src(%dma_wait3A_184 : memref<1000000x64xf32, #tpu.memory_space<hbm>>) dst(%dma_wait3A_178 : memref<128x64xf32, #tpu.memory_space<vmem>>)
      %mul3A_187 = arith.constant 2 : i32
      %mul3A_188 = arith.muli %add3A_156, %mul3A_187 : i32
      %add3A_189 = arith.constant 1 : i32
      %add3A_190 = arith.addi %mul3A_188, %add3A_189 : i32
      %dma_wait3A_191 = arith.constant 1 : i32
      %dma_wait3A_192 = arith.constant 3 : i32
      %dma_wait3A_193 = arith.constant 0 : i32
      %dma_wait3A_194 = arith.constant 0 : i32
      %dma_wait3A_195 = tpu.memref_slice %arg7[%dma_wait3A_191, %dma_wait3A_193, %dma_wait3A_194] : memref<2x128x64xf32, #tpu.memory_space<vmem>> -> memref<1x128x64xf32, #tpu.memory_space<vmem>>
      %dma_wait3A_196 = tpu.memref_squeeze %dma_wait3A_195 : memref<1x128x64xf32, #tpu.memory_space<vmem>> -> memref<128x64xf32, #tpu.memory_space<vmem>>
      %dma_wait3A_197 = arith.constant 0 : i32
      %dma_wait3A_198 = tpu.memref_slice %arg5[%add3A_190, %dma_wait3A_197] : memref<200x128xi32, #tpu.memory_space<vmem>> -> memref<1x128xi32, #tpu.memory_space<vmem>>
      %dma_wait3A_199 = tpu.memref_squeeze %dma_wait3A_198 : memref<1x128xi32, #tpu.memory_space<vmem>> -> memref<128xi32, #tpu.memory_space<vmem>>
      %dma_wait3A_200 = arith.constant 0 : i32
      %dma_wait3A_201 = arith.constant 0 : i32
      %dma_wait3A_202 = tpu.memref_slice %arg3[%dma_wait3A_200, %dma_wait3A_201] : memref<1000000x64xf32, #tpu.memory_space<hbm>> -> memref<1000000x64xf32, #tpu.memory_space<hbm>>
      %dma_wait3A_203 = tpu.memref_slice %arg10[%dma_wait3A_192] : memref<8x!tpu.dma_semaphore, #tpu.memory_space<semaphore_mem>> -> memref<1x!tpu.dma_semaphore, #tpu.memory_space<semaphore_mem>>
      %dma_wait3A_204 = tpu.memref_squeeze %dma_wait3A_203 : memref<1x!tpu.dma_semaphore, #tpu.memory_space<semaphore_mem>> -> memref<!tpu.dma_semaphore, #tpu.memory_space<semaphore_mem>>
      tpu.wait_indirect_dma semaphore(%dma_wait3A_204 : memref<!tpu.dma_semaphore, #tpu.memory_space<semaphore_mem>>) src(%dma_wait3A_202 : memref<1000000x64xf32, #tpu.memory_space<hbm>>) dst(%dma_wait3A_196 : memref<128x64xf32, #tpu.memory_space<vmem>>)
      %scan3A_205 = arith.constant 0 : i32
      %scan3A_206 = arith.constant 128 : i32
      %scan3A_207 = arith.addi %scan3A_205, %scan3A_206 : i32
      %scan3A_208 = arith.constant 8 : i32
      scf.for %scan3A_356 = %scan3A_205 to %scan3A_207 step %scan3A_208  : i32 {
        %get3A = arith.constant 0 : i32
        %get3A_357 = arith.index_cast %get3A : i32 to index
        %get3A_358 = arith.index_cast %scan3A_356 : i32 to index
        %get3A_359 = arith.constant 0 : index
        %get3A_360 = tpu.vector_load %arg7[%get3A_357, %get3A_358, %get3A_359] {strides = array<i32>} : memref<2x128x64xf32, #tpu.memory_space<vmem>>, vector<1x1x16xf32>,
        %get3A_361 = vector.shape_cast %get3A_360 : vector<1x1x16xf32> to vector<16xf32>
        %mul3A_362 = arith.constant 8.000000e+00 : f32
        %mul3A_363 = vector.broadcast %mul3A_362 : f32 to vector<16xf32>
        %mul3A_364 = arith.mulf %get3A_361, %mul3A_363 : vector<16xf32>
        %swap3A = arith.constant 0 : i32
        %swap3A_365 = arith.index_cast %swap3A : i32 to index
        %swap3A_366 = arith.index_cast %scan3A_356 : i32 to index
        %swap3A_367 = arith.constant 0 : index
        %swap3A_368 = tpu.vector_load %arg7[%swap3A_365, %swap3A_366, %swap3A_367] {strides = array<i32>} : memref<2x128x64xf32, #tpu.memory_space<vmem>>, vector<1x1x16xf32>,
        %swap3A_369 = vector.shape_cast %swap3A_368 : vector<1x1x16xf32> to vector<16xf32>
        %swap3A_370 = vector.shape_cast %mul3A_364 : vector<16xf32> to vector<1x1x16xf32>
        tpu.vector_store %arg7[%swap3A_365, %swap3A_366, %swap3A_367], %swap3A_370 {strides = array<i32>} : memref<2x128x64xf32, #tpu.memory_space<vmem>>, vector<1x1x16xf32>,
        %get3A_371 = arith.constant 0 : i32
        %get3A_372 = arith.index_cast %get3A_371 : i32 to index
        %get3A_373 = arith.index_cast %scan3A_356 : i32 to index
        %get3A_374 = arith.constant 16 : index
        %get3A_375 = tpu.vector_load %arg7[%get3A_372, %get3A_373, %get3A_374] {strides = array<i32>} : memref<2x128x64xf32, #tpu.memory_space<vmem>>, vector<1x1x16xf32>,
        %get3A_376 = vector.shape_cast %get3A_375 : vector<1x1x16xf32> to vector<16xf32>
        %mul3A_377 = arith.constant 8.000000e+00 : f32
        %mul3A_378 = vector.broadcast %mul3A_377 : f32 to vector<16xf32>
        %mul3A_379 = arith.mulf %get3A_376, %mul3A_378 : vector<16xf32>
        %swap3A_380 = arith.constant 0 : i32
        %swap3A_381 = arith.index_cast %swap3A_380 : i32 to index
        %swap3A_382 = arith.index_cast %scan3A_356 : i32 to index
        %swap3A_383 = arith.constant 16 : index
        %swap3A_384 = tpu.vector_load %arg7[%swap3A_381, %swap3A_382, %swap3A_383] {strides = array<i32>} : memref<2x128x64xf32, #tpu.memory_space<vmem>>, vector<1x1x16xf32>,
        %swap3A_385 = vector.shape_cast %swap3A_384 : vector<1x1x16xf32> to vector<16xf32>
        %swap3A_386 = vector.shape_cast %mul3A_379 : vector<16xf32> to vector<1x1x16xf32>
        tpu.vector_store %arg7[%swap3A_381, %swap3A_382, %swap3A_383], %swap3A_386 {strides = array<i32>} : memref<2x128x64xf32, #tpu.memory_space<vmem>>, vector<1x1x16xf32>,
        %get3A_387 = arith.constant 0 : i32
        %get3A_388 = arith.index_cast %get3A_387 : i32 to index
        %get3A_389 = arith.index_cast %scan3A_356 : i32 to index
        %get3A_390 = arith.constant 32 : index
        %get3A_391 = tpu.vector_load %arg7[%get3A_388, %get3A_389, %get3A_390] {strides = array<i32>} : memref<2x128x64xf32, #tpu.memory_space<vmem>>, vector<1x1x16xf32>,
        %get3A_392 = vector.shape_cast %get3A_391 : vector<1x1x16xf32> to vector<16xf32>
        %mul3A_393 = arith.constant 8.000000e+00 : f32
        %mul3A_394 = vector.broadcast %mul3A_393 : f32 to vector<16xf32>
        %mul3A_395 = arith.mulf %get3A_392, %mul3A_394 : vector<16xf32>
        %swap3A_396 = arith.constant 0 : i32
        %swap3A_397 = arith.index_cast %swap3A_396 : i32 to index
        %swap3A_398 = arith.index_cast %scan3A_356 : i32 to index
        %swap3A_399 = arith.constant 32 : index
        %swap3A_400 = tpu.vector_load %arg7[%swap3A_397, %swap3A_398, %swap3A_399] {strides = array<i32>} : memref<2x128x64xf32, #tpu.memory_space<vmem>>, vector<1x1x16xf32>,
        %swap3A_401 = vector.shape_cast %swap3A_400 : vector<1x1x16xf32> to vector<16xf32>
        %swap3A_402 = vector.shape_cast %mul3A_395 : vector<16xf32> to vector<1x1x16xf32>
        tpu.vector_store %arg7[%swap3A_397, %swap3A_398, %swap3A_399], %swap3A_402 {strides = array<i32>} : memref<2x128x64xf32, #tpu.memory_space<vmem>>, vector<1x1x16xf32>,
        %get3A_403 = arith.constant 0 : i32
        %get3A_404 = arith.index_cast %get3A_403 : i32 to index
        %get3A_405 = arith.index_cast %scan3A_356 : i32 to index
        %get3A_406 = arith.constant 48 : index
        %get3A_407 = tpu.vector_load %arg7[%get3A_404, %get3A_405, %get3A_406] {strides = array<i32>} : memref<2x128x64xf32, #tpu.memory_space<vmem>>, vector<1x1x16xf32>,
        %get3A_408 = vector.shape_cast %get3A_407 : vector<1x1x16xf32> to vector<16xf32>
        %mul3A_409 = arith.constant 8.000000e+00 : f32
        %mul3A_410 = vector.broadcast %mul3A_409 : f32 to vector<16xf32>
        %mul3A_411 = arith.mulf %get3A_408, %mul3A_410 : vector<16xf32>
        %swap3A_412 = arith.constant 0 : i32
        %swap3A_413 = arith.index_cast %swap3A_412 : i32 to index
        %swap3A_414 = arith.index_cast %scan3A_356 : i32 to index
        %swap3A_415 = arith.constant 48 : index
        %swap3A_416 = tpu.vector_load %arg7[%swap3A_413, %swap3A_414, %swap3A_415] {strides = array<i32>} : memref<2x128x64xf32, #tpu.memory_space<vmem>>, vector<1x1x16xf32>,
        %swap3A_417 = vector.shape_cast %swap3A_416 : vector<1x1x16xf32> to vector<16xf32>
        %swap3A_418 = vector.shape_cast %mul3A_411 : vector<16xf32> to vector<1x1x16xf32>
        tpu.vector_store %arg7[%swap3A_413, %swap3A_414, %swap3A_415], %swap3A_418 {strides = array<i32>} : memref<2x128x64xf32, #tpu.memory_space<vmem>>, vector<1x1x16xf32>,
        %get3A_419 = arith.constant 1 : i32
        %get3A_420 = arith.index_cast %get3A_419 : i32 to index
        %get3A_421 = arith.index_cast %scan3A_356 : i32 to index
        %get3A_422 = arith.constant 0 : index
        %get3A_423 = tpu.vector_load %arg7[%get3A_420, %get3A_421, %get3A_422] {strides = array<i32>} : memref<2x128x64xf32, #tpu.memory_space<vmem>>, vector<1x1x16xf32>,
        %get3A_424 = vector.shape_cast %get3A_423 : vector<1x1x16xf32> to vector<16xf32>
        %mul3A_425 = arith.constant 8.000000e+00 : f32
        %mul3A_426 = vector.broadcast %mul3A_425 : f32 to vector<16xf32>
        %mul3A_427 = arith.mulf %get3A_424, %mul3A_426 : vector<16xf32>
        %swap3A_428 = arith.constant 1 : i32
        %swap3A_429 = arith.index_cast %swap3A_428 : i32 to index
        %swap3A_430 = arith.index_cast %scan3A_356 : i32 to index
        %swap3A_431 = arith.constant 0 : index
        %swap3A_432 = tpu.vector_load %arg7[%swap3A_429, %swap3A_430, %swap3A_431] {strides = array<i32>} : memref<2x128x64xf32, #tpu.memory_space<vmem>>, vector<1x1x16xf32>,
        %swap3A_433 = vector.shape_cast %swap3A_432 : vector<1x1x16xf32> to vector<16xf32>
        %swap3A_434 = vector.shape_cast %mul3A_427 : vector<16xf32> to vector<1x1x16xf32>
        tpu.vector_store %arg7[%swap3A_429, %swap3A_430, %swap3A_431], %swap3A_434 {strides = array<i32>} : memref<2x128x64xf32, #tpu.memory_space<vmem>>, vector<1x1x16xf32>,
        %get3A_435 = arith.constant 1 : i32
        %get3A_436 = arith.index_cast %get3A_435 : i32 to index
        %get3A_437 = arith.index_cast %scan3A_356 : i32 to index
        %get3A_438 = arith.constant 16 : index
        %get3A_439 = tpu.vector_load %arg7[%get3A_436, %get3A_437, %get3A_438] {strides = array<i32>} : memref<2x128x64xf32, #tpu.memory_space<vmem>>, vector<1x1x16xf32>,
        %get3A_440 = vector.shape_cast %get3A_439 : vector<1x1x16xf32> to vector<16xf32>
        %mul3A_441 = arith.constant 8.000000e+00 : f32
        %mul3A_442 = vector.broadcast %mul3A_441 : f32 to vector<16xf32>
        %mul3A_443 = arith.mulf %get3A_440, %mul3A_442 : vector<16xf32>
        %swap3A_444 = arith.constant 1 : i32
        %swap3A_445 = arith.index_cast %swap3A_444 : i32 to index
        %swap3A_446 = arith.index_cast %scan3A_356 : i32 to index
        %swap3A_447 = arith.constant 16 : index
        %swap3A_448 = tpu.vector_load %arg7[%swap3A_445, %swap3A_446, %swap3A_447] {strides = array<i32>} : memref<2x128x64xf32, #tpu.memory_space<vmem>>, vector<1x1x16xf32>,
        %swap3A_449 = vector.shape_cast %swap3A_448 : vector<1x1x16xf32> to vector<16xf32>
        %swap3A_450 = vector.shape_cast %mul3A_443 : vector<16xf32> to vector<1x1x16xf32>
        tpu.vector_store %arg7[%swap3A_445, %swap3A_446, %swap3A_447], %swap3A_450 {strides = array<i32>} : memref<2x128x64xf32, #tpu.memory_space<vmem>>, vector<1x1x16xf32>,
        %get3A_451 = arith.constant 1 : i32
        %get3A_452 = arith.index_cast %get3A_451 : i32 to index
        %get3A_453 = arith.index_cast %scan3A_356 : i32 to index
        %get3A_454 = arith.constant 32 : index
        %get3A_455 = tpu.vector_load %arg7[%get3A_452, %get3A_453, %get3A_454] {strides = array<i32>} : memref<2x128x64xf32, #tpu.memory_space<vmem>>, vector<1x1x16xf32>,
        %get3A_456 = vector.shape_cast %get3A_455 : vector<1x1x16xf32> to vector<16xf32>
        %mul3A_457 = arith.constant 8.000000e+00 : f32
        %mul3A_458 = vector.broadcast %mul3A_457 : f32 to vector<16xf32>
        %mul3A_459 = arith.mulf %get3A_456, %mul3A_458 : vector<16xf32>
        %swap3A_460 = arith.constant 1 : i32
        %swap3A_461 = arith.index_cast %swap3A_460 : i32 to index
        %swap3A_462 = arith.index_cast %scan3A_356 : i32 to index
        %swap3A_463 = arith.constant 32 : index
        %swap3A_464 = tpu.vector_load %arg7[%swap3A_461, %swap3A_462, %swap3A_463] {strides = array<i32>} : memref<2x128x64xf32, #tpu.memory_space<vmem>>, vector<1x1x16xf32>,
        %swap3A_465 = vector.shape_cast %swap3A_464 : vector<1x1x16xf32> to vector<16xf32>
        %swap3A_466 = vector.shape_cast %mul3A_459 : vector<16xf32> to vector<1x1x16xf32>
        tpu.vector_store %arg7[%swap3A_461, %swap3A_462, %swap3A_463], %swap3A_466 {strides = array<i32>} : memref<2x128x64xf32, #tpu.memory_space<vmem>>, vector<1x1x16xf32>,
        %get3A_467 = arith.constant 1 : i32
        %get3A_468 = arith.index_cast %get3A_467 : i32 to index
        %get3A_469 = arith.index_cast %scan3A_356 : i32 to index
        %get3A_470 = arith.constant 48 : index
        %get3A_471 = tpu.vector_load %arg7[%get3A_468, %get3A_469, %get3A_470] {strides = array<i32>} : memref<2x128x64xf32, #tpu.memory_space<vmem>>, vector<1x1x16xf32>,
        %get3A_472 = vector.shape_cast %get3A_471 : vector<1x1x16xf32> to vector<16xf32>
        %mul3A_473 = arith.constant 8.000000e+00 : f32
        %mul3A_474 = vector.broadcast %mul3A_473 : f32 to vector<16xf32>
        %mul3A_475 = arith.mulf %get3A_472, %mul3A_474 : vector<16xf32>
        %swap3A_476 = arith.constant 1 : i32
        %swap3A_477 = arith.index_cast %swap3A_476 : i32 to index
        %swap3A_478 = arith.index_cast %scan3A_356 : i32 to index
        %swap3A_479 = arith.constant 48 : index
        %swap3A_480 = tpu.vector_load %arg7[%swap3A_477, %swap3A_478, %swap3A_479] {strides = array<i32>} : memref<2x128x64xf32, #tpu.memory_space<vmem>>, vector<1x1x16xf32>,
        %swap3A_481 = vector.shape_cast %swap3A_480 : vector<1x1x16xf32> to vector<16xf32>
        %swap3A_482 = vector.shape_cast %mul3A_475 : vector<16xf32> to vector<1x1x16xf32>
        tpu.vector_store %arg7[%swap3A_477, %swap3A_478, %swap3A_479], %swap3A_482 {strides = array<i32>} : memref<2x128x64xf32, #tpu.memory_space<vmem>>, vector<1x1x16xf32>,
        %scan3A_483 = arith.constant 1 : i32
        %scan3A_484 = arith.addi %scan3A_356, %scan3A_483 : i32
        %get3A_485 = arith.constant 0 : i32
        %get3A_486 = arith.index_cast %get3A_485 : i32 to index
        %get3A_487 = arith.index_cast %scan3A_484 : i32 to index
        %get3A_488 = arith.constant 0 : index
        %get3A_489 = tpu.vector_load %arg7[%get3A_486, %get3A_487, %get3A_488] {strides = array<i32>} : memref<2x128x64xf32, #tpu.memory_space<vmem>>, vector<1x1x16xf32>,
        %get3A_490 = vector.shape_cast %get3A_489 : vector<1x1x16xf32> to vector<16xf32>
        %mul3A_491 = arith.constant 8.000000e+00 : f32
        %mul3A_492 = vector.broadcast %mul3A_491 : f32 to vector<16xf32>
        %mul3A_493 = arith.mulf %get3A_490, %mul3A_492 : vector<16xf32>
        %swap3A_494 = arith.constant 0 : i32
        %swap3A_495 = arith.index_cast %swap3A_494 : i32 to index
        %swap3A_496 = arith.index_cast %scan3A_484 : i32 to index
        %swap3A_497 = arith.constant 0 : index
        %swap3A_498 = tpu.vector_load %arg7[%swap3A_495, %swap3A_496, %swap3A_497] {strides = array<i32>} : memref<2x128x64xf32, #tpu.memory_space<vmem>>, vector<1x1x16xf32>,
        %swap3A_499 = vector.shape_cast %swap3A_498 : vector<1x1x16xf32> to vector<16xf32>
        %swap3A_500 = vector.shape_cast %mul3A_493 : vector<16xf32> to vector<1x1x16xf32>
        tpu.vector_store %arg7[%swap3A_495, %swap3A_496, %swap3A_497], %swap3A_500 {strides = array<i32>} : memref<2x128x64xf32, #tpu.memory_space<vmem>>, vector<1x1x16xf32>,
        %get3A_501 = arith.constant 0 : i32
        %get3A_502 = arith.index_cast %get3A_501 : i32 to index
        %get3A_503 = arith.index_cast %scan3A_484 : i32 to index
        %get3A_504 = arith.constant 16 : index
        %get3A_505 = tpu.vector_load %arg7[%get3A_502, %get3A_503, %get3A_504] {strides = array<i32>} : memref<2x128x64xf32, #tpu.memory_space<vmem>>, vector<1x1x16xf32>,
        %get3A_506 = vector.shape_cast %get3A_505 : vector<1x1x16xf32> to vector<16xf32>
        %mul3A_507 = arith.constant 8.000000e+00 : f32
        %mul3A_508 = vector.broadcast %mul3A_507 : f32 to vector<16xf32>
        %mul3A_509 = arith.mulf %get3A_506, %mul3A_508 : vector<16xf32>
        %swap3A_510 = arith.constant 0 : i32
        %swap3A_511 = arith.index_cast %swap3A_510 : i32 to index
        %swap3A_512 = arith.index_cast %scan3A_484 : i32 to index
        %swap3A_513 = arith.constant 16 : index
        %swap3A_514 = tpu.vector_load %arg7[%swap3A_511, %swap3A_512, %swap3A_513] {strides = array<i32>} : memref<2x128x64xf32, #tpu.memory_space<vmem>>, vector<1x1x16xf32>,
        %swap3A_515 = vector.shape_cast %swap3A_514 : vector<1x1x16xf32> to vector<16xf32>
        %swap3A_516 = vector.shape_cast %mul3A_509 : vector<16xf32> to vector<1x1x16xf32>
        tpu.vector_store %arg7[%swap3A_511, %swap3A_512, %swap3A_513], %swap3A_516 {strides = array<i32>} : memref<2x128x64xf32, #tpu.memory_space<vmem>>, vector<1x1x16xf32>,
        %get3A_517 = arith.constant 0 : i32
        %get3A_518 = arith.index_cast %get3A_517 : i32 to index
        %get3A_519 = arith.index_cast %scan3A_484 : i32 to index
        %get3A_520 = arith.constant 32 : index
        %get3A_521 = tpu.vector_load %arg7[%get3A_518, %get3A_519, %get3A_520] {strides = array<i32>} : memref<2x128x64xf32, #tpu.memory_space<vmem>>, vector<1x1x16xf32>,
        %get3A_522 = vector.shape_cast %get3A_521 : vector<1x1x16xf32> to vector<16xf32>
        %mul3A_523 = arith.constant 8.000000e+00 : f32
        %mul3A_524 = vector.broadcast %mul3A_523 : f32 to vector<16xf32>
        %mul3A_525 = arith.mulf %get3A_522, %mul3A_524 : vector<16xf32>
        %swap3A_526 = arith.constant 0 : i32
        %swap3A_527 = arith.index_cast %swap3A_526 : i32 to index
        %swap3A_528 = arith.index_cast %scan3A_484 : i32 to index
        %swap3A_529 = arith.constant 32 : index
        %swap3A_530 = tpu.vector_load %arg7[%swap3A_527, %swap3A_528, %swap3A_529] {strides = array<i32>} : memref<2x128x64xf32, #tpu.memory_space<vmem>>, vector<1x1x16xf32>,
        %swap3A_531 = vector.shape_cast %swap3A_530 : vector<1x1x16xf32> to vector<16xf32>
        %swap3A_532 = vector.shape_cast %mul3A_525 : vector<16xf32> to vector<1x1x16xf32>
        tpu.vector_store %arg7[%swap3A_527, %swap3A_528, %swap3A_529], %swap3A_532 {strides = array<i32>} : memref<2x128x64xf32, #tpu.memory_space<vmem>>, vector<1x1x16xf32>,
        %get3A_533 = arith.constant 0 : i32
        %get3A_534 = arith.index_cast %get3A_533 : i32 to index
        %get3A_535 = arith.index_cast %scan3A_484 : i32 to index
        %get3A_536 = arith.constant 48 : index
        %get3A_537 = tpu.vector_load %arg7[%get3A_534, %get3A_535, %get3A_536] {strides = array<i32>} : memref<2x128x64xf32, #tpu.memory_space<vmem>>, vector<1x1x16xf32>,
        %get3A_538 = vector.shape_cast %get3A_537 : vector<1x1x16xf32> to vector<16xf32>
        %mul3A_539 = arith.constant 8.000000e+00 : f32
        %mul3A_540 = vector.broadcast %mul3A_539 : f32 to vector<16xf32>
        %mul3A_541 = arith.mulf %get3A_538, %mul3A_540 : vector<16xf32>
        %swap3A_542 = arith.constant 0 : i32
        %swap3A_543 = arith.index_cast %swap3A_542 : i32 to index
        %swap3A_544 = arith.index_cast %scan3A_484 : i32 to index
        %swap3A_545 = arith.constant 48 : index
        %swap3A_546 = tpu.vector_load %arg7[%swap3A_543, %swap3A_544, %swap3A_545] {strides = array<i32>} : memref<2x128x64xf32, #tpu.memory_space<vmem>>, vector<1x1x16xf32>,
        %swap3A_547 = vector.shape_cast %swap3A_546 : vector<1x1x16xf32> to vector<16xf32>
        %swap3A_548 = vector.shape_cast %mul3A_541 : vector<16xf32> to vector<1x1x16xf32>
        tpu.vector_store %arg7[%swap3A_543, %swap3A_544, %swap3A_545], %swap3A_548 {strides = array<i32>} : memref<2x128x64xf32, #tpu.memory_space<vmem>>, vector<1x1x16xf32>,
        %get3A_549 = arith.constant 1 : i32
        %get3A_550 = arith.index_cast %get3A_549 : i32 to index
        %get3A_551 = arith.index_cast %scan3A_484 : i32 to index
        %get3A_552 = arith.constant 0 : index
        %get3A_553 = tpu.vector_load %arg7[%get3A_550, %get3A_551, %get3A_552] {strides = array<i32>} : memref<2x128x64xf32, #tpu.memory_space<vmem>>, vector<1x1x16xf32>,
        %get3A_554 = vector.shape_cast %get3A_553 : vector<1x1x16xf32> to vector<16xf32>
        %mul3A_555 = arith.constant 8.000000e+00 : f32
        %mul3A_556 = vector.broadcast %mul3A_555 : f32 to vector<16xf32>
        %mul3A_557 = arith.mulf %get3A_554, %mul3A_556 : vector<16xf32>
        %swap3A_558 = arith.constant 1 : i32
        %swap3A_559 = arith.index_cast %swap3A_558 : i32 to index
        %swap3A_560 = arith.index_cast %scan3A_484 : i32 to index
        %swap3A_561 = arith.constant 0 : index
        %swap3A_562 = tpu.vector_load %arg7[%swap3A_559, %swap3A_560, %swap3A_561] {strides = array<i32>} : memref<2x128x64xf32, #tpu.memory_space<vmem>>, vector<1x1x16xf32>,
        %swap3A_563 = vector.shape_cast %swap3A_562 : vector<1x1x16xf32> to vector<16xf32>
        %swap3A_564 = vector.shape_cast %mul3A_557 : vector<16xf32> to vector<1x1x16xf32>
        tpu.vector_store %arg7[%swap3A_559, %swap3A_560, %swap3A_561], %swap3A_564 {strides = array<i32>} : memref<2x128x64xf32, #tpu.memory_space<vmem>>, vector<1x1x16xf32>,
        %get3A_565 = arith.constant 1 : i32
        %get3A_566 = arith.index_cast %get3A_565 : i32 to index
        %get3A_567 = arith.index_cast %scan3A_484 : i32 to index
        %get3A_568 = arith.constant 16 : index
        %get3A_569 = tpu.vector_load %arg7[%get3A_566, %get3A_567, %get3A_568] {strides = array<i32>} : memref<2x128x64xf32, #tpu.memory_space<vmem>>, vector<1x1x16xf32>,
        %get3A_570 = vector.shape_cast %get3A_569 : vector<1x1x16xf32> to vector<16xf32>
        %mul3A_571 = arith.constant 8.000000e+00 : f32
        %mul3A_572 = vector.broadcast %mul3A_571 : f32 to vector<16xf32>
        %mul3A_573 = arith.mulf %get3A_570, %mul3A_572 : vector<16xf32>
        %swap3A_574 = arith.constant 1 : i32
        %swap3A_575 = arith.index_cast %swap3A_574 : i32 to index
        %swap3A_576 = arith.index_cast %scan3A_484 : i32 to index
        %swap3A_577 = arith.constant 16 : index
        %swap3A_578 = tpu.vector_load %arg7[%swap3A_575, %swap3A_576, %swap3A_577] {strides = array<i32>} : memref<2x128x64xf32, #tpu.memory_space<vmem>>, vector<1x1x16xf32>,
        %swap3A_579 = vector.shape_cast %swap3A_578 : vector<1x1x16xf32> to vector<16xf32>
        %swap3A_580 = vector.shape_cast %mul3A_573 : vector<16xf32> to vector<1x1x16xf32>
        tpu.vector_store %arg7[%swap3A_575, %swap3A_576, %swap3A_577], %swap3A_580 {strides = array<i32>} : memref<2x128x64xf32, #tpu.memory_space<vmem>>, vector<1x1x16xf32>,
        %get3A_581 = arith.constant 1 : i32
        %get3A_582 = arith.index_cast %get3A_581 : i32 to index
        %get3A_583 = arith.index_cast %scan3A_484 : i32 to index
        %get3A_584 = arith.constant 32 : index
        %get3A_585 = tpu.vector_load %arg7[%get3A_582, %get3A_583, %get3A_584] {strides = array<i32>} : memref<2x128x64xf32, #tpu.memory_space<vmem>>, vector<1x1x16xf32>,
        %get3A_586 = vector.shape_cast %get3A_585 : vector<1x1x16xf32> to vector<16xf32>
        %mul3A_587 = arith.constant 8.000000e+00 : f32
        %mul3A_588 = vector.broadcast %mul3A_587 : f32 to vector<16xf32>
        %mul3A_589 = arith.mulf %get3A_586, %mul3A_588 : vector<16xf32>
        %swap3A_590 = arith.constant 1 : i32
        %swap3A_591 = arith.index_cast %swap3A_590 : i32 to index
        %swap3A_592 = arith.index_cast %scan3A_484 : i32 to index
        %swap3A_593 = arith.constant 32 : index
        %swap3A_594 = tpu.vector_load %arg7[%swap3A_591, %swap3A_592, %swap3A_593] {strides = array<i32>} : memref<2x128x64xf32, #tpu.memory_space<vmem>>, vector<1x1x16xf32>,
        %swap3A_595 = vector.shape_cast %swap3A_594 : vector<1x1x16xf32> to vector<16xf32>
        %swap3A_596 = vector.shape_cast %mul3A_589 : vector<16xf32> to vector<1x1x16xf32>
        tpu.vector_store %arg7[%swap3A_591, %swap3A_592, %swap3A_593], %swap3A_596 {strides = array<i32>} : memref<2x128x64xf32, #tpu.memory_space<vmem>>, vector<1x1x16xf32>,
        %get3A_597 = arith.constant 1 : i32
        %get3A_598 = arith.index_cast %get3A_597 : i32 to index
        %get3A_599 = arith.index_cast %scan3A_484 : i32 to index
        %get3A_600 = arith.constant 48 : index
        %get3A_601 = tpu.vector_load %arg7[%get3A_598, %get3A_599, %get3A_600] {strides = array<i32>} : memref<2x128x64xf32, #tpu.memory_space<vmem>>, vector<1x1x16xf32>,
        %get3A_602 = vector.shape_cast %get3A_601 : vector<1x1x16xf32> to vector<16xf32>
        %mul3A_603 = arith.constant 8.000000e+00 : f32
        %mul3A_604 = vector.broadcast %mul3A_603 : f32 to vector<16xf32>
        %mul3A_605 = arith.mulf %get3A_602, %mul3A_604 : vector<16xf32>
        %swap3A_606 = arith.constant 1 : i32
        %swap3A_607 = arith.index_cast %swap3A_606 : i32 to index
        %swap3A_608 = arith.index_cast %scan3A_484 : i32 to index
        %swap3A_609 = arith.constant 48 : index
        %swap3A_610 = tpu.vector_load %arg7[%swap3A_607, %swap3A_608, %swap3A_609] {strides = array<i32>} : memref<2x128x64xf32, #tpu.memory_space<vmem>>, vector<1x1x16xf32>,
        %swap3A_611 = vector.shape_cast %swap3A_610 : vector<1x1x16xf32> to vector<16xf32>
        %swap3A_612 = vector.shape_cast %mul3A_605 : vector<16xf32> to vector<1x1x16xf32>
        tpu.vector_store %arg7[%swap3A_607, %swap3A_608, %swap3A_609], %swap3A_612 {strides = array<i32>} : memref<2x128x64xf32, #tpu.memory_space<vmem>>, vector<1x1x16xf32>,
        %scan3A_613 = arith.constant 2 : i32
        %scan3A_614 = arith.addi %scan3A_356, %scan3A_613 : i32
        %get3A_615 = arith.constant 0 : i32
        %get3A_616 = arith.index_cast %get3A_615 : i32 to index
        %get3A_617 = arith.index_cast %scan3A_614 : i32 to index
        %get3A_618 = arith.constant 0 : index
        %get3A_619 = tpu.vector_load %arg7[%get3A_616, %get3A_617, %get3A_618] {strides = array<i32>} : memref<2x128x64xf32, #tpu.memory_space<vmem>>, vector<1x1x16xf32>,
        %get3A_620 = vector.shape_cast %get3A_619 : vector<1x1x16xf32> to vector<16xf32>
        %mul3A_621 = arith.constant 8.000000e+00 : f32
        %mul3A_622 = vector.broadcast %mul3A_621 : f32 to vector<16xf32>
        %mul3A_623 = arith.mulf %get3A_620, %mul3A_622 : vector<16xf32>
        %swap3A_624 = arith.constant 0 : i32
        %swap3A_625 = arith.index_cast %swap3A_624 : i32 to index
        %swap3A_626 = arith.index_cast %scan3A_614 : i32 to index
        %swap3A_627 = arith.constant 0 : index
        %swap3A_628 = tpu.vector_load %arg7[%swap3A_625, %swap3A_626, %swap3A_627] {strides = array<i32>} : memref<2x128x64xf32, #tpu.memory_space<vmem>>, vector<1x1x16xf32>,
        %swap3A_629 = vector.shape_cast %swap3A_628 : vector<1x1x16xf32> to vector<16xf32>
        %swap3A_630 = vector.shape_cast %mul3A_623 : vector<16xf32> to vector<1x1x16xf32>
        tpu.vector_store %arg7[%swap3A_625, %swap3A_626, %swap3A_627], %swap3A_630 {strides = array<i32>} : memref<2x128x64xf32, #tpu.memory_space<vmem>>, vector<1x1x16xf32>,
        %get3A_631 = arith.constant 0 : i32
        %get3A_632 = arith.index_cast %get3A_631 : i32 to index
        %get3A_633 = arith.index_cast %scan3A_614 : i32 to index
        %get3A_634 = arith.constant 16 : index
        %get3A_635 = tpu.vector_load %arg7[%get3A_632, %get3A_633, %get3A_634] {strides = array<i32>} : memref<2x128x64xf32, #tpu.memory_space<vmem>>, vector<1x1x16xf32>,
        %get3A_636 = vector.shape_cast %get3A_635 : vector<1x1x16xf32> to vector<16xf32>
        %mul3A_637 = arith.constant 8.000000e+00 : f32
        %mul3A_638 = vector.broadcast %mul3A_637 : f32 to vector<16xf32>
        %mul3A_639 = arith.mulf %get3A_636, %mul3A_638 : vector<16xf32>
        %swap3A_640 = arith.constant 0 : i32
        %swap3A_641 = arith.index_cast %swap3A_640 : i32 to index
        %swap3A_642 = arith.index_cast %scan3A_614 : i32 to index
        %swap3A_643 = arith.constant 16 : index
        %swap3A_644 = tpu.vector_load %arg7[%swap3A_641, %swap3A_642, %swap3A_643] {strides = array<i32>} : memref<2x128x64xf32, #tpu.memory_space<vmem>>, vector<1x1x16xf32>,
        %swap3A_645 = vector.shape_cast %swap3A_644 : vector<1x1x16xf32> to vector<16xf32>
        %swap3A_646 = vector.shape_cast %mul3A_639 : vector<16xf32> to vector<1x1x16xf32>
        tpu.vector_store %arg7[%swap3A_641, %swap3A_642, %swap3A_643], %swap3A_646 {strides = array<i32>} : memref<2x128x64xf32, #tpu.memory_space<vmem>>, vector<1x1x16xf32>,
        %get3A_647 = arith.constant 0 : i32
        %get3A_648 = arith.index_cast %get3A_647 : i32 to index
        %get3A_649 = arith.index_cast %scan3A_614 : i32 to index
        %get3A_650 = arith.constant 32 : index
        %get3A_651 = tpu.vector_load %arg7[%get3A_648, %get3A_649, %get3A_650] {strides = array<i32>} : memref<2x128x64xf32, #tpu.memory_space<vmem>>, vector<1x1x16xf32>,
        %get3A_652 = vector.shape_cast %get3A_651 : vector<1x1x16xf32> to vector<16xf32>
        %mul3A_653 = arith.constant 8.000000e+00 : f32
        %mul3A_654 = vector.broadcast %mul3A_653 : f32 to vector<16xf32>
        %mul3A_655 = arith.mulf %get3A_652, %mul3A_654 : vector<16xf32>
        %swap3A_656 = arith.constant 0 : i32
        %swap3A_657 = arith.index_cast %swap3A_656 : i32 to index
        %swap3A_658 = arith.index_cast %scan3A_614 : i32 to index
        %swap3A_659 = arith.constant 32 : index
        %swap3A_660 = tpu.vector_load %arg7[%swap3A_657, %swap3A_658, %swap3A_659] {strides = array<i32>} : memref<2x128x64xf32, #tpu.memory_space<vmem>>, vector<1x1x16xf32>,
        %swap3A_661 = vector.shape_cast %swap3A_660 : vector<1x1x16xf32> to vector<16xf32>
        %swap3A_662 = vector.shape_cast %mul3A_655 : vector<16xf32> to vector<1x1x16xf32>
        tpu.vector_store %arg7[%swap3A_657, %swap3A_658, %swap3A_659], %swap3A_662 {strides = array<i32>} : memref<2x128x64xf32, #tpu.memory_space<vmem>>, vector<1x1x16xf32>,
        %get3A_663 = arith.constant 0 : i32
        %get3A_664 = arith.index_cast %get3A_663 : i32 to index
        %get3A_665 = arith.index_cast %scan3A_614 : i32 to index
        %get3A_666 = arith.constant 48 : index
        %get3A_667 = tpu.vector_load %arg7[%get3A_664, %get3A_665, %get3A_666] {strides = array<i32>} : memref<2x128x64xf32, #tpu.memory_space<vmem>>, vector<1x1x16xf32>,
        %get3A_668 = vector.shape_cast %get3A_667 : vector<1x1x16xf32> to vector<16xf32>
        %mul3A_669 = arith.constant 8.000000e+00 : f32
        %mul3A_670 = vector.broadcast %mul3A_669 : f32 to vector<16xf32>
        %mul3A_671 = arith.mulf %get3A_668, %mul3A_670 : vector<16xf32>
        %swap3A_672 = arith.constant 0 : i32
        %swap3A_673 = arith.index_cast %swap3A_672 : i32 to index
        %swap3A_674 = arith.index_cast %scan3A_614 : i32 to index
        %swap3A_675 = arith.constant 48 : index
        %swap3A_676 = tpu.vector_load %arg7[%swap3A_673, %swap3A_674, %swap3A_675] {strides = array<i32>} : memref<2x128x64xf32, #tpu.memory_space<vmem>>, vector<1x1x16xf32>,
        %swap3A_677 = vector.shape_cast %swap3A_676 : vector<1x1x16xf32> to vector<16xf32>
        %swap3A_678 = vector.shape_cast %mul3A_671 : vector<16xf32> to vector<1x1x16xf32>
        tpu.vector_store %arg7[%swap3A_673, %swap3A_674, %swap3A_675], %swap3A_678 {strides = array<i32>} : memref<2x128x64xf32, #tpu.memory_space<vmem>>, vector<1x1x16xf32>,
        %get3A_679 = arith.constant 1 : i32
        %get3A_680 = arith.index_cast %get3A_679 : i32 to index
        %get3A_681 = arith.index_cast %scan3A_614 : i32 to index
        %get3A_682 = arith.constant 0 : index
        %get3A_683 = tpu.vector_load %arg7[%get3A_680, %get3A_681, %get3A_682] {strides = array<i32>} : memref<2x128x64xf32, #tpu.memory_space<vmem>>, vector<1x1x16xf32>,
        %get3A_684 = vector.shape_cast %get3A_683 : vector<1x1x16xf32> to vector<16xf32>
        %mul3A_685 = arith.constant 8.000000e+00 : f32
        %mul3A_686 = vector.broadcast %mul3A_685 : f32 to vector<16xf32>
        %mul3A_687 = arith.mulf %get3A_684, %mul3A_686 : vector<16xf32>
        %swap3A_688 = arith.constant 1 : i32
        %swap3A_689 = arith.index_cast %swap3A_688 : i32 to index
        %swap3A_690 = arith.index_cast %scan3A_614 : i32 to index
        %swap3A_691 = arith.constant 0 : index
        %swap3A_692 = tpu.vector_load %arg7[%swap3A_689, %swap3A_690, %swap3A_691] {strides = array<i32>} : memref<2x128x64xf32, #tpu.memory_space<vmem>>, vector<1x1x16xf32>,
        %swap3A_693 = vector.shape_cast %swap3A_692 : vector<1x1x16xf32> to vector<16xf32>
        %swap3A_694 = vector.shape_cast %mul3A_687 : vector<16xf32> to vector<1x1x16xf32>
        tpu.vector_store %arg7[%swap3A_689, %swap3A_690, %swap3A_691], %swap3A_694 {strides = array<i32>} : memref<2x128x64xf32, #tpu.memory_space<vmem>>, vector<1x1x16xf32>,
        %get3A_695 = arith.constant 1 : i32
        %get3A_696 = arith.index_cast %get3A_695 : i32 to index
        %get3A_697 = arith.index_cast %scan3A_614 : i32 to index
        %get3A_698 = arith.constant 16 : index
        %get3A_699 = tpu.vector_load %arg7[%get3A_696, %get3A_697, %get3A_698] {strides = array<i32>} : memref<2x128x64xf32, #tpu.memory_space<vmem>>, vector<1x1x16xf32>,
        %get3A_700 = vector.shape_cast %get3A_699 : vector<1x1x16xf32> to vector<16xf32>
        %mul3A_701 = arith.constant 8.000000e+00 : f32
        %mul3A_702 = vector.broadcast %mul3A_701 : f32 to vector<16xf32>
        %mul3A_703 = arith.mulf %get3A_700, %mul3A_702 : vector<16xf32>
        %swap3A_704 = arith.constant 1 : i32
        %swap3A_705 = arith.index_cast %swap3A_704 : i32 to index
        %swap3A_706 = arith.index_cast %scan3A_614 : i32 to index
        %swap3A_707 = arith.constant 16 : index
        %swap3A_708 = tpu.vector_load %arg7[%swap3A_705, %swap3A_706, %swap3A_707] {strides = array<i32>} : memref<2x128x64xf32, #tpu.memory_space<vmem>>, vector<1x1x16xf32>,
        %swap3A_709 = vector.shape_cast %swap3A_708 : vector<1x1x16xf32> to vector<16xf32>
        %swap3A_710 = vector.shape_cast %mul3A_703 : vector<16xf32> to vector<1x1x16xf32>
        tpu.vector_store %arg7[%swap3A_705, %swap3A_706, %swap3A_707], %swap3A_710 {strides = array<i32>} : memref<2x128x64xf32, #tpu.memory_space<vmem>>, vector<1x1x16xf32>,
        %get3A_711 = arith.constant 1 : i32
        %get3A_712 = arith.index_cast %get3A_711 : i32 to index
        %get3A_713 = arith.index_cast %scan3A_614 : i32 to index
        %get3A_714 = arith.constant 32 : index
        %get3A_715 = tpu.vector_load %arg7[%get3A_712, %get3A_713, %get3A_714] {strides = array<i32>} : memref<2x128x64xf32, #tpu.memory_space<vmem>>, vector<1x1x16xf32>,
        %get3A_716 = vector.shape_cast %get3A_715 : vector<1x1x16xf32> to vector<16xf32>
        %mul3A_717 = arith.constant 8.000000e+00 : f32
        %mul3A_718 = vector.broadcast %mul3A_717 : f32 to vector<16xf32>
        %mul3A_719 = arith.mulf %get3A_716, %mul3A_718 : vector<16xf32>
        %swap3A_720 = arith.constant 1 : i32
        %swap3A_721 = arith.index_cast %swap3A_720 : i32 to index
        %swap3A_722 = arith.index_cast %scan3A_614 : i32 to index
        %swap3A_723 = arith.constant 32 : index
        %swap3A_724 = tpu.vector_load %arg7[%swap3A_721, %swap3A_722, %swap3A_723] {strides = array<i32>} : memref<2x128x64xf32, #tpu.memory_space<vmem>>, vector<1x1x16xf32>,
        %swap3A_725 = vector.shape_cast %swap3A_724 : vector<1x1x16xf32> to vector<16xf32>
        %swap3A_726 = vector.shape_cast %mul3A_719 : vector<16xf32> to vector<1x1x16xf32>
        tpu.vector_store %arg7[%swap3A_721, %swap3A_722, %swap3A_723], %swap3A_726 {strides = array<i32>} : memref<2x128x64xf32, #tpu.memory_space<vmem>>, vector<1x1x16xf32>,
        %get3A_727 = arith.constant 1 : i32
        %get3A_728 = arith.index_cast %get3A_727 : i32 to index
        %get3A_729 = arith.index_cast %scan3A_614 : i32 to index
        %get3A_730 = arith.constant 48 : index
        %get3A_731 = tpu.vector_load %arg7[%get3A_728, %get3A_729, %get3A_730] {strides = array<i32>} : memref<2x128x64xf32, #tpu.memory_space<vmem>>, vector<1x1x16xf32>,
        %get3A_732 = vector.shape_cast %get3A_731 : vector<1x1x16xf32> to vector<16xf32>
        %mul3A_733 = arith.constant 8.000000e+00 : f32
        %mul3A_734 = vector.broadcast %mul3A_733 : f32 to vector<16xf32>
        %mul3A_735 = arith.mulf %get3A_732, %mul3A_734 : vector<16xf32>
        %swap3A_736 = arith.constant 1 : i32
        %swap3A_737 = arith.index_cast %swap3A_736 : i32 to index
        %swap3A_738 = arith.index_cast %scan3A_614 : i32 to index
        %swap3A_739 = arith.constant 48 : index
        %swap3A_740 = tpu.vector_load %arg7[%swap3A_737, %swap3A_738, %swap3A_739] {strides = array<i32>} : memref<2x128x64xf32, #tpu.memory_space<vmem>>, vector<1x1x16xf32>,
        %swap3A_741 = vector.shape_cast %swap3A_740 : vector<1x1x16xf32> to vector<16xf32>
        %swap3A_742 = vector.shape_cast %mul3A_735 : vector<16xf32> to vector<1x1x16xf32>
        tpu.vector_store %arg7[%swap3A_737, %swap3A_738, %swap3A_739], %swap3A_742 {strides = array<i32>} : memref<2x128x64xf32, #tpu.memory_space<vmem>>, vector<1x1x16xf32>,
        %scan3A_743 = arith.constant 3 : i32
        %scan3A_744 = arith.addi %scan3A_356, %scan3A_743 : i32
        %get3A_745 = arith.constant 0 : i32
        %get3A_746 = arith.index_cast %get3A_745 : i32 to index
        %get3A_747 = arith.index_cast %scan3A_744 : i32 to index
        %get3A_748 = arith.constant 0 : index
        %get3A_749 = tpu.vector_load %arg7[%get3A_746, %get3A_747, %get3A_748] {strides = array<i32>} : memref<2x128x64xf32, #tpu.memory_space<vmem>>, vector<1x1x16xf32>,
        %get3A_750 = vector.shape_cast %get3A_749 : vector<1x1x16xf32> to vector<16xf32>
        %mul3A_751 = arith.constant 8.000000e+00 : f32
        %mul3A_752 = vector.broadcast %mul3A_751 : f32 to vector<16xf32>
        %mul3A_753 = arith.mulf %get3A_750, %mul3A_752 : vector<16xf32>
        %swap3A_754 = arith.constant 0 : i32
        %swap3A_755 = arith.index_cast %swap3A_754 : i32 to index
        %swap3A_756 = arith.index_cast %scan3A_744 : i32 to index
        %swap3A_757 = arith.constant 0 : index
        %swap3A_758 = tpu.vector_load %arg7[%swap3A_755, %swap3A_756, %swap3A_757] {strides = array<i32>} : memref<2x128x64xf32, #tpu.memory_space<vmem>>, vector<1x1x16xf32>,
        %swap3A_759 = vector.shape_cast %swap3A_758 : vector<1x1x16xf32> to vector<16xf32>
        %swap3A_760 = vector.shape_cast %mul3A_753 : vector<16xf32> to vector<1x1x16xf32>
        tpu.vector_store %arg7[%swap3A_755, %swap3A_756, %swap3A_757], %swap3A_760 {strides = array<i32>} : memref<2x128x64xf32, #tpu.memory_space<vmem>>, vector<1x1x16xf32>,
        %get3A_761 = arith.constant 0 : i32
        %get3A_762 = arith.index_cast %get3A_761 : i32 to index
        %get3A_763 = arith.index_cast %scan3A_744 : i32 to index
        %get3A_764 = arith.constant 16 : index
        %get3A_765 = tpu.vector_load %arg7[%get3A_762, %get3A_763, %get3A_764] {strides = array<i32>} : memref<2x128x64xf32, #tpu.memory_space<vmem>>, vector<1x1x16xf32>,
        %get3A_766 = vector.shape_cast %get3A_765 : vector<1x1x16xf32> to vector<16xf32>
        %mul3A_767 = arith.constant 8.000000e+00 : f32
        %mul3A_768 = vector.broadcast %mul3A_767 : f32 to vector<16xf32>
        %mul3A_769 = arith.mulf %get3A_766, %mul3A_768 : vector<16xf32>
        %swap3A_770 = arith.constant 0 : i32
        %swap3A_771 = arith.index_cast %swap3A_770 : i32 to index
        %swap3A_772 = arith.index_cast %scan3A_744 : i32 to index
        %swap3A_773 = arith.constant 16 : index
        %swap3A_774 = tpu.vector_load %arg7[%swap3A_771, %swap3A_772, %swap3A_773] {strides = array<i32>} : memref<2x128x64xf32, #tpu.memory_space<vmem>>, vector<1x1x16xf32>,
        %swap3A_775 = vector.shape_cast %swap3A_774 : vector<1x1x16xf32> to vector<16xf32>
        %swap3A_776 = vector.shape_cast %mul3A_769 : vector<16xf32> to vector<1x1x16xf32>
        tpu.vector_store %arg7[%swap3A_771, %swap3A_772, %swap3A_773], %swap3A_776 {strides = array<i32>} : memref<2x128x64xf32, #tpu.memory_space<vmem>>, vector<1x1x16xf32>,
        %get3A_777 = arith.constant 0 : i32
        %get3A_778 = arith.index_cast %get3A_777 : i32 to index
        %get3A_779 = arith.index_cast %scan3A_744 : i32 to index
        %get3A_780 = arith.constant 32 : index
        %get3A_781 = tpu.vector_load %arg7[%get3A_778, %get3A_779, %get3A_780] {strides = array<i32>} : memref<2x128x64xf32, #tpu.memory_space<vmem>>, vector<1x1x16xf32>,
        %get3A_782 = vector.shape_cast %get3A_781 : vector<1x1x16xf32> to vector<16xf32>
        %mul3A_783 = arith.constant 8.000000e+00 : f32
        %mul3A_784 = vector.broadcast %mul3A_783 : f32 to vector<16xf32>
        %mul3A_785 = arith.mulf %get3A_782, %mul3A_784 : vector<16xf32>
        %swap3A_786 = arith.constant 0 : i32
        %swap3A_787 = arith.index_cast %swap3A_786 : i32 to index
        %swap3A_788 = arith.index_cast %scan3A_744 : i32 to index
        %swap3A_789 = arith.constant 32 : index
        %swap3A_790 = tpu.vector_load %arg7[%swap3A_787, %swap3A_788, %swap3A_789] {strides = array<i32>} : memref<2x128x64xf32, #tpu.memory_space<vmem>>, vector<1x1x16xf32>,
        %swap3A_791 = vector.shape_cast %swap3A_790 : vector<1x1x16xf32> to vector<16xf32>
        %swap3A_792 = vector.shape_cast %mul3A_785 : vector<16xf32> to vector<1x1x16xf32>
        tpu.vector_store %arg7[%swap3A_787, %swap3A_788, %swap3A_789], %swap3A_792 {strides = array<i32>} : memref<2x128x64xf32, #tpu.memory_space<vmem>>, vector<1x1x16xf32>,
        %get3A_793 = arith.constant 0 : i32
        %get3A_794 = arith.index_cast %get3A_793 : i32 to index
        %get3A_795 = arith.index_cast %scan3A_744 : i32 to index
        %get3A_796 = arith.constant 48 : index
        %get3A_797 = tpu.vector_load %arg7[%get3A_794, %get3A_795, %get3A_796] {strides = array<i32>} : memref<2x128x64xf32, #tpu.memory_space<vmem>>, vector<1x1x16xf32>,
        %get3A_798 = vector.shape_cast %get3A_797 : vector<1x1x16xf32> to vector<16xf32>
        %mul3A_799 = arith.constant 8.000000e+00 : f32
        %mul3A_800 = vector.broadcast %mul3A_799 : f32 to vector<16xf32>
        %mul3A_801 = arith.mulf %get3A_798, %mul3A_800 : vector<16xf32>
        %swap3A_802 = arith.constant 0 : i32
        %swap3A_803 = arith.index_cast %swap3A_802 : i32 to index
        %swap3A_804 = arith.index_cast %scan3A_744 : i32 to index
        %swap3A_805 = arith.constant 48 : index
        %swap3A_806 = tpu.vector_load %arg7[%swap3A_803, %swap3A_804, %swap3A_805] {strides = array<i32>} : memref<2x128x64xf32, #tpu.memory_space<vmem>>, vector<1x1x16xf32>,
        %swap3A_807 = vector.shape_cast %swap3A_806 : vector<1x1x16xf32> to vector<16xf32>
        %swap3A_808 = vector.shape_cast %mul3A_801 : vector<16xf32> to vector<1x1x16xf32>
        tpu.vector_store %arg7[%swap3A_803, %swap3A_804, %swap3A_805], %swap3A_808 {strides = array<i32>} : memref<2x128x64xf32, #tpu.memory_space<vmem>>, vector<1x1x16xf32>,
        %get3A_809 = arith.constant 1 : i32
        %get3A_810 = arith.index_cast %get3A_809 : i32 to index
        %get3A_811 = arith.index_cast %scan3A_744 : i32 to index
        %get3A_812 = arith.constant 0 : index
        %get3A_813 = tpu.vector_load %arg7[%get3A_810, %get3A_811, %get3A_812] {strides = array<i32>} : memref<2x128x64xf32, #tpu.memory_space<vmem>>, vector<1x1x16xf32>,
        %get3A_814 = vector.shape_cast %get3A_813 : vector<1x1x16xf32> to vector<16xf32>
        %mul3A_815 = arith.constant 8.000000e+00 : f32
        %mul3A_816 = vector.broadcast %mul3A_815 : f32 to vector<16xf32>
        %mul3A_817 = arith.mulf %get3A_814, %mul3A_816 : vector<16xf32>
        %swap3A_818 = arith.constant 1 : i32
        %swap3A_819 = arith.index_cast %swap3A_818 : i32 to index
        %swap3A_820 = arith.index_cast %scan3A_744 : i32 to index
        %swap3A_821 = arith.constant 0 : index
        %swap3A_822 = tpu.vector_load %arg7[%swap3A_819, %swap3A_820, %swap3A_821] {strides = array<i32>} : memref<2x128x64xf32, #tpu.memory_space<vmem>>, vector<1x1x16xf32>,
        %swap3A_823 = vector.shape_cast %swap3A_822 : vector<1x1x16xf32> to vector<16xf32>
        %swap3A_824 = vector.shape_cast %mul3A_817 : vector<16xf32> to vector<1x1x16xf32>
        tpu.vector_store %arg7[%swap3A_819, %swap3A_820, %swap3A_821], %swap3A_824 {strides = array<i32>} : memref<2x128x64xf32, #tpu.memory_space<vmem>>, vector<1x1x16xf32>,
        %get3A_825 = arith.constant 1 : i32
        %get3A_826 = arith.index_cast %get3A_825 : i32 to index
        %get3A_827 = arith.index_cast %scan3A_744 : i32 to index
        %get3A_828 = arith.constant 16 : index
        %get3A_829 = tpu.vector_load %arg7[%get3A_826, %get3A_827, %get3A_828] {strides = array<i32>} : memref<2x128x64xf32, #tpu.memory_space<vmem>>, vector<1x1x16xf32>,
        %get3A_830 = vector.shape_cast %get3A_829 : vector<1x1x16xf32> to vector<16xf32>
        %mul3A_831 = arith.constant 8.000000e+00 : f32
        %mul3A_832 = vector.broadcast %mul3A_831 : f32 to vector<16xf32>
        %mul3A_833 = arith.mulf %get3A_830, %mul3A_832 : vector<16xf32>
        %swap3A_834 = arith.constant 1 : i32
        %swap3A_835 = arith.index_cast %swap3A_834 : i32 to index
        %swap3A_836 = arith.index_cast %scan3A_744 : i32 to index
        %swap3A_837 = arith.constant 16 : index
        %swap3A_838 = tpu.vector_load %arg7[%swap3A_835, %swap3A_836, %swap3A_837] {strides = array<i32>} : memref<2x128x64xf32, #tpu.memory_space<vmem>>, vector<1x1x16xf32>,
        %swap3A_839 = vector.shape_cast %swap3A_838 : vector<1x1x16xf32> to vector<16xf32>
        %swap3A_840 = vector.shape_cast %mul3A_833 : vector<16xf32> to vector<1x1x16xf32>
        tpu.vector_store %arg7[%swap3A_835, %swap3A_836, %swap3A_837], %swap3A_840 {strides = array<i32>} : memref<2x128x64xf32, #tpu.memory_space<vmem>>, vector<1x1x16xf32>,
        %get3A_841 = arith.constant 1 : i32
        %get3A_842 = arith.index_cast %get3A_841 : i32 to index
        %get3A_843 = arith.index_cast %scan3A_744 : i32 to index
        %get3A_844 = arith.constant 32 : index
        %get3A_845 = tpu.vector_load %arg7[%get3A_842, %get3A_843, %get3A_844] {strides = array<i32>} : memref<2x128x64xf32, #tpu.memory_space<vmem>>, vector<1x1x16xf32>,
        %get3A_846 = vector.shape_cast %get3A_845 : vector<1x1x16xf32> to vector<16xf32>
        %mul3A_847 = arith.constant 8.000000e+00 : f32
        %mul3A_848 = vector.broadcast %mul3A_847 : f32 to vector<16xf32>
        %mul3A_849 = arith.mulf %get3A_846, %mul3A_848 : vector<16xf32>
        %swap3A_850 = arith.constant 1 : i32
        %swap3A_851 = arith.index_cast %swap3A_850 : i32 to index
        %swap3A_852 = arith.index_cast %scan3A_744 : i32 to index
        %swap3A_853 = arith.constant 32 : index
        %swap3A_854 = tpu.vector_load %arg7[%swap3A_851, %swap3A_852, %swap3A_853] {strides = array<i32>} : memref<2x128x64xf32, #tpu.memory_space<vmem>>, vector<1x1x16xf32>,
        %swap3A_855 = vector.shape_cast %swap3A_854 : vector<1x1x16xf32> to vector<16xf32>
        %swap3A_856 = vector.shape_cast %mul3A_849 : vector<16xf32> to vector<1x1x16xf32>
        tpu.vector_store %arg7[%swap3A_851, %swap3A_852, %swap3A_853], %swap3A_856 {strides = array<i32>} : memref<2x128x64xf32, #tpu.memory_space<vmem>>, vector<1x1x16xf32>,
        %get3A_857 = arith.constant 1 : i32
        %get3A_858 = arith.index_cast %get3A_857 : i32 to index
        %get3A_859 = arith.index_cast %scan3A_744 : i32 to index
        %get3A_860 = arith.constant 48 : index
        %get3A_861 = tpu.vector_load %arg7[%get3A_858, %get3A_859, %get3A_860] {strides = array<i32>} : memref<2x128x64xf32, #tpu.memory_space<vmem>>, vector<1x1x16xf32>,
        %get3A_862 = vector.shape_cast %get3A_861 : vector<1x1x16xf32> to vector<16xf32>
        %mul3A_863 = arith.constant 8.000000e+00 : f32
        %mul3A_864 = vector.broadcast %mul3A_863 : f32 to vector<16xf32>
        %mul3A_865 = arith.mulf %get3A_862, %mul3A_864 : vector<16xf32>
        %swap3A_866 = arith.constant 1 : i32
        %swap3A_867 = arith.index_cast %swap3A_866 : i32 to index
        %swap3A_868 = arith.index_cast %scan3A_744 : i32 to index
        %swap3A_869 = arith.constant 48 : index
        %swap3A_870 = tpu.vector_load %arg7[%swap3A_867, %swap3A_868, %swap3A_869] {strides = array<i32>} : memref<2x128x64xf32, #tpu.memory_space<vmem>>, vector<1x1x16xf32>,
        %swap3A_871 = vector.shape_cast %swap3A_870 : vector<1x1x16xf32> to vector<16xf32>
        %swap3A_872 = vector.shape_cast %mul3A_865 : vector<16xf32> to vector<1x1x16xf32>
        tpu.vector_store %arg7[%swap3A_867, %swap3A_868, %swap3A_869], %swap3A_872 {strides = array<i32>} : memref<2x128x64xf32, #tpu.memory_space<vmem>>, vector<1x1x16xf32>,
        %scan3A_873 = arith.constant 4 : i32
        %scan3A_874 = arith.addi %scan3A_356, %scan3A_873 : i32
        %get3A_875 = arith.constant 0 : i32
        %get3A_876 = arith.index_cast %get3A_875 : i32 to index
        %get3A_877 = arith.index_cast %scan3A_874 : i32 to index
        %get3A_878 = arith.constant 0 : index
        %get3A_879 = tpu.vector_load %arg7[%get3A_876, %get3A_877, %get3A_878] {strides = array<i32>} : memref<2x128x64xf32, #tpu.memory_space<vmem>>, vector<1x1x16xf32>,
        %get3A_880 = vector.shape_cast %get3A_879 : vector<1x1x16xf32> to vector<16xf32>
        %mul3A_881 = arith.constant 8.000000e+00 : f32
        %mul3A_882 = vector.broadcast %mul3A_881 : f32 to vector<16xf32>
        %mul3A_883 = arith.mulf %get3A_880, %mul3A_882 : vector<16xf32>
        %swap3A_884 = arith.constant 0 : i32
        %swap3A_885 = arith.index_cast %swap3A_884 : i32 to index
        %swap3A_886 = arith.index_cast %scan3A_874 : i32 to index
        %swap3A_887 = arith.constant 0 : index
        %swap3A_888 = tpu.vector_load %arg7[%swap3A_885, %swap3A_886, %swap3A_887] {strides = array<i32>} : memref<2x128x64xf32, #tpu.memory_space<vmem>>, vector<1x1x16xf32>,
        %swap3A_889 = vector.shape_cast %swap3A_888 : vector<1x1x16xf32> to vector<16xf32>
        %swap3A_890 = vector.shape_cast %mul3A_883 : vector<16xf32> to vector<1x1x16xf32>
        tpu.vector_store %arg7[%swap3A_885, %swap3A_886, %swap3A_887], %swap3A_890 {strides = array<i32>} : memref<2x128x64xf32, #tpu.memory_space<vmem>>, vector<1x1x16xf32>,
        %get3A_891 = arith.constant 0 : i32
        %get3A_892 = arith.index_cast %get3A_891 : i32 to index
        %get3A_893 = arith.index_cast %scan3A_874 : i32 to index
        %get3A_894 = arith.constant 16 : index
        %get3A_895 = tpu.vector_load %arg7[%get3A_892, %get3A_893, %get3A_894] {strides = array<i32>} : memref<2x128x64xf32, #tpu.memory_space<vmem>>, vector<1x1x16xf32>,
        %get3A_896 = vector.shape_cast %get3A_895 : vector<1x1x16xf32> to vector<16xf32>
        %mul3A_897 = arith.constant 8.000000e+00 : f32
        %mul3A_898 = vector.broadcast %mul3A_897 : f32 to vector<16xf32>
        %mul3A_899 = arith.mulf %get3A_896, %mul3A_898 : vector<16xf32>
        %swap3A_900 = arith.constant 0 : i32
        %swap3A_901 = arith.index_cast %swap3A_900 : i32 to index
        %swap3A_902 = arith.index_cast %scan3A_874 : i32 to index
        %swap3A_903 = arith.constant 16 : index
        %swap3A_904 = tpu.vector_load %arg7[%swap3A_901, %swap3A_902, %swap3A_903] {strides = array<i32>} : memref<2x128x64xf32, #tpu.memory_space<vmem>>, vector<1x1x16xf32>,
        %swap3A_905 = vector.shape_cast %swap3A_904 : vector<1x1x16xf32> to vector<16xf32>
        %swap3A_906 = vector.shape_cast %mul3A_899 : vector<16xf32> to vector<1x1x16xf32>
        tpu.vector_store %arg7[%swap3A_901, %swap3A_902, %swap3A_903], %swap3A_906 {strides = array<i32>} : memref<2x128x64xf32, #tpu.memory_space<vmem>>, vector<1x1x16xf32>,
        %get3A_907 = arith.constant 0 : i32
        %get3A_908 = arith.index_cast %get3A_907 : i32 to index
        %get3A_909 = arith.index_cast %scan3A_874 : i32 to index
        %get3A_910 = arith.constant 32 : index
        %get3A_911 = tpu.vector_load %arg7[%get3A_908, %get3A_909, %get3A_910] {strides = array<i32>} : memref<2x128x64xf32, #tpu.memory_space<vmem>>, vector<1x1x16xf32>,
        %get3A_912 = vector.shape_cast %get3A_911 : vector<1x1x16xf32> to vector<16xf32>
        %mul3A_913 = arith.constant 8.000000e+00 : f32
        %mul3A_914 = vector.broadcast %mul3A_913 : f32 to vector<16xf32>
        %mul3A_915 = arith.mulf %get3A_912, %mul3A_914 : vector<16xf32>
        %swap3A_916 = arith.constant 0 : i32
        %swap3A_917 = arith.index_cast %swap3A_916 : i32 to index
        %swap3A_918 = arith.index_cast %scan3A_874 : i32 to index
        %swap3A_919 = arith.constant 32 : index
        %swap3A_920 = tpu.vector_load %arg7[%swap3A_917, %swap3A_918, %swap3A_919] {strides = array<i32>} : memref<2x128x64xf32, #tpu.memory_space<vmem>>, vector<1x1x16xf32>,
        %swap3A_921 = vector.shape_cast %swap3A_920 : vector<1x1x16xf32> to vector<16xf32>
        %swap3A_922 = vector.shape_cast %mul3A_915 : vector<16xf32> to vector<1x1x16xf32>
        tpu.vector_store %arg7[%swap3A_917, %swap3A_918, %swap3A_919], %swap3A_922 {strides = array<i32>} : memref<2x128x64xf32, #tpu.memory_space<vmem>>, vector<1x1x16xf32>,
        %get3A_923 = arith.constant 0 : i32
        %get3A_924 = arith.index_cast %get3A_923 : i32 to index
        %get3A_925 = arith.index_cast %scan3A_874 : i32 to index
        %get3A_926 = arith.constant 48 : index
        %get3A_927 = tpu.vector_load %arg7[%get3A_924, %get3A_925, %get3A_926] {strides = array<i32>} : memref<2x128x64xf32, #tpu.memory_space<vmem>>, vector<1x1x16xf32>,
        %get3A_928 = vector.shape_cast %get3A_927 : vector<1x1x16xf32> to vector<16xf32>
        %mul3A_929 = arith.constant 8.000000e+00 : f32
        %mul3A_930 = vector.broadcast %mul3A_929 : f32 to vector<16xf32>
        %mul3A_931 = arith.mulf %get3A_928, %mul3A_930 : vector<16xf32>
        %swap3A_932 = arith.constant 0 : i32
        %swap3A_933 = arith.index_cast %swap3A_932 : i32 to index
        %swap3A_934 = arith.index_cast %scan3A_874 : i32 to index
        %swap3A_935 = arith.constant 48 : index
        %swap3A_936 = tpu.vector_load %arg7[%swap3A_933, %swap3A_934, %swap3A_935] {strides = array<i32>} : memref<2x128x64xf32, #tpu.memory_space<vmem>>, vector<1x1x16xf32>,
        %swap3A_937 = vector.shape_cast %swap3A_936 : vector<1x1x16xf32> to vector<16xf32>
        %swap3A_938 = vector.shape_cast %mul3A_931 : vector<16xf32> to vector<1x1x16xf32>
        tpu.vector_store %arg7[%swap3A_933, %swap3A_934, %swap3A_935], %swap3A_938 {strides = array<i32>} : memref<2x128x64xf32, #tpu.memory_space<vmem>>, vector<1x1x16xf32>,
        %get3A_939 = arith.constant 1 : i32
        %get3A_940 = arith.index_cast %get3A_939 : i32 to index
        %get3A_941 = arith.index_cast %scan3A_874 : i32 to index
        %get3A_942 = arith.constant 0 : index
        %get3A_943 = tpu.vector_load %arg7[%get3A_940, %get3A_941, %get3A_942] {strides = array<i32>} : memref<2x128x64xf32, #tpu.memory_space<vmem>>, vector<1x1x16xf32>,
        %get3A_944 = vector.shape_cast %get3A_943 : vector<1x1x16xf32> to vector<16xf32>
        %mul3A_945 = arith.constant 8.000000e+00 : f32
        %mul3A_946 = vector.broadcast %mul3A_945 : f32 to vector<16xf32>
        %mul3A_947 = arith.mulf %get3A_944, %mul3A_946 : vector<16xf32>
        %swap3A_948 = arith.constant 1 : i32
        %swap3A_949 = arith.index_cast %swap3A_948 : i32 to index
        %swap3A_950 = arith.index_cast %scan3A_874 : i32 to index
        %swap3A_951 = arith.constant 0 : index
        %swap3A_952 = tpu.vector_load %arg7[%swap3A_949, %swap3A_950, %swap3A_951] {strides = array<i32>} : memref<2x128x64xf32, #tpu.memory_space<vmem>>, vector<1x1x16xf32>,
        %swap3A_953 = vector.shape_cast %swap3A_952 : vector<1x1x16xf32> to vector<16xf32>
        %swap3A_954 = vector.shape_cast %mul3A_947 : vector<16xf32> to vector<1x1x16xf32>
        tpu.vector_store %arg7[%swap3A_949, %swap3A_950, %swap3A_951], %swap3A_954 {strides = array<i32>} : memref<2x128x64xf32, #tpu.memory_space<vmem>>, vector<1x1x16xf32>,
        %get3A_955 = arith.constant 1 : i32
        %get3A_956 = arith.index_cast %get3A_955 : i32 to index
        %get3A_957 = arith.index_cast %scan3A_874 : i32 to index
        %get3A_958 = arith.constant 16 : index
        %get3A_959 = tpu.vector_load %arg7[%get3A_956, %get3A_957, %get3A_958] {strides = array<i32>} : memref<2x128x64xf32, #tpu.memory_space<vmem>>, vector<1x1x16xf32>,
        %get3A_960 = vector.shape_cast %get3A_959 : vector<1x1x16xf32> to vector<16xf32>
        %mul3A_961 = arith.constant 8.000000e+00 : f32
        %mul3A_962 = vector.broadcast %mul3A_961 : f32 to vector<16xf32>
        %mul3A_963 = arith.mulf %get3A_960, %mul3A_962 : vector<16xf32>
        %swap3A_964 = arith.constant 1 : i32
        %swap3A_965 = arith.index_cast %swap3A_964 : i32 to index
        %swap3A_966 = arith.index_cast %scan3A_874 : i32 to index
        %swap3A_967 = arith.constant 16 : index
        %swap3A_968 = tpu.vector_load %arg7[%swap3A_965, %swap3A_966, %swap3A_967] {strides = array<i32>} : memref<2x128x64xf32, #tpu.memory_space<vmem>>, vector<1x1x16xf32>,
        %swap3A_969 = vector.shape_cast %swap3A_968 : vector<1x1x16xf32> to vector<16xf32>
        %swap3A_970 = vector.shape_cast %mul3A_963 : vector<16xf32> to vector<1x1x16xf32>
        tpu.vector_store %arg7[%swap3A_965, %swap3A_966, %swap3A_967], %swap3A_970 {strides = array<i32>} : memref<2x128x64xf32, #tpu.memory_space<vmem>>, vector<1x1x16xf32>,
        %get3A_971 = arith.constant 1 : i32
        %get3A_972 = arith.index_cast %get3A_971 : i32 to index
        %get3A_973 = arith.index_cast %scan3A_874 : i32 to index
        %get3A_974 = arith.constant 32 : index
        %get3A_975 = tpu.vector_load %arg7[%get3A_972, %get3A_973, %get3A_974] {strides = array<i32>} : memref<2x128x64xf32, #tpu.memory_space<vmem>>, vector<1x1x16xf32>,
        %get3A_976 = vector.shape_cast %get3A_975 : vector<1x1x16xf32> to vector<16xf32>
        %mul3A_977 = arith.constant 8.000000e+00 : f32
        %mul3A_978 = vector.broadcast %mul3A_977 : f32 to vector<16xf32>
        %mul3A_979 = arith.mulf %get3A_976, %mul3A_978 : vector<16xf32>
        %swap3A_980 = arith.constant 1 : i32
        %swap3A_981 = arith.index_cast %swap3A_980 : i32 to index
        %swap3A_982 = arith.index_cast %scan3A_874 : i32 to index
        %swap3A_983 = arith.constant 32 : index
        %swap3A_984 = tpu.vector_load %arg7[%swap3A_981, %swap3A_982, %swap3A_983] {strides = array<i32>} : memref<2x128x64xf32, #tpu.memory_space<vmem>>, vector<1x1x16xf32>,
        %swap3A_985 = vector.shape_cast %swap3A_984 : vector<1x1x16xf32> to vector<16xf32>
        %swap3A_986 = vector.shape_cast %mul3A_979 : vector<16xf32> to vector<1x1x16xf32>
        tpu.vector_store %arg7[%swap3A_981, %swap3A_982, %swap3A_983], %swap3A_986 {strides = array<i32>} : memref<2x128x64xf32, #tpu.memory_space<vmem>>, vector<1x1x16xf32>,
        %get3A_987 = arith.constant 1 : i32
        %get3A_988 = arith.index_cast %get3A_987 : i32 to index
        %get3A_989 = arith.index_cast %scan3A_874 : i32 to index
        %get3A_990 = arith.constant 48 : index
        %get3A_991 = tpu.vector_load %arg7[%get3A_988, %get3A_989, %get3A_990] {strides = array<i32>} : memref<2x128x64xf32, #tpu.memory_space<vmem>>, vector<1x1x16xf32>,
        %get3A_992 = vector.shape_cast %get3A_991 : vector<1x1x16xf32> to vector<16xf32>
        %mul3A_993 = arith.constant 8.000000e+00 : f32
        %mul3A_994 = vector.broadcast %mul3A_993 : f32 to vector<16xf32>
        %mul3A_995 = arith.mulf %get3A_992, %mul3A_994 : vector<16xf32>
        %swap3A_996 = arith.constant 1 : i32
        %swap3A_997 = arith.index_cast %swap3A_996 : i32 to index
        %swap3A_998 = arith.index_cast %scan3A_874 : i32 to index
        %swap3A_999 = arith.constant 48 : index
        %swap3A_1000 = tpu.vector_load %arg7[%swap3A_997, %swap3A_998, %swap3A_999] {strides = array<i32>} : memref<2x128x64xf32, #tpu.memory_space<vmem>>, vector<1x1x16xf32>,
        %swap3A_1001 = vector.shape_cast %swap3A_1000 : vector<1x1x16xf32> to vector<16xf32>
        %swap3A_1002 = vector.shape_cast %mul3A_995 : vector<16xf32> to vector<1x1x16xf32>
        tpu.vector_store %arg7[%swap3A_997, %swap3A_998, %swap3A_999], %swap3A_1002 {strides = array<i32>} : memref<2x128x64xf32, #tpu.memory_space<vmem>>, vector<1x1x16xf32>,
        %scan3A_1003 = arith.constant 5 : i32
        %scan3A_1004 = arith.addi %scan3A_356, %scan3A_1003 : i32
        %get3A_1005 = arith.constant 0 : i32
        %get3A_1006 = arith.index_cast %get3A_1005 : i32 to index
        %get3A_1007 = arith.index_cast %scan3A_1004 : i32 to index
        %get3A_1008 = arith.constant 0 : index
        %get3A_1009 = tpu.vector_load %arg7[%get3A_1006, %get3A_1007, %get3A_1008] {strides = array<i32>} : memref<2x128x64xf32, #tpu.memory_space<vmem>>, vector<1x1x16xf32>,
        %get3A_1010 = vector.shape_cast %get3A_1009 : vector<1x1x16xf32> to vector<16xf32>
        %mul3A_1011 = arith.constant 8.000000e+00 : f32
        %mul3A_1012 = vector.broadcast %mul3A_1011 : f32 to vector<16xf32>
        %mul3A_1013 = arith.mulf %get3A_1010, %mul3A_1012 : vector<16xf32>
        %swap3A_1014 = arith.constant 0 : i32
        %swap3A_1015 = arith.index_cast %swap3A_1014 : i32 to index
        %swap3A_1016 = arith.index_cast %scan3A_1004 : i32 to index
        %swap3A_1017 = arith.constant 0 : index
        %swap3A_1018 = tpu.vector_load %arg7[%swap3A_1015, %swap3A_1016, %swap3A_1017] {strides = array<i32>} : memref<2x128x64xf32, #tpu.memory_space<vmem>>, vector<1x1x16xf32>,
        %swap3A_1019 = vector.shape_cast %swap3A_1018 : vector<1x1x16xf32> to vector<16xf32>
        %swap3A_1020 = vector.shape_cast %mul3A_1013 : vector<16xf32> to vector<1x1x16xf32>
        tpu.vector_store %arg7[%swap3A_1015, %swap3A_1016, %swap3A_1017], %swap3A_1020 {strides = array<i32>} : memref<2x128x64xf32, #tpu.memory_space<vmem>>, vector<1x1x16xf32>,
        %get3A_1021 = arith.constant 0 : i32
        %get3A_1022 = arith.index_cast %get3A_1021 : i32 to index
        %get3A_1023 = arith.index_cast %scan3A_1004 : i32 to index
        %get3A_1024 = arith.constant 16 : index
        %get3A_1025 = tpu.vector_load %arg7[%get3A_1022, %get3A_1023, %get3A_1024] {strides = array<i32>} : memref<2x128x64xf32, #tpu.memory_space<vmem>>, vector<1x1x16xf32>,
        %get3A_1026 = vector.shape_cast %get3A_1025 : vector<1x1x16xf32> to vector<16xf32>
        %mul3A_1027 = arith.constant 8.000000e+00 : f32
        %mul3A_1028 = vector.broadcast %mul3A_1027 : f32 to vector<16xf32>
        %mul3A_1029 = arith.mulf %get3A_1026, %mul3A_1028 : vector<16xf32>
        %swap3A_1030 = arith.constant 0 : i32
        %swap3A_1031 = arith.index_cast %swap3A_1030 : i32 to index
        %swap3A_1032 = arith.index_cast %scan3A_1004 : i32 to index
        %swap3A_1033 = arith.constant 16 : index
        %swap3A_1034 = tpu.vector_load %arg7[%swap3A_1031, %swap3A_1032, %swap3A_1033] {strides = array<i32>} : memref<2x128x64xf32, #tpu.memory_space<vmem>>, vector<1x1x16xf32>,
        %swap3A_1035 = vector.shape_cast %swap3A_1034 : vector<1x1x16xf32> to vector<16xf32>
        %swap3A_1036 = vector.shape_cast %mul3A_1029 : vector<16xf32> to vector<1x1x16xf32>
        tpu.vector_store %arg7[%swap3A_1031, %swap3A_1032, %swap3A_1033], %swap3A_1036 {strides = array<i32>} : memref<2x128x64xf32, #tpu.memory_space<vmem>>, vector<1x1x16xf32>,
        %get3A_1037 = arith.constant 0 : i32
        %get3A_1038 = arith.index_cast %get3A_1037 : i32 to index
        %get3A_1039 = arith.index_cast %scan3A_1004 : i32 to index
        %get3A_1040 = arith.constant 32 : index
        %get3A_1041 = tpu.vector_load %arg7[%get3A_1038, %get3A_1039, %get3A_1040] {strides = array<i32>} : memref<2x128x64xf32, #tpu.memory_space<vmem>>, vector<1x1x16xf32>,
        %get3A_1042 = vector.shape_cast %get3A_1041 : vector<1x1x16xf32> to vector<16xf32>
        %mul3A_1043 = arith.constant 8.000000e+00 : f32
        %mul3A_1044 = vector.broadcast %mul3A_1043 : f32 to vector<16xf32>
        %mul3A_1045 = arith.mulf %get3A_1042, %mul3A_1044 : vector<16xf32>
        %swap3A_1046 = arith.constant 0 : i32
        %swap3A_1047 = arith.index_cast %swap3A_1046 : i32 to index
        %swap3A_1048 = arith.index_cast %scan3A_1004 : i32 to index
        %swap3A_1049 = arith.constant 32 : index
        %swap3A_1050 = tpu.vector_load %arg7[%swap3A_1047, %swap3A_1048, %swap3A_1049] {strides = array<i32>} : memref<2x128x64xf32, #tpu.memory_space<vmem>>, vector<1x1x16xf32>,
        %swap3A_1051 = vector.shape_cast %swap3A_1050 : vector<1x1x16xf32> to vector<16xf32>
        %swap3A_1052 = vector.shape_cast %mul3A_1045 : vector<16xf32> to vector<1x1x16xf32>
        tpu.vector_store %arg7[%swap3A_1047, %swap3A_1048, %swap3A_1049], %swap3A_1052 {strides = array<i32>} : memref<2x128x64xf32, #tpu.memory_space<vmem>>, vector<1x1x16xf32>,
        %get3A_1053 = arith.constant 0 : i32
        %get3A_1054 = arith.index_cast %get3A_1053 : i32 to index
        %get3A_1055 = arith.index_cast %scan3A_1004 : i32 to index
        %get3A_1056 = arith.constant 48 : index
        %get3A_1057 = tpu.vector_load %arg7[%get3A_1054, %get3A_1055, %get3A_1056] {strides = array<i32>} : memref<2x128x64xf32, #tpu.memory_space<vmem>>, vector<1x1x16xf32>,
        %get3A_1058 = vector.shape_cast %get3A_1057 : vector<1x1x16xf32> to vector<16xf32>
        %mul3A_1059 = arith.constant 8.000000e+00 : f32
        %mul3A_1060 = vector.broadcast %mul3A_1059 : f32 to vector<16xf32>
        %mul3A_1061 = arith.mulf %get3A_1058, %mul3A_1060 : vector<16xf32>
        %swap3A_1062 = arith.constant 0 : i32
        %swap3A_1063 = arith.index_cast %swap3A_1062 : i32 to index
        %swap3A_1064 = arith.index_cast %scan3A_1004 : i32 to index
        %swap3A_1065 = arith.constant 48 : index
        %swap3A_1066 = tpu.vector_load %arg7[%swap3A_1063, %swap3A_1064, %swap3A_1065] {strides = array<i32>} : memref<2x128x64xf32, #tpu.memory_space<vmem>>, vector<1x1x16xf32>,
        %swap3A_1067 = vector.shape_cast %swap3A_1066 : vector<1x1x16xf32> to vector<16xf32>
        %swap3A_1068 = vector.shape_cast %mul3A_1061 : vector<16xf32> to vector<1x1x16xf32>
        tpu.vector_store %arg7[%swap3A_1063, %swap3A_1064, %swap3A_1065], %swap3A_1068 {strides = array<i32>} : memref<2x128x64xf32, #tpu.memory_space<vmem>>, vector<1x1x16xf32>,
        %get3A_1069 = arith.constant 1 : i32
        %get3A_1070 = arith.index_cast %get3A_1069 : i32 to index
        %get3A_1071 = arith.index_cast %scan3A_1004 : i32 to index
        %get3A_1072 = arith.constant 0 : index
        %get3A_1073 = tpu.vector_load %arg7[%get3A_1070, %get3A_1071, %get3A_1072] {strides = array<i32>} : memref<2x128x64xf32, #tpu.memory_space<vmem>>, vector<1x1x16xf32>,
        %get3A_1074 = vector.shape_cast %get3A_1073 : vector<1x1x16xf32> to vector<16xf32>
        %mul3A_1075 = arith.constant 8.000000e+00 : f32
        %mul3A_1076 = vector.broadcast %mul3A_1075 : f32 to vector<16xf32>
        %mul3A_1077 = arith.mulf %get3A_1074, %mul3A_1076 : vector<16xf32>
        %swap3A_1078 = arith.constant 1 : i32
        %swap3A_1079 = arith.index_cast %swap3A_1078 : i32 to index
        %swap3A_1080 = arith.index_cast %scan3A_1004 : i32 to index
        %swap3A_1081 = arith.constant 0 : index
        %swap3A_1082 = tpu.vector_load %arg7[%swap3A_1079, %swap3A_1080, %swap3A_1081] {strides = array<i32>} : memref<2x128x64xf32, #tpu.memory_space<vmem>>, vector<1x1x16xf32>,
        %swap3A_1083 = vector.shape_cast %swap3A_1082 : vector<1x1x16xf32> to vector<16xf32>
        %swap3A_1084 = vector.shape_cast %mul3A_1077 : vector<16xf32> to vector<1x1x16xf32>
        tpu.vector_store %arg7[%swap3A_1079, %swap3A_1080, %swap3A_1081], %swap3A_1084 {strides = array<i32>} : memref<2x128x64xf32, #tpu.memory_space<vmem>>, vector<1x1x16xf32>,
        %get3A_1085 = arith.constant 1 : i32
        %get3A_1086 = arith.index_cast %get3A_1085 : i32 to index
        %get3A_1087 = arith.index_cast %scan3A_1004 : i32 to index
        %get3A_1088 = arith.constant 16 : index
        %get3A_1089 = tpu.vector_load %arg7[%get3A_1086, %get3A_1087, %get3A_1088] {strides = array<i32>} : memref<2x128x64xf32, #tpu.memory_space<vmem>>, vector<1x1x16xf32>,
        %get3A_1090 = vector.shape_cast %get3A_1089 : vector<1x1x16xf32> to vector<16xf32>
        %mul3A_1091 = arith.constant 8.000000e+00 : f32
        %mul3A_1092 = vector.broadcast %mul3A_1091 : f32 to vector<16xf32>
        %mul3A_1093 = arith.mulf %get3A_1090, %mul3A_1092 : vector<16xf32>
        %swap3A_1094 = arith.constant 1 : i32
        %swap3A_1095 = arith.index_cast %swap3A_1094 : i32 to index
        %swap3A_1096 = arith.index_cast %scan3A_1004 : i32 to index
        %swap3A_1097 = arith.constant 16 : index
        %swap3A_1098 = tpu.vector_load %arg7[%swap3A_1095, %swap3A_1096, %swap3A_1097] {strides = array<i32>} : memref<2x128x64xf32, #tpu.memory_space<vmem>>, vector<1x1x16xf32>,
        %swap3A_1099 = vector.shape_cast %swap3A_1098 : vector<1x1x16xf32> to vector<16xf32>
        %swap3A_1100 = vector.shape_cast %mul3A_1093 : vector<16xf32> to vector<1x1x16xf32>
        tpu.vector_store %arg7[%swap3A_1095, %swap3A_1096, %swap3A_1097], %swap3A_1100 {strides = array<i32>} : memref<2x128x64xf32, #tpu.memory_space<vmem>>, vector<1x1x16xf32>,
        %get3A_1101 = arith.constant 1 : i32
        %get3A_1102 = arith.index_cast %get3A_1101 : i32 to index
        %get3A_1103 = arith.index_cast %scan3A_1004 : i32 to index
        %get3A_1104 = arith.constant 32 : index
        %get3A_1105 = tpu.vector_load %arg7[%get3A_1102, %get3A_1103, %get3A_1104] {strides = array<i32>} : memref<2x128x64xf32, #tpu.memory_space<vmem>>, vector<1x1x16xf32>,
        %get3A_1106 = vector.shape_cast %get3A_1105 : vector<1x1x16xf32> to vector<16xf32>
        %mul3A_1107 = arith.constant 8.000000e+00 : f32
        %mul3A_1108 = vector.broadcast %mul3A_1107 : f32 to vector<16xf32>
        %mul3A_1109 = arith.mulf %get3A_1106, %mul3A_1108 : vector<16xf32>
        %swap3A_1110 = arith.constant 1 : i32
        %swap3A_1111 = arith.index_cast %swap3A_1110 : i32 to index
        %swap3A_1112 = arith.index_cast %scan3A_1004 : i32 to index
        %swap3A_1113 = arith.constant 32 : index
        %swap3A_1114 = tpu.vector_load %arg7[%swap3A_1111, %swap3A_1112, %swap3A_1113] {strides = array<i32>} : memref<2x128x64xf32, #tpu.memory_space<vmem>>, vector<1x1x16xf32>,
        %swap3A_1115 = vector.shape_cast %swap3A_1114 : vector<1x1x16xf32> to vector<16xf32>
        %swap3A_1116 = vector.shape_cast %mul3A_1109 : vector<16xf32> to vector<1x1x16xf32>
        tpu.vector_store %arg7[%swap3A_1111, %swap3A_1112, %swap3A_1113], %swap3A_1116 {strides = array<i32>} : memref<2x128x64xf32, #tpu.memory_space<vmem>>, vector<1x1x16xf32>,
        %get3A_1117 = arith.constant 1 : i32
        %get3A_1118 = arith.index_cast %get3A_1117 : i32 to index
        %get3A_1119 = arith.index_cast %scan3A_1004 : i32 to index
        %get3A_1120 = arith.constant 48 : index
        %get3A_1121 = tpu.vector_load %arg7[%get3A_1118, %get3A_1119, %get3A_1120] {strides = array<i32>} : memref<2x128x64xf32, #tpu.memory_space<vmem>>, vector<1x1x16xf32>,
        %get3A_1122 = vector.shape_cast %get3A_1121 : vector<1x1x16xf32> to vector<16xf32>
        %mul3A_1123 = arith.constant 8.000000e+00 : f32
        %mul3A_1124 = vector.broadcast %mul3A_1123 : f32 to vector<16xf32>
        %mul3A_1125 = arith.mulf %get3A_1122, %mul3A_1124 : vector<16xf32>
        %swap3A_1126 = arith.constant 1 : i32
        %swap3A_1127 = arith.index_cast %swap3A_1126 : i32 to index
        %swap3A_1128 = arith.index_cast %scan3A_1004 : i32 to index
        %swap3A_1129 = arith.constant 48 : index
        %swap3A_1130 = tpu.vector_load %arg7[%swap3A_1127, %swap3A_1128, %swap3A_1129] {strides = array<i32>} : memref<2x128x64xf32, #tpu.memory_space<vmem>>, vector<1x1x16xf32>,
        %swap3A_1131 = vector.shape_cast %swap3A_1130 : vector<1x1x16xf32> to vector<16xf32>
        %swap3A_1132 = vector.shape_cast %mul3A_1125 : vector<16xf32> to vector<1x1x16xf32>
        tpu.vector_store %arg7[%swap3A_1127, %swap3A_1128, %swap3A_1129], %swap3A_1132 {strides = array<i32>} : memref<2x128x64xf32, #tpu.memory_space<vmem>>, vector<1x1x16xf32>,
        %scan3A_1133 = arith.constant 6 : i32
        %scan3A_1134 = arith.addi %scan3A_356, %scan3A_1133 : i32
        %get3A_1135 = arith.constant 0 : i32
        %get3A_1136 = arith.index_cast %get3A_1135 : i32 to index
        %get3A_1137 = arith.index_cast %scan3A_1134 : i32 to index
        %get3A_1138 = arith.constant 0 : index
        %get3A_1139 = tpu.vector_load %arg7[%get3A_1136, %get3A_1137, %get3A_1138] {strides = array<i32>} : memref<2x128x64xf32, #tpu.memory_space<vmem>>, vector<1x1x16xf32>,
        %get3A_1140 = vector.shape_cast %get3A_1139 : vector<1x1x16xf32> to vector<16xf32>
        %mul3A_1141 = arith.constant 8.000000e+00 : f32
        %mul3A_1142 = vector.broadcast %mul3A_1141 : f32 to vector<16xf32>
        %mul3A_1143 = arith.mulf %get3A_1140, %mul3A_1142 : vector<16xf32>
        %swap3A_1144 = arith.constant 0 : i32
        %swap3A_1145 = arith.index_cast %swap3A_1144 : i32 to index
        %swap3A_1146 = arith.index_cast %scan3A_1134 : i32 to index
        %swap3A_1147 = arith.constant 0 : index
        %swap3A_1148 = tpu.vector_load %arg7[%swap3A_1145, %swap3A_1146, %swap3A_1147] {strides = array<i32>} : memref<2x128x64xf32, #tpu.memory_space<vmem>>, vector<1x1x16xf32>,
        %swap3A_1149 = vector.shape_cast %swap3A_1148 : vector<1x1x16xf32> to vector<16xf32>
        %swap3A_1150 = vector.shape_cast %mul3A_1143 : vector<16xf32> to vector<1x1x16xf32>
        tpu.vector_store %arg7[%swap3A_1145, %swap3A_1146, %swap3A_1147], %swap3A_1150 {strides = array<i32>} : memref<2x128x64xf32, #tpu.memory_space<vmem>>, vector<1x1x16xf32>,
        %get3A_1151 = arith.constant 0 : i32
        %get3A_1152 = arith.index_cast %get3A_1151 : i32 to index
        %get3A_1153 = arith.index_cast %scan3A_1134 : i32 to index
        %get3A_1154 = arith.constant 16 : index
        %get3A_1155 = tpu.vector_load %arg7[%get3A_1152, %get3A_1153, %get3A_1154] {strides = array<i32>} : memref<2x128x64xf32, #tpu.memory_space<vmem>>, vector<1x1x16xf32>,
        %get3A_1156 = vector.shape_cast %get3A_1155 : vector<1x1x16xf32> to vector<16xf32>
        %mul3A_1157 = arith.constant 8.000000e+00 : f32
        %mul3A_1158 = vector.broadcast %mul3A_1157 : f32 to vector<16xf32>
        %mul3A_1159 = arith.mulf %get3A_1156, %mul3A_1158 : vector<16xf32>
        %swap3A_1160 = arith.constant 0 : i32
        %swap3A_1161 = arith.index_cast %swap3A_1160 : i32 to index
        %swap3A_1162 = arith.index_cast %scan3A_1134 : i32 to index
        %swap3A_1163 = arith.constant 16 : index
        %swap3A_1164 = tpu.vector_load %arg7[%swap3A_1161, %swap3A_1162, %swap3A_1163] {strides = array<i32>} : memref<2x128x64xf32, #tpu.memory_space<vmem>>, vector<1x1x16xf32>,
        %swap3A_1165 = vector.shape_cast %swap3A_1164 : vector<1x1x16xf32> to vector<16xf32>
        %swap3A_1166 = vector.shape_cast %mul3A_1159 : vector<16xf32> to vector<1x1x16xf32>
        tpu.vector_store %arg7[%swap3A_1161, %swap3A_1162, %swap3A_1163], %swap3A_1166 {strides = array<i32>} : memref<2x128x64xf32, #tpu.memory_space<vmem>>, vector<1x1x16xf32>,
        %get3A_1167 = arith.constant 0 : i32
        %get3A_1168 = arith.index_cast %get3A_1167 : i32 to index
        %get3A_1169 = arith.index_cast %scan3A_1134 : i32 to index
        %get3A_1170 = arith.constant 32 : index
        %get3A_1171 = tpu.vector_load %arg7[%get3A_1168, %get3A_1169, %get3A_1170] {strides = array<i32>} : memref<2x128x64xf32, #tpu.memory_space<vmem>>, vector<1x1x16xf32>,
        %get3A_1172 = vector.shape_cast %get3A_1171 : vector<1x1x16xf32> to vector<16xf32>
        %mul3A_1173 = arith.constant 8.000000e+00 : f32
        %mul3A_1174 = vector.broadcast %mul3A_1173 : f32 to vector<16xf32>
        %mul3A_1175 = arith.mulf %get3A_1172, %mul3A_1174 : vector<16xf32>
        %swap3A_1176 = arith.constant 0 : i32
        %swap3A_1177 = arith.index_cast %swap3A_1176 : i32 to index
        %swap3A_1178 = arith.index_cast %scan3A_1134 : i32 to index
        %swap3A_1179 = arith.constant 32 : index
        %swap3A_1180 = tpu.vector_load %arg7[%swap3A_1177, %swap3A_1178, %swap3A_1179] {strides = array<i32>} : memref<2x128x64xf32, #tpu.memory_space<vmem>>, vector<1x1x16xf32>,
        %swap3A_1181 = vector.shape_cast %swap3A_1180 : vector<1x1x16xf32> to vector<16xf32>
        %swap3A_1182 = vector.shape_cast %mul3A_1175 : vector<16xf32> to vector<1x1x16xf32>
        tpu.vector_store %arg7[%swap3A_1177, %swap3A_1178, %swap3A_1179], %swap3A_1182 {strides = array<i32>} : memref<2x128x64xf32, #tpu.memory_space<vmem>>, vector<1x1x16xf32>,
        %get3A_1183 = arith.constant 0 : i32
        %get3A_1184 = arith.index_cast %get3A_1183 : i32 to index
        %get3A_1185 = arith.index_cast %scan3A_1134 : i32 to index
        %get3A_1186 = arith.constant 48 : index
        %get3A_1187 = tpu.vector_load %arg7[%get3A_1184, %get3A_1185, %get3A_1186] {strides = array<i32>} : memref<2x128x64xf32, #tpu.memory_space<vmem>>, vector<1x1x16xf32>,
        %get3A_1188 = vector.shape_cast %get3A_1187 : vector<1x1x16xf32> to vector<16xf32>
        %mul3A_1189 = arith.constant 8.000000e+00 : f32
        %mul3A_1190 = vector.broadcast %mul3A_1189 : f32 to vector<16xf32>
        %mul3A_1191 = arith.mulf %get3A_1188, %mul3A_1190 : vector<16xf32>
        %swap3A_1192 = arith.constant 0 : i32
        %swap3A_1193 = arith.index_cast %swap3A_1192 : i32 to index
        %swap3A_1194 = arith.index_cast %scan3A_1134 : i32 to index
        %swap3A_1195 = arith.constant 48 : index
        %swap3A_1196 = tpu.vector_load %arg7[%swap3A_1193, %swap3A_1194, %swap3A_1195] {strides = array<i32>} : memref<2x128x64xf32, #tpu.memory_space<vmem>>, vector<1x1x16xf32>,
        %swap3A_1197 = vector.shape_cast %swap3A_1196 : vector<1x1x16xf32> to vector<16xf32>
        %swap3A_1198 = vector.shape_cast %mul3A_1191 : vector<16xf32> to vector<1x1x16xf32>
        tpu.vector_store %arg7[%swap3A_1193, %swap3A_1194, %swap3A_1195], %swap3A_1198 {strides = array<i32>} : memref<2x128x64xf32, #tpu.memory_space<vmem>>, vector<1x1x16xf32>,
        %get3A_1199 = arith.constant 1 : i32
        %get3A_1200 = arith.index_cast %get3A_1199 : i32 to index
        %get3A_1201 = arith.index_cast %scan3A_1134 : i32 to index
        %get3A_1202 = arith.constant 0 : index
        %get3A_1203 = tpu.vector_load %arg7[%get3A_1200, %get3A_1201, %get3A_1202] {strides = array<i32>} : memref<2x128x64xf32, #tpu.memory_space<vmem>>, vector<1x1x16xf32>,
        %get3A_1204 = vector.shape_cast %get3A_1203 : vector<1x1x16xf32> to vector<16xf32>
        %mul3A_1205 = arith.constant 8.000000e+00 : f32
        %mul3A_1206 = vector.broadcast %mul3A_1205 : f32 to vector<16xf32>
        %mul3A_1207 = arith.mulf %get3A_1204, %mul3A_1206 : vector<16xf32>
        %swap3A_1208 = arith.constant 1 : i32
        %swap3A_1209 = arith.index_cast %swap3A_1208 : i32 to index
        %swap3A_1210 = arith.index_cast %scan3A_1134 : i32 to index
        %swap3A_1211 = arith.constant 0 : index
        %swap3A_1212 = tpu.vector_load %arg7[%swap3A_1209, %swap3A_1210, %swap3A_1211] {strides = array<i32>} : memref<2x128x64xf32, #tpu.memory_space<vmem>>, vector<1x1x16xf32>,
        %swap3A_1213 = vector.shape_cast %swap3A_1212 : vector<1x1x16xf32> to vector<16xf32>
        %swap3A_1214 = vector.shape_cast %mul3A_1207 : vector<16xf32> to vector<1x1x16xf32>
        tpu.vector_store %arg7[%swap3A_1209, %swap3A_1210, %swap3A_1211], %swap3A_1214 {strides = array<i32>} : memref<2x128x64xf32, #tpu.memory_space<vmem>>, vector<1x1x16xf32>,
        %get3A_1215 = arith.constant 1 : i32
        %get3A_1216 = arith.index_cast %get3A_1215 : i32 to index
        %get3A_1217 = arith.index_cast %scan3A_1134 : i32 to index
        %get3A_1218 = arith.constant 16 : index
        %get3A_1219 = tpu.vector_load %arg7[%get3A_1216, %get3A_1217, %get3A_1218] {strides = array<i32>} : memref<2x128x64xf32, #tpu.memory_space<vmem>>, vector<1x1x16xf32>,
        %get3A_1220 = vector.shape_cast %get3A_1219 : vector<1x1x16xf32> to vector<16xf32>
        %mul3A_1221 = arith.constant 8.000000e+00 : f32
        %mul3A_1222 = vector.broadcast %mul3A_1221 : f32 to vector<16xf32>
        %mul3A_1223 = arith.mulf %get3A_1220, %mul3A_1222 : vector<16xf32>
        %swap3A_1224 = arith.constant 1 : i32
        %swap3A_1225 = arith.index_cast %swap3A_1224 : i32 to index
        %swap3A_1226 = arith.index_cast %scan3A_1134 : i32 to index
        %swap3A_1227 = arith.constant 16 : index
        %swap3A_1228 = tpu.vector_load %arg7[%swap3A_1225, %swap3A_1226, %swap3A_1227] {strides = array<i32>} : memref<2x128x64xf32, #tpu.memory_space<vmem>>, vector<1x1x16xf32>,
        %swap3A_1229 = vector.shape_cast %swap3A_1228 : vector<1x1x16xf32> to vector<16xf32>
        %swap3A_1230 = vector.shape_cast %mul3A_1223 : vector<16xf32> to vector<1x1x16xf32>
        tpu.vector_store %arg7[%swap3A_1225, %swap3A_1226, %swap3A_1227], %swap3A_1230 {strides = array<i32>} : memref<2x128x64xf32, #tpu.memory_space<vmem>>, vector<1x1x16xf32>,
        %get3A_1231 = arith.constant 1 : i32
        %get3A_1232 = arith.index_cast %get3A_1231 : i32 to index
        %get3A_1233 = arith.index_cast %scan3A_1134 : i32 to index
        %get3A_1234 = arith.constant 32 : index
        %get3A_1235 = tpu.vector_load %arg7[%get3A_1232, %get3A_1233, %get3A_1234] {strides = array<i32>} : memref<2x128x64xf32, #tpu.memory_space<vmem>>, vector<1x1x16xf32>,
        %get3A_1236 = vector.shape_cast %get3A_1235 : vector<1x1x16xf32> to vector<16xf32>
        %mul3A_1237 = arith.constant 8.000000e+00 : f32
        %mul3A_1238 = vector.broadcast %mul3A_1237 : f32 to vector<16xf32>
        %mul3A_1239 = arith.mulf %get3A_1236, %mul3A_1238 : vector<16xf32>
        %swap3A_1240 = arith.constant 1 : i32
        %swap3A_1241 = arith.index_cast %swap3A_1240 : i32 to index
        %swap3A_1242 = arith.index_cast %scan3A_1134 : i32 to index
        %swap3A_1243 = arith.constant 32 : index
        %swap3A_1244 = tpu.vector_load %arg7[%swap3A_1241, %swap3A_1242, %swap3A_1243] {strides = array<i32>} : memref<2x128x64xf32, #tpu.memory_space<vmem>>, vector<1x1x16xf32>,
        %swap3A_1245 = vector.shape_cast %swap3A_1244 : vector<1x1x16xf32> to vector<16xf32>
        %swap3A_1246 = vector.shape_cast %mul3A_1239 : vector<16xf32> to vector<1x1x16xf32>
        tpu.vector_store %arg7[%swap3A_1241, %swap3A_1242, %swap3A_1243], %swap3A_1246 {strides = array<i32>} : memref<2x128x64xf32, #tpu.memory_space<vmem>>, vector<1x1x16xf32>,
        %get3A_1247 = arith.constant 1 : i32
        %get3A_1248 = arith.index_cast %get3A_1247 : i32 to index
        %get3A_1249 = arith.index_cast %scan3A_1134 : i32 to index
        %get3A_1250 = arith.constant 48 : index
        %get3A_1251 = tpu.vector_load %arg7[%get3A_1248, %get3A_1249, %get3A_1250] {strides = array<i32>} : memref<2x128x64xf32, #tpu.memory_space<vmem>>, vector<1x1x16xf32>,
        %get3A_1252 = vector.shape_cast %get3A_1251 : vector<1x1x16xf32> to vector<16xf32>
        %mul3A_1253 = arith.constant 8.000000e+00 : f32
        %mul3A_1254 = vector.broadcast %mul3A_1253 : f32 to vector<16xf32>
        %mul3A_1255 = arith.mulf %get3A_1252, %mul3A_1254 : vector<16xf32>
        %swap3A_1256 = arith.constant 1 : i32
        %swap3A_1257 = arith.index_cast %swap3A_1256 : i32 to index
        %swap3A_1258 = arith.index_cast %scan3A_1134 : i32 to index
        %swap3A_1259 = arith.constant 48 : index
        %swap3A_1260 = tpu.vector_load %arg7[%swap3A_1257, %swap3A_1258, %swap3A_1259] {strides = array<i32>} : memref<2x128x64xf32, #tpu.memory_space<vmem>>, vector<1x1x16xf32>,
        %swap3A_1261 = vector.shape_cast %swap3A_1260 : vector<1x1x16xf32> to vector<16xf32>
        %swap3A_1262 = vector.shape_cast %mul3A_1255 : vector<16xf32> to vector<1x1x16xf32>
        tpu.vector_store %arg7[%swap3A_1257, %swap3A_1258, %swap3A_1259], %swap3A_1262 {strides = array<i32>} : memref<2x128x64xf32, #tpu.memory_space<vmem>>, vector<1x1x16xf32>,
        %scan3A_1263 = arith.constant 7 : i32
        %scan3A_1264 = arith.addi %scan3A_356, %scan3A_1263 : i32
        %get3A_1265 = arith.constant 0 : i32
        %get3A_1266 = arith.index_cast %get3A_1265 : i32 to index
        %get3A_1267 = arith.index_cast %scan3A_1264 : i32 to index
        %get3A_1268 = arith.constant 0 : index
        %get3A_1269 = tpu.vector_load %arg7[%get3A_1266, %get3A_1267, %get3A_1268] {strides = array<i32>} : memref<2x128x64xf32, #tpu.memory_space<vmem>>, vector<1x1x16xf32>,
        %get3A_1270 = vector.shape_cast %get3A_1269 : vector<1x1x16xf32> to vector<16xf32>
        %mul3A_1271 = arith.constant 8.000000e+00 : f32
        %mul3A_1272 = vector.broadcast %mul3A_1271 : f32 to vector<16xf32>
        %mul3A_1273 = arith.mulf %get3A_1270, %mul3A_1272 : vector<16xf32>
        %swap3A_1274 = arith.constant 0 : i32
        %swap3A_1275 = arith.index_cast %swap3A_1274 : i32 to index
        %swap3A_1276 = arith.index_cast %scan3A_1264 : i32 to index
        %swap3A_1277 = arith.constant 0 : index
        %swap3A_1278 = tpu.vector_load %arg7[%swap3A_1275, %swap3A_1276, %swap3A_1277] {strides = array<i32>} : memref<2x128x64xf32, #tpu.memory_space<vmem>>, vector<1x1x16xf32>,
        %swap3A_1279 = vector.shape_cast %swap3A_1278 : vector<1x1x16xf32> to vector<16xf32>
        %swap3A_1280 = vector.shape_cast %mul3A_1273 : vector<16xf32> to vector<1x1x16xf32>
        tpu.vector_store %arg7[%swap3A_1275, %swap3A_1276, %swap3A_1277], %swap3A_1280 {strides = array<i32>} : memref<2x128x64xf32, #tpu.memory_space<vmem>>, vector<1x1x16xf32>,
        %get3A_1281 = arith.constant 0 : i32
        %get3A_1282 = arith.index_cast %get3A_1281 : i32 to index
        %get3A_1283 = arith.index_cast %scan3A_1264 : i32 to index
        %get3A_1284 = arith.constant 16 : index
        %get3A_1285 = tpu.vector_load %arg7[%get3A_1282, %get3A_1283, %get3A_1284] {strides = array<i32>} : memref<2x128x64xf32, #tpu.memory_space<vmem>>, vector<1x1x16xf32>,
        %get3A_1286 = vector.shape_cast %get3A_1285 : vector<1x1x16xf32> to vector<16xf32>
        %mul3A_1287 = arith.constant 8.000000e+00 : f32
        %mul3A_1288 = vector.broadcast %mul3A_1287 : f32 to vector<16xf32>
        %mul3A_1289 = arith.mulf %get3A_1286, %mul3A_1288 : vector<16xf32>
        %swap3A_1290 = arith.constant 0 : i32
        %swap3A_1291 = arith.index_cast %swap3A_1290 : i32 to index
        %swap3A_1292 = arith.index_cast %scan3A_1264 : i32 to index
        %swap3A_1293 = arith.constant 16 : index
        %swap3A_1294 = tpu.vector_load %arg7[%swap3A_1291, %swap3A_1292, %swap3A_1293] {strides = array<i32>} : memref<2x128x64xf32, #tpu.memory_space<vmem>>, vector<1x1x16xf32>,
        %swap3A_1295 = vector.shape_cast %swap3A_1294 : vector<1x1x16xf32> to vector<16xf32>
        %swap3A_1296 = vector.shape_cast %mul3A_1289 : vector<16xf32> to vector<1x1x16xf32>
        tpu.vector_store %arg7[%swap3A_1291, %swap3A_1292, %swap3A_1293], %swap3A_1296 {strides = array<i32>} : memref<2x128x64xf32, #tpu.memory_space<vmem>>, vector<1x1x16xf32>,
        %get3A_1297 = arith.constant 0 : i32
        %get3A_1298 = arith.index_cast %get3A_1297 : i32 to index
        %get3A_1299 = arith.index_cast %scan3A_1264 : i32 to index
        %get3A_1300 = arith.constant 32 : index
        %get3A_1301 = tpu.vector_load %arg7[%get3A_1298, %get3A_1299, %get3A_1300] {strides = array<i32>} : memref<2x128x64xf32, #tpu.memory_space<vmem>>, vector<1x1x16xf32>,
        %get3A_1302 = vector.shape_cast %get3A_1301 : vector<1x1x16xf32> to vector<16xf32>
        %mul3A_1303 = arith.constant 8.000000e+00 : f32
        %mul3A_1304 = vector.broadcast %mul3A_1303 : f32 to vector<16xf32>
        %mul3A_1305 = arith.mulf %get3A_1302, %mul3A_1304 : vector<16xf32>
        %swap3A_1306 = arith.constant 0 : i32
        %swap3A_1307 = arith.index_cast %swap3A_1306 : i32 to index
        %swap3A_1308 = arith.index_cast %scan3A_1264 : i32 to index
        %swap3A_1309 = arith.constant 32 : index
        %swap3A_1310 = tpu.vector_load %arg7[%swap3A_1307, %swap3A_1308, %swap3A_1309] {strides = array<i32>} : memref<2x128x64xf32, #tpu.memory_space<vmem>>, vector<1x1x16xf32>,
        %swap3A_1311 = vector.shape_cast %swap3A_1310 : vector<1x1x16xf32> to vector<16xf32>
        %swap3A_1312 = vector.shape_cast %mul3A_1305 : vector<16xf32> to vector<1x1x16xf32>
        tpu.vector_store %arg7[%swap3A_1307, %swap3A_1308, %swap3A_1309], %swap3A_1312 {strides = array<i32>} : memref<2x128x64xf32, #tpu.memory_space<vmem>>, vector<1x1x16xf32>,
        %get3A_1313 = arith.constant 0 : i32
        %get3A_1314 = arith.index_cast %get3A_1313 : i32 to index
        %get3A_1315 = arith.index_cast %scan3A_1264 : i32 to index
        %get3A_1316 = arith.constant 48 : index
        %get3A_1317 = tpu.vector_load %arg7[%get3A_1314, %get3A_1315, %get3A_1316] {strides = array<i32>} : memref<2x128x64xf32, #tpu.memory_space<vmem>>, vector<1x1x16xf32>,
        %get3A_1318 = vector.shape_cast %get3A_1317 : vector<1x1x16xf32> to vector<16xf32>
        %mul3A_1319 = arith.constant 8.000000e+00 : f32
        %mul3A_1320 = vector.broadcast %mul3A_1319 : f32 to vector<16xf32>
        %mul3A_1321 = arith.mulf %get3A_1318, %mul3A_1320 : vector<16xf32>
        %swap3A_1322 = arith.constant 0 : i32
        %swap3A_1323 = arith.index_cast %swap3A_1322 : i32 to index
        %swap3A_1324 = arith.index_cast %scan3A_1264 : i32 to index
        %swap3A_1325 = arith.constant 48 : index
        %swap3A_1326 = tpu.vector_load %arg7[%swap3A_1323, %swap3A_1324, %swap3A_1325] {strides = array<i32>} : memref<2x128x64xf32, #tpu.memory_space<vmem>>, vector<1x1x16xf32>,
        %swap3A_1327 = vector.shape_cast %swap3A_1326 : vector<1x1x16xf32> to vector<16xf32>
        %swap3A_1328 = vector.shape_cast %mul3A_1321 : vector<16xf32> to vector<1x1x16xf32>
        tpu.vector_store %arg7[%swap3A_1323, %swap3A_1324, %swap3A_1325], %swap3A_1328 {strides = array<i32>} : memref<2x128x64xf32, #tpu.memory_space<vmem>>, vector<1x1x16xf32>,
        %get3A_1329 = arith.constant 1 : i32
        %get3A_1330 = arith.index_cast %get3A_1329 : i32 to index
        %get3A_1331 = arith.index_cast %scan3A_1264 : i32 to index
        %get3A_1332 = arith.constant 0 : index
        %get3A_1333 = tpu.vector_load %arg7[%get3A_1330, %get3A_1331, %get3A_1332] {strides = array<i32>} : memref<2x128x64xf32, #tpu.memory_space<vmem>>, vector<1x1x16xf32>,
        %get3A_1334 = vector.shape_cast %get3A_1333 : vector<1x1x16xf32> to vector<16xf32>
        %mul3A_1335 = arith.constant 8.000000e+00 : f32
        %mul3A_1336 = vector.broadcast %mul3A_1335 : f32 to vector<16xf32>
        %mul3A_1337 = arith.mulf %get3A_1334, %mul3A_1336 : vector<16xf32>
        %swap3A_1338 = arith.constant 1 : i32
        %swap3A_1339 = arith.index_cast %swap3A_1338 : i32 to index
        %swap3A_1340 = arith.index_cast %scan3A_1264 : i32 to index
        %swap3A_1341 = arith.constant 0 : index
        %swap3A_1342 = tpu.vector_load %arg7[%swap3A_1339, %swap3A_1340, %swap3A_1341] {strides = array<i32>} : memref<2x128x64xf32, #tpu.memory_space<vmem>>, vector<1x1x16xf32>,
        %swap3A_1343 = vector.shape_cast %swap3A_1342 : vector<1x1x16xf32> to vector<16xf32>
        %swap3A_1344 = vector.shape_cast %mul3A_1337 : vector<16xf32> to vector<1x1x16xf32>
        tpu.vector_store %arg7[%swap3A_1339, %swap3A_1340, %swap3A_1341], %swap3A_1344 {strides = array<i32>} : memref<2x128x64xf32, #tpu.memory_space<vmem>>, vector<1x1x16xf32>,
        %get3A_1345 = arith.constant 1 : i32
        %get3A_1346 = arith.index_cast %get3A_1345 : i32 to index
        %get3A_1347 = arith.index_cast %scan3A_1264 : i32 to index
        %get3A_1348 = arith.constant 16 : index
        %get3A_1349 = tpu.vector_load %arg7[%get3A_1346, %get3A_1347, %get3A_1348] {strides = array<i32>} : memref<2x128x64xf32, #tpu.memory_space<vmem>>, vector<1x1x16xf32>,
        %get3A_1350 = vector.shape_cast %get3A_1349 : vector<1x1x16xf32> to vector<16xf32>
        %mul3A_1351 = arith.constant 8.000000e+00 : f32
        %mul3A_1352 = vector.broadcast %mul3A_1351 : f32 to vector<16xf32>
        %mul3A_1353 = arith.mulf %get3A_1350, %mul3A_1352 : vector<16xf32>
        %swap3A_1354 = arith.constant 1 : i32
        %swap3A_1355 = arith.index_cast %swap3A_1354 : i32 to index
        %swap3A_1356 = arith.index_cast %scan3A_1264 : i32 to index
        %swap3A_1357 = arith.constant 16 : index
        %swap3A_1358 = tpu.vector_load %arg7[%swap3A_1355, %swap3A_1356, %swap3A_1357] {strides = array<i32>} : memref<2x128x64xf32, #tpu.memory_space<vmem>>, vector<1x1x16xf32>,
        %swap3A_1359 = vector.shape_cast %swap3A_1358 : vector<1x1x16xf32> to vector<16xf32>
        %swap3A_1360 = vector.shape_cast %mul3A_1353 : vector<16xf32> to vector<1x1x16xf32>
        tpu.vector_store %arg7[%swap3A_1355, %swap3A_1356, %swap3A_1357], %swap3A_1360 {strides = array<i32>} : memref<2x128x64xf32, #tpu.memory_space<vmem>>, vector<1x1x16xf32>,
        %get3A_1361 = arith.constant 1 : i32
        %get3A_1362 = arith.index_cast %get3A_1361 : i32 to index
        %get3A_1363 = arith.index_cast %scan3A_1264 : i32 to index
        %get3A_1364 = arith.constant 32 : index
        %get3A_1365 = tpu.vector_load %arg7[%get3A_1362, %get3A_1363, %get3A_1364] {strides = array<i32>} : memref<2x128x64xf32, #tpu.memory_space<vmem>>, vector<1x1x16xf32>,
        %get3A_1366 = vector.shape_cast %get3A_1365 : vector<1x1x16xf32> to vector<16xf32>
        %mul3A_1367 = arith.constant 8.000000e+00 : f32
        %mul3A_1368 = vector.broadcast %mul3A_1367 : f32 to vector<16xf32>
        %mul3A_1369 = arith.mulf %get3A_1366, %mul3A_1368 : vector<16xf32>
        %swap3A_1370 = arith.constant 1 : i32
        %swap3A_1371 = arith.index_cast %swap3A_1370 : i32 to index
        %swap3A_1372 = arith.index_cast %scan3A_1264 : i32 to index
        %swap3A_1373 = arith.constant 32 : index
        %swap3A_1374 = tpu.vector_load %arg7[%swap3A_1371, %swap3A_1372, %swap3A_1373] {strides = array<i32>} : memref<2x128x64xf32, #tpu.memory_space<vmem>>, vector<1x1x16xf32>,
        %swap3A_1375 = vector.shape_cast %swap3A_1374 : vector<1x1x16xf32> to vector<16xf32>
        %swap3A_1376 = vector.shape_cast %mul3A_1369 : vector<16xf32> to vector<1x1x16xf32>
        tpu.vector_store %arg7[%swap3A_1371, %swap3A_1372, %swap3A_1373], %swap3A_1376 {strides = array<i32>} : memref<2x128x64xf32, #tpu.memory_space<vmem>>, vector<1x1x16xf32>,
        %get3A_1377 = arith.constant 1 : i32
        %get3A_1378 = arith.index_cast %get3A_1377 : i32 to index
        %get3A_1379 = arith.index_cast %scan3A_1264 : i32 to index
        %get3A_1380 = arith.constant 48 : index
        %get3A_1381 = tpu.vector_load %arg7[%get3A_1378, %get3A_1379, %get3A_1380] {strides = array<i32>} : memref<2x128x64xf32, #tpu.memory_space<vmem>>, vector<1x1x16xf32>,
        %get3A_1382 = vector.shape_cast %get3A_1381 : vector<1x1x16xf32> to vector<16xf32>
        %mul3A_1383 = arith.constant 8.000000e+00 : f32
        %mul3A_1384 = vector.broadcast %mul3A_1383 : f32 to vector<16xf32>
        %mul3A_1385 = arith.mulf %get3A_1382, %mul3A_1384 : vector<16xf32>
        %swap3A_1386 = arith.constant 1 : i32
        %swap3A_1387 = arith.index_cast %swap3A_1386 : i32 to index
        %swap3A_1388 = arith.index_cast %scan3A_1264 : i32 to index
        %swap3A_1389 = arith.constant 48 : index
        %swap3A_1390 = tpu.vector_load %arg7[%swap3A_1387, %swap3A_1388, %swap3A_1389] {strides = array<i32>} : memref<2x128x64xf32, #tpu.memory_space<vmem>>, vector<1x1x16xf32>,
        %swap3A_1391 = vector.shape_cast %swap3A_1390 : vector<1x1x16xf32> to vector<16xf32>
        %swap3A_1392 = vector.shape_cast %mul3A_1385 : vector<16xf32> to vector<1x1x16xf32>
        tpu.vector_store %arg7[%swap3A_1387, %swap3A_1388, %swap3A_1389], %swap3A_1392 {strides = array<i32>} : memref<2x128x64xf32, #tpu.memory_space<vmem>>, vector<1x1x16xf32>,
      }
      %scan3A_209 = arith.constant 128 : i32
      %mul3A_210 = arith.constant 2 : i32
      %mul3A_211 = arith.muli %add3A_156, %mul3A_210 : i32
      %add3A_212 = arith.addi %mul3A_2, %mul3A_211 : i32
      %dma_start3A_213 = arith.constant 1 : i32
      %dma_start3A_214 = arith.constant 0 : i32
      %dma_start3A_215 = arith.constant 0 : i32
      %dma_start3A_216 = tpu.memref_slice %arg4[%add3A_212, %dma_start3A_214, %dma_start3A_215] : memref<6400x128x64xf32, #tpu.memory_space<hbm>> -> memref<2x128x64xf32, #tpu.memory_space<hbm>>
      %dma_start3A_217 = tpu.memref_slice %arg11[%dma_start3A_213] : memref<4x!tpu.dma_semaphore, #tpu.memory_space<semaphore_mem>> -> memref<1x!tpu.dma_semaphore, #tpu.memory_space<semaphore_mem>>
      %dma_start3A_218 = tpu.memref_squeeze %dma_start3A_217 : memref<1x!tpu.dma_semaphore, #tpu.memory_space<semaphore_mem>> -> memref<!tpu.dma_semaphore, #tpu.memory_space<semaphore_mem>>
      %dma_start3A_219 = arith.constant 0 : i32
      %dma_start3A_220 = arith.constant 0 : i32
      %dma_start3A_221 = tpu.memref_slice %arg4[%add3A_212, %dma_start3A_219, %dma_start3A_220] : memref<6400x128x64xf32, #tpu.memory_space<hbm>> -> memref<2x128x64xf32, #tpu.memory_space<hbm>>
      tpu.enqueue_dma source(%arg7 : memref<2x128x64xf32, #tpu.memory_space<vmem>>) target(%dma_start3A_221 : memref<2x128x64xf32, #tpu.memory_space<hbm>>) target_semaphore(%dma_start3A_218 : memref<!tpu.dma_semaphore, #tpu.memory_space<semaphore_mem>>)
      %add3A_222 = arith.constant 2 : i32
      %add3A_223 = arith.addi %add3A_91, %add3A_222 : i32
      %ge3A_224 = arith.constant 2 : i32
      %ge3A_225 = arith.cmpi sge, %add3A_223, %ge3A_224 : i32
      %convert_element_type3A_226 = arith.extui %ge3A_225 : i1 to i32
      %cond3A_227 = arith.constant 0 : i32
      %cond3A_228 = arith.cmpi ne, %convert_element_type3A_226, %cond3A_227 : i32
      scf.if %cond3A_228 {
        %sub3A = arith.constant 2 : i32
        %sub3A_356 = arith.subi %add3A_223, %sub3A : i32
        %mul3A_357 = arith.constant 2 : i32
        %mul3A_358 = arith.muli %sub3A_356, %mul3A_357 : i32
        %add3A_359 = arith.addi %mul3A_2, %mul3A_358 : i32
        %dma_wait3A_360 = arith.constant 0 : i32
        %dma_wait3A_361 = arith.constant 0 : i32
        %dma_wait3A_362 = arith.constant 0 : i32
        %dma_wait3A_363 = tpu.memref_slice %arg4[%add3A_359, %dma_wait3A_361, %dma_wait3A_362] : memref<6400x128x64xf32, #tpu.memory_space<hbm>> -> memref<2x128x64xf32, #tpu.memory_space<hbm>>
        %dma_wait3A_364 = tpu.memref_slice %arg11[%dma_wait3A_360] : memref<4x!tpu.dma_semaphore, #tpu.memory_space<semaphore_mem>> -> memref<1x!tpu.dma_semaphore, #tpu.memory_space<semaphore_mem>>
        %dma_wait3A_365 = tpu.memref_squeeze %dma_wait3A_364 : memref<1x!tpu.dma_semaphore, #tpu.memory_space<semaphore_mem>> -> memref<!tpu.dma_semaphore, #tpu.memory_space<semaphore_mem>>
        %dma_wait3A_366 = arith.constant 0 : i32
        %dma_wait3A_367 = arith.constant 0 : i32
        %dma_wait3A_368 = tpu.memref_slice %arg4[%add3A_359, %dma_wait3A_366, %dma_wait3A_367] : memref<6400x128x64xf32, #tpu.memory_space<hbm>> -> memref<2x128x64xf32, #tpu.memory_space<hbm>>
        tpu.wait_dma2 semaphore(%dma_wait3A_365 : memref<!tpu.dma_semaphore, #tpu.memory_space<semaphore_mem>>) src(%arg6 : memref<2x128x64xf32, #tpu.memory_space<vmem>>) dst(%dma_wait3A_368 : memref<2x128x64xf32, #tpu.memory_space<hbm>>)
      } else {
      }
      %add3A_229 = arith.constant 2 : i32
      %add3A_230 = arith.addi %add3A_223, %add3A_229 : i32
      %lt3A_231 = arith.constant 100 : i32
      %lt3A_232 = arith.cmpi slt, %add3A_230, %lt3A_231 : i32
      %convert_element_type3A_233 = arith.extui %lt3A_232 : i1 to i32
      %cond3A_234 = arith.constant 0 : i32
      %cond3A_235 = arith.cmpi ne, %convert_element_type3A_233, %cond3A_234 : i32
      scf.if %cond3A_235 {
        %add3A_356 = arith.constant 2 : i32
        %add3A_357 = arith.addi %add3A_223, %add3A_356 : i32
        %mul3A_358 = arith.constant 2 : i32
        %mul3A_359 = arith.muli %add3A_357, %mul3A_358 : i32
        %add3A_360 = arith.constant 0 : i32
        %add3A_361 = arith.addi %mul3A_359, %add3A_360 : i32
        %dma_start3A_362 = arith.constant 0 : i32
        %dma_start3A_363 = arith.constant 0 : i32
        %dma_start3A_364 = arith.constant 0 : i32
        %dma_start3A_365 = arith.constant 0 : i32
        %dma_start3A_366 = tpu.memref_slice %arg6[%dma_start3A_362, %dma_start3A_364, %dma_start3A_365] : memref<2x128x64xf32, #tpu.memory_space<vmem>> -> memref<1x128x64xf32, #tpu.memory_space<vmem>>
        %dma_start3A_367 = tpu.memref_squeeze %dma_start3A_366 : memref<1x128x64xf32, #tpu.memory_space<vmem>> -> memref<128x64xf32, #tpu.memory_space<vmem>>
        %dma_start3A_368 = arith.constant 0 : i32
        %dma_start3A_369 = tpu.memref_slice %arg5[%add3A_361, %dma_start3A_368] : memref<200x128xi32, #tpu.memory_space<vmem>> -> memref<1x128xi32, #tpu.memory_space<vmem>>
        %dma_start3A_370 = tpu.memref_squeeze %dma_start3A_369 : memref<1x128xi32, #tpu.memory_space<vmem>> -> memref<128xi32, #tpu.memory_space<vmem>>
        %dma_start3A_371 = arith.constant 0 : i32
        %dma_start3A_372 = arith.constant 0 : i32
        %dma_start3A_373 = tpu.memref_slice %arg3[%dma_start3A_371, %dma_start3A_372] : memref<1000000x64xf32, #tpu.memory_space<hbm>> -> memref<1000000x64xf32, #tpu.memory_space<hbm>>
        %dma_start3A_374 = tpu.memref_slice %arg10[%dma_start3A_363] : memref<8x!tpu.dma_semaphore, #tpu.memory_space<semaphore_mem>> -> memref<1x!tpu.dma_semaphore, #tpu.memory_space<semaphore_mem>>
        %dma_start3A_375 = tpu.memref_squeeze %dma_start3A_374 : memref<1x!tpu.dma_semaphore, #tpu.memory_space<semaphore_mem>> -> memref<!tpu.dma_semaphore, #tpu.memory_space<semaphore_mem>>
        tpu.enqueue_indirect_dma source(%dma_start3A_373 : memref<1000000x64xf32, #tpu.memory_space<hbm>>) target(%dma_start3A_367 : memref<128x64xf32, #tpu.memory_space<vmem>>) offsets(%dma_start3A_370 : memref<128xi32, #tpu.memory_space<vmem>>) semaphore(%dma_start3A_375 : memref<!tpu.dma_semaphore, #tpu.memory_space<semaphore_mem>>)
        %mul3A_376 = arith.constant 2 : i32
        %mul3A_377 = arith.muli %add3A_357, %mul3A_376 : i32
        %add3A_378 = arith.constant 1 : i32
        %add3A_379 = arith.addi %mul3A_377, %add3A_378 : i32
        %dma_start3A_380 = arith.constant 1 : i32
        %dma_start3A_381 = arith.constant 1 : i32
        %dma_start3A_382 = arith.constant 0 : i32
        %dma_start3A_383 = arith.constant 0 : i32
        %dma_start3A_384 = tpu.memref_slice %arg6[%dma_start3A_380, %dma_start3A_382, %dma_start3A_383] : memref<2x128x64xf32, #tpu.memory_space<vmem>> -> memref<1x128x64xf32, #tpu.memory_space<vmem>>
        %dma_start3A_385 = tpu.memref_squeeze %dma_start3A_384 : memref<1x128x64xf32, #tpu.memory_space<vmem>> -> memref<128x64xf32, #tpu.memory_space<vmem>>
        %dma_start3A_386 = arith.constant 0 : i32
        %dma_start3A_387 = tpu.memref_slice %arg5[%add3A_379, %dma_start3A_386] : memref<200x128xi32, #tpu.memory_space<vmem>> -> memref<1x128xi32, #tpu.memory_space<vmem>>
        %dma_start3A_388 = tpu.memref_squeeze %dma_start3A_387 : memref<1x128xi32, #tpu.memory_space<vmem>> -> memref<128xi32, #tpu.memory_space<vmem>>
        %dma_start3A_389 = arith.constant 0 : i32
        %dma_start3A_390 = arith.constant 0 : i32
        %dma_start3A_391 = tpu.memref_slice %arg3[%dma_start3A_389, %dma_start3A_390] : memref<1000000x64xf32, #tpu.memory_space<hbm>> -> memref<1000000x64xf32, #tpu.memory_space<hbm>>
        %dma_start3A_392 = tpu.memref_slice %arg10[%dma_start3A_381] : memref<8x!tpu.dma_semaphore, #tpu.memory_space<semaphore_mem>> -> memref<1x!tpu.dma_semaphore, #tpu.memory_space<semaphore_mem>>
        %dma_start3A_393 = tpu.memref_squeeze %dma_start3A_392 : memref<1x!tpu.dma_semaphore, #tpu.memory_space<semaphore_mem>> -> memref<!tpu.dma_semaphore, #tpu.memory_space<semaphore_mem>>
        tpu.enqueue_indirect_dma source(%dma_start3A_391 : memref<1000000x64xf32, #tpu.memory_space<hbm>>) target(%dma_start3A_385 : memref<128x64xf32, #tpu.memory_space<vmem>>) offsets(%dma_start3A_388 : memref<128xi32, #tpu.memory_space<vmem>>) semaphore(%dma_start3A_393 : memref<!tpu.dma_semaphore, #tpu.memory_space<semaphore_mem>>)
      } else {
      }
      %mul3A_236 = arith.constant 2 : i32
      %mul3A_237 = arith.muli %add3A_223, %mul3A_236 : i32
      %add3A_238 = arith.constant 0 : i32
      %add3A_239 = arith.addi %mul3A_237, %add3A_238 : i32
      %dma_wait3A_240 = arith.constant 0 : i32
      %dma_wait3A_241 = arith.constant 4 : i32
      %dma_wait3A_242 = arith.constant 0 : i32
      %dma_wait3A_243 = arith.constant 0 : i32
      %dma_wait3A_244 = tpu.memref_slice %arg8[%dma_wait3A_240, %dma_wait3A_242, %dma_wait3A_243] : memref<2x128x64xf32, #tpu.memory_space<vmem>> -> memref<1x128x64xf32, #tpu.memory_space<vmem>>
      %dma_wait3A_245 = tpu.memref_squeeze %dma_wait3A_244 : memref<1x128x64xf32, #tpu.memory_space<vmem>> -> memref<128x64xf32, #tpu.memory_space<vmem>>
      %dma_wait3A_246 = arith.constant 0 : i32
      %dma_wait3A_247 = tpu.memref_slice %arg5[%add3A_239, %dma_wait3A_246] : memref<200x128xi32, #tpu.memory_space<vmem>> -> memref<1x128xi32, #tpu.memory_space<vmem>>
      %dma_wait3A_248 = tpu.memref_squeeze %dma_wait3A_247 : memref<1x128xi32, #tpu.memory_space<vmem>> -> memref<128xi32, #tpu.memory_space<vmem>>
      %dma_wait3A_249 = arith.constant 0 : i32
      %dma_wait3A_250 = arith.constant 0 : i32
      %dma_wait3A_251 = tpu.memref_slice %arg3[%dma_wait3A_249, %dma_wait3A_250] : memref<1000000x64xf32, #tpu.memory_space<hbm>> -> memref<1000000x64xf32, #tpu.memory_space<hbm>>
      %dma_wait3A_252 = tpu.memref_slice %arg10[%dma_wait3A_241] : memref<8x!tpu.dma_semaphore, #tpu.memory_space<semaphore_mem>> -> memref<1x!tpu.dma_semaphore, #tpu.memory_space<semaphore_mem>>
      %dma_wait3A_253 = tpu.memref_squeeze %dma_wait3A_252 : memref<1x!tpu.dma_semaphore, #tpu.memory_space<semaphore_mem>> -> memref<!tpu.dma_semaphore, #tpu.memory_space<semaphore_mem>>
      tpu.wait_indirect_dma semaphore(%dma_wait3A_253 : memref<!tpu.dma_semaphore, #tpu.memory_space<semaphore_mem>>) src(%dma_wait3A_251 : memref<1000000x64xf32, #tpu.memory_space<hbm>>) dst(%dma_wait3A_245 : memref<128x64xf32, #tpu.memory_space<vmem>>)
      %mul3A_254 = arith.constant 2 : i32
      %mul3A_255 = arith.muli %add3A_223, %mul3A_254 : i32
      %add3A_256 = arith.constant 1 : i32
      %add3A_257 = arith.addi %mul3A_255, %add3A_256 : i32
      %dma_wait3A_258 = arith.constant 1 : i32
      %dma_wait3A_259 = arith.constant 5 : i32
      %dma_wait3A_260 = arith.constant 0 : i32
      %dma_wait3A_261 = arith.constant 0 : i32
      %dma_wait3A_262 = tpu.memref_slice %arg8[%dma_wait3A_258, %dma_wait3A_260, %dma_wait3A_261] : memref<2x128x64xf32, #tpu.memory_space<vmem>> -> memref<1x128x64xf32, #tpu.memory_space<vmem>>
      %dma_wait3A_263 = tpu.memref_squeeze %dma_wait3A_262 : memref<1x128x64xf32, #tpu.memory_space<vmem>> -> memref<128x64xf32, #tpu.memory_space<vmem>>
      %dma_wait3A_264 = arith.constant 0 : i32
      %dma_wait3A_265 = tpu.memref_slice %arg5[%add3A_257, %dma_wait3A_264] : memref<200x128xi32, #tpu.memory_space<vmem>> -> memref<1x128xi32, #tpu.memory_space<vmem>>
      %dma_wait3A_266 = tpu.memref_squeeze %dma_wait3A_265 : memref<1x128xi32, #tpu.memory_space<vmem>> -> memref<128xi32, #tpu.memory_space<vmem>>
      %dma_wait3A_267 = arith.constant 0 : i32
      %dma_wait3A_268 = arith.constant 0 : i32
      %dma_wait3A_269 = tpu.memref_slice %arg3[%dma_wait3A_267, %dma_wait3A_268] : memref<1000000x64xf32, #tpu.memory_space<hbm>> -> memref<1000000x64xf32, #tpu.memory_space<hbm>>
      %dma_wait3A_270 = tpu.memref_slice %arg10[%dma_wait3A_259] : memref<8x!tpu.dma_semaphore, #tpu.memory_space<semaphore_mem>> -> memref<1x!tpu.dma_semaphore, #tpu.memory_space<semaphore_mem>>
      %dma_wait3A_271 = tpu.memref_squeeze %dma_wait3A_270 : memref<1x!tpu.dma_semaphore, #tpu.memory_space<semaphore_mem>> -> memref<!tpu.dma_semaphore, #tpu.memory_space<semaphore_mem>>
      tpu.wait_indirect_dma semaphore(%dma_wait3A_271 : memref<!tpu.dma_semaphore, #tpu.memory_space<semaphore_mem>>) src(%dma_wait3A_269 : memref<1000000x64xf32, #tpu.memory_space<hbm>>) dst(%dma_wait3A_263 : memref<128x64xf32, #tpu.memory_space<vmem>>)
      %scan3A_272 = arith.constant 0 : i32
      %scan3A_273 = arith.constant 128 : i32
      %scan3A_274 = arith.addi %scan3A_272, %scan3A_273 : i32
      %scan3A_275 = arith.constant 8 : i32
      scf.for %scan3A_356 = %scan3A_272 to %scan3A_274 step %scan3A_275  : i32 {
        %get3A = arith.constant 0 : i32
        %get3A_357 = arith.index_cast %get3A : i32 to index
        %get3A_358 = arith.index_cast %scan3A_356 : i32 to index
        %get3A_359 = arith.constant 0 : index
        %get3A_360 = tpu.vector_load %arg8[%get3A_357, %get3A_358, %get3A_359] {strides = array<i32>} : memref<2x128x64xf32, #tpu.memory_space<vmem>>, vector<1x1x16xf32>,
        %get3A_361 = vector.shape_cast %get3A_360 : vector<1x1x16xf32> to vector<16xf32>
        %mul3A_362 = arith.constant 8.000000e+00 : f32
        %mul3A_363 = vector.broadcast %mul3A_362 : f32 to vector<16xf32>
        %mul3A_364 = arith.mulf %get3A_361, %mul3A_363 : vector<16xf32>
        %swap3A = arith.constant 0 : i32
        %swap3A_365 = arith.index_cast %swap3A : i32 to index
        %swap3A_366 = arith.index_cast %scan3A_356 : i32 to index
        %swap3A_367 = arith.constant 0 : index
        %swap3A_368 = tpu.vector_load %arg8[%swap3A_365, %swap3A_366, %swap3A_367] {strides = array<i32>} : memref<2x128x64xf32, #tpu.memory_space<vmem>>, vector<1x1x16xf32>,
        %swap3A_369 = vector.shape_cast %swap3A_368 : vector<1x1x16xf32> to vector<16xf32>
        %swap3A_370 = vector.shape_cast %mul3A_364 : vector<16xf32> to vector<1x1x16xf32>
        tpu.vector_store %arg8[%swap3A_365, %swap3A_366, %swap3A_367], %swap3A_370 {strides = array<i32>} : memref<2x128x64xf32, #tpu.memory_space<vmem>>, vector<1x1x16xf32>,
        %get3A_371 = arith.constant 0 : i32
        %get3A_372 = arith.index_cast %get3A_371 : i32 to index
        %get3A_373 = arith.index_cast %scan3A_356 : i32 to index
        %get3A_374 = arith.constant 16 : index
        %get3A_375 = tpu.vector_load %arg8[%get3A_372, %get3A_373, %get3A_374] {strides = array<i32>} : memref<2x128x64xf32, #tpu.memory_space<vmem>>, vector<1x1x16xf32>,
        %get3A_376 = vector.shape_cast %get3A_375 : vector<1x1x16xf32> to vector<16xf32>
        %mul3A_377 = arith.constant 8.000000e+00 : f32
        %mul3A_378 = vector.broadcast %mul3A_377 : f32 to vector<16xf32>
        %mul3A_379 = arith.mulf %get3A_376, %mul3A_378 : vector<16xf32>
        %swap3A_380 = arith.constant 0 : i32
        %swap3A_381 = arith.index_cast %swap3A_380 : i32 to index
        %swap3A_382 = arith.index_cast %scan3A_356 : i32 to index
        %swap3A_383 = arith.constant 16 : index
        %swap3A_384 = tpu.vector_load %arg8[%swap3A_381, %swap3A_382, %swap3A_383] {strides = array<i32>} : memref<2x128x64xf32, #tpu.memory_space<vmem>>, vector<1x1x16xf32>,
        %swap3A_385 = vector.shape_cast %swap3A_384 : vector<1x1x16xf32> to vector<16xf32>
        %swap3A_386 = vector.shape_cast %mul3A_379 : vector<16xf32> to vector<1x1x16xf32>
        tpu.vector_store %arg8[%swap3A_381, %swap3A_382, %swap3A_383], %swap3A_386 {strides = array<i32>} : memref<2x128x64xf32, #tpu.memory_space<vmem>>, vector<1x1x16xf32>,
        %get3A_387 = arith.constant 0 : i32
        %get3A_388 = arith.index_cast %get3A_387 : i32 to index
        %get3A_389 = arith.index_cast %scan3A_356 : i32 to index
        %get3A_390 = arith.constant 32 : index
        %get3A_391 = tpu.vector_load %arg8[%get3A_388, %get3A_389, %get3A_390] {strides = array<i32>} : memref<2x128x64xf32, #tpu.memory_space<vmem>>, vector<1x1x16xf32>,
        %get3A_392 = vector.shape_cast %get3A_391 : vector<1x1x16xf32> to vector<16xf32>
        %mul3A_393 = arith.constant 8.000000e+00 : f32
        %mul3A_394 = vector.broadcast %mul3A_393 : f32 to vector<16xf32>
        %mul3A_395 = arith.mulf %get3A_392, %mul3A_394 : vector<16xf32>
        %swap3A_396 = arith.constant 0 : i32
        %swap3A_397 = arith.index_cast %swap3A_396 : i32 to index
        %swap3A_398 = arith.index_cast %scan3A_356 : i32 to index
        %swap3A_399 = arith.constant 32 : index
        %swap3A_400 = tpu.vector_load %arg8[%swap3A_397, %swap3A_398, %swap3A_399] {strides = array<i32>} : memref<2x128x64xf32, #tpu.memory_space<vmem>>, vector<1x1x16xf32>,
        %swap3A_401 = vector.shape_cast %swap3A_400 : vector<1x1x16xf32> to vector<16xf32>
        %swap3A_402 = vector.shape_cast %mul3A_395 : vector<16xf32> to vector<1x1x16xf32>
        tpu.vector_store %arg8[%swap3A_397, %swap3A_398, %swap3A_399], %swap3A_402 {strides = array<i32>} : memref<2x128x64xf32, #tpu.memory_space<vmem>>, vector<1x1x16xf32>,
        %get3A_403 = arith.constant 0 : i32
        %get3A_404 = arith.index_cast %get3A_403 : i32 to index
        %get3A_405 = arith.index_cast %scan3A_356 : i32 to index
        %get3A_406 = arith.constant 48 : index
        %get3A_407 = tpu.vector_load %arg8[%get3A_404, %get3A_405, %get3A_406] {strides = array<i32>} : memref<2x128x64xf32, #tpu.memory_space<vmem>>, vector<1x1x16xf32>,
        %get3A_408 = vector.shape_cast %get3A_407 : vector<1x1x16xf32> to vector<16xf32>
        %mul3A_409 = arith.constant 8.000000e+00 : f32
        %mul3A_410 = vector.broadcast %mul3A_409 : f32 to vector<16xf32>
        %mul3A_411 = arith.mulf %get3A_408, %mul3A_410 : vector<16xf32>
        %swap3A_412 = arith.constant 0 : i32
        %swap3A_413 = arith.index_cast %swap3A_412 : i32 to index
        %swap3A_414 = arith.index_cast %scan3A_356 : i32 to index
        %swap3A_415 = arith.constant 48 : index
        %swap3A_416 = tpu.vector_load %arg8[%swap3A_413, %swap3A_414, %swap3A_415] {strides = array<i32>} : memref<2x128x64xf32, #tpu.memory_space<vmem>>, vector<1x1x16xf32>,
        %swap3A_417 = vector.shape_cast %swap3A_416 : vector<1x1x16xf32> to vector<16xf32>
        %swap3A_418 = vector.shape_cast %mul3A_411 : vector<16xf32> to vector<1x1x16xf32>
        tpu.vector_store %arg8[%swap3A_413, %swap3A_414, %swap3A_415], %swap3A_418 {strides = array<i32>} : memref<2x128x64xf32, #tpu.memory_space<vmem>>, vector<1x1x16xf32>,
        %get3A_419 = arith.constant 1 : i32
        %get3A_420 = arith.index_cast %get3A_419 : i32 to index
        %get3A_421 = arith.index_cast %scan3A_356 : i32 to index
        %get3A_422 = arith.constant 0 : index
        %get3A_423 = tpu.vector_load %arg8[%get3A_420, %get3A_421, %get3A_422] {strides = array<i32>} : memref<2x128x64xf32, #tpu.memory_space<vmem>>, vector<1x1x16xf32>,
        %get3A_424 = vector.shape_cast %get3A_423 : vector<1x1x16xf32> to vector<16xf32>
        %mul3A_425 = arith.constant 8.000000e+00 : f32
        %mul3A_426 = vector.broadcast %mul3A_425 : f32 to vector<16xf32>
        %mul3A_427 = arith.mulf %get3A_424, %mul3A_426 : vector<16xf32>
        %swap3A_428 = arith.constant 1 : i32
        %swap3A_429 = arith.index_cast %swap3A_428 : i32 to index
        %swap3A_430 = arith.index_cast %scan3A_356 : i32 to index
        %swap3A_431 = arith.constant 0 : index
        %swap3A_432 = tpu.vector_load %arg8[%swap3A_429, %swap3A_430, %swap3A_431] {strides = array<i32>} : memref<2x128x64xf32, #tpu.memory_space<vmem>>, vector<1x1x16xf32>,
        %swap3A_433 = vector.shape_cast %swap3A_432 : vector<1x1x16xf32> to vector<16xf32>
        %swap3A_434 = vector.shape_cast %mul3A_427 : vector<16xf32> to vector<1x1x16xf32>
        tpu.vector_store %arg8[%swap3A_429, %swap3A_430, %swap3A_431], %swap3A_434 {strides = array<i32>} : memref<2x128x64xf32, #tpu.memory_space<vmem>>, vector<1x1x16xf32>,
        %get3A_435 = arith.constant 1 : i32
        %get3A_436 = arith.index_cast %get3A_435 : i32 to index
        %get3A_437 = arith.index_cast %scan3A_356 : i32 to index
        %get3A_438 = arith.constant 16 : index
        %get3A_439 = tpu.vector_load %arg8[%get3A_436, %get3A_437, %get3A_438] {strides = array<i32>} : memref<2x128x64xf32, #tpu.memory_space<vmem>>, vector<1x1x16xf32>,
        %get3A_440 = vector.shape_cast %get3A_439 : vector<1x1x16xf32> to vector<16xf32>
        %mul3A_441 = arith.constant 8.000000e+00 : f32
        %mul3A_442 = vector.broadcast %mul3A_441 : f32 to vector<16xf32>
        %mul3A_443 = arith.mulf %get3A_440, %mul3A_442 : vector<16xf32>
        %swap3A_444 = arith.constant 1 : i32
        %swap3A_445 = arith.index_cast %swap3A_444 : i32 to index
        %swap3A_446 = arith.index_cast %scan3A_356 : i32 to index
        %swap3A_447 = arith.constant 16 : index
        %swap3A_448 = tpu.vector_load %arg8[%swap3A_445, %swap3A_446, %swap3A_447] {strides = array<i32>} : memref<2x128x64xf32, #tpu.memory_space<vmem>>, vector<1x1x16xf32>,
        %swap3A_449 = vector.shape_cast %swap3A_448 : vector<1x1x16xf32> to vector<16xf32>
        %swap3A_450 = vector.shape_cast %mul3A_443 : vector<16xf32> to vector<1x1x16xf32>
        tpu.vector_store %arg8[%swap3A_445, %swap3A_446, %swap3A_447], %swap3A_450 {strides = array<i32>} : memref<2x128x64xf32, #tpu.memory_space<vmem>>, vector<1x1x16xf32>,
        %get3A_451 = arith.constant 1 : i32
        %get3A_452 = arith.index_cast %get3A_451 : i32 to index
        %get3A_453 = arith.index_cast %scan3A_356 : i32 to index
        %get3A_454 = arith.constant 32 : index
        %get3A_455 = tpu.vector_load %arg8[%get3A_452, %get3A_453, %get3A_454] {strides = array<i32>} : memref<2x128x64xf32, #tpu.memory_space<vmem>>, vector<1x1x16xf32>,
        %get3A_456 = vector.shape_cast %get3A_455 : vector<1x1x16xf32> to vector<16xf32>
        %mul3A_457 = arith.constant 8.000000e+00 : f32
        %mul3A_458 = vector.broadcast %mul3A_457 : f32 to vector<16xf32>
        %mul3A_459 = arith.mulf %get3A_456, %mul3A_458 : vector<16xf32>
        %swap3A_460 = arith.constant 1 : i32
        %swap3A_461 = arith.index_cast %swap3A_460 : i32 to index
        %swap3A_462 = arith.index_cast %scan3A_356 : i32 to index
        %swap3A_463 = arith.constant 32 : index
        %swap3A_464 = tpu.vector_load %arg8[%swap3A_461, %swap3A_462, %swap3A_463] {strides = array<i32>} : memref<2x128x64xf32, #tpu.memory_space<vmem>>, vector<1x1x16xf32>,
        %swap3A_465 = vector.shape_cast %swap3A_464 : vector<1x1x16xf32> to vector<16xf32>
        %swap3A_466 = vector.shape_cast %mul3A_459 : vector<16xf32> to vector<1x1x16xf32>
        tpu.vector_store %arg8[%swap3A_461, %swap3A_462, %swap3A_463], %swap3A_466 {strides = array<i32>} : memref<2x128x64xf32, #tpu.memory_space<vmem>>, vector<1x1x16xf32>,
        %get3A_467 = arith.constant 1 : i32
        %get3A_468 = arith.index_cast %get3A_467 : i32 to index
        %get3A_469 = arith.index_cast %scan3A_356 : i32 to index
        %get3A_470 = arith.constant 48 : index
        %get3A_471 = tpu.vector_load %arg8[%get3A_468, %get3A_469, %get3A_470] {strides = array<i32>} : memref<2x128x64xf32, #tpu.memory_space<vmem>>, vector<1x1x16xf32>,
        %get3A_472 = vector.shape_cast %get3A_471 : vector<1x1x16xf32> to vector<16xf32>
        %mul3A_473 = arith.constant 8.000000e+00 : f32
        %mul3A_474 = vector.broadcast %mul3A_473 : f32 to vector<16xf32>
        %mul3A_475 = arith.mulf %get3A_472, %mul3A_474 : vector<16xf32>
        %swap3A_476 = arith.constant 1 : i32
        %swap3A_477 = arith.index_cast %swap3A_476 : i32 to index
        %swap3A_478 = arith.index_cast %scan3A_356 : i32 to index
        %swap3A_479 = arith.constant 48 : index
        %swap3A_480 = tpu.vector_load %arg8[%swap3A_477, %swap3A_478, %swap3A_479] {strides = array<i32>} : memref<2x128x64xf32, #tpu.memory_space<vmem>>, vector<1x1x16xf32>,
        %swap3A_481 = vector.shape_cast %swap3A_480 : vector<1x1x16xf32> to vector<16xf32>
        %swap3A_482 = vector.shape_cast %mul3A_475 : vector<16xf32> to vector<1x1x16xf32>
        tpu.vector_store %arg8[%swap3A_477, %swap3A_478, %swap3A_479], %swap3A_482 {strides = array<i32>} : memref<2x128x64xf32, #tpu.memory_space<vmem>>, vector<1x1x16xf32>,
        %scan3A_483 = arith.constant 1 : i32
        %scan3A_484 = arith.addi %scan3A_356, %scan3A_483 : i32
        %get3A_485 = arith.constant 0 : i32
        %get3A_486 = arith.index_cast %get3A_485 : i32 to index
        %get3A_487 = arith.index_cast %scan3A_484 : i32 to index
        %get3A_488 = arith.constant 0 : index
        %get3A_489 = tpu.vector_load %arg8[%get3A_486, %get3A_487, %get3A_488] {strides = array<i32>} : memref<2x128x64xf32, #tpu.memory_space<vmem>>, vector<1x1x16xf32>,
        %get3A_490 = vector.shape_cast %get3A_489 : vector<1x1x16xf32> to vector<16xf32>
        %mul3A_491 = arith.constant 8.000000e+00 : f32
        %mul3A_492 = vector.broadcast %mul3A_491 : f32 to vector<16xf32>
        %mul3A_493 = arith.mulf %get3A_490, %mul3A_492 : vector<16xf32>
        %swap3A_494 = arith.constant 0 : i32
        %swap3A_495 = arith.index_cast %swap3A_494 : i32 to index
        %swap3A_496 = arith.index_cast %scan3A_484 : i32 to index
        %swap3A_497 = arith.constant 0 : index
        %swap3A_498 = tpu.vector_load %arg8[%swap3A_495, %swap3A_496, %swap3A_497] {strides = array<i32>} : memref<2x128x64xf32, #tpu.memory_space<vmem>>, vector<1x1x16xf32>,
        %swap3A_499 = vector.shape_cast %swap3A_498 : vector<1x1x16xf32> to vector<16xf32>
        %swap3A_500 = vector.shape_cast %mul3A_493 : vector<16xf32> to vector<1x1x16xf32>
        tpu.vector_store %arg8[%swap3A_495, %swap3A_496, %swap3A_497], %swap3A_500 {strides = array<i32>} : memref<2x128x64xf32, #tpu.memory_space<vmem>>, vector<1x1x16xf32>,
        %get3A_501 = arith.constant 0 : i32
        %get3A_502 = arith.index_cast %get3A_501 : i32 to index
        %get3A_503 = arith.index_cast %scan3A_484 : i32 to index
        %get3A_504 = arith.constant 16 : index
        %get3A_505 = tpu.vector_load %arg8[%get3A_502, %get3A_503, %get3A_504] {strides = array<i32>} : memref<2x128x64xf32, #tpu.memory_space<vmem>>, vector<1x1x16xf32>,
        %get3A_506 = vector.shape_cast %get3A_505 : vector<1x1x16xf32> to vector<16xf32>
        %mul3A_507 = arith.constant 8.000000e+00 : f32
        %mul3A_508 = vector.broadcast %mul3A_507 : f32 to vector<16xf32>
        %mul3A_509 = arith.mulf %get3A_506, %mul3A_508 : vector<16xf32>
        %swap3A_510 = arith.constant 0 : i32
        %swap3A_511 = arith.index_cast %swap3A_510 : i32 to index
        %swap3A_512 = arith.index_cast %scan3A_484 : i32 to index
        %swap3A_513 = arith.constant 16 : index
        %swap3A_514 = tpu.vector_load %arg8[%swap3A_511, %swap3A_512, %swap3A_513] {strides = array<i32>} : memref<2x128x64xf32, #tpu.memory_space<vmem>>, vector<1x1x16xf32>,
        %swap3A_515 = vector.shape_cast %swap3A_514 : vector<1x1x16xf32> to vector<16xf32>
        %swap3A_516 = vector.shape_cast %mul3A_509 : vector<16xf32> to vector<1x1x16xf32>
        tpu.vector_store %arg8[%swap3A_511, %swap3A_512, %swap3A_513], %swap3A_516 {strides = array<i32>} : memref<2x128x64xf32, #tpu.memory_space<vmem>>, vector<1x1x16xf32>,
        %get3A_517 = arith.constant 0 : i32
        %get3A_518 = arith.index_cast %get3A_517 : i32 to index
        %get3A_519 = arith.index_cast %scan3A_484 : i32 to index
        %get3A_520 = arith.constant 32 : index
        %get3A_521 = tpu.vector_load %arg8[%get3A_518, %get3A_519, %get3A_520] {strides = array<i32>} : memref<2x128x64xf32, #tpu.memory_space<vmem>>, vector<1x1x16xf32>,
        %get3A_522 = vector.shape_cast %get3A_521 : vector<1x1x16xf32> to vector<16xf32>
        %mul3A_523 = arith.constant 8.000000e+00 : f32
        %mul3A_524 = vector.broadcast %mul3A_523 : f32 to vector<16xf32>
        %mul3A_525 = arith.mulf %get3A_522, %mul3A_524 : vector<16xf32>
        %swap3A_526 = arith.constant 0 : i32
        %swap3A_527 = arith.index_cast %swap3A_526 : i32 to index
        %swap3A_528 = arith.index_cast %scan3A_484 : i32 to index
        %swap3A_529 = arith.constant 32 : index
        %swap3A_530 = tpu.vector_load %arg8[%swap3A_527, %swap3A_528, %swap3A_529] {strides = array<i32>} : memref<2x128x64xf32, #tpu.memory_space<vmem>>, vector<1x1x16xf32>,
        %swap3A_531 = vector.shape_cast %swap3A_530 : vector<1x1x16xf32> to vector<16xf32>
        %swap3A_532 = vector.shape_cast %mul3A_525 : vector<16xf32> to vector<1x1x16xf32>
        tpu.vector_store %arg8[%swap3A_527, %swap3A_528, %swap3A_529], %swap3A_532 {strides = array<i32>} : memref<2x128x64xf32, #tpu.memory_space<vmem>>, vector<1x1x16xf32>,
        %get3A_533 = arith.constant 0 : i32
        %get3A_534 = arith.index_cast %get3A_533 : i32 to index
        %get3A_535 = arith.index_cast %scan3A_484 : i32 to index
        %get3A_536 = arith.constant 48 : index
        %get3A_537 = tpu.vector_load %arg8[%get3A_534, %get3A_535, %get3A_536] {strides = array<i32>} : memref<2x128x64xf32, #tpu.memory_space<vmem>>, vector<1x1x16xf32>,
        %get3A_538 = vector.shape_cast %get3A_537 : vector<1x1x16xf32> to vector<16xf32>
        %mul3A_539 = arith.constant 8.000000e+00 : f32
        %mul3A_540 = vector.broadcast %mul3A_539 : f32 to vector<16xf32>
        %mul3A_541 = arith.mulf %get3A_538, %mul3A_540 : vector<16xf32>
        %swap3A_542 = arith.constant 0 : i32
        %swap3A_543 = arith.index_cast %swap3A_542 : i32 to index
        %swap3A_544 = arith.index_cast %scan3A_484 : i32 to index
        %swap3A_545 = arith.constant 48 : index
        %swap3A_546 = tpu.vector_load %arg8[%swap3A_543, %swap3A_544, %swap3A_545] {strides = array<i32>} : memref<2x128x64xf32, #tpu.memory_space<vmem>>, vector<1x1x16xf32>,
        %swap3A_547 = vector.shape_cast %swap3A_546 : vector<1x1x16xf32> to vector<16xf32>
        %swap3A_548 = vector.shape_cast %mul3A_541 : vector<16xf32> to vector<1x1x16xf32>
        tpu.vector_store %arg8[%swap3A_543, %swap3A_544, %swap3A_545], %swap3A_548 {strides = array<i32>} : memref<2x128x64xf32, #tpu.memory_space<vmem>>, vector<1x1x16xf32>,
        %get3A_549 = arith.constant 1 : i32
        %get3A_550 = arith.index_cast %get3A_549 : i32 to index
        %get3A_551 = arith.index_cast %scan3A_484 : i32 to index
        %get3A_552 = arith.constant 0 : index
        %get3A_553 = tpu.vector_load %arg8[%get3A_550, %get3A_551, %get3A_552] {strides = array<i32>} : memref<2x128x64xf32, #tpu.memory_space<vmem>>, vector<1x1x16xf32>,
        %get3A_554 = vector.shape_cast %get3A_553 : vector<1x1x16xf32> to vector<16xf32>
        %mul3A_555 = arith.constant 8.000000e+00 : f32
        %mul3A_556 = vector.broadcast %mul3A_555 : f32 to vector<16xf32>
        %mul3A_557 = arith.mulf %get3A_554, %mul3A_556 : vector<16xf32>
        %swap3A_558 = arith.constant 1 : i32
        %swap3A_559 = arith.index_cast %swap3A_558 : i32 to index
        %swap3A_560 = arith.index_cast %scan3A_484 : i32 to index
        %swap3A_561 = arith.constant 0 : index
        %swap3A_562 = tpu.vector_load %arg8[%swap3A_559, %swap3A_560, %swap3A_561] {strides = array<i32>} : memref<2x128x64xf32, #tpu.memory_space<vmem>>, vector<1x1x16xf32>,
        %swap3A_563 = vector.shape_cast %swap3A_562 : vector<1x1x16xf32> to vector<16xf32>
        %swap3A_564 = vector.shape_cast %mul3A_557 : vector<16xf32> to vector<1x1x16xf32>
        tpu.vector_store %arg8[%swap3A_559, %swap3A_560, %swap3A_561], %swap3A_564 {strides = array<i32>} : memref<2x128x64xf32, #tpu.memory_space<vmem>>, vector<1x1x16xf32>,
        %get3A_565 = arith.constant 1 : i32
        %get3A_566 = arith.index_cast %get3A_565 : i32 to index
        %get3A_567 = arith.index_cast %scan3A_484 : i32 to index
        %get3A_568 = arith.constant 16 : index
        %get3A_569 = tpu.vector_load %arg8[%get3A_566, %get3A_567, %get3A_568] {strides = array<i32>} : memref<2x128x64xf32, #tpu.memory_space<vmem>>, vector<1x1x16xf32>,
        %get3A_570 = vector.shape_cast %get3A_569 : vector<1x1x16xf32> to vector<16xf32>
        %mul3A_571 = arith.constant 8.000000e+00 : f32
        %mul3A_572 = vector.broadcast %mul3A_571 : f32 to vector<16xf32>
        %mul3A_573 = arith.mulf %get3A_570, %mul3A_572 : vector<16xf32>
        %swap3A_574 = arith.constant 1 : i32
        %swap3A_575 = arith.index_cast %swap3A_574 : i32 to index
        %swap3A_576 = arith.index_cast %scan3A_484 : i32 to index
        %swap3A_577 = arith.constant 16 : index
        %swap3A_578 = tpu.vector_load %arg8[%swap3A_575, %swap3A_576, %swap3A_577] {strides = array<i32>} : memref<2x128x64xf32, #tpu.memory_space<vmem>>, vector<1x1x16xf32>,
        %swap3A_579 = vector.shape_cast %swap3A_578 : vector<1x1x16xf32> to vector<16xf32>
        %swap3A_580 = vector.shape_cast %mul3A_573 : vector<16xf32> to vector<1x1x16xf32>
        tpu.vector_store %arg8[%swap3A_575, %swap3A_576, %swap3A_577], %swap3A_580 {strides = array<i32>} : memref<2x128x64xf32, #tpu.memory_space<vmem>>, vector<1x1x16xf32>,
        %get3A_581 = arith.constant 1 : i32
        %get3A_582 = arith.index_cast %get3A_581 : i32 to index
        %get3A_583 = arith.index_cast %scan3A_484 : i32 to index
        %get3A_584 = arith.constant 32 : index
        %get3A_585 = tpu.vector_load %arg8[%get3A_582, %get3A_583, %get3A_584] {strides = array<i32>} : memref<2x128x64xf32, #tpu.memory_space<vmem>>, vector<1x1x16xf32>,
        %get3A_586 = vector.shape_cast %get3A_585 : vector<1x1x16xf32> to vector<16xf32>
        %mul3A_587 = arith.constant 8.000000e+00 : f32
        %mul3A_588 = vector.broadcast %mul3A_587 : f32 to vector<16xf32>
        %mul3A_589 = arith.mulf %get3A_586, %mul3A_588 : vector<16xf32>
        %swap3A_590 = arith.constant 1 : i32
        %swap3A_591 = arith.index_cast %swap3A_590 : i32 to index
        %swap3A_592 = arith.index_cast %scan3A_484 : i32 to index
        %swap3A_593 = arith.constant 32 : index
        %swap3A_594 = tpu.vector_load %arg8[%swap3A_591, %swap3A_592, %swap3A_593] {strides = array<i32>} : memref<2x128x64xf32, #tpu.memory_space<vmem>>, vector<1x1x16xf32>,
        %swap3A_595 = vector.shape_cast %swap3A_594 : vector<1x1x16xf32> to vector<16xf32>
        %swap3A_596 = vector.shape_cast %mul3A_589 : vector<16xf32> to vector<1x1x16xf32>
        tpu.vector_store %arg8[%swap3A_591, %swap3A_592, %swap3A_593], %swap3A_596 {strides = array<i32>} : memref<2x128x64xf32, #tpu.memory_space<vmem>>, vector<1x1x16xf32>,
        %get3A_597 = arith.constant 1 : i32
        %get3A_598 = arith.index_cast %get3A_597 : i32 to index
        %get3A_599 = arith.index_cast %scan3A_484 : i32 to index
        %get3A_600 = arith.constant 48 : index
        %get3A_601 = tpu.vector_load %arg8[%get3A_598, %get3A_599, %get3A_600] {strides = array<i32>} : memref<2x128x64xf32, #tpu.memory_space<vmem>>, vector<1x1x16xf32>,
        %get3A_602 = vector.shape_cast %get3A_601 : vector<1x1x16xf32> to vector<16xf32>
        %mul3A_603 = arith.constant 8.000000e+00 : f32
        %mul3A_604 = vector.broadcast %mul3A_603 : f32 to vector<16xf32>
        %mul3A_605 = arith.mulf %get3A_602, %mul3A_604 : vector<16xf32>
        %swap3A_606 = arith.constant 1 : i32
        %swap3A_607 = arith.index_cast %swap3A_606 : i32 to index
        %swap3A_608 = arith.index_cast %scan3A_484 : i32 to index
        %swap3A_609 = arith.constant 48 : index
        %swap3A_610 = tpu.vector_load %arg8[%swap3A_607, %swap3A_608, %swap3A_609] {strides = array<i32>} : memref<2x128x64xf32, #tpu.memory_space<vmem>>, vector<1x1x16xf32>,
        %swap3A_611 = vector.shape_cast %swap3A_610 : vector<1x1x16xf32> to vector<16xf32>
        %swap3A_612 = vector.shape_cast %mul3A_605 : vector<16xf32> to vector<1x1x16xf32>
        tpu.vector_store %arg8[%swap3A_607, %swap3A_608, %swap3A_609], %swap3A_612 {strides = array<i32>} : memref<2x128x64xf32, #tpu.memory_space<vmem>>, vector<1x1x16xf32>,
        %scan3A_613 = arith.constant 2 : i32
        %scan3A_614 = arith.addi %scan3A_356, %scan3A_613 : i32
        %get3A_615 = arith.constant 0 : i32
        %get3A_616 = arith.index_cast %get3A_615 : i32 to index
        %get3A_617 = arith.index_cast %scan3A_614 : i32 to index
        %get3A_618 = arith.constant 0 : index
        %get3A_619 = tpu.vector_load %arg8[%get3A_616, %get3A_617, %get3A_618] {strides = array<i32>} : memref<2x128x64xf32, #tpu.memory_space<vmem>>, vector<1x1x16xf32>,
        %get3A_620 = vector.shape_cast %get3A_619 : vector<1x1x16xf32> to vector<16xf32>
        %mul3A_621 = arith.constant 8.000000e+00 : f32
        %mul3A_622 = vector.broadcast %mul3A_621 : f32 to vector<16xf32>
        %mul3A_623 = arith.mulf %get3A_620, %mul3A_622 : vector<16xf32>
        %swap3A_624 = arith.constant 0 : i32
        %swap3A_625 = arith.index_cast %swap3A_624 : i32 to index
        %swap3A_626 = arith.index_cast %scan3A_614 : i32 to index
        %swap3A_627 = arith.constant 0 : index
        %swap3A_628 = tpu.vector_load %arg8[%swap3A_625, %swap3A_626, %swap3A_627] {strides = array<i32>} : memref<2x128x64xf32, #tpu.memory_space<vmem>>, vector<1x1x16xf32>,
        %swap3A_629 = vector.shape_cast %swap3A_628 : vector<1x1x16xf32> to vector<16xf32>
        %swap3A_630 = vector.shape_cast %mul3A_623 : vector<16xf32> to vector<1x1x16xf32>
        tpu.vector_store %arg8[%swap3A_625, %swap3A_626, %swap3A_627], %swap3A_630 {strides = array<i32>} : memref<2x128x64xf32, #tpu.memory_space<vmem>>, vector<1x1x16xf32>,
        %get3A_631 = arith.constant 0 : i32
        %get3A_632 = arith.index_cast %get3A_631 : i32 to index
        %get3A_633 = arith.index_cast %scan3A_614 : i32 to index
        %get3A_634 = arith.constant 16 : index
        %get3A_635 = tpu.vector_load %arg8[%get3A_632, %get3A_633, %get3A_634] {strides = array<i32>} : memref<2x128x64xf32, #tpu.memory_space<vmem>>, vector<1x1x16xf32>,
        %get3A_636 = vector.shape_cast %get3A_635 : vector<1x1x16xf32> to vector<16xf32>
        %mul3A_637 = arith.constant 8.000000e+00 : f32
        %mul3A_638 = vector.broadcast %mul3A_637 : f32 to vector<16xf32>
        %mul3A_639 = arith.mulf %get3A_636, %mul3A_638 : vector<16xf32>
        %swap3A_640 = arith.constant 0 : i32
        %swap3A_641 = arith.index_cast %swap3A_640 : i32 to index
        %swap3A_642 = arith.index_cast %scan3A_614 : i32 to index
        %swap3A_643 = arith.constant 16 : index
        %swap3A_644 = tpu.vector_load %arg8[%swap3A_641, %swap3A_642, %swap3A_643] {strides = array<i32>} : memref<2x128x64xf32, #tpu.memory_space<vmem>>, vector<1x1x16xf32>,
        %swap3A_645 = vector.shape_cast %swap3A_644 : vector<1x1x16xf32> to vector<16xf32>
        %swap3A_646 = vector.shape_cast %mul3A_639 : vector<16xf32> to vector<1x1x16xf32>
        tpu.vector_store %arg8[%swap3A_641, %swap3A_642, %swap3A_643], %swap3A_646 {strides = array<i32>} : memref<2x128x64xf32, #tpu.memory_space<vmem>>, vector<1x1x16xf32>,
        %get3A_647 = arith.constant 0 : i32
        %get3A_648 = arith.index_cast %get3A_647 : i32 to index
        %get3A_649 = arith.index_cast %scan3A_614 : i32 to index
        %get3A_650 = arith.constant 32 : index
        %get3A_651 = tpu.vector_load %arg8[%get3A_648, %get3A_649, %get3A_650] {strides = array<i32>} : memref<2x128x64xf32, #tpu.memory_space<vmem>>, vector<1x1x16xf32>,
        %get3A_652 = vector.shape_cast %get3A_651 : vector<1x1x16xf32> to vector<16xf32>
        %mul3A_653 = arith.constant 8.000000e+00 : f32
        %mul3A_654 = vector.broadcast %mul3A_653 : f32 to vector<16xf32>
        %mul3A_655 = arith.mulf %get3A_652, %mul3A_654 : vector<16xf32>
        %swap3A_656 = arith.constant 0 : i32
        %swap3A_657 = arith.index_cast %swap3A_656 : i32 to index
        %swap3A_658 = arith.index_cast %scan3A_614 : i32 to index
        %swap3A_659 = arith.constant 32 : index
        %swap3A_660 = tpu.vector_load %arg8[%swap3A_657, %swap3A_658, %swap3A_659] {strides = array<i32>} : memref<2x128x64xf32, #tpu.memory_space<vmem>>, vector<1x1x16xf32>,
        %swap3A_661 = vector.shape_cast %swap3A_660 : vector<1x1x16xf32> to vector<16xf32>
        %swap3A_662 = vector.shape_cast %mul3A_655 : vector<16xf32> to vector<1x1x16xf32>
        tpu.vector_store %arg8[%swap3A_657, %swap3A_658, %swap3A_659], %swap3A_662 {strides = array<i32>} : memref<2x128x64xf32, #tpu.memory_space<vmem>>, vector<1x1x16xf32>,
        %get3A_663 = arith.constant 0 : i32
        %get3A_664 = arith.index_cast %get3A_663 : i32 to index
        %get3A_665 = arith.index_cast %scan3A_614 : i32 to index
        %get3A_666 = arith.constant 48 : index
        %get3A_667 = tpu.vector_load %arg8[%get3A_664, %get3A_665, %get3A_666] {strides = array<i32>} : memref<2x128x64xf32, #tpu.memory_space<vmem>>, vector<1x1x16xf32>,
        %get3A_668 = vector.shape_cast %get3A_667 : vector<1x1x16xf32> to vector<16xf32>
        %mul3A_669 = arith.constant 8.000000e+00 : f32
        %mul3A_670 = vector.broadcast %mul3A_669 : f32 to vector<16xf32>
        %mul3A_671 = arith.mulf %get3A_668, %mul3A_670 : vector<16xf32>
        %swap3A_672 = arith.constant 0 : i32
        %swap3A_673 = arith.index_cast %swap3A_672 : i32 to index
        %swap3A_674 = arith.index_cast %scan3A_614 : i32 to index
        %swap3A_675 = arith.constant 48 : index
        %swap3A_676 = tpu.vector_load %arg8[%swap3A_673, %swap3A_674, %swap3A_675] {strides = array<i32>} : memref<2x128x64xf32, #tpu.memory_space<vmem>>, vector<1x1x16xf32>,
        %swap3A_677 = vector.shape_cast %swap3A_676 : vector<1x1x16xf32> to vector<16xf32>
        %swap3A_678 = vector.shape_cast %mul3A_671 : vector<16xf32> to vector<1x1x16xf32>
        tpu.vector_store %arg8[%swap3A_673, %swap3A_674, %swap3A_675], %swap3A_678 {strides = array<i32>} : memref<2x128x64xf32, #tpu.memory_space<vmem>>, vector<1x1x16xf32>,
        %get3A_679 = arith.constant 1 : i32
        %get3A_680 = arith.index_cast %get3A_679 : i32 to index
        %get3A_681 = arith.index_cast %scan3A_614 : i32 to index
        %get3A_682 = arith.constant 0 : index
        %get3A_683 = tpu.vector_load %arg8[%get3A_680, %get3A_681, %get3A_682] {strides = array<i32>} : memref<2x128x64xf32, #tpu.memory_space<vmem>>, vector<1x1x16xf32>,
        %get3A_684 = vector.shape_cast %get3A_683 : vector<1x1x16xf32> to vector<16xf32>
        %mul3A_685 = arith.constant 8.000000e+00 : f32
        %mul3A_686 = vector.broadcast %mul3A_685 : f32 to vector<16xf32>
        %mul3A_687 = arith.mulf %get3A_684, %mul3A_686 : vector<16xf32>
        %swap3A_688 = arith.constant 1 : i32
        %swap3A_689 = arith.index_cast %swap3A_688 : i32 to index
        %swap3A_690 = arith.index_cast %scan3A_614 : i32 to index
        %swap3A_691 = arith.constant 0 : index
        %swap3A_692 = tpu.vector_load %arg8[%swap3A_689, %swap3A_690, %swap3A_691] {strides = array<i32>} : memref<2x128x64xf32, #tpu.memory_space<vmem>>, vector<1x1x16xf32>,
        %swap3A_693 = vector.shape_cast %swap3A_692 : vector<1x1x16xf32> to vector<16xf32>
        %swap3A_694 = vector.shape_cast %mul3A_687 : vector<16xf32> to vector<1x1x16xf32>
        tpu.vector_store %arg8[%swap3A_689, %swap3A_690, %swap3A_691], %swap3A_694 {strides = array<i32>} : memref<2x128x64xf32, #tpu.memory_space<vmem>>, vector<1x1x16xf32>,
        %get3A_695 = arith.constant 1 : i32
        %get3A_696 = arith.index_cast %get3A_695 : i32 to index
        %get3A_697 = arith.index_cast %scan3A_614 : i32 to index
        %get3A_698 = arith.constant 16 : index
        %get3A_699 = tpu.vector_load %arg8[%get3A_696, %get3A_697, %get3A_698] {strides = array<i32>} : memref<2x128x64xf32, #tpu.memory_space<vmem>>, vector<1x1x16xf32>,
        %get3A_700 = vector.shape_cast %get3A_699 : vector<1x1x16xf32> to vector<16xf32>
        %mul3A_701 = arith.constant 8.000000e+00 : f32
        %mul3A_702 = vector.broadcast %mul3A_701 : f32 to vector<16xf32>
        %mul3A_703 = arith.mulf %get3A_700, %mul3A_702 : vector<16xf32>
        %swap3A_704 = arith.constant 1 : i32
        %swap3A_705 = arith.index_cast %swap3A_704 : i32 to index
        %swap3A_706 = arith.index_cast %scan3A_614 : i32 to index
        %swap3A_707 = arith.constant 16 : index
        %swap3A_708 = tpu.vector_load %arg8[%swap3A_705, %swap3A_706, %swap3A_707] {strides = array<i32>} : memref<2x128x64xf32, #tpu.memory_space<vmem>>, vector<1x1x16xf32>,
        %swap3A_709 = vector.shape_cast %swap3A_708 : vector<1x1x16xf32> to vector<16xf32>
        %swap3A_710 = vector.shape_cast %mul3A_703 : vector<16xf32> to vector<1x1x16xf32>
        tpu.vector_store %arg8[%swap3A_705, %swap3A_706, %swap3A_707], %swap3A_710 {strides = array<i32>} : memref<2x128x64xf32, #tpu.memory_space<vmem>>, vector<1x1x16xf32>,
        %get3A_711 = arith.constant 1 : i32
        %get3A_712 = arith.index_cast %get3A_711 : i32 to index
        %get3A_713 = arith.index_cast %scan3A_614 : i32 to index
        %get3A_714 = arith.constant 32 : index
        %get3A_715 = tpu.vector_load %arg8[%get3A_712, %get3A_713, %get3A_714] {strides = array<i32>} : memref<2x128x64xf32, #tpu.memory_space<vmem>>, vector<1x1x16xf32>,
        %get3A_716 = vector.shape_cast %get3A_715 : vector<1x1x16xf32> to vector<16xf32>
        %mul3A_717 = arith.constant 8.000000e+00 : f32
        %mul3A_718 = vector.broadcast %mul3A_717 : f32 to vector<16xf32>
        %mul3A_719 = arith.mulf %get3A_716, %mul3A_718 : vector<16xf32>
        %swap3A_720 = arith.constant 1 : i32
        %swap3A_721 = arith.index_cast %swap3A_720 : i32 to index
        %swap3A_722 = arith.index_cast %scan3A_614 : i32 to index
        %swap3A_723 = arith.constant 32 : index
        %swap3A_724 = tpu.vector_load %arg8[%swap3A_721, %swap3A_722, %swap3A_723] {strides = array<i32>} : memref<2x128x64xf32, #tpu.memory_space<vmem>>, vector<1x1x16xf32>,
        %swap3A_725 = vector.shape_cast %swap3A_724 : vector<1x1x16xf32> to vector<16xf32>
        %swap3A_726 = vector.shape_cast %mul3A_719 : vector<16xf32> to vector<1x1x16xf32>
        tpu.vector_store %arg8[%swap3A_721, %swap3A_722, %swap3A_723], %swap3A_726 {strides = array<i32>} : memref<2x128x64xf32, #tpu.memory_space<vmem>>, vector<1x1x16xf32>,
        %get3A_727 = arith.constant 1 : i32
        %get3A_728 = arith.index_cast %get3A_727 : i32 to index
        %get3A_729 = arith.index_cast %scan3A_614 : i32 to index
        %get3A_730 = arith.constant 48 : index
        %get3A_731 = tpu.vector_load %arg8[%get3A_728, %get3A_729, %get3A_730] {strides = array<i32>} : memref<2x128x64xf32, #tpu.memory_space<vmem>>, vector<1x1x16xf32>,
        %get3A_732 = vector.shape_cast %get3A_731 : vector<1x1x16xf32> to vector<16xf32>
        %mul3A_733 = arith.constant 8.000000e+00 : f32
        %mul3A_734 = vector.broadcast %mul3A_733 : f32 to vector<16xf32>
        %mul3A_735 = arith.mulf %get3A_732, %mul3A_734 : vector<16xf32>
        %swap3A_736 = arith.constant 1 : i32
        %swap3A_737 = arith.index_cast %swap3A_736 : i32 to index
        %swap3A_738 = arith.index_cast %scan3A_614 : i32 to index
        %swap3A_739 = arith.constant 48 : index
        %swap3A_740 = tpu.vector_load %arg8[%swap3A_737, %swap3A_738, %swap3A_739] {strides = array<i32>} : memref<2x128x64xf32, #tpu.memory_space<vmem>>, vector<1x1x16xf32>,
        %swap3A_741 = vector.shape_cast %swap3A_740 : vector<1x1x16xf32> to vector<16xf32>
        %swap3A_742 = vector.shape_cast %mul3A_735 : vector<16xf32> to vector<1x1x16xf32>
        tpu.vector_store %arg8[%swap3A_737, %swap3A_738, %swap3A_739], %swap3A_742 {strides = array<i32>} : memref<2x128x64xf32, #tpu.memory_space<vmem>>, vector<1x1x16xf32>,
        %scan3A_743 = arith.constant 3 : i32
        %scan3A_744 = arith.addi %scan3A_356, %scan3A_743 : i32
        %get3A_745 = arith.constant 0 : i32
        %get3A_746 = arith.index_cast %get3A_745 : i32 to index
        %get3A_747 = arith.index_cast %scan3A_744 : i32 to index
        %get3A_748 = arith.constant 0 : index
        %get3A_749 = tpu.vector_load %arg8[%get3A_746, %get3A_747, %get3A_748] {strides = array<i32>} : memref<2x128x64xf32, #tpu.memory_space<vmem>>, vector<1x1x16xf32>,
        %get3A_750 = vector.shape_cast %get3A_749 : vector<1x1x16xf32> to vector<16xf32>
        %mul3A_751 = arith.constant 8.000000e+00 : f32
        %mul3A_752 = vector.broadcast %mul3A_751 : f32 to vector<16xf32>
        %mul3A_753 = arith.mulf %get3A_750, %mul3A_752 : vector<16xf32>
        %swap3A_754 = arith.constant 0 : i32
        %swap3A_755 = arith.index_cast %swap3A_754 : i32 to index
        %swap3A_756 = arith.index_cast %scan3A_744 : i32 to index
        %swap3A_757 = arith.constant 0 : index
        %swap3A_758 = tpu.vector_load %arg8[%swap3A_755, %swap3A_756, %swap3A_757] {strides = array<i32>} : memref<2x128x64xf32, #tpu.memory_space<vmem>>, vector<1x1x16xf32>,
        %swap3A_759 = vector.shape_cast %swap3A_758 : vector<1x1x16xf32> to vector<16xf32>
        %swap3A_760 = vector.shape_cast %mul3A_753 : vector<16xf32> to vector<1x1x16xf32>
        tpu.vector_store %arg8[%swap3A_755, %swap3A_756, %swap3A_757], %swap3A_760 {strides = array<i32>} : memref<2x128x64xf32, #tpu.memory_space<vmem>>, vector<1x1x16xf32>,
        %get3A_761 = arith.constant 0 : i32
        %get3A_762 = arith.index_cast %get3A_761 : i32 to index
        %get3A_763 = arith.index_cast %scan3A_744 : i32 to index
        %get3A_764 = arith.constant 16 : index
        %get3A_765 = tpu.vector_load %arg8[%get3A_762, %get3A_763, %get3A_764] {strides = array<i32>} : memref<2x128x64xf32, #tpu.memory_space<vmem>>, vector<1x1x16xf32>,
        %get3A_766 = vector.shape_cast %get3A_765 : vector<1x1x16xf32> to vector<16xf32>
        %mul3A_767 = arith.constant 8.000000e+00 : f32
        %mul3A_768 = vector.broadcast %mul3A_767 : f32 to vector<16xf32>
        %mul3A_769 = arith.mulf %get3A_766, %mul3A_768 : vector<16xf32>
        %swap3A_770 = arith.constant 0 : i32
        %swap3A_771 = arith.index_cast %swap3A_770 : i32 to index
        %swap3A_772 = arith.index_cast %scan3A_744 : i32 to index
        %swap3A_773 = arith.constant 16 : index
        %swap3A_774 = tpu.vector_load %arg8[%swap3A_771, %swap3A_772, %swap3A_773] {strides = array<i32>} : memref<2x128x64xf32, #tpu.memory_space<vmem>>, vector<1x1x16xf32>,
        %swap3A_775 = vector.shape_cast %swap3A_774 : vector<1x1x16xf32> to vector<16xf32>
        %swap3A_776 = vector.shape_cast %mul3A_769 : vector<16xf32> to vector<1x1x16xf32>
        tpu.vector_store %arg8[%swap3A_771, %swap3A_772, %swap3A_773], %swap3A_776 {strides = array<i32>} : memref<2x128x64xf32, #tpu.memory_space<vmem>>, vector<1x1x16xf32>,
        %get3A_777 = arith.constant 0 : i32
        %get3A_778 = arith.index_cast %get3A_777 : i32 to index
        %get3A_779 = arith.index_cast %scan3A_744 : i32 to index
        %get3A_780 = arith.constant 32 : index
        %get3A_781 = tpu.vector_load %arg8[%get3A_778, %get3A_779, %get3A_780] {strides = array<i32>} : memref<2x128x64xf32, #tpu.memory_space<vmem>>, vector<1x1x16xf32>,
        %get3A_782 = vector.shape_cast %get3A_781 : vector<1x1x16xf32> to vector<16xf32>
        %mul3A_783 = arith.constant 8.000000e+00 : f32
        %mul3A_784 = vector.broadcast %mul3A_783 : f32 to vector<16xf32>
        %mul3A_785 = arith.mulf %get3A_782, %mul3A_784 : vector<16xf32>
        %swap3A_786 = arith.constant 0 : i32
        %swap3A_787 = arith.index_cast %swap3A_786 : i32 to index
        %swap3A_788 = arith.index_cast %scan3A_744 : i32 to index
        %swap3A_789 = arith.constant 32 : index
        %swap3A_790 = tpu.vector_load %arg8[%swap3A_787, %swap3A_788, %swap3A_789] {strides = array<i32>} : memref<2x128x64xf32, #tpu.memory_space<vmem>>, vector<1x1x16xf32>,
        %swap3A_791 = vector.shape_cast %swap3A_790 : vector<1x1x16xf32> to vector<16xf32>
        %swap3A_792 = vector.shape_cast %mul3A_785 : vector<16xf32> to vector<1x1x16xf32>
        tpu.vector_store %arg8[%swap3A_787, %swap3A_788, %swap3A_789], %swap3A_792 {strides = array<i32>} : memref<2x128x64xf32, #tpu.memory_space<vmem>>, vector<1x1x16xf32>,
        %get3A_793 = arith.constant 0 : i32
        %get3A_794 = arith.index_cast %get3A_793 : i32 to index
        %get3A_795 = arith.index_cast %scan3A_744 : i32 to index
        %get3A_796 = arith.constant 48 : index
        %get3A_797 = tpu.vector_load %arg8[%get3A_794, %get3A_795, %get3A_796] {strides = array<i32>} : memref<2x128x64xf32, #tpu.memory_space<vmem>>, vector<1x1x16xf32>,
        %get3A_798 = vector.shape_cast %get3A_797 : vector<1x1x16xf32> to vector<16xf32>
        %mul3A_799 = arith.constant 8.000000e+00 : f32
        %mul3A_800 = vector.broadcast %mul3A_799 : f32 to vector<16xf32>
        %mul3A_801 = arith.mulf %get3A_798, %mul3A_800 : vector<16xf32>
        %swap3A_802 = arith.constant 0 : i32
        %swap3A_803 = arith.index_cast %swap3A_802 : i32 to index
        %swap3A_804 = arith.index_cast %scan3A_744 : i32 to index
        %swap3A_805 = arith.constant 48 : index
        %swap3A_806 = tpu.vector_load %arg8[%swap3A_803, %swap3A_804, %swap3A_805] {strides = array<i32>} : memref<2x128x64xf32, #tpu.memory_space<vmem>>, vector<1x1x16xf32>,
        %swap3A_807 = vector.shape_cast %swap3A_806 : vector<1x1x16xf32> to vector<16xf32>
        %swap3A_808 = vector.shape_cast %mul3A_801 : vector<16xf32> to vector<1x1x16xf32>
        tpu.vector_store %arg8[%swap3A_803, %swap3A_804, %swap3A_805], %swap3A_808 {strides = array<i32>} : memref<2x128x64xf32, #tpu.memory_space<vmem>>, vector<1x1x16xf32>,
        %get3A_809 = arith.constant 1 : i32
        %get3A_810 = arith.index_cast %get3A_809 : i32 to index
        %get3A_811 = arith.index_cast %scan3A_744 : i32 to index
        %get3A_812 = arith.constant 0 : index
        %get3A_813 = tpu.vector_load %arg8[%get3A_810, %get3A_811, %get3A_812] {strides = array<i32>} : memref<2x128x64xf32, #tpu.memory_space<vmem>>, vector<1x1x16xf32>,
        %get3A_814 = vector.shape_cast %get3A_813 : vector<1x1x16xf32> to vector<16xf32>
        %mul3A_815 = arith.constant 8.000000e+00 : f32
        %mul3A_816 = vector.broadcast %mul3A_815 : f32 to vector<16xf32>
        %mul3A_817 = arith.mulf %get3A_814, %mul3A_816 : vector<16xf32>
        %swap3A_818 = arith.constant 1 : i32
        %swap3A_819 = arith.index_cast %swap3A_818 : i32 to index
        %swap3A_820 = arith.index_cast %scan3A_744 : i32 to index
        %swap3A_821 = arith.constant 0 : index
        %swap3A_822 = tpu.vector_load %arg8[%swap3A_819, %swap3A_820, %swap3A_821] {strides = array<i32>} : memref<2x128x64xf32, #tpu.memory_space<vmem>>, vector<1x1x16xf32>,
        %swap3A_823 = vector.shape_cast %swap3A_822 : vector<1x1x16xf32> to vector<16xf32>
        %swap3A_824 = vector.shape_cast %mul3A_817 : vector<16xf32> to vector<1x1x16xf32>
        tpu.vector_store %arg8[%swap3A_819, %swap3A_820, %swap3A_821], %swap3A_824 {strides = array<i32>} : memref<2x128x64xf32, #tpu.memory_space<vmem>>, vector<1x1x16xf32>,
        %get3A_825 = arith.constant 1 : i32
        %get3A_826 = arith.index_cast %get3A_825 : i32 to index
        %get3A_827 = arith.index_cast %scan3A_744 : i32 to index
        %get3A_828 = arith.constant 16 : index
        %get3A_829 = tpu.vector_load %arg8[%get3A_826, %get3A_827, %get3A_828] {strides = array<i32>} : memref<2x128x64xf32, #tpu.memory_space<vmem>>, vector<1x1x16xf32>,
        %get3A_830 = vector.shape_cast %get3A_829 : vector<1x1x16xf32> to vector<16xf32>
        %mul3A_831 = arith.constant 8.000000e+00 : f32
        %mul3A_832 = vector.broadcast %mul3A_831 : f32 to vector<16xf32>
        %mul3A_833 = arith.mulf %get3A_830, %mul3A_832 : vector<16xf32>
        %swap3A_834 = arith.constant 1 : i32
        %swap3A_835 = arith.index_cast %swap3A_834 : i32 to index
        %swap3A_836 = arith.index_cast %scan3A_744 : i32 to index
        %swap3A_837 = arith.constant 16 : index
        %swap3A_838 = tpu.vector_load %arg8[%swap3A_835, %swap3A_836, %swap3A_837] {strides = array<i32>} : memref<2x128x64xf32, #tpu.memory_space<vmem>>, vector<1x1x16xf32>,
        %swap3A_839 = vector.shape_cast %swap3A_838 : vector<1x1x16xf32> to vector<16xf32>
        %swap3A_840 = vector.shape_cast %mul3A_833 : vector<16xf32> to vector<1x1x16xf32>
        tpu.vector_store %arg8[%swap3A_835, %swap3A_836, %swap3A_837], %swap3A_840 {strides = array<i32>} : memref<2x128x64xf32, #tpu.memory_space<vmem>>, vector<1x1x16xf32>,
        %get3A_841 = arith.constant 1 : i32
        %get3A_842 = arith.index_cast %get3A_841 : i32 to index
        %get3A_843 = arith.index_cast %scan3A_744 : i32 to index
        %get3A_844 = arith.constant 32 : index
        %get3A_845 = tpu.vector_load %arg8[%get3A_842, %get3A_843, %get3A_844] {strides = array<i32>} : memref<2x128x64xf32, #tpu.memory_space<vmem>>, vector<1x1x16xf32>,
        %get3A_846 = vector.shape_cast %get3A_845 : vector<1x1x16xf32> to vector<16xf32>
        %mul3A_847 = arith.constant 8.000000e+00 : f32
        %mul3A_848 = vector.broadcast %mul3A_847 : f32 to vector<16xf32>
        %mul3A_849 = arith.mulf %get3A_846, %mul3A_848 : vector<16xf32>
        %swap3A_850 = arith.constant 1 : i32
        %swap3A_851 = arith.index_cast %swap3A_850 : i32 to index
        %swap3A_852 = arith.index_cast %scan3A_744 : i32 to index
        %swap3A_853 = arith.constant 32 : index
        %swap3A_854 = tpu.vector_load %arg8[%swap3A_851, %swap3A_852, %swap3A_853] {strides = array<i32>} : memref<2x128x64xf32, #tpu.memory_space<vmem>>, vector<1x1x16xf32>,
        %swap3A_855 = vector.shape_cast %swap3A_854 : vector<1x1x16xf32> to vector<16xf32>
        %swap3A_856 = vector.shape_cast %mul3A_849 : vector<16xf32> to vector<1x1x16xf32>
        tpu.vector_store %arg8[%swap3A_851, %swap3A_852, %swap3A_853], %swap3A_856 {strides = array<i32>} : memref<2x128x64xf32, #tpu.memory_space<vmem>>, vector<1x1x16xf32>,
        %get3A_857 = arith.constant 1 : i32
        %get3A_858 = arith.index_cast %get3A_857 : i32 to index
        %get3A_859 = arith.index_cast %scan3A_744 : i32 to index
        %get3A_860 = arith.constant 48 : index
        %get3A_861 = tpu.vector_load %arg8[%get3A_858, %get3A_859, %get3A_860] {strides = array<i32>} : memref<2x128x64xf32, #tpu.memory_space<vmem>>, vector<1x1x16xf32>,
        %get3A_862 = vector.shape_cast %get3A_861 : vector<1x1x16xf32> to vector<16xf32>
        %mul3A_863 = arith.constant 8.000000e+00 : f32
        %mul3A_864 = vector.broadcast %mul3A_863 : f32 to vector<16xf32>
        %mul3A_865 = arith.mulf %get3A_862, %mul3A_864 : vector<16xf32>
        %swap3A_866 = arith.constant 1 : i32
        %swap3A_867 = arith.index_cast %swap3A_866 : i32 to index
        %swap3A_868 = arith.index_cast %scan3A_744 : i32 to index
        %swap3A_869 = arith.constant 48 : index
        %swap3A_870 = tpu.vector_load %arg8[%swap3A_867, %swap3A_868, %swap3A_869] {strides = array<i32>} : memref<2x128x64xf32, #tpu.memory_space<vmem>>, vector<1x1x16xf32>,
        %swap3A_871 = vector.shape_cast %swap3A_870 : vector<1x1x16xf32> to vector<16xf32>
        %swap3A_872 = vector.shape_cast %mul3A_865 : vector<16xf32> to vector<1x1x16xf32>
        tpu.vector_store %arg8[%swap3A_867, %swap3A_868, %swap3A_869], %swap3A_872 {strides = array<i32>} : memref<2x128x64xf32, #tpu.memory_space<vmem>>, vector<1x1x16xf32>,
        %scan3A_873 = arith.constant 4 : i32
        %scan3A_874 = arith.addi %scan3A_356, %scan3A_873 : i32
        %get3A_875 = arith.constant 0 : i32
        %get3A_876 = arith.index_cast %get3A_875 : i32 to index
        %get3A_877 = arith.index_cast %scan3A_874 : i32 to index
        %get3A_878 = arith.constant 0 : index
        %get3A_879 = tpu.vector_load %arg8[%get3A_876, %get3A_877, %get3A_878] {strides = array<i32>} : memref<2x128x64xf32, #tpu.memory_space<vmem>>, vector<1x1x16xf32>,
        %get3A_880 = vector.shape_cast %get3A_879 : vector<1x1x16xf32> to vector<16xf32>
        %mul3A_881 = arith.constant 8.000000e+00 : f32
        %mul3A_882 = vector.broadcast %mul3A_881 : f32 to vector<16xf32>
        %mul3A_883 = arith.mulf %get3A_880, %mul3A_882 : vector<16xf32>
        %swap3A_884 = arith.constant 0 : i32
        %swap3A_885 = arith.index_cast %swap3A_884 : i32 to index
        %swap3A_886 = arith.index_cast %scan3A_874 : i32 to index
        %swap3A_887 = arith.constant 0 : index
        %swap3A_888 = tpu.vector_load %arg8[%swap3A_885, %swap3A_886, %swap3A_887] {strides = array<i32>} : memref<2x128x64xf32, #tpu.memory_space<vmem>>, vector<1x1x16xf32>,
        %swap3A_889 = vector.shape_cast %swap3A_888 : vector<1x1x16xf32> to vector<16xf32>
        %swap3A_890 = vector.shape_cast %mul3A_883 : vector<16xf32> to vector<1x1x16xf32>
        tpu.vector_store %arg8[%swap3A_885, %swap3A_886, %swap3A_887], %swap3A_890 {strides = array<i32>} : memref<2x128x64xf32, #tpu.memory_space<vmem>>, vector<1x1x16xf32>,
        %get3A_891 = arith.constant 0 : i32
        %get3A_892 = arith.index_cast %get3A_891 : i32 to index
        %get3A_893 = arith.index_cast %scan3A_874 : i32 to index
        %get3A_894 = arith.constant 16 : index
        %get3A_895 = tpu.vector_load %arg8[%get3A_892, %get3A_893, %get3A_894] {strides = array<i32>} : memref<2x128x64xf32, #tpu.memory_space<vmem>>, vector<1x1x16xf32>,
        %get3A_896 = vector.shape_cast %get3A_895 : vector<1x1x16xf32> to vector<16xf32>
        %mul3A_897 = arith.constant 8.000000e+00 : f32
        %mul3A_898 = vector.broadcast %mul3A_897 : f32 to vector<16xf32>
        %mul3A_899 = arith.mulf %get3A_896, %mul3A_898 : vector<16xf32>
        %swap3A_900 = arith.constant 0 : i32
        %swap3A_901 = arith.index_cast %swap3A_900 : i32 to index
        %swap3A_902 = arith.index_cast %scan3A_874 : i32 to index
        %swap3A_903 = arith.constant 16 : index
        %swap3A_904 = tpu.vector_load %arg8[%swap3A_901, %swap3A_902, %swap3A_903] {strides = array<i32>} : memref<2x128x64xf32, #tpu.memory_space<vmem>>, vector<1x1x16xf32>,
        %swap3A_905 = vector.shape_cast %swap3A_904 : vector<1x1x16xf32> to vector<16xf32>
        %swap3A_906 = vector.shape_cast %mul3A_899 : vector<16xf32> to vector<1x1x16xf32>
        tpu.vector_store %arg8[%swap3A_901, %swap3A_902, %swap3A_903], %swap3A_906 {strides = array<i32>} : memref<2x128x64xf32, #tpu.memory_space<vmem>>, vector<1x1x16xf32>,
        %get3A_907 = arith.constant 0 : i32
        %get3A_908 = arith.index_cast %get3A_907 : i32 to index
        %get3A_909 = arith.index_cast %scan3A_874 : i32 to index
        %get3A_910 = arith.constant 32 : index
        %get3A_911 = tpu.vector_load %arg8[%get3A_908, %get3A_909, %get3A_910] {strides = array<i32>} : memref<2x128x64xf32, #tpu.memory_space<vmem>>, vector<1x1x16xf32>,
        %get3A_912 = vector.shape_cast %get3A_911 : vector<1x1x16xf32> to vector<16xf32>
        %mul3A_913 = arith.constant 8.000000e+00 : f32
        %mul3A_914 = vector.broadcast %mul3A_913 : f32 to vector<16xf32>
        %mul3A_915 = arith.mulf %get3A_912, %mul3A_914 : vector<16xf32>
        %swap3A_916 = arith.constant 0 : i32
        %swap3A_917 = arith.index_cast %swap3A_916 : i32 to index
        %swap3A_918 = arith.index_cast %scan3A_874 : i32 to index
        %swap3A_919 = arith.constant 32 : index
        %swap3A_920 = tpu.vector_load %arg8[%swap3A_917, %swap3A_918, %swap3A_919] {strides = array<i32>} : memref<2x128x64xf32, #tpu.memory_space<vmem>>, vector<1x1x16xf32>,
        %swap3A_921 = vector.shape_cast %swap3A_920 : vector<1x1x16xf32> to vector<16xf32>
        %swap3A_922 = vector.shape_cast %mul3A_915 : vector<16xf32> to vector<1x1x16xf32>
        tpu.vector_store %arg8[%swap3A_917, %swap3A_918, %swap3A_919], %swap3A_922 {strides = array<i32>} : memref<2x128x64xf32, #tpu.memory_space<vmem>>, vector<1x1x16xf32>,
        %get3A_923 = arith.constant 0 : i32
        %get3A_924 = arith.index_cast %get3A_923 : i32 to index
        %get3A_925 = arith.index_cast %scan3A_874 : i32 to index
        %get3A_926 = arith.constant 48 : index
        %get3A_927 = tpu.vector_load %arg8[%get3A_924, %get3A_925, %get3A_926] {strides = array<i32>} : memref<2x128x64xf32, #tpu.memory_space<vmem>>, vector<1x1x16xf32>,
        %get3A_928 = vector.shape_cast %get3A_927 : vector<1x1x16xf32> to vector<16xf32>
        %mul3A_929 = arith.constant 8.000000e+00 : f32
        %mul3A_930 = vector.broadcast %mul3A_929 : f32 to vector<16xf32>
        %mul3A_931 = arith.mulf %get3A_928, %mul3A_930 : vector<16xf32>
        %swap3A_932 = arith.constant 0 : i32
        %swap3A_933 = arith.index_cast %swap3A_932 : i32 to index
        %swap3A_934 = arith.index_cast %scan3A_874 : i32 to index
        %swap3A_935 = arith.constant 48 : index
        %swap3A_936 = tpu.vector_load %arg8[%swap3A_933, %swap3A_934, %swap3A_935] {strides = array<i32>} : memref<2x128x64xf32, #tpu.memory_space<vmem>>, vector<1x1x16xf32>,
        %swap3A_937 = vector.shape_cast %swap3A_936 : vector<1x1x16xf32> to vector<16xf32>
        %swap3A_938 = vector.shape_cast %mul3A_931 : vector<16xf32> to vector<1x1x16xf32>
        tpu.vector_store %arg8[%swap3A_933, %swap3A_934, %swap3A_935], %swap3A_938 {strides = array<i32>} : memref<2x128x64xf32, #tpu.memory_space<vmem>>, vector<1x1x16xf32>,
        %get3A_939 = arith.constant 1 : i32
        %get3A_940 = arith.index_cast %get3A_939 : i32 to index
        %get3A_941 = arith.index_cast %scan3A_874 : i32 to index
        %get3A_942 = arith.constant 0 : index
        %get3A_943 = tpu.vector_load %arg8[%get3A_940, %get3A_941, %get3A_942] {strides = array<i32>} : memref<2x128x64xf32, #tpu.memory_space<vmem>>, vector<1x1x16xf32>,
        %get3A_944 = vector.shape_cast %get3A_943 : vector<1x1x16xf32> to vector<16xf32>
        %mul3A_945 = arith.constant 8.000000e+00 : f32
        %mul3A_946 = vector.broadcast %mul3A_945 : f32 to vector<16xf32>
        %mul3A_947 = arith.mulf %get3A_944, %mul3A_946 : vector<16xf32>
        %swap3A_948 = arith.constant 1 : i32
        %swap3A_949 = arith.index_cast %swap3A_948 : i32 to index
        %swap3A_950 = arith.index_cast %scan3A_874 : i32 to index
        %swap3A_951 = arith.constant 0 : index
        %swap3A_952 = tpu.vector_load %arg8[%swap3A_949, %swap3A_950, %swap3A_951] {strides = array<i32>} : memref<2x128x64xf32, #tpu.memory_space<vmem>>, vector<1x1x16xf32>,
        %swap3A_953 = vector.shape_cast %swap3A_952 : vector<1x1x16xf32> to vector<16xf32>
        %swap3A_954 = vector.shape_cast %mul3A_947 : vector<16xf32> to vector<1x1x16xf32>
        tpu.vector_store %arg8[%swap3A_949, %swap3A_950, %swap3A_951], %swap3A_954 {strides = array<i32>} : memref<2x128x64xf32, #tpu.memory_space<vmem>>, vector<1x1x16xf32>,
        %get3A_955 = arith.constant 1 : i32
        %get3A_956 = arith.index_cast %get3A_955 : i32 to index
        %get3A_957 = arith.index_cast %scan3A_874 : i32 to index
        %get3A_958 = arith.constant 16 : index
        %get3A_959 = tpu.vector_load %arg8[%get3A_956, %get3A_957, %get3A_958] {strides = array<i32>} : memref<2x128x64xf32, #tpu.memory_space<vmem>>, vector<1x1x16xf32>,
        %get3A_960 = vector.shape_cast %get3A_959 : vector<1x1x16xf32> to vector<16xf32>
        %mul3A_961 = arith.constant 8.000000e+00 : f32
        %mul3A_962 = vector.broadcast %mul3A_961 : f32 to vector<16xf32>
        %mul3A_963 = arith.mulf %get3A_960, %mul3A_962 : vector<16xf32>
        %swap3A_964 = arith.constant 1 : i32
        %swap3A_965 = arith.index_cast %swap3A_964 : i32 to index
        %swap3A_966 = arith.index_cast %scan3A_874 : i32 to index
        %swap3A_967 = arith.constant 16 : index
        %swap3A_968 = tpu.vector_load %arg8[%swap3A_965, %swap3A_966, %swap3A_967] {strides = array<i32>} : memref<2x128x64xf32, #tpu.memory_space<vmem>>, vector<1x1x16xf32>,
        %swap3A_969 = vector.shape_cast %swap3A_968 : vector<1x1x16xf32> to vector<16xf32>
        %swap3A_970 = vector.shape_cast %mul3A_963 : vector<16xf32> to vector<1x1x16xf32>
        tpu.vector_store %arg8[%swap3A_965, %swap3A_966, %swap3A_967], %swap3A_970 {strides = array<i32>} : memref<2x128x64xf32, #tpu.memory_space<vmem>>, vector<1x1x16xf32>,
        %get3A_971 = arith.constant 1 : i32
        %get3A_972 = arith.index_cast %get3A_971 : i32 to index
        %get3A_973 = arith.index_cast %scan3A_874 : i32 to index
        %get3A_974 = arith.constant 32 : index
        %get3A_975 = tpu.vector_load %arg8[%get3A_972, %get3A_973, %get3A_974] {strides = array<i32>} : memref<2x128x64xf32, #tpu.memory_space<vmem>>, vector<1x1x16xf32>,
        %get3A_976 = vector.shape_cast %get3A_975 : vector<1x1x16xf32> to vector<16xf32>
        %mul3A_977 = arith.constant 8.000000e+00 : f32
        %mul3A_978 = vector.broadcast %mul3A_977 : f32 to vector<16xf32>
        %mul3A_979 = arith.mulf %get3A_976, %mul3A_978 : vector<16xf32>
        %swap3A_980 = arith.constant 1 : i32
        %swap3A_981 = arith.index_cast %swap3A_980 : i32 to index
        %swap3A_982 = arith.index_cast %scan3A_874 : i32 to index
        %swap3A_983 = arith.constant 32 : index
        %swap3A_984 = tpu.vector_load %arg8[%swap3A_981, %swap3A_982, %swap3A_983] {strides = array<i32>} : memref<2x128x64xf32, #tpu.memory_space<vmem>>, vector<1x1x16xf32>,
        %swap3A_985 = vector.shape_cast %swap3A_984 : vector<1x1x16xf32> to vector<16xf32>
        %swap3A_986 = vector.shape_cast %mul3A_979 : vector<16xf32> to vector<1x1x16xf32>
        tpu.vector_store %arg8[%swap3A_981, %swap3A_982, %swap3A_983], %swap3A_986 {strides = array<i32>} : memref<2x128x64xf32, #tpu.memory_space<vmem>>, vector<1x1x16xf32>,
        %get3A_987 = arith.constant 1 : i32
        %get3A_988 = arith.index_cast %get3A_987 : i32 to index
        %get3A_989 = arith.index_cast %scan3A_874 : i32 to index
        %get3A_990 = arith.constant 48 : index
        %get3A_991 = tpu.vector_load %arg8[%get3A_988, %get3A_989, %get3A_990] {strides = array<i32>} : memref<2x128x64xf32, #tpu.memory_space<vmem>>, vector<1x1x16xf32>,
        %get3A_992 = vector.shape_cast %get3A_991 : vector<1x1x16xf32> to vector<16xf32>
        %mul3A_993 = arith.constant 8.000000e+00 : f32
        %mul3A_994 = vector.broadcast %mul3A_993 : f32 to vector<16xf32>
        %mul3A_995 = arith.mulf %get3A_992, %mul3A_994 : vector<16xf32>
        %swap3A_996 = arith.constant 1 : i32
        %swap3A_997 = arith.index_cast %swap3A_996 : i32 to index
        %swap3A_998 = arith.index_cast %scan3A_874 : i32 to index
        %swap3A_999 = arith.constant 48 : index
        %swap3A_1000 = tpu.vector_load %arg8[%swap3A_997, %swap3A_998, %swap3A_999] {strides = array<i32>} : memref<2x128x64xf32, #tpu.memory_space<vmem>>, vector<1x1x16xf32>,
        %swap3A_1001 = vector.shape_cast %swap3A_1000 : vector<1x1x16xf32> to vector<16xf32>
        %swap3A_1002 = vector.shape_cast %mul3A_995 : vector<16xf32> to vector<1x1x16xf32>
        tpu.vector_store %arg8[%swap3A_997, %swap3A_998, %swap3A_999], %swap3A_1002 {strides = array<i32>} : memref<2x128x64xf32, #tpu.memory_space<vmem>>, vector<1x1x16xf32>,
        %scan3A_1003 = arith.constant 5 : i32
        %scan3A_1004 = arith.addi %scan3A_356, %scan3A_1003 : i32
        %get3A_1005 = arith.constant 0 : i32
        %get3A_1006 = arith.index_cast %get3A_1005 : i32 to index
        %get3A_1007 = arith.index_cast %scan3A_1004 : i32 to index
        %get3A_1008 = arith.constant 0 : index
        %get3A_1009 = tpu.vector_load %arg8[%get3A_1006, %get3A_1007, %get3A_1008] {strides = array<i32>} : memref<2x128x64xf32, #tpu.memory_space<vmem>>, vector<1x1x16xf32>,
        %get3A_1010 = vector.shape_cast %get3A_1009 : vector<1x1x16xf32> to vector<16xf32>
        %mul3A_1011 = arith.constant 8.000000e+00 : f32
        %mul3A_1012 = vector.broadcast %mul3A_1011 : f32 to vector<16xf32>
        %mul3A_1013 = arith.mulf %get3A_1010, %mul3A_1012 : vector<16xf32>
        %swap3A_1014 = arith.constant 0 : i32
        %swap3A_1015 = arith.index_cast %swap3A_1014 : i32 to index
        %swap3A_1016 = arith.index_cast %scan3A_1004 : i32 to index
        %swap3A_1017 = arith.constant 0 : index
        %swap3A_1018 = tpu.vector_load %arg8[%swap3A_1015, %swap3A_1016, %swap3A_1017] {strides = array<i32>} : memref<2x128x64xf32, #tpu.memory_space<vmem>>, vector<1x1x16xf32>,
        %swap3A_1019 = vector.shape_cast %swap3A_1018 : vector<1x1x16xf32> to vector<16xf32>
        %swap3A_1020 = vector.shape_cast %mul3A_1013 : vector<16xf32> to vector<1x1x16xf32>
        tpu.vector_store %arg8[%swap3A_1015, %swap3A_1016, %swap3A_1017], %swap3A_1020 {strides = array<i32>} : memref<2x128x64xf32, #tpu.memory_space<vmem>>, vector<1x1x16xf32>,
        %get3A_1021 = arith.constant 0 : i32
        %get3A_1022 = arith.index_cast %get3A_1021 : i32 to index
        %get3A_1023 = arith.index_cast %scan3A_1004 : i32 to index
        %get3A_1024 = arith.constant 16 : index
        %get3A_1025 = tpu.vector_load %arg8[%get3A_1022, %get3A_1023, %get3A_1024] {strides = array<i32>} : memref<2x128x64xf32, #tpu.memory_space<vmem>>, vector<1x1x16xf32>,
        %get3A_1026 = vector.shape_cast %get3A_1025 : vector<1x1x16xf32> to vector<16xf32>
        %mul3A_1027 = arith.constant 8.000000e+00 : f32
        %mul3A_1028 = vector.broadcast %mul3A_1027 : f32 to vector<16xf32>
        %mul3A_1029 = arith.mulf %get3A_1026, %mul3A_1028 : vector<16xf32>
        %swap3A_1030 = arith.constant 0 : i32
        %swap3A_1031 = arith.index_cast %swap3A_1030 : i32 to index
        %swap3A_1032 = arith.index_cast %scan3A_1004 : i32 to index
        %swap3A_1033 = arith.constant 16 : index
        %swap3A_1034 = tpu.vector_load %arg8[%swap3A_1031, %swap3A_1032, %swap3A_1033] {strides = array<i32>} : memref<2x128x64xf32, #tpu.memory_space<vmem>>, vector<1x1x16xf32>,
        %swap3A_1035 = vector.shape_cast %swap3A_1034 : vector<1x1x16xf32> to vector<16xf32>
        %swap3A_1036 = vector.shape_cast %mul3A_1029 : vector<16xf32> to vector<1x1x16xf32>
        tpu.vector_store %arg8[%swap3A_1031, %swap3A_1032, %swap3A_1033], %swap3A_1036 {strides = array<i32>} : memref<2x128x64xf32, #tpu.memory_space<vmem>>, vector<1x1x16xf32>,
        %get3A_1037 = arith.constant 0 : i32
        %get3A_1038 = arith.index_cast %get3A_1037 : i32 to index
        %get3A_1039 = arith.index_cast %scan3A_1004 : i32 to index
        %get3A_1040 = arith.constant 32 : index
        %get3A_1041 = tpu.vector_load %arg8[%get3A_1038, %get3A_1039, %get3A_1040] {strides = array<i32>} : memref<2x128x64xf32, #tpu.memory_space<vmem>>, vector<1x1x16xf32>,
        %get3A_1042 = vector.shape_cast %get3A_1041 : vector<1x1x16xf32> to vector<16xf32>
        %mul3A_1043 = arith.constant 8.000000e+00 : f32
        %mul3A_1044 = vector.broadcast %mul3A_1043 : f32 to vector<16xf32>
        %mul3A_1045 = arith.mulf %get3A_1042, %mul3A_1044 : vector<16xf32>
        %swap3A_1046 = arith.constant 0 : i32
        %swap3A_1047 = arith.index_cast %swap3A_1046 : i32 to index
        %swap3A_1048 = arith.index_cast %scan3A_1004 : i32 to index
        %swap3A_1049 = arith.constant 32 : index
        %swap3A_1050 = tpu.vector_load %arg8[%swap3A_1047, %swap3A_1048, %swap3A_1049] {strides = array<i32>} : memref<2x128x64xf32, #tpu.memory_space<vmem>>, vector<1x1x16xf32>,
        %swap3A_1051 = vector.shape_cast %swap3A_1050 : vector<1x1x16xf32> to vector<16xf32>
        %swap3A_1052 = vector.shape_cast %mul3A_1045 : vector<16xf32> to vector<1x1x16xf32>
        tpu.vector_store %arg8[%swap3A_1047, %swap3A_1048, %swap3A_1049], %swap3A_1052 {strides = array<i32>} : memref<2x128x64xf32, #tpu.memory_space<vmem>>, vector<1x1x16xf32>,
        %get3A_1053 = arith.constant 0 : i32
        %get3A_1054 = arith.index_cast %get3A_1053 : i32 to index
        %get3A_1055 = arith.index_cast %scan3A_1004 : i32 to index
        %get3A_1056 = arith.constant 48 : index
        %get3A_1057 = tpu.vector_load %arg8[%get3A_1054, %get3A_1055, %get3A_1056] {strides = array<i32>} : memref<2x128x64xf32, #tpu.memory_space<vmem>>, vector<1x1x16xf32>,
        %get3A_1058 = vector.shape_cast %get3A_1057 : vector<1x1x16xf32> to vector<16xf32>
        %mul3A_1059 = arith.constant 8.000000e+00 : f32
        %mul3A_1060 = vector.broadcast %mul3A_1059 : f32 to vector<16xf32>
        %mul3A_1061 = arith.mulf %get3A_1058, %mul3A_1060 : vector<16xf32>
        %swap3A_1062 = arith.constant 0 : i32
        %swap3A_1063 = arith.index_cast %swap3A_1062 : i32 to index
        %swap3A_1064 = arith.index_cast %scan3A_1004 : i32 to index
        %swap3A_1065 = arith.constant 48 : index
        %swap3A_1066 = tpu.vector_load %arg8[%swap3A_1063, %swap3A_1064, %swap3A_1065] {strides = array<i32>} : memref<2x128x64xf32, #tpu.memory_space<vmem>>, vector<1x1x16xf32>,
        %swap3A_1067 = vector.shape_cast %swap3A_1066 : vector<1x1x16xf32> to vector<16xf32>
        %swap3A_1068 = vector.shape_cast %mul3A_1061 : vector<16xf32> to vector<1x1x16xf32>
        tpu.vector_store %arg8[%swap3A_1063, %swap3A_1064, %swap3A_1065], %swap3A_1068 {strides = array<i32>} : memref<2x128x64xf32, #tpu.memory_space<vmem>>, vector<1x1x16xf32>,
        %get3A_1069 = arith.constant 1 : i32
        %get3A_1070 = arith.index_cast %get3A_1069 : i32 to index
        %get3A_1071 = arith.index_cast %scan3A_1004 : i32 to index
        %get3A_1072 = arith.constant 0 : index
        %get3A_1073 = tpu.vector_load %arg8[%get3A_1070, %get3A_1071, %get3A_1072] {strides = array<i32>} : memref<2x128x64xf32, #tpu.memory_space<vmem>>, vector<1x1x16xf32>,
        %get3A_1074 = vector.shape_cast %get3A_1073 : vector<1x1x16xf32> to vector<16xf32>
        %mul3A_1075 = arith.constant 8.000000e+00 : f32
        %mul3A_1076 = vector.broadcast %mul3A_1075 : f32 to vector<16xf32>
        %mul3A_1077 = arith.mulf %get3A_1074, %mul3A_1076 : vector<16xf32>
        %swap3A_1078 = arith.constant 1 : i32
        %swap3A_1079 = arith.index_cast %swap3A_1078 : i32 to index
        %swap3A_1080 = arith.index_cast %scan3A_1004 : i32 to index
        %swap3A_1081 = arith.constant 0 : index
        %swap3A_1082 = tpu.vector_load %arg8[%swap3A_1079, %swap3A_1080, %swap3A_1081] {strides = array<i32>} : memref<2x128x64xf32, #tpu.memory_space<vmem>>, vector<1x1x16xf32>,
        %swap3A_1083 = vector.shape_cast %swap3A_1082 : vector<1x1x16xf32> to vector<16xf32>
        %swap3A_1084 = vector.shape_cast %mul3A_1077 : vector<16xf32> to vector<1x1x16xf32>
        tpu.vector_store %arg8[%swap3A_1079, %swap3A_1080, %swap3A_1081], %swap3A_1084 {strides = array<i32>} : memref<2x128x64xf32, #tpu.memory_space<vmem>>, vector<1x1x16xf32>,
        %get3A_1085 = arith.constant 1 : i32
        %get3A_1086 = arith.index_cast %get3A_1085 : i32 to index
        %get3A_1087 = arith.index_cast %scan3A_1004 : i32 to index
        %get3A_1088 = arith.constant 16 : index
        %get3A_1089 = tpu.vector_load %arg8[%get3A_1086, %get3A_1087, %get3A_1088] {strides = array<i32>} : memref<2x128x64xf32, #tpu.memory_space<vmem>>, vector<1x1x16xf32>,
        %get3A_1090 = vector.shape_cast %get3A_1089 : vector<1x1x16xf32> to vector<16xf32>
        %mul3A_1091 = arith.constant 8.000000e+00 : f32
        %mul3A_1092 = vector.broadcast %mul3A_1091 : f32 to vector<16xf32>
        %mul3A_1093 = arith.mulf %get3A_1090, %mul3A_1092 : vector<16xf32>
        %swap3A_1094 = arith.constant 1 : i32
        %swap3A_1095 = arith.index_cast %swap3A_1094 : i32 to index
        %swap3A_1096 = arith.index_cast %scan3A_1004 : i32 to index
        %swap3A_1097 = arith.constant 16 : index
        %swap3A_1098 = tpu.vector_load %arg8[%swap3A_1095, %swap3A_1096, %swap3A_1097] {strides = array<i32>} : memref<2x128x64xf32, #tpu.memory_space<vmem>>, vector<1x1x16xf32>,
        %swap3A_1099 = vector.shape_cast %swap3A_1098 : vector<1x1x16xf32> to vector<16xf32>
        %swap3A_1100 = vector.shape_cast %mul3A_1093 : vector<16xf32> to vector<1x1x16xf32>
        tpu.vector_store %arg8[%swap3A_1095, %swap3A_1096, %swap3A_1097], %swap3A_1100 {strides = array<i32>} : memref<2x128x64xf32, #tpu.memory_space<vmem>>, vector<1x1x16xf32>,
        %get3A_1101 = arith.constant 1 : i32
        %get3A_1102 = arith.index_cast %get3A_1101 : i32 to index
        %get3A_1103 = arith.index_cast %scan3A_1004 : i32 to index
        %get3A_1104 = arith.constant 32 : index
        %get3A_1105 = tpu.vector_load %arg8[%get3A_1102, %get3A_1103, %get3A_1104] {strides = array<i32>} : memref<2x128x64xf32, #tpu.memory_space<vmem>>, vector<1x1x16xf32>,
        %get3A_1106 = vector.shape_cast %get3A_1105 : vector<1x1x16xf32> to vector<16xf32>
        %mul3A_1107 = arith.constant 8.000000e+00 : f32
        %mul3A_1108 = vector.broadcast %mul3A_1107 : f32 to vector<16xf32>
        %mul3A_1109 = arith.mulf %get3A_1106, %mul3A_1108 : vector<16xf32>
        %swap3A_1110 = arith.constant 1 : i32
        %swap3A_1111 = arith.index_cast %swap3A_1110 : i32 to index
        %swap3A_1112 = arith.index_cast %scan3A_1004 : i32 to index
        %swap3A_1113 = arith.constant 32 : index
        %swap3A_1114 = tpu.vector_load %arg8[%swap3A_1111, %swap3A_1112, %swap3A_1113] {strides = array<i32>} : memref<2x128x64xf32, #tpu.memory_space<vmem>>, vector<1x1x16xf32>,
        %swap3A_1115 = vector.shape_cast %swap3A_1114 : vector<1x1x16xf32> to vector<16xf32>
        %swap3A_1116 = vector.shape_cast %mul3A_1109 : vector<16xf32> to vector<1x1x16xf32>
        tpu.vector_store %arg8[%swap3A_1111, %swap3A_1112, %swap3A_1113], %swap3A_1116 {strides = array<i32>} : memref<2x128x64xf32, #tpu.memory_space<vmem>>, vector<1x1x16xf32>,
        %get3A_1117 = arith.constant 1 : i32
        %get3A_1118 = arith.index_cast %get3A_1117 : i32 to index
        %get3A_1119 = arith.index_cast %scan3A_1004 : i32 to index
        %get3A_1120 = arith.constant 48 : index
        %get3A_1121 = tpu.vector_load %arg8[%get3A_1118, %get3A_1119, %get3A_1120] {strides = array<i32>} : memref<2x128x64xf32, #tpu.memory_space<vmem>>, vector<1x1x16xf32>,
        %get3A_1122 = vector.shape_cast %get3A_1121 : vector<1x1x16xf32> to vector<16xf32>
        %mul3A_1123 = arith.constant 8.000000e+00 : f32
        %mul3A_1124 = vector.broadcast %mul3A_1123 : f32 to vector<16xf32>
        %mul3A_1125 = arith.mulf %get3A_1122, %mul3A_1124 : vector<16xf32>
        %swap3A_1126 = arith.constant 1 : i32
        %swap3A_1127 = arith.index_cast %swap3A_1126 : i32 to index
        %swap3A_1128 = arith.index_cast %scan3A_1004 : i32 to index
        %swap3A_1129 = arith.constant 48 : index
        %swap3A_1130 = tpu.vector_load %arg8[%swap3A_1127, %swap3A_1128, %swap3A_1129] {strides = array<i32>} : memref<2x128x64xf32, #tpu.memory_space<vmem>>, vector<1x1x16xf32>,
        %swap3A_1131 = vector.shape_cast %swap3A_1130 : vector<1x1x16xf32> to vector<16xf32>
        %swap3A_1132 = vector.shape_cast %mul3A_1125 : vector<16xf32> to vector<1x1x16xf32>
        tpu.vector_store %arg8[%swap3A_1127, %swap3A_1128, %swap3A_1129], %swap3A_1132 {strides = array<i32>} : memref<2x128x64xf32, #tpu.memory_space<vmem>>, vector<1x1x16xf32>,
        %scan3A_1133 = arith.constant 6 : i32
        %scan3A_1134 = arith.addi %scan3A_356, %scan3A_1133 : i32
        %get3A_1135 = arith.constant 0 : i32
        %get3A_1136 = arith.index_cast %get3A_1135 : i32 to index
        %get3A_1137 = arith.index_cast %scan3A_1134 : i32 to index
        %get3A_1138 = arith.constant 0 : index
        %get3A_1139 = tpu.vector_load %arg8[%get3A_1136, %get3A_1137, %get3A_1138] {strides = array<i32>} : memref<2x128x64xf32, #tpu.memory_space<vmem>>, vector<1x1x16xf32>,
        %get3A_1140 = vector.shape_cast %get3A_1139 : vector<1x1x16xf32> to vector<16xf32>
        %mul3A_1141 = arith.constant 8.000000e+00 : f32
        %mul3A_1142 = vector.broadcast %mul3A_1141 : f32 to vector<16xf32>
        %mul3A_1143 = arith.mulf %get3A_1140, %mul3A_1142 : vector<16xf32>
        %swap3A_1144 = arith.constant 0 : i32
        %swap3A_1145 = arith.index_cast %swap3A_1144 : i32 to index
        %swap3A_1146 = arith.index_cast %scan3A_1134 : i32 to index
        %swap3A_1147 = arith.constant 0 : index
        %swap3A_1148 = tpu.vector_load %arg8[%swap3A_1145, %swap3A_1146, %swap3A_1147] {strides = array<i32>} : memref<2x128x64xf32, #tpu.memory_space<vmem>>, vector<1x1x16xf32>,
        %swap3A_1149 = vector.shape_cast %swap3A_1148 : vector<1x1x16xf32> to vector<16xf32>
        %swap3A_1150 = vector.shape_cast %mul3A_1143 : vector<16xf32> to vector<1x1x16xf32>
        tpu.vector_store %arg8[%swap3A_1145, %swap3A_1146, %swap3A_1147], %swap3A_1150 {strides = array<i32>} : memref<2x128x64xf32, #tpu.memory_space<vmem>>, vector<1x1x16xf32>,
        %get3A_1151 = arith.constant 0 : i32
        %get3A_1152 = arith.index_cast %get3A_1151 : i32 to index
        %get3A_1153 = arith.index_cast %scan3A_1134 : i32 to index
        %get3A_1154 = arith.constant 16 : index
        %get3A_1155 = tpu.vector_load %arg8[%get3A_1152, %get3A_1153, %get3A_1154] {strides = array<i32>} : memref<2x128x64xf32, #tpu.memory_space<vmem>>, vector<1x1x16xf32>,
        %get3A_1156 = vector.shape_cast %get3A_1155 : vector<1x1x16xf32> to vector<16xf32>
        %mul3A_1157 = arith.constant 8.000000e+00 : f32
        %mul3A_1158 = vector.broadcast %mul3A_1157 : f32 to vector<16xf32>
        %mul3A_1159 = arith.mulf %get3A_1156, %mul3A_1158 : vector<16xf32>
        %swap3A_1160 = arith.constant 0 : i32
        %swap3A_1161 = arith.index_cast %swap3A_1160 : i32 to index
        %swap3A_1162 = arith.index_cast %scan3A_1134 : i32 to index
        %swap3A_1163 = arith.constant 16 : index
        %swap3A_1164 = tpu.vector_load %arg8[%swap3A_1161, %swap3A_1162, %swap3A_1163] {strides = array<i32>} : memref<2x128x64xf32, #tpu.memory_space<vmem>>, vector<1x1x16xf32>,
        %swap3A_1165 = vector.shape_cast %swap3A_1164 : vector<1x1x16xf32> to vector<16xf32>
        %swap3A_1166 = vector.shape_cast %mul3A_1159 : vector<16xf32> to vector<1x1x16xf32>
        tpu.vector_store %arg8[%swap3A_1161, %swap3A_1162, %swap3A_1163], %swap3A_1166 {strides = array<i32>} : memref<2x128x64xf32, #tpu.memory_space<vmem>>, vector<1x1x16xf32>,
        %get3A_1167 = arith.constant 0 : i32
        %get3A_1168 = arith.index_cast %get3A_1167 : i32 to index
        %get3A_1169 = arith.index_cast %scan3A_1134 : i32 to index
        %get3A_1170 = arith.constant 32 : index
        %get3A_1171 = tpu.vector_load %arg8[%get3A_1168, %get3A_1169, %get3A_1170] {strides = array<i32>} : memref<2x128x64xf32, #tpu.memory_space<vmem>>, vector<1x1x16xf32>,
        %get3A_1172 = vector.shape_cast %get3A_1171 : vector<1x1x16xf32> to vector<16xf32>
        %mul3A_1173 = arith.constant 8.000000e+00 : f32
        %mul3A_1174 = vector.broadcast %mul3A_1173 : f32 to vector<16xf32>
        %mul3A_1175 = arith.mulf %get3A_1172, %mul3A_1174 : vector<16xf32>
        %swap3A_1176 = arith.constant 0 : i32
        %swap3A_1177 = arith.index_cast %swap3A_1176 : i32 to index
        %swap3A_1178 = arith.index_cast %scan3A_1134 : i32 to index
        %swap3A_1179 = arith.constant 32 : index
        %swap3A_1180 = tpu.vector_load %arg8[%swap3A_1177, %swap3A_1178, %swap3A_1179] {strides = array<i32>} : memref<2x128x64xf32, #tpu.memory_space<vmem>>, vector<1x1x16xf32>,
        %swap3A_1181 = vector.shape_cast %swap3A_1180 : vector<1x1x16xf32> to vector<16xf32>
        %swap3A_1182 = vector.shape_cast %mul3A_1175 : vector<16xf32> to vector<1x1x16xf32>
        tpu.vector_store %arg8[%swap3A_1177, %swap3A_1178, %swap3A_1179], %swap3A_1182 {strides = array<i32>} : memref<2x128x64xf32, #tpu.memory_space<vmem>>, vector<1x1x16xf32>,
        %get3A_1183 = arith.constant 0 : i32
        %get3A_1184 = arith.index_cast %get3A_1183 : i32 to index
        %get3A_1185 = arith.index_cast %scan3A_1134 : i32 to index
        %get3A_1186 = arith.constant 48 : index
        %get3A_1187 = tpu.vector_load %arg8[%get3A_1184, %get3A_1185, %get3A_1186] {strides = array<i32>} : memref<2x128x64xf32, #tpu.memory_space<vmem>>, vector<1x1x16xf32>,
        %get3A_1188 = vector.shape_cast %get3A_1187 : vector<1x1x16xf32> to vector<16xf32>
        %mul3A_1189 = arith.constant 8.000000e+00 : f32
        %mul3A_1190 = vector.broadcast %mul3A_1189 : f32 to vector<16xf32>
        %mul3A_1191 = arith.mulf %get3A_1188, %mul3A_1190 : vector<16xf32>
        %swap3A_1192 = arith.constant 0 : i32
        %swap3A_1193 = arith.index_cast %swap3A_1192 : i32 to index
        %swap3A_1194 = arith.index_cast %scan3A_1134 : i32 to index
        %swap3A_1195 = arith.constant 48 : index
        %swap3A_1196 = tpu.vector_load %arg8[%swap3A_1193, %swap3A_1194, %swap3A_1195] {strides = array<i32>} : memref<2x128x64xf32, #tpu.memory_space<vmem>>, vector<1x1x16xf32>,
        %swap3A_1197 = vector.shape_cast %swap3A_1196 : vector<1x1x16xf32> to vector<16xf32>
        %swap3A_1198 = vector.shape_cast %mul3A_1191 : vector<16xf32> to vector<1x1x16xf32>
        tpu.vector_store %arg8[%swap3A_1193, %swap3A_1194, %swap3A_1195], %swap3A_1198 {strides = array<i32>} : memref<2x128x64xf32, #tpu.memory_space<vmem>>, vector<1x1x16xf32>,
        %get3A_1199 = arith.constant 1 : i32
        %get3A_1200 = arith.index_cast %get3A_1199 : i32 to index
        %get3A_1201 = arith.index_cast %scan3A_1134 : i32 to index
        %get3A_1202 = arith.constant 0 : index
        %get3A_1203 = tpu.vector_load %arg8[%get3A_1200, %get3A_1201, %get3A_1202] {strides = array<i32>} : memref<2x128x64xf32, #tpu.memory_space<vmem>>, vector<1x1x16xf32>,
        %get3A_1204 = vector.shape_cast %get3A_1203 : vector<1x1x16xf32> to vector<16xf32>
        %mul3A_1205 = arith.constant 8.000000e+00 : f32
        %mul3A_1206 = vector.broadcast %mul3A_1205 : f32 to vector<16xf32>
        %mul3A_1207 = arith.mulf %get3A_1204, %mul3A_1206 : vector<16xf32>
        %swap3A_1208 = arith.constant 1 : i32
        %swap3A_1209 = arith.index_cast %swap3A_1208 : i32 to index
        %swap3A_1210 = arith.index_cast %scan3A_1134 : i32 to index
        %swap3A_1211 = arith.constant 0 : index
        %swap3A_1212 = tpu.vector_load %arg8[%swap3A_1209, %swap3A_1210, %swap3A_1211] {strides = array<i32>} : memref<2x128x64xf32, #tpu.memory_space<vmem>>, vector<1x1x16xf32>,
        %swap3A_1213 = vector.shape_cast %swap3A_1212 : vector<1x1x16xf32> to vector<16xf32>
        %swap3A_1214 = vector.shape_cast %mul3A_1207 : vector<16xf32> to vector<1x1x16xf32>
        tpu.vector_store %arg8[%swap3A_1209, %swap3A_1210, %swap3A_1211], %swap3A_1214 {strides = array<i32>} : memref<2x128x64xf32, #tpu.memory_space<vmem>>, vector<1x1x16xf32>,
        %get3A_1215 = arith.constant 1 : i32
        %get3A_1216 = arith.index_cast %get3A_1215 : i32 to index
        %get3A_1217 = arith.index_cast %scan3A_1134 : i32 to index
        %get3A_1218 = arith.constant 16 : index
        %get3A_1219 = tpu.vector_load %arg8[%get3A_1216, %get3A_1217, %get3A_1218] {strides = array<i32>} : memref<2x128x64xf32, #tpu.memory_space<vmem>>, vector<1x1x16xf32>,
        %get3A_1220 = vector.shape_cast %get3A_1219 : vector<1x1x16xf32> to vector<16xf32>
        %mul3A_1221 = arith.constant 8.000000e+00 : f32
        %mul3A_1222 = vector.broadcast %mul3A_1221 : f32 to vector<16xf32>
        %mul3A_1223 = arith.mulf %get3A_1220, %mul3A_1222 : vector<16xf32>
        %swap3A_1224 = arith.constant 1 : i32
        %swap3A_1225 = arith.index_cast %swap3A_1224 : i32 to index
        %swap3A_1226 = arith.index_cast %scan3A_1134 : i32 to index
        %swap3A_1227 = arith.constant 16 : index
        %swap3A_1228 = tpu.vector_load %arg8[%swap3A_1225, %swap3A_1226, %swap3A_1227] {strides = array<i32>} : memref<2x128x64xf32, #tpu.memory_space<vmem>>, vector<1x1x16xf32>,
        %swap3A_1229 = vector.shape_cast %swap3A_1228 : vector<1x1x16xf32> to vector<16xf32>
        %swap3A_1230 = vector.shape_cast %mul3A_1223 : vector<16xf32> to vector<1x1x16xf32>
        tpu.vector_store %arg8[%swap3A_1225, %swap3A_1226, %swap3A_1227], %swap3A_1230 {strides = array<i32>} : memref<2x128x64xf32, #tpu.memory_space<vmem>>, vector<1x1x16xf32>,
        %get3A_1231 = arith.constant 1 : i32
        %get3A_1232 = arith.index_cast %get3A_1231 : i32 to index
        %get3A_1233 = arith.index_cast %scan3A_1134 : i32 to index
        %get3A_1234 = arith.constant 32 : index
        %get3A_1235 = tpu.vector_load %arg8[%get3A_1232, %get3A_1233, %get3A_1234] {strides = array<i32>} : memref<2x128x64xf32, #tpu.memory_space<vmem>>, vector<1x1x16xf32>,
        %get3A_1236 = vector.shape_cast %get3A_1235 : vector<1x1x16xf32> to vector<16xf32>
        %mul3A_1237 = arith.constant 8.000000e+00 : f32
        %mul3A_1238 = vector.broadcast %mul3A_1237 : f32 to vector<16xf32>
        %mul3A_1239 = arith.mulf %get3A_1236, %mul3A_1238 : vector<16xf32>
        %swap3A_1240 = arith.constant 1 : i32
        %swap3A_1241 = arith.index_cast %swap3A_1240 : i32 to index
        %swap3A_1242 = arith.index_cast %scan3A_1134 : i32 to index
        %swap3A_1243 = arith.constant 32 : index
        %swap3A_1244 = tpu.vector_load %arg8[%swap3A_1241, %swap3A_1242, %swap3A_1243] {strides = array<i32>} : memref<2x128x64xf32, #tpu.memory_space<vmem>>, vector<1x1x16xf32>,
        %swap3A_1245 = vector.shape_cast %swap3A_1244 : vector<1x1x16xf32> to vector<16xf32>
        %swap3A_1246 = vector.shape_cast %mul3A_1239 : vector<16xf32> to vector<1x1x16xf32>
        tpu.vector_store %arg8[%swap3A_1241, %swap3A_1242, %swap3A_1243], %swap3A_1246 {strides = array<i32>} : memref<2x128x64xf32, #tpu.memory_space<vmem>>, vector<1x1x16xf32>,
        %get3A_1247 = arith.constant 1 : i32
        %get3A_1248 = arith.index_cast %get3A_1247 : i32 to index
        %get3A_1249 = arith.index_cast %scan3A_1134 : i32 to index
        %get3A_1250 = arith.constant 48 : index
        %get3A_1251 = tpu.vector_load %arg8[%get3A_1248, %get3A_1249, %get3A_1250] {strides = array<i32>} : memref<2x128x64xf32, #tpu.memory_space<vmem>>, vector<1x1x16xf32>,
        %get3A_1252 = vector.shape_cast %get3A_1251 : vector<1x1x16xf32> to vector<16xf32>
        %mul3A_1253 = arith.constant 8.000000e+00 : f32
        %mul3A_1254 = vector.broadcast %mul3A_1253 : f32 to vector<16xf32>
        %mul3A_1255 = arith.mulf %get3A_1252, %mul3A_1254 : vector<16xf32>
        %swap3A_1256 = arith.constant 1 : i32
        %swap3A_1257 = arith.index_cast %swap3A_1256 : i32 to index
        %swap3A_1258 = arith.index_cast %scan3A_1134 : i32 to index
        %swap3A_1259 = arith.constant 48 : index
        %swap3A_1260 = tpu.vector_load %arg8[%swap3A_1257, %swap3A_1258, %swap3A_1259] {strides = array<i32>} : memref<2x128x64xf32, #tpu.memory_space<vmem>>, vector<1x1x16xf32>,
        %swap3A_1261 = vector.shape_cast %swap3A_1260 : vector<1x1x16xf32> to vector<16xf32>
        %swap3A_1262 = vector.shape_cast %mul3A_1255 : vector<16xf32> to vector<1x1x16xf32>
        tpu.vector_store %arg8[%swap3A_1257, %swap3A_1258, %swap3A_1259], %swap3A_1262 {strides = array<i32>} : memref<2x128x64xf32, #tpu.memory_space<vmem>>, vector<1x1x16xf32>,
        %scan3A_1263 = arith.constant 7 : i32
        %scan3A_1264 = arith.addi %scan3A_356, %scan3A_1263 : i32
        %get3A_1265 = arith.constant 0 : i32
        %get3A_1266 = arith.index_cast %get3A_1265 : i32 to index
        %get3A_1267 = arith.index_cast %scan3A_1264 : i32 to index
        %get3A_1268 = arith.constant 0 : index
        %get3A_1269 = tpu.vector_load %arg8[%get3A_1266, %get3A_1267, %get3A_1268] {strides = array<i32>} : memref<2x128x64xf32, #tpu.memory_space<vmem>>, vector<1x1x16xf32>,
        %get3A_1270 = vector.shape_cast %get3A_1269 : vector<1x1x16xf32> to vector<16xf32>
        %mul3A_1271 = arith.constant 8.000000e+00 : f32
        %mul3A_1272 = vector.broadcast %mul3A_1271 : f32 to vector<16xf32>
        %mul3A_1273 = arith.mulf %get3A_1270, %mul3A_1272 : vector<16xf32>
        %swap3A_1274 = arith.constant 0 : i32
        %swap3A_1275 = arith.index_cast %swap3A_1274 : i32 to index
        %swap3A_1276 = arith.index_cast %scan3A_1264 : i32 to index
        %swap3A_1277 = arith.constant 0 : index
        %swap3A_1278 = tpu.vector_load %arg8[%swap3A_1275, %swap3A_1276, %swap3A_1277] {strides = array<i32>} : memref<2x128x64xf32, #tpu.memory_space<vmem>>, vector<1x1x16xf32>,
        %swap3A_1279 = vector.shape_cast %swap3A_1278 : vector<1x1x16xf32> to vector<16xf32>
        %swap3A_1280 = vector.shape_cast %mul3A_1273 : vector<16xf32> to vector<1x1x16xf32>
        tpu.vector_store %arg8[%swap3A_1275, %swap3A_1276, %swap3A_1277], %swap3A_1280 {strides = array<i32>} : memref<2x128x64xf32, #tpu.memory_space<vmem>>, vector<1x1x16xf32>,
        %get3A_1281 = arith.constant 0 : i32
        %get3A_1282 = arith.index_cast %get3A_1281 : i32 to index
        %get3A_1283 = arith.index_cast %scan3A_1264 : i32 to index
        %get3A_1284 = arith.constant 16 : index
        %get3A_1285 = tpu.vector_load %arg8[%get3A_1282, %get3A_1283, %get3A_1284] {strides = array<i32>} : memref<2x128x64xf32, #tpu.memory_space<vmem>>, vector<1x1x16xf32>,
        %get3A_1286 = vector.shape_cast %get3A_1285 : vector<1x1x16xf32> to vector<16xf32>
        %mul3A_1287 = arith.constant 8.000000e+00 : f32
        %mul3A_1288 = vector.broadcast %mul3A_1287 : f32 to vector<16xf32>
        %mul3A_1289 = arith.mulf %get3A_1286, %mul3A_1288 : vector<16xf32>
        %swap3A_1290 = arith.constant 0 : i32
        %swap3A_1291 = arith.index_cast %swap3A_1290 : i32 to index
        %swap3A_1292 = arith.index_cast %scan3A_1264 : i32 to index
        %swap3A_1293 = arith.constant 16 : index
        %swap3A_1294 = tpu.vector_load %arg8[%swap3A_1291, %swap3A_1292, %swap3A_1293] {strides = array<i32>} : memref<2x128x64xf32, #tpu.memory_space<vmem>>, vector<1x1x16xf32>,
        %swap3A_1295 = vector.shape_cast %swap3A_1294 : vector<1x1x16xf32> to vector<16xf32>
        %swap3A_1296 = vector.shape_cast %mul3A_1289 : vector<16xf32> to vector<1x1x16xf32>
        tpu.vector_store %arg8[%swap3A_1291, %swap3A_1292, %swap3A_1293], %swap3A_1296 {strides = array<i32>} : memref<2x128x64xf32, #tpu.memory_space<vmem>>, vector<1x1x16xf32>,
        %get3A_1297 = arith.constant 0 : i32
        %get3A_1298 = arith.index_cast %get3A_1297 : i32 to index
        %get3A_1299 = arith.index_cast %scan3A_1264 : i32 to index
        %get3A_1300 = arith.constant 32 : index
        %get3A_1301 = tpu.vector_load %arg8[%get3A_1298, %get3A_1299, %get3A_1300] {strides = array<i32>} : memref<2x128x64xf32, #tpu.memory_space<vmem>>, vector<1x1x16xf32>,
        %get3A_1302 = vector.shape_cast %get3A_1301 : vector<1x1x16xf32> to vector<16xf32>
        %mul3A_1303 = arith.constant 8.000000e+00 : f32
        %mul3A_1304 = vector.broadcast %mul3A_1303 : f32 to vector<16xf32>
        %mul3A_1305 = arith.mulf %get3A_1302, %mul3A_1304 : vector<16xf32>
        %swap3A_1306 = arith.constant 0 : i32
        %swap3A_1307 = arith.index_cast %swap3A_1306 : i32 to index
        %swap3A_1308 = arith.index_cast %scan3A_1264 : i32 to index
        %swap3A_1309 = arith.constant 32 : index
        %swap3A_1310 = tpu.vector_load %arg8[%swap3A_1307, %swap3A_1308, %swap3A_1309] {strides = array<i32>} : memref<2x128x64xf32, #tpu.memory_space<vmem>>, vector<1x1x16xf32>,
        %swap3A_1311 = vector.shape_cast %swap3A_1310 : vector<1x1x16xf32> to vector<16xf32>
        %swap3A_1312 = vector.shape_cast %mul3A_1305 : vector<16xf32> to vector<1x1x16xf32>
        tpu.vector_store %arg8[%swap3A_1307, %swap3A_1308, %swap3A_1309], %swap3A_1312 {strides = array<i32>} : memref<2x128x64xf32, #tpu.memory_space<vmem>>, vector<1x1x16xf32>,
        %get3A_1313 = arith.constant 0 : i32
        %get3A_1314 = arith.index_cast %get3A_1313 : i32 to index
        %get3A_1315 = arith.index_cast %scan3A_1264 : i32 to index
        %get3A_1316 = arith.constant 48 : index
        %get3A_1317 = tpu.vector_load %arg8[%get3A_1314, %get3A_1315, %get3A_1316] {strides = array<i32>} : memref<2x128x64xf32, #tpu.memory_space<vmem>>, vector<1x1x16xf32>,
        %get3A_1318 = vector.shape_cast %get3A_1317 : vector<1x1x16xf32> to vector<16xf32>
        %mul3A_1319 = arith.constant 8.000000e+00 : f32
        %mul3A_1320 = vector.broadcast %mul3A_1319 : f32 to vector<16xf32>
        %mul3A_1321 = arith.mulf %get3A_1318, %mul3A_1320 : vector<16xf32>
        %swap3A_1322 = arith.constant 0 : i32
        %swap3A_1323 = arith.index_cast %swap3A_1322 : i32 to index
        %swap3A_1324 = arith.index_cast %scan3A_1264 : i32 to index
        %swap3A_1325 = arith.constant 48 : index
        %swap3A_1326 = tpu.vector_load %arg8[%swap3A_1323, %swap3A_1324, %swap3A_1325] {strides = array<i32>} : memref<2x128x64xf32, #tpu.memory_space<vmem>>, vector<1x1x16xf32>,
        %swap3A_1327 = vector.shape_cast %swap3A_1326 : vector<1x1x16xf32> to vector<16xf32>
        %swap3A_1328 = vector.shape_cast %mul3A_1321 : vector<16xf32> to vector<1x1x16xf32>
        tpu.vector_store %arg8[%swap3A_1323, %swap3A_1324, %swap3A_1325], %swap3A_1328 {strides = array<i32>} : memref<2x128x64xf32, #tpu.memory_space<vmem>>, vector<1x1x16xf32>,
        %get3A_1329 = arith.constant 1 : i32
        %get3A_1330 = arith.index_cast %get3A_1329 : i32 to index
        %get3A_1331 = arith.index_cast %scan3A_1264 : i32 to index
        %get3A_1332 = arith.constant 0 : index
        %get3A_1333 = tpu.vector_load %arg8[%get3A_1330, %get3A_1331, %get3A_1332] {strides = array<i32>} : memref<2x128x64xf32, #tpu.memory_space<vmem>>, vector<1x1x16xf32>,
        %get3A_1334 = vector.shape_cast %get3A_1333 : vector<1x1x16xf32> to vector<16xf32>
        %mul3A_1335 = arith.constant 8.000000e+00 : f32
        %mul3A_1336 = vector.broadcast %mul3A_1335 : f32 to vector<16xf32>
        %mul3A_1337 = arith.mulf %get3A_1334, %mul3A_1336 : vector<16xf32>
        %swap3A_1338 = arith.constant 1 : i32
        %swap3A_1339 = arith.index_cast %swap3A_1338 : i32 to index
        %swap3A_1340 = arith.index_cast %scan3A_1264 : i32 to index
        %swap3A_1341 = arith.constant 0 : index
        %swap3A_1342 = tpu.vector_load %arg8[%swap3A_1339, %swap3A_1340, %swap3A_1341] {strides = array<i32>} : memref<2x128x64xf32, #tpu.memory_space<vmem>>, vector<1x1x16xf32>,
        %swap3A_1343 = vector.shape_cast %swap3A_1342 : vector<1x1x16xf32> to vector<16xf32>
        %swap3A_1344 = vector.shape_cast %mul3A_1337 : vector<16xf32> to vector<1x1x16xf32>
        tpu.vector_store %arg8[%swap3A_1339, %swap3A_1340, %swap3A_1341], %swap3A_1344 {strides = array<i32>} : memref<2x128x64xf32, #tpu.memory_space<vmem>>, vector<1x1x16xf32>,
        %get3A_1345 = arith.constant 1 : i32
        %get3A_1346 = arith.index_cast %get3A_1345 : i32 to index
        %get3A_1347 = arith.index_cast %scan3A_1264 : i32 to index
        %get3A_1348 = arith.constant 16 : index
        %get3A_1349 = tpu.vector_load %arg8[%get3A_1346, %get3A_1347, %get3A_1348] {strides = array<i32>} : memref<2x128x64xf32, #tpu.memory_space<vmem>>, vector<1x1x16xf32>,
        %get3A_1350 = vector.shape_cast %get3A_1349 : vector<1x1x16xf32> to vector<16xf32>
        %mul3A_1351 = arith.constant 8.000000e+00 : f32
        %mul3A_1352 = vector.broadcast %mul3A_1351 : f32 to vector<16xf32>
        %mul3A_1353 = arith.mulf %get3A_1350, %mul3A_1352 : vector<16xf32>
        %swap3A_1354 = arith.constant 1 : i32
        %swap3A_1355 = arith.index_cast %swap3A_1354 : i32 to index
        %swap3A_1356 = arith.index_cast %scan3A_1264 : i32 to index
        %swap3A_1357 = arith.constant 16 : index
        %swap3A_1358 = tpu.vector_load %arg8[%swap3A_1355, %swap3A_1356, %swap3A_1357] {strides = array<i32>} : memref<2x128x64xf32, #tpu.memory_space<vmem>>, vector<1x1x16xf32>,
        %swap3A_1359 = vector.shape_cast %swap3A_1358 : vector<1x1x16xf32> to vector<16xf32>
        %swap3A_1360 = vector.shape_cast %mul3A_1353 : vector<16xf32> to vector<1x1x16xf32>
        tpu.vector_store %arg8[%swap3A_1355, %swap3A_1356, %swap3A_1357], %swap3A_1360 {strides = array<i32>} : memref<2x128x64xf32, #tpu.memory_space<vmem>>, vector<1x1x16xf32>,
        %get3A_1361 = arith.constant 1 : i32
        %get3A_1362 = arith.index_cast %get3A_1361 : i32 to index
        %get3A_1363 = arith.index_cast %scan3A_1264 : i32 to index
        %get3A_1364 = arith.constant 32 : index
        %get3A_1365 = tpu.vector_load %arg8[%get3A_1362, %get3A_1363, %get3A_1364] {strides = array<i32>} : memref<2x128x64xf32, #tpu.memory_space<vmem>>, vector<1x1x16xf32>,
        %get3A_1366 = vector.shape_cast %get3A_1365 : vector<1x1x16xf32> to vector<16xf32>
        %mul3A_1367 = arith.constant 8.000000e+00 : f32
        %mul3A_1368 = vector.broadcast %mul3A_1367 : f32 to vector<16xf32>
        %mul3A_1369 = arith.mulf %get3A_1366, %mul3A_1368 : vector<16xf32>
        %swap3A_1370 = arith.constant 1 : i32
        %swap3A_1371 = arith.index_cast %swap3A_1370 : i32 to index
        %swap3A_1372 = arith.index_cast %scan3A_1264 : i32 to index
        %swap3A_1373 = arith.constant 32 : index
        %swap3A_1374 = tpu.vector_load %arg8[%swap3A_1371, %swap3A_1372, %swap3A_1373] {strides = array<i32>} : memref<2x128x64xf32, #tpu.memory_space<vmem>>, vector<1x1x16xf32>,
        %swap3A_1375 = vector.shape_cast %swap3A_1374 : vector<1x1x16xf32> to vector<16xf32>
        %swap3A_1376 = vector.shape_cast %mul3A_1369 : vector<16xf32> to vector<1x1x16xf32>
        tpu.vector_store %arg8[%swap3A_1371, %swap3A_1372, %swap3A_1373], %swap3A_1376 {strides = array<i32>} : memref<2x128x64xf32, #tpu.memory_space<vmem>>, vector<1x1x16xf32>,
        %get3A_1377 = arith.constant 1 : i32
        %get3A_1378 = arith.index_cast %get3A_1377 : i32 to index
        %get3A_1379 = arith.index_cast %scan3A_1264 : i32 to index
        %get3A_1380 = arith.constant 48 : index
        %get3A_1381 = tpu.vector_load %arg8[%get3A_1378, %get3A_1379, %get3A_1380] {strides = array<i32>} : memref<2x128x64xf32, #tpu.memory_space<vmem>>, vector<1x1x16xf32>,
        %get3A_1382 = vector.shape_cast %get3A_1381 : vector<1x1x16xf32> to vector<16xf32>
        %mul3A_1383 = arith.constant 8.000000e+00 : f32
        %mul3A_1384 = vector.broadcast %mul3A_1383 : f32 to vector<16xf32>
        %mul3A_1385 = arith.mulf %get3A_1382, %mul3A_1384 : vector<16xf32>
        %swap3A_1386 = arith.constant 1 : i32
        %swap3A_1387 = arith.index_cast %swap3A_1386 : i32 to index
        %swap3A_1388 = arith.index_cast %scan3A_1264 : i32 to index
        %swap3A_1389 = arith.constant 48 : index
        %swap3A_1390 = tpu.vector_load %arg8[%swap3A_1387, %swap3A_1388, %swap3A_1389] {strides = array<i32>} : memref<2x128x64xf32, #tpu.memory_space<vmem>>, vector<1x1x16xf32>,
        %swap3A_1391 = vector.shape_cast %swap3A_1390 : vector<1x1x16xf32> to vector<16xf32>
        %swap3A_1392 = vector.shape_cast %mul3A_1385 : vector<16xf32> to vector<1x1x16xf32>
        tpu.vector_store %arg8[%swap3A_1387, %swap3A_1388, %swap3A_1389], %swap3A_1392 {strides = array<i32>} : memref<2x128x64xf32, #tpu.memory_space<vmem>>, vector<1x1x16xf32>,
      }
      %scan3A_276 = arith.constant 128 : i32
      %mul3A_277 = arith.constant 2 : i32
      %mul3A_278 = arith.muli %add3A_223, %mul3A_277 : i32
      %add3A_279 = arith.addi %mul3A_2, %mul3A_278 : i32
      %dma_start3A_280 = arith.constant 2 : i32
      %dma_start3A_281 = arith.constant 0 : i32
      %dma_start3A_282 = arith.constant 0 : i32
      %dma_start3A_283 = tpu.memref_slice %arg4[%add3A_279, %dma_start3A_281, %dma_start3A_282] : memref<6400x128x64xf32, #tpu.memory_space<hbm>> -> memref<2x128x64xf32, #tpu.memory_space<hbm>>
      %dma_start3A_284 = tpu.memref_slice %arg11[%dma_start3A_280] : memref<4x!tpu.dma_semaphore, #tpu.memory_space<semaphore_mem>> -> memref<1x!tpu.dma_semaphore, #tpu.memory_space<semaphore_mem>>
      %dma_start3A_285 = tpu.memref_squeeze %dma_start3A_284 : memref<1x!tpu.dma_semaphore, #tpu.memory_space<semaphore_mem>> -> memref<!tpu.dma_semaphore, #tpu.memory_space<semaphore_mem>>
      %dma_start3A_286 = arith.constant 0 : i32
      %dma_start3A_287 = arith.constant 0 : i32
      %dma_start3A_288 = tpu.memref_slice %arg4[%add3A_279, %dma_start3A_286, %dma_start3A_287] : memref<6400x128x64xf32, #tpu.memory_space<hbm>> -> memref<2x128x64xf32, #tpu.memory_space<hbm>>
      tpu.enqueue_dma source(%arg8 : memref<2x128x64xf32, #tpu.memory_space<vmem>>) target(%dma_start3A_288 : memref<2x128x64xf32, #tpu.memory_space<hbm>>) target_semaphore(%dma_start3A_285 : memref<!tpu.dma_semaphore, #tpu.memory_space<semaphore_mem>>)
      %add3A_289 = arith.constant 3 : i32
      %add3A_290 = arith.addi %add3A_91, %add3A_289 : i32
      %ge3A_291 = arith.constant 2 : i32
      %ge3A_292 = arith.cmpi sge, %add3A_290, %ge3A_291 : i32
      %convert_element_type3A_293 = arith.extui %ge3A_292 : i1 to i32
      %cond3A_294 = arith.constant 0 : i32
      %cond3A_295 = arith.cmpi ne, %convert_element_type3A_293, %cond3A_294 : i32
      scf.if %cond3A_295 {
        %sub3A = arith.constant 2 : i32
        %sub3A_356 = arith.subi %add3A_290, %sub3A : i32
        %mul3A_357 = arith.constant 2 : i32
        %mul3A_358 = arith.muli %sub3A_356, %mul3A_357 : i32
        %add3A_359 = arith.addi %mul3A_2, %mul3A_358 : i32
        %dma_wait3A_360 = arith.constant 1 : i32
        %dma_wait3A_361 = arith.constant 0 : i32
        %dma_wait3A_362 = arith.constant 0 : i32
        %dma_wait3A_363 = tpu.memref_slice %arg4[%add3A_359, %dma_wait3A_361, %dma_wait3A_362] : memref<6400x128x64xf32, #tpu.memory_space<hbm>> -> memref<2x128x64xf32, #tpu.memory_space<hbm>>
        %dma_wait3A_364 = tpu.memref_slice %arg11[%dma_wait3A_360] : memref<4x!tpu.dma_semaphore, #tpu.memory_space<semaphore_mem>> -> memref<1x!tpu.dma_semaphore, #tpu.memory_space<semaphore_mem>>
        %dma_wait3A_365 = tpu.memref_squeeze %dma_wait3A_364 : memref<1x!tpu.dma_semaphore, #tpu.memory_space<semaphore_mem>> -> memref<!tpu.dma_semaphore, #tpu.memory_space<semaphore_mem>>
        %dma_wait3A_366 = arith.constant 0 : i32
        %dma_wait3A_367 = arith.constant 0 : i32
        %dma_wait3A_368 = tpu.memref_slice %arg4[%add3A_359, %dma_wait3A_366, %dma_wait3A_367] : memref<6400x128x64xf32, #tpu.memory_space<hbm>> -> memref<2x128x64xf32, #tpu.memory_space<hbm>>
        tpu.wait_dma2 semaphore(%dma_wait3A_365 : memref<!tpu.dma_semaphore, #tpu.memory_space<semaphore_mem>>) src(%arg7 : memref<2x128x64xf32, #tpu.memory_space<vmem>>) dst(%dma_wait3A_368 : memref<2x128x64xf32, #tpu.memory_space<hbm>>)
      } else {
      }
      %add3A_296 = arith.constant 2 : i32
      %add3A_297 = arith.addi %add3A_290, %add3A_296 : i32
      %lt3A_298 = arith.constant 100 : i32
      %lt3A_299 = arith.cmpi slt, %add3A_297, %lt3A_298 : i32
      %convert_element_type3A_300 = arith.extui %lt3A_299 : i1 to i32
      %cond3A_301 = arith.constant 0 : i32
      %cond3A_302 = arith.cmpi ne, %convert_element_type3A_300, %cond3A_301 : i32
      scf.if %cond3A_302 {
        %add3A_356 = arith.constant 2 : i32
        %add3A_357 = arith.addi %add3A_290, %add3A_356 : i32
        %mul3A_358 = arith.constant 2 : i32
        %mul3A_359 = arith.muli %add3A_357, %mul3A_358 : i32
        %add3A_360 = arith.constant 0 : i32
        %add3A_361 = arith.addi %mul3A_359, %add3A_360 : i32
        %dma_start3A_362 = arith.constant 0 : i32
        %dma_start3A_363 = arith.constant 2 : i32
        %dma_start3A_364 = arith.constant 0 : i32
        %dma_start3A_365 = arith.constant 0 : i32
        %dma_start3A_366 = tpu.memref_slice %arg7[%dma_start3A_362, %dma_start3A_364, %dma_start3A_365] : memref<2x128x64xf32, #tpu.memory_space<vmem>> -> memref<1x128x64xf32, #tpu.memory_space<vmem>>
        %dma_start3A_367 = tpu.memref_squeeze %dma_start3A_366 : memref<1x128x64xf32, #tpu.memory_space<vmem>> -> memref<128x64xf32, #tpu.memory_space<vmem>>
        %dma_start3A_368 = arith.constant 0 : i32
        %dma_start3A_369 = tpu.memref_slice %arg5[%add3A_361, %dma_start3A_368] : memref<200x128xi32, #tpu.memory_space<vmem>> -> memref<1x128xi32, #tpu.memory_space<vmem>>
        %dma_start3A_370 = tpu.memref_squeeze %dma_start3A_369 : memref<1x128xi32, #tpu.memory_space<vmem>> -> memref<128xi32, #tpu.memory_space<vmem>>
        %dma_start3A_371 = arith.constant 0 : i32
        %dma_start3A_372 = arith.constant 0 : i32
        %dma_start3A_373 = tpu.memref_slice %arg3[%dma_start3A_371, %dma_start3A_372] : memref<1000000x64xf32, #tpu.memory_space<hbm>> -> memref<1000000x64xf32, #tpu.memory_space<hbm>>
        %dma_start3A_374 = tpu.memref_slice %arg10[%dma_start3A_363] : memref<8x!tpu.dma_semaphore, #tpu.memory_space<semaphore_mem>> -> memref<1x!tpu.dma_semaphore, #tpu.memory_space<semaphore_mem>>
        %dma_start3A_375 = tpu.memref_squeeze %dma_start3A_374 : memref<1x!tpu.dma_semaphore, #tpu.memory_space<semaphore_mem>> -> memref<!tpu.dma_semaphore, #tpu.memory_space<semaphore_mem>>
        tpu.enqueue_indirect_dma source(%dma_start3A_373 : memref<1000000x64xf32, #tpu.memory_space<hbm>>) target(%dma_start3A_367 : memref<128x64xf32, #tpu.memory_space<vmem>>) offsets(%dma_start3A_370 : memref<128xi32, #tpu.memory_space<vmem>>) semaphore(%dma_start3A_375 : memref<!tpu.dma_semaphore, #tpu.memory_space<semaphore_mem>>)
        %mul3A_376 = arith.constant 2 : i32
        %mul3A_377 = arith.muli %add3A_357, %mul3A_376 : i32
        %add3A_378 = arith.constant 1 : i32
        %add3A_379 = arith.addi %mul3A_377, %add3A_378 : i32
        %dma_start3A_380 = arith.constant 1 : i32
        %dma_start3A_381 = arith.constant 3 : i32
        %dma_start3A_382 = arith.constant 0 : i32
        %dma_start3A_383 = arith.constant 0 : i32
        %dma_start3A_384 = tpu.memref_slice %arg7[%dma_start3A_380, %dma_start3A_382, %dma_start3A_383] : memref<2x128x64xf32, #tpu.memory_space<vmem>> -> memref<1x128x64xf32, #tpu.memory_space<vmem>>
        %dma_start3A_385 = tpu.memref_squeeze %dma_start3A_384 : memref<1x128x64xf32, #tpu.memory_space<vmem>> -> memref<128x64xf32, #tpu.memory_space<vmem>>
        %dma_start3A_386 = arith.constant 0 : i32
        %dma_start3A_387 = tpu.memref_slice %arg5[%add3A_379, %dma_start3A_386] : memref<200x128xi32, #tpu.memory_space<vmem>> -> memref<1x128xi32, #tpu.memory_space<vmem>>
        %dma_start3A_388 = tpu.memref_squeeze %dma_start3A_387 : memref<1x128xi32, #tpu.memory_space<vmem>> -> memref<128xi32, #tpu.memory_space<vmem>>
        %dma_start3A_389 = arith.constant 0 : i32
        %dma_start3A_390 = arith.constant 0 : i32
        %dma_start3A_391 = tpu.memref_slice %arg3[%dma_start3A_389, %dma_start3A_390] : memref<1000000x64xf32, #tpu.memory_space<hbm>> -> memref<1000000x64xf32, #tpu.memory_space<hbm>>
        %dma_start3A_392 = tpu.memref_slice %arg10[%dma_start3A_381] : memref<8x!tpu.dma_semaphore, #tpu.memory_space<semaphore_mem>> -> memref<1x!tpu.dma_semaphore, #tpu.memory_space<semaphore_mem>>
        %dma_start3A_393 = tpu.memref_squeeze %dma_start3A_392 : memref<1x!tpu.dma_semaphore, #tpu.memory_space<semaphore_mem>> -> memref<!tpu.dma_semaphore, #tpu.memory_space<semaphore_mem>>
        tpu.enqueue_indirect_dma source(%dma_start3A_391 : memref<1000000x64xf32, #tpu.memory_space<hbm>>) target(%dma_start3A_385 : memref<128x64xf32, #tpu.memory_space<vmem>>) offsets(%dma_start3A_388 : memref<128xi32, #tpu.memory_space<vmem>>) semaphore(%dma_start3A_393 : memref<!tpu.dma_semaphore, #tpu.memory_space<semaphore_mem>>)
      } else {
      }
      %mul3A_303 = arith.constant 2 : i32
      %mul3A_304 = arith.muli %add3A_290, %mul3A_303 : i32
      %add3A_305 = arith.constant 0 : i32
      %add3A_306 = arith.addi %mul3A_304, %add3A_305 : i32
      %dma_wait3A_307 = arith.constant 0 : i32
      %dma_wait3A_308 = arith.constant 6 : i32
      %dma_wait3A_309 = arith.constant 0 : i32
      %dma_wait3A_310 = arith.constant 0 : i32
      %dma_wait3A_311 = tpu.memref_slice %arg9[%dma_wait3A_307, %dma_wait3A_309, %dma_wait3A_310] : memref<2x128x64xf32, #tpu.memory_space<vmem>> -> memref<1x128x64xf32, #tpu.memory_space<vmem>>
      %dma_wait3A_312 = tpu.memref_squeeze %dma_wait3A_311 : memref<1x128x64xf32, #tpu.memory_space<vmem>> -> memref<128x64xf32, #tpu.memory_space<vmem>>
      %dma_wait3A_313 = arith.constant 0 : i32
      %dma_wait3A_314 = tpu.memref_slice %arg5[%add3A_306, %dma_wait3A_313] : memref<200x128xi32, #tpu.memory_space<vmem>> -> memref<1x128xi32, #tpu.memory_space<vmem>>
      %dma_wait3A_315 = tpu.memref_squeeze %dma_wait3A_314 : memref<1x128xi32, #tpu.memory_space<vmem>> -> memref<128xi32, #tpu.memory_space<vmem>>
      %dma_wait3A_316 = arith.constant 0 : i32
      %dma_wait3A_317 = arith.constant 0 : i32
      %dma_wait3A_318 = tpu.memref_slice %arg3[%dma_wait3A_316, %dma_wait3A_317] : memref<1000000x64xf32, #tpu.memory_space<hbm>> -> memref<1000000x64xf32, #tpu.memory_space<hbm>>
      %dma_wait3A_319 = tpu.memref_slice %arg10[%dma_wait3A_308] : memref<8x!tpu.dma_semaphore, #tpu.memory_space<semaphore_mem>> -> memref<1x!tpu.dma_semaphore, #tpu.memory_space<semaphore_mem>>
      %dma_wait3A_320 = tpu.memref_squeeze %dma_wait3A_319 : memref<1x!tpu.dma_semaphore, #tpu.memory_space<semaphore_mem>> -> memref<!tpu.dma_semaphore, #tpu.memory_space<semaphore_mem>>
      tpu.wait_indirect_dma semaphore(%dma_wait3A_320 : memref<!tpu.dma_semaphore, #tpu.memory_space<semaphore_mem>>) src(%dma_wait3A_318 : memref<1000000x64xf32, #tpu.memory_space<hbm>>) dst(%dma_wait3A_312 : memref<128x64xf32, #tpu.memory_space<vmem>>)
      %mul3A_321 = arith.constant 2 : i32
      %mul3A_322 = arith.muli %add3A_290, %mul3A_321 : i32
      %add3A_323 = arith.constant 1 : i32
      %add3A_324 = arith.addi %mul3A_322, %add3A_323 : i32
      %dma_wait3A_325 = arith.constant 1 : i32
      %dma_wait3A_326 = arith.constant 7 : i32
      %dma_wait3A_327 = arith.constant 0 : i32
      %dma_wait3A_328 = arith.constant 0 : i32
      %dma_wait3A_329 = tpu.memref_slice %arg9[%dma_wait3A_325, %dma_wait3A_327, %dma_wait3A_328] : memref<2x128x64xf32, #tpu.memory_space<vmem>> -> memref<1x128x64xf32, #tpu.memory_space<vmem>>
      %dma_wait3A_330 = tpu.memref_squeeze %dma_wait3A_329 : memref<1x128x64xf32, #tpu.memory_space<vmem>> -> memref<128x64xf32, #tpu.memory_space<vmem>>
      %dma_wait3A_331 = arith.constant 0 : i32
      %dma_wait3A_332 = tpu.memref_slice %arg5[%add3A_324, %dma_wait3A_331] : memref<200x128xi32, #tpu.memory_space<vmem>> -> memref<1x128xi32, #tpu.memory_space<vmem>>
      %dma_wait3A_333 = tpu.memref_squeeze %dma_wait3A_332 : memref<1x128xi32, #tpu.memory_space<vmem>> -> memref<128xi32, #tpu.memory_space<vmem>>
      %dma_wait3A_334 = arith.constant 0 : i32
      %dma_wait3A_335 = arith.constant 0 : i32
      %dma_wait3A_336 = tpu.memref_slice %arg3[%dma_wait3A_334, %dma_wait3A_335] : memref<1000000x64xf32, #tpu.memory_space<hbm>> -> memref<1000000x64xf32, #tpu.memory_space<hbm>>
      %dma_wait3A_337 = tpu.memref_slice %arg10[%dma_wait3A_326] : memref<8x!tpu.dma_semaphore, #tpu.memory_space<semaphore_mem>> -> memref<1x!tpu.dma_semaphore, #tpu.memory_space<semaphore_mem>>
      %dma_wait3A_338 = tpu.memref_squeeze %dma_wait3A_337 : memref<1x!tpu.dma_semaphore, #tpu.memory_space<semaphore_mem>> -> memref<!tpu.dma_semaphore, #tpu.memory_space<semaphore_mem>>
      tpu.wait_indirect_dma semaphore(%dma_wait3A_338 : memref<!tpu.dma_semaphore, #tpu.memory_space<semaphore_mem>>) src(%dma_wait3A_336 : memref<1000000x64xf32, #tpu.memory_space<hbm>>) dst(%dma_wait3A_330 : memref<128x64xf32, #tpu.memory_space<vmem>>)
      %scan3A_339 = arith.constant 0 : i32
      %scan3A_340 = arith.constant 128 : i32
      %scan3A_341 = arith.addi %scan3A_339, %scan3A_340 : i32
      %scan3A_342 = arith.constant 8 : i32
      scf.for %scan3A_356 = %scan3A_339 to %scan3A_341 step %scan3A_342  : i32 {
        %get3A = arith.constant 0 : i32
        %get3A_357 = arith.index_cast %get3A : i32 to index
        %get3A_358 = arith.index_cast %scan3A_356 : i32 to index
        %get3A_359 = arith.constant 0 : index
        %get3A_360 = tpu.vector_load %arg9[%get3A_357, %get3A_358, %get3A_359] {strides = array<i32>} : memref<2x128x64xf32, #tpu.memory_space<vmem>>, vector<1x1x16xf32>,
        %get3A_361 = vector.shape_cast %get3A_360 : vector<1x1x16xf32> to vector<16xf32>
        %mul3A_362 = arith.constant 8.000000e+00 : f32
        %mul3A_363 = vector.broadcast %mul3A_362 : f32 to vector<16xf32>
        %mul3A_364 = arith.mulf %get3A_361, %mul3A_363 : vector<16xf32>
        %swap3A = arith.constant 0 : i32
        %swap3A_365 = arith.index_cast %swap3A : i32 to index
        %swap3A_366 = arith.index_cast %scan3A_356 : i32 to index
        %swap3A_367 = arith.constant 0 : index
        %swap3A_368 = tpu.vector_load %arg9[%swap3A_365, %swap3A_366, %swap3A_367] {strides = array<i32>} : memref<2x128x64xf32, #tpu.memory_space<vmem>>, vector<1x1x16xf32>,
        %swap3A_369 = vector.shape_cast %swap3A_368 : vector<1x1x16xf32> to vector<16xf32>
        %swap3A_370 = vector.shape_cast %mul3A_364 : vector<16xf32> to vector<1x1x16xf32>
        tpu.vector_store %arg9[%swap3A_365, %swap3A_366, %swap3A_367], %swap3A_370 {strides = array<i32>} : memref<2x128x64xf32, #tpu.memory_space<vmem>>, vector<1x1x16xf32>,
        %get3A_371 = arith.constant 0 : i32
        %get3A_372 = arith.index_cast %get3A_371 : i32 to index
        %get3A_373 = arith.index_cast %scan3A_356 : i32 to index
        %get3A_374 = arith.constant 16 : index
        %get3A_375 = tpu.vector_load %arg9[%get3A_372, %get3A_373, %get3A_374] {strides = array<i32>} : memref<2x128x64xf32, #tpu.memory_space<vmem>>, vector<1x1x16xf32>,
        %get3A_376 = vector.shape_cast %get3A_375 : vector<1x1x16xf32> to vector<16xf32>
        %mul3A_377 = arith.constant 8.000000e+00 : f32
        %mul3A_378 = vector.broadcast %mul3A_377 : f32 to vector<16xf32>
        %mul3A_379 = arith.mulf %get3A_376, %mul3A_378 : vector<16xf32>
        %swap3A_380 = arith.constant 0 : i32
        %swap3A_381 = arith.index_cast %swap3A_380 : i32 to index
        %swap3A_382 = arith.index_cast %scan3A_356 : i32 to index
        %swap3A_383 = arith.constant 16 : index
        %swap3A_384 = tpu.vector_load %arg9[%swap3A_381, %swap3A_382, %swap3A_383] {strides = array<i32>} : memref<2x128x64xf32, #tpu.memory_space<vmem>>, vector<1x1x16xf32>,
        %swap3A_385 = vector.shape_cast %swap3A_384 : vector<1x1x16xf32> to vector<16xf32>
        %swap3A_386 = vector.shape_cast %mul3A_379 : vector<16xf32> to vector<1x1x16xf32>
        tpu.vector_store %arg9[%swap3A_381, %swap3A_382, %swap3A_383], %swap3A_386 {strides = array<i32>} : memref<2x128x64xf32, #tpu.memory_space<vmem>>, vector<1x1x16xf32>,
        %get3A_387 = arith.constant 0 : i32
        %get3A_388 = arith.index_cast %get3A_387 : i32 to index
        %get3A_389 = arith.index_cast %scan3A_356 : i32 to index
        %get3A_390 = arith.constant 32 : index
        %get3A_391 = tpu.vector_load %arg9[%get3A_388, %get3A_389, %get3A_390] {strides = array<i32>} : memref<2x128x64xf32, #tpu.memory_space<vmem>>, vector<1x1x16xf32>,
        %get3A_392 = vector.shape_cast %get3A_391 : vector<1x1x16xf32> to vector<16xf32>
        %mul3A_393 = arith.constant 8.000000e+00 : f32
        %mul3A_394 = vector.broadcast %mul3A_393 : f32 to vector<16xf32>
        %mul3A_395 = arith.mulf %get3A_392, %mul3A_394 : vector<16xf32>
        %swap3A_396 = arith.constant 0 : i32
        %swap3A_397 = arith.index_cast %swap3A_396 : i32 to index
        %swap3A_398 = arith.index_cast %scan3A_356 : i32 to index
        %swap3A_399 = arith.constant 32 : index
        %swap3A_400 = tpu.vector_load %arg9[%swap3A_397, %swap3A_398, %swap3A_399] {strides = array<i32>} : memref<2x128x64xf32, #tpu.memory_space<vmem>>, vector<1x1x16xf32>,
        %swap3A_401 = vector.shape_cast %swap3A_400 : vector<1x1x16xf32> to vector<16xf32>
        %swap3A_402 = vector.shape_cast %mul3A_395 : vector<16xf32> to vector<1x1x16xf32>
        tpu.vector_store %arg9[%swap3A_397, %swap3A_398, %swap3A_399], %swap3A_402 {strides = array<i32>} : memref<2x128x64xf32, #tpu.memory_space<vmem>>, vector<1x1x16xf32>,
        %get3A_403 = arith.constant 0 : i32
        %get3A_404 = arith.index_cast %get3A_403 : i32 to index
        %get3A_405 = arith.index_cast %scan3A_356 : i32 to index
        %get3A_406 = arith.constant 48 : index
        %get3A_407 = tpu.vector_load %arg9[%get3A_404, %get3A_405, %get3A_406] {strides = array<i32>} : memref<2x128x64xf32, #tpu.memory_space<vmem>>, vector<1x1x16xf32>,
        %get3A_408 = vector.shape_cast %get3A_407 : vector<1x1x16xf32> to vector<16xf32>
        %mul3A_409 = arith.constant 8.000000e+00 : f32
        %mul3A_410 = vector.broadcast %mul3A_409 : f32 to vector<16xf32>
        %mul3A_411 = arith.mulf %get3A_408, %mul3A_410 : vector<16xf32>
        %swap3A_412 = arith.constant 0 : i32
        %swap3A_413 = arith.index_cast %swap3A_412 : i32 to index
        %swap3A_414 = arith.index_cast %scan3A_356 : i32 to index
        %swap3A_415 = arith.constant 48 : index
        %swap3A_416 = tpu.vector_load %arg9[%swap3A_413, %swap3A_414, %swap3A_415] {strides = array<i32>} : memref<2x128x64xf32, #tpu.memory_space<vmem>>, vector<1x1x16xf32>,
        %swap3A_417 = vector.shape_cast %swap3A_416 : vector<1x1x16xf32> to vector<16xf32>
        %swap3A_418 = vector.shape_cast %mul3A_411 : vector<16xf32> to vector<1x1x16xf32>
        tpu.vector_store %arg9[%swap3A_413, %swap3A_414, %swap3A_415], %swap3A_418 {strides = array<i32>} : memref<2x128x64xf32, #tpu.memory_space<vmem>>, vector<1x1x16xf32>,
        %get3A_419 = arith.constant 1 : i32
        %get3A_420 = arith.index_cast %get3A_419 : i32 to index
        %get3A_421 = arith.index_cast %scan3A_356 : i32 to index
        %get3A_422 = arith.constant 0 : index
        %get3A_423 = tpu.vector_load %arg9[%get3A_420, %get3A_421, %get3A_422] {strides = array<i32>} : memref<2x128x64xf32, #tpu.memory_space<vmem>>, vector<1x1x16xf32>,
        %get3A_424 = vector.shape_cast %get3A_423 : vector<1x1x16xf32> to vector<16xf32>
        %mul3A_425 = arith.constant 8.000000e+00 : f32
        %mul3A_426 = vector.broadcast %mul3A_425 : f32 to vector<16xf32>
        %mul3A_427 = arith.mulf %get3A_424, %mul3A_426 : vector<16xf32>
        %swap3A_428 = arith.constant 1 : i32
        %swap3A_429 = arith.index_cast %swap3A_428 : i32 to index
        %swap3A_430 = arith.index_cast %scan3A_356 : i32 to index
        %swap3A_431 = arith.constant 0 : index
        %swap3A_432 = tpu.vector_load %arg9[%swap3A_429, %swap3A_430, %swap3A_431] {strides = array<i32>} : memref<2x128x64xf32, #tpu.memory_space<vmem>>, vector<1x1x16xf32>,
        %swap3A_433 = vector.shape_cast %swap3A_432 : vector<1x1x16xf32> to vector<16xf32>
        %swap3A_434 = vector.shape_cast %mul3A_427 : vector<16xf32> to vector<1x1x16xf32>
        tpu.vector_store %arg9[%swap3A_429, %swap3A_430, %swap3A_431], %swap3A_434 {strides = array<i32>} : memref<2x128x64xf32, #tpu.memory_space<vmem>>, vector<1x1x16xf32>,
        %get3A_435 = arith.constant 1 : i32
        %get3A_436 = arith.index_cast %get3A_435 : i32 to index
        %get3A_437 = arith.index_cast %scan3A_356 : i32 to index
        %get3A_438 = arith.constant 16 : index
        %get3A_439 = tpu.vector_load %arg9[%get3A_436, %get3A_437, %get3A_438] {strides = array<i32>} : memref<2x128x64xf32, #tpu.memory_space<vmem>>, vector<1x1x16xf32>,
        %get3A_440 = vector.shape_cast %get3A_439 : vector<1x1x16xf32> to vector<16xf32>
        %mul3A_441 = arith.constant 8.000000e+00 : f32
        %mul3A_442 = vector.broadcast %mul3A_441 : f32 to vector<16xf32>
        %mul3A_443 = arith.mulf %get3A_440, %mul3A_442 : vector<16xf32>
        %swap3A_444 = arith.constant 1 : i32
        %swap3A_445 = arith.index_cast %swap3A_444 : i32 to index
        %swap3A_446 = arith.index_cast %scan3A_356 : i32 to index
        %swap3A_447 = arith.constant 16 : index
        %swap3A_448 = tpu.vector_load %arg9[%swap3A_445, %swap3A_446, %swap3A_447] {strides = array<i32>} : memref<2x128x64xf32, #tpu.memory_space<vmem>>, vector<1x1x16xf32>,
        %swap3A_449 = vector.shape_cast %swap3A_448 : vector<1x1x16xf32> to vector<16xf32>
        %swap3A_450 = vector.shape_cast %mul3A_443 : vector<16xf32> to vector<1x1x16xf32>
        tpu.vector_store %arg9[%swap3A_445, %swap3A_446, %swap3A_447], %swap3A_450 {strides = array<i32>} : memref<2x128x64xf32, #tpu.memory_space<vmem>>, vector<1x1x16xf32>,
        %get3A_451 = arith.constant 1 : i32
        %get3A_452 = arith.index_cast %get3A_451 : i32 to index
        %get3A_453 = arith.index_cast %scan3A_356 : i32 to index
        %get3A_454 = arith.constant 32 : index
        %get3A_455 = tpu.vector_load %arg9[%get3A_452, %get3A_453, %get3A_454] {strides = array<i32>} : memref<2x128x64xf32, #tpu.memory_space<vmem>>, vector<1x1x16xf32>,
        %get3A_456 = vector.shape_cast %get3A_455 : vector<1x1x16xf32> to vector<16xf32>
        %mul3A_457 = arith.constant 8.000000e+00 : f32
        %mul3A_458 = vector.broadcast %mul3A_457 : f32 to vector<16xf32>
        %mul3A_459 = arith.mulf %get3A_456, %mul3A_458 : vector<16xf32>
        %swap3A_460 = arith.constant 1 : i32
        %swap3A_461 = arith.index_cast %swap3A_460 : i32 to index
        %swap3A_462 = arith.index_cast %scan3A_356 : i32 to index
        %swap3A_463 = arith.constant 32 : index
        %swap3A_464 = tpu.vector_load %arg9[%swap3A_461, %swap3A_462, %swap3A_463] {strides = array<i32>} : memref<2x128x64xf32, #tpu.memory_space<vmem>>, vector<1x1x16xf32>,
        %swap3A_465 = vector.shape_cast %swap3A_464 : vector<1x1x16xf32> to vector<16xf32>
        %swap3A_466 = vector.shape_cast %mul3A_459 : vector<16xf32> to vector<1x1x16xf32>
        tpu.vector_store %arg9[%swap3A_461, %swap3A_462, %swap3A_463], %swap3A_466 {strides = array<i32>} : memref<2x128x64xf32, #tpu.memory_space<vmem>>, vector<1x1x16xf32>,
        %get3A_467 = arith.constant 1 : i32
        %get3A_468 = arith.index_cast %get3A_467 : i32 to index
        %get3A_469 = arith.index_cast %scan3A_356 : i32 to index
        %get3A_470 = arith.constant 48 : index
        %get3A_471 = tpu.vector_load %arg9[%get3A_468, %get3A_469, %get3A_470] {strides = array<i32>} : memref<2x128x64xf32, #tpu.memory_space<vmem>>, vector<1x1x16xf32>,
        %get3A_472 = vector.shape_cast %get3A_471 : vector<1x1x16xf32> to vector<16xf32>
        %mul3A_473 = arith.constant 8.000000e+00 : f32
        %mul3A_474 = vector.broadcast %mul3A_473 : f32 to vector<16xf32>
        %mul3A_475 = arith.mulf %get3A_472, %mul3A_474 : vector<16xf32>
        %swap3A_476 = arith.constant 1 : i32
        %swap3A_477 = arith.index_cast %swap3A_476 : i32 to index
        %swap3A_478 = arith.index_cast %scan3A_356 : i32 to index
        %swap3A_479 = arith.constant 48 : index
        %swap3A_480 = tpu.vector_load %arg9[%swap3A_477, %swap3A_478, %swap3A_479] {strides = array<i32>} : memref<2x128x64xf32, #tpu.memory_space<vmem>>, vector<1x1x16xf32>,
        %swap3A_481 = vector.shape_cast %swap3A_480 : vector<1x1x16xf32> to vector<16xf32>
        %swap3A_482 = vector.shape_cast %mul3A_475 : vector<16xf32> to vector<1x1x16xf32>
        tpu.vector_store %arg9[%swap3A_477, %swap3A_478, %swap3A_479], %swap3A_482 {strides = array<i32>} : memref<2x128x64xf32, #tpu.memory_space<vmem>>, vector<1x1x16xf32>,
        %scan3A_483 = arith.constant 1 : i32
        %scan3A_484 = arith.addi %scan3A_356, %scan3A_483 : i32
        %get3A_485 = arith.constant 0 : i32
        %get3A_486 = arith.index_cast %get3A_485 : i32 to index
        %get3A_487 = arith.index_cast %scan3A_484 : i32 to index
        %get3A_488 = arith.constant 0 : index
        %get3A_489 = tpu.vector_load %arg9[%get3A_486, %get3A_487, %get3A_488] {strides = array<i32>} : memref<2x128x64xf32, #tpu.memory_space<vmem>>, vector<1x1x16xf32>,
        %get3A_490 = vector.shape_cast %get3A_489 : vector<1x1x16xf32> to vector<16xf32>
        %mul3A_491 = arith.constant 8.000000e+00 : f32
        %mul3A_492 = vector.broadcast %mul3A_491 : f32 to vector<16xf32>
        %mul3A_493 = arith.mulf %get3A_490, %mul3A_492 : vector<16xf32>
        %swap3A_494 = arith.constant 0 : i32
        %swap3A_495 = arith.index_cast %swap3A_494 : i32 to index
        %swap3A_496 = arith.index_cast %scan3A_484 : i32 to index
        %swap3A_497 = arith.constant 0 : index
        %swap3A_498 = tpu.vector_load %arg9[%swap3A_495, %swap3A_496, %swap3A_497] {strides = array<i32>} : memref<2x128x64xf32, #tpu.memory_space<vmem>>, vector<1x1x16xf32>,
        %swap3A_499 = vector.shape_cast %swap3A_498 : vector<1x1x16xf32> to vector<16xf32>
        %swap3A_500 = vector.shape_cast %mul3A_493 : vector<16xf32> to vector<1x1x16xf32>
        tpu.vector_store %arg9[%swap3A_495, %swap3A_496, %swap3A_497], %swap3A_500 {strides = array<i32>} : memref<2x128x64xf32, #tpu.memory_space<vmem>>, vector<1x1x16xf32>,
        %get3A_501 = arith.constant 0 : i32
        %get3A_502 = arith.index_cast %get3A_501 : i32 to index
        %get3A_503 = arith.index_cast %scan3A_484 : i32 to index
        %get3A_504 = arith.constant 16 : index
        %get3A_505 = tpu.vector_load %arg9[%get3A_502, %get3A_503, %get3A_504] {strides = array<i32>} : memref<2x128x64xf32, #tpu.memory_space<vmem>>, vector<1x1x16xf32>,
        %get3A_506 = vector.shape_cast %get3A_505 : vector<1x1x16xf32> to vector<16xf32>
        %mul3A_507 = arith.constant 8.000000e+00 : f32
        %mul3A_508 = vector.broadcast %mul3A_507 : f32 to vector<16xf32>
        %mul3A_509 = arith.mulf %get3A_506, %mul3A_508 : vector<16xf32>
        %swap3A_510 = arith.constant 0 : i32
        %swap3A_511 = arith.index_cast %swap3A_510 : i32 to index
        %swap3A_512 = arith.index_cast %scan3A_484 : i32 to index
        %swap3A_513 = arith.constant 16 : index
        %swap3A_514 = tpu.vector_load %arg9[%swap3A_511, %swap3A_512, %swap3A_513] {strides = array<i32>} : memref<2x128x64xf32, #tpu.memory_space<vmem>>, vector<1x1x16xf32>,
        %swap3A_515 = vector.shape_cast %swap3A_514 : vector<1x1x16xf32> to vector<16xf32>
        %swap3A_516 = vector.shape_cast %mul3A_509 : vector<16xf32> to vector<1x1x16xf32>
        tpu.vector_store %arg9[%swap3A_511, %swap3A_512, %swap3A_513], %swap3A_516 {strides = array<i32>} : memref<2x128x64xf32, #tpu.memory_space<vmem>>, vector<1x1x16xf32>,
        %get3A_517 = arith.constant 0 : i32
        %get3A_518 = arith.index_cast %get3A_517 : i32 to index
        %get3A_519 = arith.index_cast %scan3A_484 : i32 to index
        %get3A_520 = arith.constant 32 : index
        %get3A_521 = tpu.vector_load %arg9[%get3A_518, %get3A_519, %get3A_520] {strides = array<i32>} : memref<2x128x64xf32, #tpu.memory_space<vmem>>, vector<1x1x16xf32>,
        %get3A_522 = vector.shape_cast %get3A_521 : vector<1x1x16xf32> to vector<16xf32>
        %mul3A_523 = arith.constant 8.000000e+00 : f32
        %mul3A_524 = vector.broadcast %mul3A_523 : f32 to vector<16xf32>
        %mul3A_525 = arith.mulf %get3A_522, %mul3A_524 : vector<16xf32>
        %swap3A_526 = arith.constant 0 : i32
        %swap3A_527 = arith.index_cast %swap3A_526 : i32 to index
        %swap3A_528 = arith.index_cast %scan3A_484 : i32 to index
        %swap3A_529 = arith.constant 32 : index
        %swap3A_530 = tpu.vector_load %arg9[%swap3A_527, %swap3A_528, %swap3A_529] {strides = array<i32>} : memref<2x128x64xf32, #tpu.memory_space<vmem>>, vector<1x1x16xf32>,
        %swap3A_531 = vector.shape_cast %swap3A_530 : vector<1x1x16xf32> to vector<16xf32>
        %swap3A_532 = vector.shape_cast %mul3A_525 : vector<16xf32> to vector<1x1x16xf32>
        tpu.vector_store %arg9[%swap3A_527, %swap3A_528, %swap3A_529], %swap3A_532 {strides = array<i32>} : memref<2x128x64xf32, #tpu.memory_space<vmem>>, vector<1x1x16xf32>,
        %get3A_533 = arith.constant 0 : i32
        %get3A_534 = arith.index_cast %get3A_533 : i32 to index
        %get3A_535 = arith.index_cast %scan3A_484 : i32 to index
        %get3A_536 = arith.constant 48 : index
        %get3A_537 = tpu.vector_load %arg9[%get3A_534, %get3A_535, %get3A_536] {strides = array<i32>} : memref<2x128x64xf32, #tpu.memory_space<vmem>>, vector<1x1x16xf32>,
        %get3A_538 = vector.shape_cast %get3A_537 : vector<1x1x16xf32> to vector<16xf32>
        %mul3A_539 = arith.constant 8.000000e+00 : f32
        %mul3A_540 = vector.broadcast %mul3A_539 : f32 to vector<16xf32>
        %mul3A_541 = arith.mulf %get3A_538, %mul3A_540 : vector<16xf32>
        %swap3A_542 = arith.constant 0 : i32
        %swap3A_543 = arith.index_cast %swap3A_542 : i32 to index
        %swap3A_544 = arith.index_cast %scan3A_484 : i32 to index
        %swap3A_545 = arith.constant 48 : index
        %swap3A_546 = tpu.vector_load %arg9[%swap3A_543, %swap3A_544, %swap3A_545] {strides = array<i32>} : memref<2x128x64xf32, #tpu.memory_space<vmem>>, vector<1x1x16xf32>,
        %swap3A_547 = vector.shape_cast %swap3A_546 : vector<1x1x16xf32> to vector<16xf32>
        %swap3A_548 = vector.shape_cast %mul3A_541 : vector<16xf32> to vector<1x1x16xf32>
        tpu.vector_store %arg9[%swap3A_543, %swap3A_544, %swap3A_545], %swap3A_548 {strides = array<i32>} : memref<2x128x64xf32, #tpu.memory_space<vmem>>, vector<1x1x16xf32>,
        %get3A_549 = arith.constant 1 : i32
        %get3A_550 = arith.index_cast %get3A_549 : i32 to index
        %get3A_551 = arith.index_cast %scan3A_484 : i32 to index
        %get3A_552 = arith.constant 0 : index
        %get3A_553 = tpu.vector_load %arg9[%get3A_550, %get3A_551, %get3A_552] {strides = array<i32>} : memref<2x128x64xf32, #tpu.memory_space<vmem>>, vector<1x1x16xf32>,
        %get3A_554 = vector.shape_cast %get3A_553 : vector<1x1x16xf32> to vector<16xf32>
        %mul3A_555 = arith.constant 8.000000e+00 : f32
        %mul3A_556 = vector.broadcast %mul3A_555 : f32 to vector<16xf32>
        %mul3A_557 = arith.mulf %get3A_554, %mul3A_556 : vector<16xf32>
        %swap3A_558 = arith.constant 1 : i32
        %swap3A_559 = arith.index_cast %swap3A_558 : i32 to index
        %swap3A_560 = arith.index_cast %scan3A_484 : i32 to index
        %swap3A_561 = arith.constant 0 : index
        %swap3A_562 = tpu.vector_load %arg9[%swap3A_559, %swap3A_560, %swap3A_561] {strides = array<i32>} : memref<2x128x64xf32, #tpu.memory_space<vmem>>, vector<1x1x16xf32>,
        %swap3A_563 = vector.shape_cast %swap3A_562 : vector<1x1x16xf32> to vector<16xf32>
        %swap3A_564 = vector.shape_cast %mul3A_557 : vector<16xf32> to vector<1x1x16xf32>
        tpu.vector_store %arg9[%swap3A_559, %swap3A_560, %swap3A_561], %swap3A_564 {strides = array<i32>} : memref<2x128x64xf32, #tpu.memory_space<vmem>>, vector<1x1x16xf32>,
        %get3A_565 = arith.constant 1 : i32
        %get3A_566 = arith.index_cast %get3A_565 : i32 to index
        %get3A_567 = arith.index_cast %scan3A_484 : i32 to index
        %get3A_568 = arith.constant 16 : index
        %get3A_569 = tpu.vector_load %arg9[%get3A_566, %get3A_567, %get3A_568] {strides = array<i32>} : memref<2x128x64xf32, #tpu.memory_space<vmem>>, vector<1x1x16xf32>,
        %get3A_570 = vector.shape_cast %get3A_569 : vector<1x1x16xf32> to vector<16xf32>
        %mul3A_571 = arith.constant 8.000000e+00 : f32
        %mul3A_572 = vector.broadcast %mul3A_571 : f32 to vector<16xf32>
        %mul3A_573 = arith.mulf %get3A_570, %mul3A_572 : vector<16xf32>
        %swap3A_574 = arith.constant 1 : i32
        %swap3A_575 = arith.index_cast %swap3A_574 : i32 to index
        %swap3A_576 = arith.index_cast %scan3A_484 : i32 to index
        %swap3A_577 = arith.constant 16 : index
        %swap3A_578 = tpu.vector_load %arg9[%swap3A_575, %swap3A_576, %swap3A_577] {strides = array<i32>} : memref<2x128x64xf32, #tpu.memory_space<vmem>>, vector<1x1x16xf32>,
        %swap3A_579 = vector.shape_cast %swap3A_578 : vector<1x1x16xf32> to vector<16xf32>
        %swap3A_580 = vector.shape_cast %mul3A_573 : vector<16xf32> to vector<1x1x16xf32>
        tpu.vector_store %arg9[%swap3A_575, %swap3A_576, %swap3A_577], %swap3A_580 {strides = array<i32>} : memref<2x128x64xf32, #tpu.memory_space<vmem>>, vector<1x1x16xf32>,
        %get3A_581 = arith.constant 1 : i32
        %get3A_582 = arith.index_cast %get3A_581 : i32 to index
        %get3A_583 = arith.index_cast %scan3A_484 : i32 to index
        %get3A_584 = arith.constant 32 : index
        %get3A_585 = tpu.vector_load %arg9[%get3A_582, %get3A_583, %get3A_584] {strides = array<i32>} : memref<2x128x64xf32, #tpu.memory_space<vmem>>, vector<1x1x16xf32>,
        %get3A_586 = vector.shape_cast %get3A_585 : vector<1x1x16xf32> to vector<16xf32>
        %mul3A_587 = arith.constant 8.000000e+00 : f32
        %mul3A_588 = vector.broadcast %mul3A_587 : f32 to vector<16xf32>
        %mul3A_589 = arith.mulf %get3A_586, %mul3A_588 : vector<16xf32>
        %swap3A_590 = arith.constant 1 : i32
        %swap3A_591 = arith.index_cast %swap3A_590 : i32 to index
        %swap3A_592 = arith.index_cast %scan3A_484 : i32 to index
        %swap3A_593 = arith.constant 32 : index
        %swap3A_594 = tpu.vector_load %arg9[%swap3A_591, %swap3A_592, %swap3A_593] {strides = array<i32>} : memref<2x128x64xf32, #tpu.memory_space<vmem>>, vector<1x1x16xf32>,
        %swap3A_595 = vector.shape_cast %swap3A_594 : vector<1x1x16xf32> to vector<16xf32>
        %swap3A_596 = vector.shape_cast %mul3A_589 : vector<16xf32> to vector<1x1x16xf32>
        tpu.vector_store %arg9[%swap3A_591, %swap3A_592, %swap3A_593], %swap3A_596 {strides = array<i32>} : memref<2x128x64xf32, #tpu.memory_space<vmem>>, vector<1x1x16xf32>,
        %get3A_597 = arith.constant 1 : i32
        %get3A_598 = arith.index_cast %get3A_597 : i32 to index
        %get3A_599 = arith.index_cast %scan3A_484 : i32 to index
        %get3A_600 = arith.constant 48 : index
        %get3A_601 = tpu.vector_load %arg9[%get3A_598, %get3A_599, %get3A_600] {strides = array<i32>} : memref<2x128x64xf32, #tpu.memory_space<vmem>>, vector<1x1x16xf32>,
        %get3A_602 = vector.shape_cast %get3A_601 : vector<1x1x16xf32> to vector<16xf32>
        %mul3A_603 = arith.constant 8.000000e+00 : f32
        %mul3A_604 = vector.broadcast %mul3A_603 : f32 to vector<16xf32>
        %mul3A_605 = arith.mulf %get3A_602, %mul3A_604 : vector<16xf32>
        %swap3A_606 = arith.constant 1 : i32
        %swap3A_607 = arith.index_cast %swap3A_606 : i32 to index
        %swap3A_608 = arith.index_cast %scan3A_484 : i32 to index
        %swap3A_609 = arith.constant 48 : index
        %swap3A_610 = tpu.vector_load %arg9[%swap3A_607, %swap3A_608, %swap3A_609] {strides = array<i32>} : memref<2x128x64xf32, #tpu.memory_space<vmem>>, vector<1x1x16xf32>,
        %swap3A_611 = vector.shape_cast %swap3A_610 : vector<1x1x16xf32> to vector<16xf32>
        %swap3A_612 = vector.shape_cast %mul3A_605 : vector<16xf32> to vector<1x1x16xf32>
        tpu.vector_store %arg9[%swap3A_607, %swap3A_608, %swap3A_609], %swap3A_612 {strides = array<i32>} : memref<2x128x64xf32, #tpu.memory_space<vmem>>, vector<1x1x16xf32>,
        %scan3A_613 = arith.constant 2 : i32
        %scan3A_614 = arith.addi %scan3A_356, %scan3A_613 : i32
        %get3A_615 = arith.constant 0 : i32
        %get3A_616 = arith.index_cast %get3A_615 : i32 to index
        %get3A_617 = arith.index_cast %scan3A_614 : i32 to index
        %get3A_618 = arith.constant 0 : index
        %get3A_619 = tpu.vector_load %arg9[%get3A_616, %get3A_617, %get3A_618] {strides = array<i32>} : memref<2x128x64xf32, #tpu.memory_space<vmem>>, vector<1x1x16xf32>,
        %get3A_620 = vector.shape_cast %get3A_619 : vector<1x1x16xf32> to vector<16xf32>
        %mul3A_621 = arith.constant 8.000000e+00 : f32
        %mul3A_622 = vector.broadcast %mul3A_621 : f32 to vector<16xf32>
        %mul3A_623 = arith.mulf %get3A_620, %mul3A_622 : vector<16xf32>
        %swap3A_624 = arith.constant 0 : i32
        %swap3A_625 = arith.index_cast %swap3A_624 : i32 to index
        %swap3A_626 = arith.index_cast %scan3A_614 : i32 to index
        %swap3A_627 = arith.constant 0 : index
        %swap3A_628 = tpu.vector_load %arg9[%swap3A_625, %swap3A_626, %swap3A_627] {strides = array<i32>} : memref<2x128x64xf32, #tpu.memory_space<vmem>>, vector<1x1x16xf32>,
        %swap3A_629 = vector.shape_cast %swap3A_628 : vector<1x1x16xf32> to vector<16xf32>
        %swap3A_630 = vector.shape_cast %mul3A_623 : vector<16xf32> to vector<1x1x16xf32>
        tpu.vector_store %arg9[%swap3A_625, %swap3A_626, %swap3A_627], %swap3A_630 {strides = array<i32>} : memref<2x128x64xf32, #tpu.memory_space<vmem>>, vector<1x1x16xf32>,
        %get3A_631 = arith.constant 0 : i32
        %get3A_632 = arith.index_cast %get3A_631 : i32 to index
        %get3A_633 = arith.index_cast %scan3A_614 : i32 to index
        %get3A_634 = arith.constant 16 : index
        %get3A_635 = tpu.vector_load %arg9[%get3A_632, %get3A_633, %get3A_634] {strides = array<i32>} : memref<2x128x64xf32, #tpu.memory_space<vmem>>, vector<1x1x16xf32>,
        %get3A_636 = vector.shape_cast %get3A_635 : vector<1x1x16xf32> to vector<16xf32>
        %mul3A_637 = arith.constant 8.000000e+00 : f32
        %mul3A_638 = vector.broadcast %mul3A_637 : f32 to vector<16xf32>
        %mul3A_639 = arith.mulf %get3A_636, %mul3A_638 : vector<16xf32>
        %swap3A_640 = arith.constant 0 : i32
        %swap3A_641 = arith.index_cast %swap3A_640 : i32 to index
        %swap3A_642 = arith.index_cast %scan3A_614 : i32 to index
        %swap3A_643 = arith.constant 16 : index
        %swap3A_644 = tpu.vector_load %arg9[%swap3A_641, %swap3A_642, %swap3A_643] {strides = array<i32>} : memref<2x128x64xf32, #tpu.memory_space<vmem>>, vector<1x1x16xf32>,
        %swap3A_645 = vector.shape_cast %swap3A_644 : vector<1x1x16xf32> to vector<16xf32>
        %swap3A_646 = vector.shape_cast %mul3A_639 : vector<16xf32> to vector<1x1x16xf32>
        tpu.vector_store %arg9[%swap3A_641, %swap3A_642, %swap3A_643], %swap3A_646 {strides = array<i32>} : memref<2x128x64xf32, #tpu.memory_space<vmem>>, vector<1x1x16xf32>,
        %get3A_647 = arith.constant 0 : i32
        %get3A_648 = arith.index_cast %get3A_647 : i32 to index
        %get3A_649 = arith.index_cast %scan3A_614 : i32 to index
        %get3A_650 = arith.constant 32 : index
        %get3A_651 = tpu.vector_load %arg9[%get3A_648, %get3A_649, %get3A_650] {strides = array<i32>} : memref<2x128x64xf32, #tpu.memory_space<vmem>>, vector<1x1x16xf32>,
        %get3A_652 = vector.shape_cast %get3A_651 : vector<1x1x16xf32> to vector<16xf32>
        %mul3A_653 = arith.constant 8.000000e+00 : f32
        %mul3A_654 = vector.broadcast %mul3A_653 : f32 to vector<16xf32>
        %mul3A_655 = arith.mulf %get3A_652, %mul3A_654 : vector<16xf32>
        %swap3A_656 = arith.constant 0 : i32
        %swap3A_657 = arith.index_cast %swap3A_656 : i32 to index
        %swap3A_658 = arith.index_cast %scan3A_614 : i32 to index
        %swap3A_659 = arith.constant 32 : index
        %swap3A_660 = tpu.vector_load %arg9[%swap3A_657, %swap3A_658, %swap3A_659] {strides = array<i32>} : memref<2x128x64xf32, #tpu.memory_space<vmem>>, vector<1x1x16xf32>,
        %swap3A_661 = vector.shape_cast %swap3A_660 : vector<1x1x16xf32> to vector<16xf32>
        %swap3A_662 = vector.shape_cast %mul3A_655 : vector<16xf32> to vector<1x1x16xf32>
        tpu.vector_store %arg9[%swap3A_657, %swap3A_658, %swap3A_659], %swap3A_662 {strides = array<i32>} : memref<2x128x64xf32, #tpu.memory_space<vmem>>, vector<1x1x16xf32>,
        %get3A_663 = arith.constant 0 : i32
        %get3A_664 = arith.index_cast %get3A_663 : i32 to index
        %get3A_665 = arith.index_cast %scan3A_614 : i32 to index
        %get3A_666 = arith.constant 48 : index
        %get3A_667 = tpu.vector_load %arg9[%get3A_664, %get3A_665, %get3A_666] {strides = array<i32>} : memref<2x128x64xf32, #tpu.memory_space<vmem>>, vector<1x1x16xf32>,
        %get3A_668 = vector.shape_cast %get3A_667 : vector<1x1x16xf32> to vector<16xf32>
        %mul3A_669 = arith.constant 8.000000e+00 : f32
        %mul3A_670 = vector.broadcast %mul3A_669 : f32 to vector<16xf32>
        %mul3A_671 = arith.mulf %get3A_668, %mul3A_670 : vector<16xf32>
        %swap3A_672 = arith.constant 0 : i32
        %swap3A_673 = arith.index_cast %swap3A_672 : i32 to index
        %swap3A_674 = arith.index_cast %scan3A_614 : i32 to index
        %swap3A_675 = arith.constant 48 : index
        %swap3A_676 = tpu.vector_load %arg9[%swap3A_673, %swap3A_674, %swap3A_675] {strides = array<i32>} : memref<2x128x64xf32, #tpu.memory_space<vmem>>, vector<1x1x16xf32>,
        %swap3A_677 = vector.shape_cast %swap3A_676 : vector<1x1x16xf32> to vector<16xf32>
        %swap3A_678 = vector.shape_cast %mul3A_671 : vector<16xf32> to vector<1x1x16xf32>
        tpu.vector_store %arg9[%swap3A_673, %swap3A_674, %swap3A_675], %swap3A_678 {strides = array<i32>} : memref<2x128x64xf32, #tpu.memory_space<vmem>>, vector<1x1x16xf32>,
        %get3A_679 = arith.constant 1 : i32
        %get3A_680 = arith.index_cast %get3A_679 : i32 to index
        %get3A_681 = arith.index_cast %scan3A_614 : i32 to index
        %get3A_682 = arith.constant 0 : index
        %get3A_683 = tpu.vector_load %arg9[%get3A_680, %get3A_681, %get3A_682] {strides = array<i32>} : memref<2x128x64xf32, #tpu.memory_space<vmem>>, vector<1x1x16xf32>,
        %get3A_684 = vector.shape_cast %get3A_683 : vector<1x1x16xf32> to vector<16xf32>
        %mul3A_685 = arith.constant 8.000000e+00 : f32
        %mul3A_686 = vector.broadcast %mul3A_685 : f32 to vector<16xf32>
        %mul3A_687 = arith.mulf %get3A_684, %mul3A_686 : vector<16xf32>
        %swap3A_688 = arith.constant 1 : i32
        %swap3A_689 = arith.index_cast %swap3A_688 : i32 to index
        %swap3A_690 = arith.index_cast %scan3A_614 : i32 to index
        %swap3A_691 = arith.constant 0 : index
        %swap3A_692 = tpu.vector_load %arg9[%swap3A_689, %swap3A_690, %swap3A_691] {strides = array<i32>} : memref<2x128x64xf32, #tpu.memory_space<vmem>>, vector<1x1x16xf32>,
        %swap3A_693 = vector.shape_cast %swap3A_692 : vector<1x1x16xf32> to vector<16xf32>
        %swap3A_694 = vector.shape_cast %mul3A_687 : vector<16xf32> to vector<1x1x16xf32>
        tpu.vector_store %arg9[%swap3A_689, %swap3A_690, %swap3A_691], %swap3A_694 {strides = array<i32>} : memref<2x128x64xf32, #tpu.memory_space<vmem>>, vector<1x1x16xf32>,
        %get3A_695 = arith.constant 1 : i32
        %get3A_696 = arith.index_cast %get3A_695 : i32 to index
        %get3A_697 = arith.index_cast %scan3A_614 : i32 to index
        %get3A_698 = arith.constant 16 : index
        %get3A_699 = tpu.vector_load %arg9[%get3A_696, %get3A_697, %get3A_698] {strides = array<i32>} : memref<2x128x64xf32, #tpu.memory_space<vmem>>, vector<1x1x16xf32>,
        %get3A_700 = vector.shape_cast %get3A_699 : vector<1x1x16xf32> to vector<16xf32>
        %mul3A_701 = arith.constant 8.000000e+00 : f32
        %mul3A_702 = vector.broadcast %mul3A_701 : f32 to vector<16xf32>
        %mul3A_703 = arith.mulf %get3A_700, %mul3A_702 : vector<16xf32>
        %swap3A_704 = arith.constant 1 : i32
        %swap3A_705 = arith.index_cast %swap3A_704 : i32 to index
        %swap3A_706 = arith.index_cast %scan3A_614 : i32 to index
        %swap3A_707 = arith.constant 16 : index
        %swap3A_708 = tpu.vector_load %arg9[%swap3A_705, %swap3A_706, %swap3A_707] {strides = array<i32>} : memref<2x128x64xf32, #tpu.memory_space<vmem>>, vector<1x1x16xf32>,
        %swap3A_709 = vector.shape_cast %swap3A_708 : vector<1x1x16xf32> to vector<16xf32>
        %swap3A_710 = vector.shape_cast %mul3A_703 : vector<16xf32> to vector<1x1x16xf32>
        tpu.vector_store %arg9[%swap3A_705, %swap3A_706, %swap3A_707], %swap3A_710 {strides = array<i32>} : memref<2x128x64xf32, #tpu.memory_space<vmem>>, vector<1x1x16xf32>,
        %get3A_711 = arith.constant 1 : i32
        %get3A_712 = arith.index_cast %get3A_711 : i32 to index
        %get3A_713 = arith.index_cast %scan3A_614 : i32 to index
        %get3A_714 = arith.constant 32 : index
        %get3A_715 = tpu.vector_load %arg9[%get3A_712, %get3A_713, %get3A_714] {strides = array<i32>} : memref<2x128x64xf32, #tpu.memory_space<vmem>>, vector<1x1x16xf32>,
        %get3A_716 = vector.shape_cast %get3A_715 : vector<1x1x16xf32> to vector<16xf32>
        %mul3A_717 = arith.constant 8.000000e+00 : f32
        %mul3A_718 = vector.broadcast %mul3A_717 : f32 to vector<16xf32>
        %mul3A_719 = arith.mulf %get3A_716, %mul3A_718 : vector<16xf32>
        %swap3A_720 = arith.constant 1 : i32
        %swap3A_721 = arith.index_cast %swap3A_720 : i32 to index
        %swap3A_722 = arith.index_cast %scan3A_614 : i32 to index
        %swap3A_723 = arith.constant 32 : index
        %swap3A_724 = tpu.vector_load %arg9[%swap3A_721, %swap3A_722, %swap3A_723] {strides = array<i32>} : memref<2x128x64xf32, #tpu.memory_space<vmem>>, vector<1x1x16xf32>,
        %swap3A_725 = vector.shape_cast %swap3A_724 : vector<1x1x16xf32> to vector<16xf32>
        %swap3A_726 = vector.shape_cast %mul3A_719 : vector<16xf32> to vector<1x1x16xf32>
        tpu.vector_store %arg9[%swap3A_721, %swap3A_722, %swap3A_723], %swap3A_726 {strides = array<i32>} : memref<2x128x64xf32, #tpu.memory_space<vmem>>, vector<1x1x16xf32>,
        %get3A_727 = arith.constant 1 : i32
        %get3A_728 = arith.index_cast %get3A_727 : i32 to index
        %get3A_729 = arith.index_cast %scan3A_614 : i32 to index
        %get3A_730 = arith.constant 48 : index
        %get3A_731 = tpu.vector_load %arg9[%get3A_728, %get3A_729, %get3A_730] {strides = array<i32>} : memref<2x128x64xf32, #tpu.memory_space<vmem>>, vector<1x1x16xf32>,
        %get3A_732 = vector.shape_cast %get3A_731 : vector<1x1x16xf32> to vector<16xf32>
        %mul3A_733 = arith.constant 8.000000e+00 : f32
        %mul3A_734 = vector.broadcast %mul3A_733 : f32 to vector<16xf32>
        %mul3A_735 = arith.mulf %get3A_732, %mul3A_734 : vector<16xf32>
        %swap3A_736 = arith.constant 1 : i32
        %swap3A_737 = arith.index_cast %swap3A_736 : i32 to index
        %swap3A_738 = arith.index_cast %scan3A_614 : i32 to index
        %swap3A_739 = arith.constant 48 : index
        %swap3A_740 = tpu.vector_load %arg9[%swap3A_737, %swap3A_738, %swap3A_739] {strides = array<i32>} : memref<2x128x64xf32, #tpu.memory_space<vmem>>, vector<1x1x16xf32>,
        %swap3A_741 = vector.shape_cast %swap3A_740 : vector<1x1x16xf32> to vector<16xf32>
        %swap3A_742 = vector.shape_cast %mul3A_735 : vector<16xf32> to vector<1x1x16xf32>
        tpu.vector_store %arg9[%swap3A_737, %swap3A_738, %swap3A_739], %swap3A_742 {strides = array<i32>} : memref<2x128x64xf32, #tpu.memory_space<vmem>>, vector<1x1x16xf32>,
        %scan3A_743 = arith.constant 3 : i32
        %scan3A_744 = arith.addi %scan3A_356, %scan3A_743 : i32
        %get3A_745 = arith.constant 0 : i32
        %get3A_746 = arith.index_cast %get3A_745 : i32 to index
        %get3A_747 = arith.index_cast %scan3A_744 : i32 to index
        %get3A_748 = arith.constant 0 : index
        %get3A_749 = tpu.vector_load %arg9[%get3A_746, %get3A_747, %get3A_748] {strides = array<i32>} : memref<2x128x64xf32, #tpu.memory_space<vmem>>, vector<1x1x16xf32>,
        %get3A_750 = vector.shape_cast %get3A_749 : vector<1x1x16xf32> to vector<16xf32>
        %mul3A_751 = arith.constant 8.000000e+00 : f32
        %mul3A_752 = vector.broadcast %mul3A_751 : f32 to vector<16xf32>
        %mul3A_753 = arith.mulf %get3A_750, %mul3A_752 : vector<16xf32>
        %swap3A_754 = arith.constant 0 : i32
        %swap3A_755 = arith.index_cast %swap3A_754 : i32 to index
        %swap3A_756 = arith.index_cast %scan3A_744 : i32 to index
        %swap3A_757 = arith.constant 0 : index
        %swap3A_758 = tpu.vector_load %arg9[%swap3A_755, %swap3A_756, %swap3A_757] {strides = array<i32>} : memref<2x128x64xf32, #tpu.memory_space<vmem>>, vector<1x1x16xf32>,
        %swap3A_759 = vector.shape_cast %swap3A_758 : vector<1x1x16xf32> to vector<16xf32>
        %swap3A_760 = vector.shape_cast %mul3A_753 : vector<16xf32> to vector<1x1x16xf32>
        tpu.vector_store %arg9[%swap3A_755, %swap3A_756, %swap3A_757], %swap3A_760 {strides = array<i32>} : memref<2x128x64xf32, #tpu.memory_space<vmem>>, vector<1x1x16xf32>,
        %get3A_761 = arith.constant 0 : i32
        %get3A_762 = arith.index_cast %get3A_761 : i32 to index
        %get3A_763 = arith.index_cast %scan3A_744 : i32 to index
        %get3A_764 = arith.constant 16 : index
        %get3A_765 = tpu.vector_load %arg9[%get3A_762, %get3A_763, %get3A_764] {strides = array<i32>} : memref<2x128x64xf32, #tpu.memory_space<vmem>>, vector<1x1x16xf32>,
        %get3A_766 = vector.shape_cast %get3A_765 : vector<1x1x16xf32> to vector<16xf32>
        %mul3A_767 = arith.constant 8.000000e+00 : f32
        %mul3A_768 = vector.broadcast %mul3A_767 : f32 to vector<16xf32>
        %mul3A_769 = arith.mulf %get3A_766, %mul3A_768 : vector<16xf32>
        %swap3A_770 = arith.constant 0 : i32
        %swap3A_771 = arith.index_cast %swap3A_770 : i32 to index
        %swap3A_772 = arith.index_cast %scan3A_744 : i32 to index
        %swap3A_773 = arith.constant 16 : index
        %swap3A_774 = tpu.vector_load %arg9[%swap3A_771, %swap3A_772, %swap3A_773] {strides = array<i32>} : memref<2x128x64xf32, #tpu.memory_space<vmem>>, vector<1x1x16xf32>,
        %swap3A_775 = vector.shape_cast %swap3A_774 : vector<1x1x16xf32> to vector<16xf32>
        %swap3A_776 = vector.shape_cast %mul3A_769 : vector<16xf32> to vector<1x1x16xf32>
        tpu.vector_store %arg9[%swap3A_771, %swap3A_772, %swap3A_773], %swap3A_776 {strides = array<i32>} : memref<2x128x64xf32, #tpu.memory_space<vmem>>, vector<1x1x16xf32>,
        %get3A_777 = arith.constant 0 : i32
        %get3A_778 = arith.index_cast %get3A_777 : i32 to index
        %get3A_779 = arith.index_cast %scan3A_744 : i32 to index
        %get3A_780 = arith.constant 32 : index
        %get3A_781 = tpu.vector_load %arg9[%get3A_778, %get3A_779, %get3A_780] {strides = array<i32>} : memref<2x128x64xf32, #tpu.memory_space<vmem>>, vector<1x1x16xf32>,
        %get3A_782 = vector.shape_cast %get3A_781 : vector<1x1x16xf32> to vector<16xf32>
        %mul3A_783 = arith.constant 8.000000e+00 : f32
        %mul3A_784 = vector.broadcast %mul3A_783 : f32 to vector<16xf32>
        %mul3A_785 = arith.mulf %get3A_782, %mul3A_784 : vector<16xf32>
        %swap3A_786 = arith.constant 0 : i32
        %swap3A_787 = arith.index_cast %swap3A_786 : i32 to index
        %swap3A_788 = arith.index_cast %scan3A_744 : i32 to index
        %swap3A_789 = arith.constant 32 : index
        %swap3A_790 = tpu.vector_load %arg9[%swap3A_787, %swap3A_788, %swap3A_789] {strides = array<i32>} : memref<2x128x64xf32, #tpu.memory_space<vmem>>, vector<1x1x16xf32>,
        %swap3A_791 = vector.shape_cast %swap3A_790 : vector<1x1x16xf32> to vector<16xf32>
        %swap3A_792 = vector.shape_cast %mul3A_785 : vector<16xf32> to vector<1x1x16xf32>
        tpu.vector_store %arg9[%swap3A_787, %swap3A_788, %swap3A_789], %swap3A_792 {strides = array<i32>} : memref<2x128x64xf32, #tpu.memory_space<vmem>>, vector<1x1x16xf32>,
        %get3A_793 = arith.constant 0 : i32
        %get3A_794 = arith.index_cast %get3A_793 : i32 to index
        %get3A_795 = arith.index_cast %scan3A_744 : i32 to index
        %get3A_796 = arith.constant 48 : index
        %get3A_797 = tpu.vector_load %arg9[%get3A_794, %get3A_795, %get3A_796] {strides = array<i32>} : memref<2x128x64xf32, #tpu.memory_space<vmem>>, vector<1x1x16xf32>,
        %get3A_798 = vector.shape_cast %get3A_797 : vector<1x1x16xf32> to vector<16xf32>
        %mul3A_799 = arith.constant 8.000000e+00 : f32
        %mul3A_800 = vector.broadcast %mul3A_799 : f32 to vector<16xf32>
        %mul3A_801 = arith.mulf %get3A_798, %mul3A_800 : vector<16xf32>
        %swap3A_802 = arith.constant 0 : i32
        %swap3A_803 = arith.index_cast %swap3A_802 : i32 to index
        %swap3A_804 = arith.index_cast %scan3A_744 : i32 to index
        %swap3A_805 = arith.constant 48 : index
        %swap3A_806 = tpu.vector_load %arg9[%swap3A_803, %swap3A_804, %swap3A_805] {strides = array<i32>} : memref<2x128x64xf32, #tpu.memory_space<vmem>>, vector<1x1x16xf32>,
        %swap3A_807 = vector.shape_cast %swap3A_806 : vector<1x1x16xf32> to vector<16xf32>
        %swap3A_808 = vector.shape_cast %mul3A_801 : vector<16xf32> to vector<1x1x16xf32>
        tpu.vector_store %arg9[%swap3A_803, %swap3A_804, %swap3A_805], %swap3A_808 {strides = array<i32>} : memref<2x128x64xf32, #tpu.memory_space<vmem>>, vector<1x1x16xf32>,
        %get3A_809 = arith.constant 1 : i32
        %get3A_810 = arith.index_cast %get3A_809 : i32 to index
        %get3A_811 = arith.index_cast %scan3A_744 : i32 to index
        %get3A_812 = arith.constant 0 : index
        %get3A_813 = tpu.vector_load %arg9[%get3A_810, %get3A_811, %get3A_812] {strides = array<i32>} : memref<2x128x64xf32, #tpu.memory_space<vmem>>, vector<1x1x16xf32>,
        %get3A_814 = vector.shape_cast %get3A_813 : vector<1x1x16xf32> to vector<16xf32>
        %mul3A_815 = arith.constant 8.000000e+00 : f32
        %mul3A_816 = vector.broadcast %mul3A_815 : f32 to vector<16xf32>
        %mul3A_817 = arith.mulf %get3A_814, %mul3A_816 : vector<16xf32>
        %swap3A_818 = arith.constant 1 : i32
        %swap3A_819 = arith.index_cast %swap3A_818 : i32 to index
        %swap3A_820 = arith.index_cast %scan3A_744 : i32 to index
        %swap3A_821 = arith.constant 0 : index
        %swap3A_822 = tpu.vector_load %arg9[%swap3A_819, %swap3A_820, %swap3A_821] {strides = array<i32>} : memref<2x128x64xf32, #tpu.memory_space<vmem>>, vector<1x1x16xf32>,
        %swap3A_823 = vector.shape_cast %swap3A_822 : vector<1x1x16xf32> to vector<16xf32>
        %swap3A_824 = vector.shape_cast %mul3A_817 : vector<16xf32> to vector<1x1x16xf32>
        tpu.vector_store %arg9[%swap3A_819, %swap3A_820, %swap3A_821], %swap3A_824 {strides = array<i32>} : memref<2x128x64xf32, #tpu.memory_space<vmem>>, vector<1x1x16xf32>,
        %get3A_825 = arith.constant 1 : i32
        %get3A_826 = arith.index_cast %get3A_825 : i32 to index
        %get3A_827 = arith.index_cast %scan3A_744 : i32 to index
        %get3A_828 = arith.constant 16 : index
        %get3A_829 = tpu.vector_load %arg9[%get3A_826, %get3A_827, %get3A_828] {strides = array<i32>} : memref<2x128x64xf32, #tpu.memory_space<vmem>>, vector<1x1x16xf32>,
        %get3A_830 = vector.shape_cast %get3A_829 : vector<1x1x16xf32> to vector<16xf32>
        %mul3A_831 = arith.constant 8.000000e+00 : f32
        %mul3A_832 = vector.broadcast %mul3A_831 : f32 to vector<16xf32>
        %mul3A_833 = arith.mulf %get3A_830, %mul3A_832 : vector<16xf32>
        %swap3A_834 = arith.constant 1 : i32
        %swap3A_835 = arith.index_cast %swap3A_834 : i32 to index
        %swap3A_836 = arith.index_cast %scan3A_744 : i32 to index
        %swap3A_837 = arith.constant 16 : index
        %swap3A_838 = tpu.vector_load %arg9[%swap3A_835, %swap3A_836, %swap3A_837] {strides = array<i32>} : memref<2x128x64xf32, #tpu.memory_space<vmem>>, vector<1x1x16xf32>,
        %swap3A_839 = vector.shape_cast %swap3A_838 : vector<1x1x16xf32> to vector<16xf32>
        %swap3A_840 = vector.shape_cast %mul3A_833 : vector<16xf32> to vector<1x1x16xf32>
        tpu.vector_store %arg9[%swap3A_835, %swap3A_836, %swap3A_837], %swap3A_840 {strides = array<i32>} : memref<2x128x64xf32, #tpu.memory_space<vmem>>, vector<1x1x16xf32>,
        %get3A_841 = arith.constant 1 : i32
        %get3A_842 = arith.index_cast %get3A_841 : i32 to index
        %get3A_843 = arith.index_cast %scan3A_744 : i32 to index
        %get3A_844 = arith.constant 32 : index
        %get3A_845 = tpu.vector_load %arg9[%get3A_842, %get3A_843, %get3A_844] {strides = array<i32>} : memref<2x128x64xf32, #tpu.memory_space<vmem>>, vector<1x1x16xf32>,
        %get3A_846 = vector.shape_cast %get3A_845 : vector<1x1x16xf32> to vector<16xf32>
        %mul3A_847 = arith.constant 8.000000e+00 : f32
        %mul3A_848 = vector.broadcast %mul3A_847 : f32 to vector<16xf32>
        %mul3A_849 = arith.mulf %get3A_846, %mul3A_848 : vector<16xf32>
        %swap3A_850 = arith.constant 1 : i32
        %swap3A_851 = arith.index_cast %swap3A_850 : i32 to index
        %swap3A_852 = arith.index_cast %scan3A_744 : i32 to index
        %swap3A_853 = arith.constant 32 : index
        %swap3A_854 = tpu.vector_load %arg9[%swap3A_851, %swap3A_852, %swap3A_853] {strides = array<i32>} : memref<2x128x64xf32, #tpu.memory_space<vmem>>, vector<1x1x16xf32>,
        %swap3A_855 = vector.shape_cast %swap3A_854 : vector<1x1x16xf32> to vector<16xf32>
        %swap3A_856 = vector.shape_cast %mul3A_849 : vector<16xf32> to vector<1x1x16xf32>
        tpu.vector_store %arg9[%swap3A_851, %swap3A_852, %swap3A_853], %swap3A_856 {strides = array<i32>} : memref<2x128x64xf32, #tpu.memory_space<vmem>>, vector<1x1x16xf32>,
        %get3A_857 = arith.constant 1 : i32
        %get3A_858 = arith.index_cast %get3A_857 : i32 to index
        %get3A_859 = arith.index_cast %scan3A_744 : i32 to index
        %get3A_860 = arith.constant 48 : index
        %get3A_861 = tpu.vector_load %arg9[%get3A_858, %get3A_859, %get3A_860] {strides = array<i32>} : memref<2x128x64xf32, #tpu.memory_space<vmem>>, vector<1x1x16xf32>,
        %get3A_862 = vector.shape_cast %get3A_861 : vector<1x1x16xf32> to vector<16xf32>
        %mul3A_863 = arith.constant 8.000000e+00 : f32
        %mul3A_864 = vector.broadcast %mul3A_863 : f32 to vector<16xf32>
        %mul3A_865 = arith.mulf %get3A_862, %mul3A_864 : vector<16xf32>
        %swap3A_866 = arith.constant 1 : i32
        %swap3A_867 = arith.index_cast %swap3A_866 : i32 to index
        %swap3A_868 = arith.index_cast %scan3A_744 : i32 to index
        %swap3A_869 = arith.constant 48 : index
        %swap3A_870 = tpu.vector_load %arg9[%swap3A_867, %swap3A_868, %swap3A_869] {strides = array<i32>} : memref<2x128x64xf32, #tpu.memory_space<vmem>>, vector<1x1x16xf32>,
        %swap3A_871 = vector.shape_cast %swap3A_870 : vector<1x1x16xf32> to vector<16xf32>
        %swap3A_872 = vector.shape_cast %mul3A_865 : vector<16xf32> to vector<1x1x16xf32>
        tpu.vector_store %arg9[%swap3A_867, %swap3A_868, %swap3A_869], %swap3A_872 {strides = array<i32>} : memref<2x128x64xf32, #tpu.memory_space<vmem>>, vector<1x1x16xf32>,
        %scan3A_873 = arith.constant 4 : i32
        %scan3A_874 = arith.addi %scan3A_356, %scan3A_873 : i32
        %get3A_875 = arith.constant 0 : i32
        %get3A_876 = arith.index_cast %get3A_875 : i32 to index
        %get3A_877 = arith.index_cast %scan3A_874 : i32 to index
        %get3A_878 = arith.constant 0 : index
        %get3A_879 = tpu.vector_load %arg9[%get3A_876, %get3A_877, %get3A_878] {strides = array<i32>} : memref<2x128x64xf32, #tpu.memory_space<vmem>>, vector<1x1x16xf32>,
        %get3A_880 = vector.shape_cast %get3A_879 : vector<1x1x16xf32> to vector<16xf32>
        %mul3A_881 = arith.constant 8.000000e+00 : f32
        %mul3A_882 = vector.broadcast %mul3A_881 : f32 to vector<16xf32>
        %mul3A_883 = arith.mulf %get3A_880, %mul3A_882 : vector<16xf32>
        %swap3A_884 = arith.constant 0 : i32
        %swap3A_885 = arith.index_cast %swap3A_884 : i32 to index
        %swap3A_886 = arith.index_cast %scan3A_874 : i32 to index
        %swap3A_887 = arith.constant 0 : index
        %swap3A_888 = tpu.vector_load %arg9[%swap3A_885, %swap3A_886, %swap3A_887] {strides = array<i32>} : memref<2x128x64xf32, #tpu.memory_space<vmem>>, vector<1x1x16xf32>,
        %swap3A_889 = vector.shape_cast %swap3A_888 : vector<1x1x16xf32> to vector<16xf32>
        %swap3A_890 = vector.shape_cast %mul3A_883 : vector<16xf32> to vector<1x1x16xf32>
        tpu.vector_store %arg9[%swap3A_885, %swap3A_886, %swap3A_887], %swap3A_890 {strides = array<i32>} : memref<2x128x64xf32, #tpu.memory_space<vmem>>, vector<1x1x16xf32>,
        %get3A_891 = arith.constant 0 : i32
        %get3A_892 = arith.index_cast %get3A_891 : i32 to index
        %get3A_893 = arith.index_cast %scan3A_874 : i32 to index
        %get3A_894 = arith.constant 16 : index
        %get3A_895 = tpu.vector_load %arg9[%get3A_892, %get3A_893, %get3A_894] {strides = array<i32>} : memref<2x128x64xf32, #tpu.memory_space<vmem>>, vector<1x1x16xf32>,
        %get3A_896 = vector.shape_cast %get3A_895 : vector<1x1x16xf32> to vector<16xf32>
        %mul3A_897 = arith.constant 8.000000e+00 : f32
        %mul3A_898 = vector.broadcast %mul3A_897 : f32 to vector<16xf32>
        %mul3A_899 = arith.mulf %get3A_896, %mul3A_898 : vector<16xf32>
        %swap3A_900 = arith.constant 0 : i32
        %swap3A_901 = arith.index_cast %swap3A_900 : i32 to index
        %swap3A_902 = arith.index_cast %scan3A_874 : i32 to index
        %swap3A_903 = arith.constant 16 : index
        %swap3A_904 = tpu.vector_load %arg9[%swap3A_901, %swap3A_902, %swap3A_903] {strides = array<i32>} : memref<2x128x64xf32, #tpu.memory_space<vmem>>, vector<1x1x16xf32>,
        %swap3A_905 = vector.shape_cast %swap3A_904 : vector<1x1x16xf32> to vector<16xf32>
        %swap3A_906 = vector.shape_cast %mul3A_899 : vector<16xf32> to vector<1x1x16xf32>
        tpu.vector_store %arg9[%swap3A_901, %swap3A_902, %swap3A_903], %swap3A_906 {strides = array<i32>} : memref<2x128x64xf32, #tpu.memory_space<vmem>>, vector<1x1x16xf32>,
        %get3A_907 = arith.constant 0 : i32
        %get3A_908 = arith.index_cast %get3A_907 : i32 to index
        %get3A_909 = arith.index_cast %scan3A_874 : i32 to index
        %get3A_910 = arith.constant 32 : index
        %get3A_911 = tpu.vector_load %arg9[%get3A_908, %get3A_909, %get3A_910] {strides = array<i32>} : memref<2x128x64xf32, #tpu.memory_space<vmem>>, vector<1x1x16xf32>,
        %get3A_912 = vector.shape_cast %get3A_911 : vector<1x1x16xf32> to vector<16xf32>
        %mul3A_913 = arith.constant 8.000000e+00 : f32
        %mul3A_914 = vector.broadcast %mul3A_913 : f32 to vector<16xf32>
        %mul3A_915 = arith.mulf %get3A_912, %mul3A_914 : vector<16xf32>
        %swap3A_916 = arith.constant 0 : i32
        %swap3A_917 = arith.index_cast %swap3A_916 : i32 to index
        %swap3A_918 = arith.index_cast %scan3A_874 : i32 to index
        %swap3A_919 = arith.constant 32 : index
        %swap3A_920 = tpu.vector_load %arg9[%swap3A_917, %swap3A_918, %swap3A_919] {strides = array<i32>} : memref<2x128x64xf32, #tpu.memory_space<vmem>>, vector<1x1x16xf32>,
        %swap3A_921 = vector.shape_cast %swap3A_920 : vector<1x1x16xf32> to vector<16xf32>
        %swap3A_922 = vector.shape_cast %mul3A_915 : vector<16xf32> to vector<1x1x16xf32>
        tpu.vector_store %arg9[%swap3A_917, %swap3A_918, %swap3A_919], %swap3A_922 {strides = array<i32>} : memref<2x128x64xf32, #tpu.memory_space<vmem>>, vector<1x1x16xf32>,
        %get3A_923 = arith.constant 0 : i32
        %get3A_924 = arith.index_cast %get3A_923 : i32 to index
        %get3A_925 = arith.index_cast %scan3A_874 : i32 to index
        %get3A_926 = arith.constant 48 : index
        %get3A_927 = tpu.vector_load %arg9[%get3A_924, %get3A_925, %get3A_926] {strides = array<i32>} : memref<2x128x64xf32, #tpu.memory_space<vmem>>, vector<1x1x16xf32>,
        %get3A_928 = vector.shape_cast %get3A_927 : vector<1x1x16xf32> to vector<16xf32>
        %mul3A_929 = arith.constant 8.000000e+00 : f32
        %mul3A_930 = vector.broadcast %mul3A_929 : f32 to vector<16xf32>
        %mul3A_931 = arith.mulf %get3A_928, %mul3A_930 : vector<16xf32>
        %swap3A_932 = arith.constant 0 : i32
        %swap3A_933 = arith.index_cast %swap3A_932 : i32 to index
        %swap3A_934 = arith.index_cast %scan3A_874 : i32 to index
        %swap3A_935 = arith.constant 48 : index
        %swap3A_936 = tpu.vector_load %arg9[%swap3A_933, %swap3A_934, %swap3A_935] {strides = array<i32>} : memref<2x128x64xf32, #tpu.memory_space<vmem>>, vector<1x1x16xf32>,
        %swap3A_937 = vector.shape_cast %swap3A_936 : vector<1x1x16xf32> to vector<16xf32>
        %swap3A_938 = vector.shape_cast %mul3A_931 : vector<16xf32> to vector<1x1x16xf32>
        tpu.vector_store %arg9[%swap3A_933, %swap3A_934, %swap3A_935], %swap3A_938 {strides = array<i32>} : memref<2x128x64xf32, #tpu.memory_space<vmem>>, vector<1x1x16xf32>,
        %get3A_939 = arith.constant 1 : i32
        %get3A_940 = arith.index_cast %get3A_939 : i32 to index
        %get3A_941 = arith.index_cast %scan3A_874 : i32 to index
        %get3A_942 = arith.constant 0 : index
        %get3A_943 = tpu.vector_load %arg9[%get3A_940, %get3A_941, %get3A_942] {strides = array<i32>} : memref<2x128x64xf32, #tpu.memory_space<vmem>>, vector<1x1x16xf32>,
        %get3A_944 = vector.shape_cast %get3A_943 : vector<1x1x16xf32> to vector<16xf32>
        %mul3A_945 = arith.constant 8.000000e+00 : f32
        %mul3A_946 = vector.broadcast %mul3A_945 : f32 to vector<16xf32>
        %mul3A_947 = arith.mulf %get3A_944, %mul3A_946 : vector<16xf32>
        %swap3A_948 = arith.constant 1 : i32
        %swap3A_949 = arith.index_cast %swap3A_948 : i32 to index
        %swap3A_950 = arith.index_cast %scan3A_874 : i32 to index
        %swap3A_951 = arith.constant 0 : index
        %swap3A_952 = tpu.vector_load %arg9[%swap3A_949, %swap3A_950, %swap3A_951] {strides = array<i32>} : memref<2x128x64xf32, #tpu.memory_space<vmem>>, vector<1x1x16xf32>,
        %swap3A_953 = vector.shape_cast %swap3A_952 : vector<1x1x16xf32> to vector<16xf32>
        %swap3A_954 = vector.shape_cast %mul3A_947 : vector<16xf32> to vector<1x1x16xf32>
        tpu.vector_store %arg9[%swap3A_949, %swap3A_950, %swap3A_951], %swap3A_954 {strides = array<i32>} : memref<2x128x64xf32, #tpu.memory_space<vmem>>, vector<1x1x16xf32>,
        %get3A_955 = arith.constant 1 : i32
        %get3A_956 = arith.index_cast %get3A_955 : i32 to index
        %get3A_957 = arith.index_cast %scan3A_874 : i32 to index
        %get3A_958 = arith.constant 16 : index
        %get3A_959 = tpu.vector_load %arg9[%get3A_956, %get3A_957, %get3A_958] {strides = array<i32>} : memref<2x128x64xf32, #tpu.memory_space<vmem>>, vector<1x1x16xf32>,
        %get3A_960 = vector.shape_cast %get3A_959 : vector<1x1x16xf32> to vector<16xf32>
        %mul3A_961 = arith.constant 8.000000e+00 : f32
        %mul3A_962 = vector.broadcast %mul3A_961 : f32 to vector<16xf32>
        %mul3A_963 = arith.mulf %get3A_960, %mul3A_962 : vector<16xf32>
        %swap3A_964 = arith.constant 1 : i32
        %swap3A_965 = arith.index_cast %swap3A_964 : i32 to index
        %swap3A_966 = arith.index_cast %scan3A_874 : i32 to index
        %swap3A_967 = arith.constant 16 : index
        %swap3A_968 = tpu.vector_load %arg9[%swap3A_965, %swap3A_966, %swap3A_967] {strides = array<i32>} : memref<2x128x64xf32, #tpu.memory_space<vmem>>, vector<1x1x16xf32>,
        %swap3A_969 = vector.shape_cast %swap3A_968 : vector<1x1x16xf32> to vector<16xf32>
        %swap3A_970 = vector.shape_cast %mul3A_963 : vector<16xf32> to vector<1x1x16xf32>
        tpu.vector_store %arg9[%swap3A_965, %swap3A_966, %swap3A_967], %swap3A_970 {strides = array<i32>} : memref<2x128x64xf32, #tpu.memory_space<vmem>>, vector<1x1x16xf32>,
        %get3A_971 = arith.constant 1 : i32
        %get3A_972 = arith.index_cast %get3A_971 : i32 to index
        %get3A_973 = arith.index_cast %scan3A_874 : i32 to index
        %get3A_974 = arith.constant 32 : index
        %get3A_975 = tpu.vector_load %arg9[%get3A_972, %get3A_973, %get3A_974] {strides = array<i32>} : memref<2x128x64xf32, #tpu.memory_space<vmem>>, vector<1x1x16xf32>,
        %get3A_976 = vector.shape_cast %get3A_975 : vector<1x1x16xf32> to vector<16xf32>
        %mul3A_977 = arith.constant 8.000000e+00 : f32
        %mul3A_978 = vector.broadcast %mul3A_977 : f32 to vector<16xf32>
        %mul3A_979 = arith.mulf %get3A_976, %mul3A_978 : vector<16xf32>
        %swap3A_980 = arith.constant 1 : i32
        %swap3A_981 = arith.index_cast %swap3A_980 : i32 to index
        %swap3A_982 = arith.index_cast %scan3A_874 : i32 to index
        %swap3A_983 = arith.constant 32 : index
        %swap3A_984 = tpu.vector_load %arg9[%swap3A_981, %swap3A_982, %swap3A_983] {strides = array<i32>} : memref<2x128x64xf32, #tpu.memory_space<vmem>>, vector<1x1x16xf32>,
        %swap3A_985 = vector.shape_cast %swap3A_984 : vector<1x1x16xf32> to vector<16xf32>
        %swap3A_986 = vector.shape_cast %mul3A_979 : vector<16xf32> to vector<1x1x16xf32>
        tpu.vector_store %arg9[%swap3A_981, %swap3A_982, %swap3A_983], %swap3A_986 {strides = array<i32>} : memref<2x128x64xf32, #tpu.memory_space<vmem>>, vector<1x1x16xf32>,
        %get3A_987 = arith.constant 1 : i32
        %get3A_988 = arith.index_cast %get3A_987 : i32 to index
        %get3A_989 = arith.index_cast %scan3A_874 : i32 to index
        %get3A_990 = arith.constant 48 : index
        %get3A_991 = tpu.vector_load %arg9[%get3A_988, %get3A_989, %get3A_990] {strides = array<i32>} : memref<2x128x64xf32, #tpu.memory_space<vmem>>, vector<1x1x16xf32>,
        %get3A_992 = vector.shape_cast %get3A_991 : vector<1x1x16xf32> to vector<16xf32>
        %mul3A_993 = arith.constant 8.000000e+00 : f32
        %mul3A_994 = vector.broadcast %mul3A_993 : f32 to vector<16xf32>
        %mul3A_995 = arith.mulf %get3A_992, %mul3A_994 : vector<16xf32>
        %swap3A_996 = arith.constant 1 : i32
        %swap3A_997 = arith.index_cast %swap3A_996 : i32 to index
        %swap3A_998 = arith.index_cast %scan3A_874 : i32 to index
        %swap3A_999 = arith.constant 48 : index
        %swap3A_1000 = tpu.vector_load %arg9[%swap3A_997, %swap3A_998, %swap3A_999] {strides = array<i32>} : memref<2x128x64xf32, #tpu.memory_space<vmem>>, vector<1x1x16xf32>,
        %swap3A_1001 = vector.shape_cast %swap3A_1000 : vector<1x1x16xf32> to vector<16xf32>
        %swap3A_1002 = vector.shape_cast %mul3A_995 : vector<16xf32> to vector<1x1x16xf32>
        tpu.vector_store %arg9[%swap3A_997, %swap3A_998, %swap3A_999], %swap3A_1002 {strides = array<i32>} : memref<2x128x64xf32, #tpu.memory_space<vmem>>, vector<1x1x16xf32>,
        %scan3A_1003 = arith.constant 5 : i32
        %scan3A_1004 = arith.addi %scan3A_356, %scan3A_1003 : i32
        %get3A_1005 = arith.constant 0 : i32
        %get3A_1006 = arith.index_cast %get3A_1005 : i32 to index
        %get3A_1007 = arith.index_cast %scan3A_1004 : i32 to index
        %get3A_1008 = arith.constant 0 : index
        %get3A_1009 = tpu.vector_load %arg9[%get3A_1006, %get3A_1007, %get3A_1008] {strides = array<i32>} : memref<2x128x64xf32, #tpu.memory_space<vmem>>, vector<1x1x16xf32>,
        %get3A_1010 = vector.shape_cast %get3A_1009 : vector<1x1x16xf32> to vector<16xf32>
        %mul3A_1011 = arith.constant 8.000000e+00 : f32
        %mul3A_1012 = vector.broadcast %mul3A_1011 : f32 to vector<16xf32>
        %mul3A_1013 = arith.mulf %get3A_1010, %mul3A_1012 : vector<16xf32>
        %swap3A_1014 = arith.constant 0 : i32
        %swap3A_1015 = arith.index_cast %swap3A_1014 : i32 to index
        %swap3A_1016 = arith.index_cast %scan3A_1004 : i32 to index
        %swap3A_1017 = arith.constant 0 : index
        %swap3A_1018 = tpu.vector_load %arg9[%swap3A_1015, %swap3A_1016, %swap3A_1017] {strides = array<i32>} : memref<2x128x64xf32, #tpu.memory_space<vmem>>, vector<1x1x16xf32>,
        %swap3A_1019 = vector.shape_cast %swap3A_1018 : vector<1x1x16xf32> to vector<16xf32>
        %swap3A_1020 = vector.shape_cast %mul3A_1013 : vector<16xf32> to vector<1x1x16xf32>
        tpu.vector_store %arg9[%swap3A_1015, %swap3A_1016, %swap3A_1017], %swap3A_1020 {strides = array<i32>} : memref<2x128x64xf32, #tpu.memory_space<vmem>>, vector<1x1x16xf32>,
        %get3A_1021 = arith.constant 0 : i32
        %get3A_1022 = arith.index_cast %get3A_1021 : i32 to index
        %get3A_1023 = arith.index_cast %scan3A_1004 : i32 to index
        %get3A_1024 = arith.constant 16 : index
        %get3A_1025 = tpu.vector_load %arg9[%get3A_1022, %get3A_1023, %get3A_1024] {strides = array<i32>} : memref<2x128x64xf32, #tpu.memory_space<vmem>>, vector<1x1x16xf32>,
        %get3A_1026 = vector.shape_cast %get3A_1025 : vector<1x1x16xf32> to vector<16xf32>
        %mul3A_1027 = arith.constant 8.000000e+00 : f32
        %mul3A_1028 = vector.broadcast %mul3A_1027 : f32 to vector<16xf32>
        %mul3A_1029 = arith.mulf %get3A_1026, %mul3A_1028 : vector<16xf32>
        %swap3A_1030 = arith.constant 0 : i32
        %swap3A_1031 = arith.index_cast %swap3A_1030 : i32 to index
        %swap3A_1032 = arith.index_cast %scan3A_1004 : i32 to index
        %swap3A_1033 = arith.constant 16 : index
        %swap3A_1034 = tpu.vector_load %arg9[%swap3A_1031, %swap3A_1032, %swap3A_1033] {strides = array<i32>} : memref<2x128x64xf32, #tpu.memory_space<vmem>>, vector<1x1x16xf32>,
        %swap3A_1035 = vector.shape_cast %swap3A_1034 : vector<1x1x16xf32> to vector<16xf32>
        %swap3A_1036 = vector.shape_cast %mul3A_1029 : vector<16xf32> to vector<1x1x16xf32>
        tpu.vector_store %arg9[%swap3A_1031, %swap3A_1032, %swap3A_1033], %swap3A_1036 {strides = array<i32>} : memref<2x128x64xf32, #tpu.memory_space<vmem>>, vector<1x1x16xf32>,
        %get3A_1037 = arith.constant 0 : i32
        %get3A_1038 = arith.index_cast %get3A_1037 : i32 to index
        %get3A_1039 = arith.index_cast %scan3A_1004 : i32 to index
        %get3A_1040 = arith.constant 32 : index
        %get3A_1041 = tpu.vector_load %arg9[%get3A_1038, %get3A_1039, %get3A_1040] {strides = array<i32>} : memref<2x128x64xf32, #tpu.memory_space<vmem>>, vector<1x1x16xf32>,
        %get3A_1042 = vector.shape_cast %get3A_1041 : vector<1x1x16xf32> to vector<16xf32>
        %mul3A_1043 = arith.constant 8.000000e+00 : f32
        %mul3A_1044 = vector.broadcast %mul3A_1043 : f32 to vector<16xf32>
        %mul3A_1045 = arith.mulf %get3A_1042, %mul3A_1044 : vector<16xf32>
        %swap3A_1046 = arith.constant 0 : i32
        %swap3A_1047 = arith.index_cast %swap3A_1046 : i32 to index
        %swap3A_1048 = arith.index_cast %scan3A_1004 : i32 to index
        %swap3A_1049 = arith.constant 32 : index
        %swap3A_1050 = tpu.vector_load %arg9[%swap3A_1047, %swap3A_1048, %swap3A_1049] {strides = array<i32>} : memref<2x128x64xf32, #tpu.memory_space<vmem>>, vector<1x1x16xf32>,
        %swap3A_1051 = vector.shape_cast %swap3A_1050 : vector<1x1x16xf32> to vector<16xf32>
        %swap3A_1052 = vector.shape_cast %mul3A_1045 : vector<16xf32> to vector<1x1x16xf32>
        tpu.vector_store %arg9[%swap3A_1047, %swap3A_1048, %swap3A_1049], %swap3A_1052 {strides = array<i32>} : memref<2x128x64xf32, #tpu.memory_space<vmem>>, vector<1x1x16xf32>,
        %get3A_1053 = arith.constant 0 : i32
        %get3A_1054 = arith.index_cast %get3A_1053 : i32 to index
        %get3A_1055 = arith.index_cast %scan3A_1004 : i32 to index
        %get3A_1056 = arith.constant 48 : index
        %get3A_1057 = tpu.vector_load %arg9[%get3A_1054, %get3A_1055, %get3A_1056] {strides = array<i32>} : memref<2x128x64xf32, #tpu.memory_space<vmem>>, vector<1x1x16xf32>,
        %get3A_1058 = vector.shape_cast %get3A_1057 : vector<1x1x16xf32> to vector<16xf32>
        %mul3A_1059 = arith.constant 8.000000e+00 : f32
        %mul3A_1060 = vector.broadcast %mul3A_1059 : f32 to vector<16xf32>
        %mul3A_1061 = arith.mulf %get3A_1058, %mul3A_1060 : vector<16xf32>
        %swap3A_1062 = arith.constant 0 : i32
        %swap3A_1063 = arith.index_cast %swap3A_1062 : i32 to index
        %swap3A_1064 = arith.index_cast %scan3A_1004 : i32 to index
        %swap3A_1065 = arith.constant 48 : index
        %swap3A_1066 = tpu.vector_load %arg9[%swap3A_1063, %swap3A_1064, %swap3A_1065] {strides = array<i32>} : memref<2x128x64xf32, #tpu.memory_space<vmem>>, vector<1x1x16xf32>,
        %swap3A_1067 = vector.shape_cast %swap3A_1066 : vector<1x1x16xf32> to vector<16xf32>
        %swap3A_1068 = vector.shape_cast %mul3A_1061 : vector<16xf32> to vector<1x1x16xf32>
        tpu.vector_store %arg9[%swap3A_1063, %swap3A_1064, %swap3A_1065], %swap3A_1068 {strides = array<i32>} : memref<2x128x64xf32, #tpu.memory_space<vmem>>, vector<1x1x16xf32>,
        %get3A_1069 = arith.constant 1 : i32
        %get3A_1070 = arith.index_cast %get3A_1069 : i32 to index
        %get3A_1071 = arith.index_cast %scan3A_1004 : i32 to index
        %get3A_1072 = arith.constant 0 : index
        %get3A_1073 = tpu.vector_load %arg9[%get3A_1070, %get3A_1071, %get3A_1072] {strides = array<i32>} : memref<2x128x64xf32, #tpu.memory_space<vmem>>, vector<1x1x16xf32>,
        %get3A_1074 = vector.shape_cast %get3A_1073 : vector<1x1x16xf32> to vector<16xf32>
        %mul3A_1075 = arith.constant 8.000000e+00 : f32
        %mul3A_1076 = vector.broadcast %mul3A_1075 : f32 to vector<16xf32>
        %mul3A_1077 = arith.mulf %get3A_1074, %mul3A_1076 : vector<16xf32>
        %swap3A_1078 = arith.constant 1 : i32
        %swap3A_1079 = arith.index_cast %swap3A_1078 : i32 to index
        %swap3A_1080 = arith.index_cast %scan3A_1004 : i32 to index
        %swap3A_1081 = arith.constant 0 : index
        %swap3A_1082 = tpu.vector_load %arg9[%swap3A_1079, %swap3A_1080, %swap3A_1081] {strides = array<i32>} : memref<2x128x64xf32, #tpu.memory_space<vmem>>, vector<1x1x16xf32>,
        %swap3A_1083 = vector.shape_cast %swap3A_1082 : vector<1x1x16xf32> to vector<16xf32>
        %swap3A_1084 = vector.shape_cast %mul3A_1077 : vector<16xf32> to vector<1x1x16xf32>
        tpu.vector_store %arg9[%swap3A_1079, %swap3A_1080, %swap3A_1081], %swap3A_1084 {strides = array<i32>} : memref<2x128x64xf32, #tpu.memory_space<vmem>>, vector<1x1x16xf32>,
        %get3A_1085 = arith.constant 1 : i32
        %get3A_1086 = arith.index_cast %get3A_1085 : i32 to index
        %get3A_1087 = arith.index_cast %scan3A_1004 : i32 to index
        %get3A_1088 = arith.constant 16 : index
        %get3A_1089 = tpu.vector_load %arg9[%get3A_1086, %get3A_1087, %get3A_1088] {strides = array<i32>} : memref<2x128x64xf32, #tpu.memory_space<vmem>>, vector<1x1x16xf32>,
        %get3A_1090 = vector.shape_cast %get3A_1089 : vector<1x1x16xf32> to vector<16xf32>
        %mul3A_1091 = arith.constant 8.000000e+00 : f32
        %mul3A_1092 = vector.broadcast %mul3A_1091 : f32 to vector<16xf32>
        %mul3A_1093 = arith.mulf %get3A_1090, %mul3A_1092 : vector<16xf32>
        %swap3A_1094 = arith.constant 1 : i32
        %swap3A_1095 = arith.index_cast %swap3A_1094 : i32 to index
        %swap3A_1096 = arith.index_cast %scan3A_1004 : i32 to index
        %swap3A_1097 = arith.constant 16 : index
        %swap3A_1098 = tpu.vector_load %arg9[%swap3A_1095, %swap3A_1096, %swap3A_1097] {strides = array<i32>} : memref<2x128x64xf32, #tpu.memory_space<vmem>>, vector<1x1x16xf32>,
        %swap3A_1099 = vector.shape_cast %swap3A_1098 : vector<1x1x16xf32> to vector<16xf32>
        %swap3A_1100 = vector.shape_cast %mul3A_1093 : vector<16xf32> to vector<1x1x16xf32>
        tpu.vector_store %arg9[%swap3A_1095, %swap3A_1096, %swap3A_1097], %swap3A_1100 {strides = array<i32>} : memref<2x128x64xf32, #tpu.memory_space<vmem>>, vector<1x1x16xf32>,
        %get3A_1101 = arith.constant 1 : i32
        %get3A_1102 = arith.index_cast %get3A_1101 : i32 to index
        %get3A_1103 = arith.index_cast %scan3A_1004 : i32 to index
        %get3A_1104 = arith.constant 32 : index
        %get3A_1105 = tpu.vector_load %arg9[%get3A_1102, %get3A_1103, %get3A_1104] {strides = array<i32>} : memref<2x128x64xf32, #tpu.memory_space<vmem>>, vector<1x1x16xf32>,
        %get3A_1106 = vector.shape_cast %get3A_1105 : vector<1x1x16xf32> to vector<16xf32>
        %mul3A_1107 = arith.constant 8.000000e+00 : f32
        %mul3A_1108 = vector.broadcast %mul3A_1107 : f32 to vector<16xf32>
        %mul3A_1109 = arith.mulf %get3A_1106, %mul3A_1108 : vector<16xf32>
        %swap3A_1110 = arith.constant 1 : i32
        %swap3A_1111 = arith.index_cast %swap3A_1110 : i32 to index
        %swap3A_1112 = arith.index_cast %scan3A_1004 : i32 to index
        %swap3A_1113 = arith.constant 32 : index
        %swap3A_1114 = tpu.vector_load %arg9[%swap3A_1111, %swap3A_1112, %swap3A_1113] {strides = array<i32>} : memref<2x128x64xf32, #tpu.memory_space<vmem>>, vector<1x1x16xf32>,
        %swap3A_1115 = vector.shape_cast %swap3A_1114 : vector<1x1x16xf32> to vector<16xf32>
        %swap3A_1116 = vector.shape_cast %mul3A_1109 : vector<16xf32> to vector<1x1x16xf32>
        tpu.vector_store %arg9[%swap3A_1111, %swap3A_1112, %swap3A_1113], %swap3A_1116 {strides = array<i32>} : memref<2x128x64xf32, #tpu.memory_space<vmem>>, vector<1x1x16xf32>,
        %get3A_1117 = arith.constant 1 : i32
        %get3A_1118 = arith.index_cast %get3A_1117 : i32 to index
        %get3A_1119 = arith.index_cast %scan3A_1004 : i32 to index
        %get3A_1120 = arith.constant 48 : index
        %get3A_1121 = tpu.vector_load %arg9[%get3A_1118, %get3A_1119, %get3A_1120] {strides = array<i32>} : memref<2x128x64xf32, #tpu.memory_space<vmem>>, vector<1x1x16xf32>,
        %get3A_1122 = vector.shape_cast %get3A_1121 : vector<1x1x16xf32> to vector<16xf32>
        %mul3A_1123 = arith.constant 8.000000e+00 : f32
        %mul3A_1124 = vector.broadcast %mul3A_1123 : f32 to vector<16xf32>
        %mul3A_1125 = arith.mulf %get3A_1122, %mul3A_1124 : vector<16xf32>
        %swap3A_1126 = arith.constant 1 : i32
        %swap3A_1127 = arith.index_cast %swap3A_1126 : i32 to index
        %swap3A_1128 = arith.index_cast %scan3A_1004 : i32 to index
        %swap3A_1129 = arith.constant 48 : index
        %swap3A_1130 = tpu.vector_load %arg9[%swap3A_1127, %swap3A_1128, %swap3A_1129] {strides = array<i32>} : memref<2x128x64xf32, #tpu.memory_space<vmem>>, vector<1x1x16xf32>,
        %swap3A_1131 = vector.shape_cast %swap3A_1130 : vector<1x1x16xf32> to vector<16xf32>
        %swap3A_1132 = vector.shape_cast %mul3A_1125 : vector<16xf32> to vector<1x1x16xf32>
        tpu.vector_store %arg9[%swap3A_1127, %swap3A_1128, %swap3A_1129], %swap3A_1132 {strides = array<i32>} : memref<2x128x64xf32, #tpu.memory_space<vmem>>, vector<1x1x16xf32>,
        %scan3A_1133 = arith.constant 6 : i32
        %scan3A_1134 = arith.addi %scan3A_356, %scan3A_1133 : i32
        %get3A_1135 = arith.constant 0 : i32
        %get3A_1136 = arith.index_cast %get3A_1135 : i32 to index
        %get3A_1137 = arith.index_cast %scan3A_1134 : i32 to index
        %get3A_1138 = arith.constant 0 : index
        %get3A_1139 = tpu.vector_load %arg9[%get3A_1136, %get3A_1137, %get3A_1138] {strides = array<i32>} : memref<2x128x64xf32, #tpu.memory_space<vmem>>, vector<1x1x16xf32>,
        %get3A_1140 = vector.shape_cast %get3A_1139 : vector<1x1x16xf32> to vector<16xf32>
        %mul3A_1141 = arith.constant 8.000000e+00 : f32
        %mul3A_1142 = vector.broadcast %mul3A_1141 : f32 to vector<16xf32>
        %mul3A_1143 = arith.mulf %get3A_1140, %mul3A_1142 : vector<16xf32>
        %swap3A_1144 = arith.constant 0 : i32
        %swap3A_1145 = arith.index_cast %swap3A_1144 : i32 to index
        %swap3A_1146 = arith.index_cast %scan3A_1134 : i32 to index
        %swap3A_1147 = arith.constant 0 : index
        %swap3A_1148 = tpu.vector_load %arg9[%swap3A_1145, %swap3A_1146, %swap3A_1147] {strides = array<i32>} : memref<2x128x64xf32, #tpu.memory_space<vmem>>, vector<1x1x16xf32>,
        %swap3A_1149 = vector.shape_cast %swap3A_1148 : vector<1x1x16xf32> to vector<16xf32>
        %swap3A_1150 = vector.shape_cast %mul3A_1143 : vector<16xf32> to vector<1x1x16xf32>
        tpu.vector_store %arg9[%swap3A_1145, %swap3A_1146, %swap3A_1147], %swap3A_1150 {strides = array<i32>} : memref<2x128x64xf32, #tpu.memory_space<vmem>>, vector<1x1x16xf32>,
        %get3A_1151 = arith.constant 0 : i32
        %get3A_1152 = arith.index_cast %get3A_1151 : i32 to index
        %get3A_1153 = arith.index_cast %scan3A_1134 : i32 to index
        %get3A_1154 = arith.constant 16 : index
        %get3A_1155 = tpu.vector_load %arg9[%get3A_1152, %get3A_1153, %get3A_1154] {strides = array<i32>} : memref<2x128x64xf32, #tpu.memory_space<vmem>>, vector<1x1x16xf32>,
        %get3A_1156 = vector.shape_cast %get3A_1155 : vector<1x1x16xf32> to vector<16xf32>
        %mul3A_1157 = arith.constant 8.000000e+00 : f32
        %mul3A_1158 = vector.broadcast %mul3A_1157 : f32 to vector<16xf32>
        %mul3A_1159 = arith.mulf %get3A_1156, %mul3A_1158 : vector<16xf32>
        %swap3A_1160 = arith.constant 0 : i32
        %swap3A_1161 = arith.index_cast %swap3A_1160 : i32 to index
        %swap3A_1162 = arith.index_cast %scan3A_1134 : i32 to index
        %swap3A_1163 = arith.constant 16 : index
        %swap3A_1164 = tpu.vector_load %arg9[%swap3A_1161, %swap3A_1162, %swap3A_1163] {strides = array<i32>} : memref<2x128x64xf32, #tpu.memory_space<vmem>>, vector<1x1x16xf32>,
        %swap3A_1165 = vector.shape_cast %swap3A_1164 : vector<1x1x16xf32> to vector<16xf32>
        %swap3A_1166 = vector.shape_cast %mul3A_1159 : vector<16xf32> to vector<1x1x16xf32>
        tpu.vector_store %arg9[%swap3A_1161, %swap3A_1162, %swap3A_1163], %swap3A_1166 {strides = array<i32>} : memref<2x128x64xf32, #tpu.memory_space<vmem>>, vector<1x1x16xf32>,
        %get3A_1167 = arith.constant 0 : i32
        %get3A_1168 = arith.index_cast %get3A_1167 : i32 to index
        %get3A_1169 = arith.index_cast %scan3A_1134 : i32 to index
        %get3A_1170 = arith.constant 32 : index
        %get3A_1171 = tpu.vector_load %arg9[%get3A_1168, %get3A_1169, %get3A_1170] {strides = array<i32>} : memref<2x128x64xf32, #tpu.memory_space<vmem>>, vector<1x1x16xf32>,
        %get3A_1172 = vector.shape_cast %get3A_1171 : vector<1x1x16xf32> to vector<16xf32>
        %mul3A_1173 = arith.constant 8.000000e+00 : f32
        %mul3A_1174 = vector.broadcast %mul3A_1173 : f32 to vector<16xf32>
        %mul3A_1175 = arith.mulf %get3A_1172, %mul3A_1174 : vector<16xf32>
        %swap3A_1176 = arith.constant 0 : i32
        %swap3A_1177 = arith.index_cast %swap3A_1176 : i32 to index
        %swap3A_1178 = arith.index_cast %scan3A_1134 : i32 to index
        %swap3A_1179 = arith.constant 32 : index
        %swap3A_1180 = tpu.vector_load %arg9[%swap3A_1177, %swap3A_1178, %swap3A_1179] {strides = array<i32>} : memref<2x128x64xf32, #tpu.memory_space<vmem>>, vector<1x1x16xf32>,
        %swap3A_1181 = vector.shape_cast %swap3A_1180 : vector<1x1x16xf32> to vector<16xf32>
        %swap3A_1182 = vector.shape_cast %mul3A_1175 : vector<16xf32> to vector<1x1x16xf32>
        tpu.vector_store %arg9[%swap3A_1177, %swap3A_1178, %swap3A_1179], %swap3A_1182 {strides = array<i32>} : memref<2x128x64xf32, #tpu.memory_space<vmem>>, vector<1x1x16xf32>,
        %get3A_1183 = arith.constant 0 : i32
        %get3A_1184 = arith.index_cast %get3A_1183 : i32 to index
        %get3A_1185 = arith.index_cast %scan3A_1134 : i32 to index
        %get3A_1186 = arith.constant 48 : index
        %get3A_1187 = tpu.vector_load %arg9[%get3A_1184, %get3A_1185, %get3A_1186] {strides = array<i32>} : memref<2x128x64xf32, #tpu.memory_space<vmem>>, vector<1x1x16xf32>,
        %get3A_1188 = vector.shape_cast %get3A_1187 : vector<1x1x16xf32> to vector<16xf32>
        %mul3A_1189 = arith.constant 8.000000e+00 : f32
        %mul3A_1190 = vector.broadcast %mul3A_1189 : f32 to vector<16xf32>
        %mul3A_1191 = arith.mulf %get3A_1188, %mul3A_1190 : vector<16xf32>
        %swap3A_1192 = arith.constant 0 : i32
        %swap3A_1193 = arith.index_cast %swap3A_1192 : i32 to index
        %swap3A_1194 = arith.index_cast %scan3A_1134 : i32 to index
        %swap3A_1195 = arith.constant 48 : index
        %swap3A_1196 = tpu.vector_load %arg9[%swap3A_1193, %swap3A_1194, %swap3A_1195] {strides = array<i32>} : memref<2x128x64xf32, #tpu.memory_space<vmem>>, vector<1x1x16xf32>,
        %swap3A_1197 = vector.shape_cast %swap3A_1196 : vector<1x1x16xf32> to vector<16xf32>
        %swap3A_1198 = vector.shape_cast %mul3A_1191 : vector<16xf32> to vector<1x1x16xf32>
        tpu.vector_store %arg9[%swap3A_1193, %swap3A_1194, %swap3A_1195], %swap3A_1198 {strides = array<i32>} : memref<2x128x64xf32, #tpu.memory_space<vmem>>, vector<1x1x16xf32>,
        %get3A_1199 = arith.constant 1 : i32
        %get3A_1200 = arith.index_cast %get3A_1199 : i32 to index
        %get3A_1201 = arith.index_cast %scan3A_1134 : i32 to index
        %get3A_1202 = arith.constant 0 : index
        %get3A_1203 = tpu.vector_load %arg9[%get3A_1200, %get3A_1201, %get3A_1202] {strides = array<i32>} : memref<2x128x64xf32, #tpu.memory_space<vmem>>, vector<1x1x16xf32>,
        %get3A_1204 = vector.shape_cast %get3A_1203 : vector<1x1x16xf32> to vector<16xf32>
        %mul3A_1205 = arith.constant 8.000000e+00 : f32
        %mul3A_1206 = vector.broadcast %mul3A_1205 : f32 to vector<16xf32>
        %mul3A_1207 = arith.mulf %get3A_1204, %mul3A_1206 : vector<16xf32>
        %swap3A_1208 = arith.constant 1 : i32
        %swap3A_1209 = arith.index_cast %swap3A_1208 : i32 to index
        %swap3A_1210 = arith.index_cast %scan3A_1134 : i32 to index
        %swap3A_1211 = arith.constant 0 : index
        %swap3A_1212 = tpu.vector_load %arg9[%swap3A_1209, %swap3A_1210, %swap3A_1211] {strides = array<i32>} : memref<2x128x64xf32, #tpu.memory_space<vmem>>, vector<1x1x16xf32>,
        %swap3A_1213 = vector.shape_cast %swap3A_1212 : vector<1x1x16xf32> to vector<16xf32>
        %swap3A_1214 = vector.shape_cast %mul3A_1207 : vector<16xf32> to vector<1x1x16xf32>
        tpu.vector_store %arg9[%swap3A_1209, %swap3A_1210, %swap3A_1211], %swap3A_1214 {strides = array<i32>} : memref<2x128x64xf32, #tpu.memory_space<vmem>>, vector<1x1x16xf32>,
        %get3A_1215 = arith.constant 1 : i32
        %get3A_1216 = arith.index_cast %get3A_1215 : i32 to index
        %get3A_1217 = arith.index_cast %scan3A_1134 : i32 to index
        %get3A_1218 = arith.constant 16 : index
        %get3A_1219 = tpu.vector_load %arg9[%get3A_1216, %get3A_1217, %get3A_1218] {strides = array<i32>} : memref<2x128x64xf32, #tpu.memory_space<vmem>>, vector<1x1x16xf32>,
        %get3A_1220 = vector.shape_cast %get3A_1219 : vector<1x1x16xf32> to vector<16xf32>
        %mul3A_1221 = arith.constant 8.000000e+00 : f32
        %mul3A_1222 = vector.broadcast %mul3A_1221 : f32 to vector<16xf32>
        %mul3A_1223 = arith.mulf %get3A_1220, %mul3A_1222 : vector<16xf32>
        %swap3A_1224 = arith.constant 1 : i32
        %swap3A_1225 = arith.index_cast %swap3A_1224 : i32 to index
        %swap3A_1226 = arith.index_cast %scan3A_1134 : i32 to index
        %swap3A_1227 = arith.constant 16 : index
        %swap3A_1228 = tpu.vector_load %arg9[%swap3A_1225, %swap3A_1226, %swap3A_1227] {strides = array<i32>} : memref<2x128x64xf32, #tpu.memory_space<vmem>>, vector<1x1x16xf32>,
        %swap3A_1229 = vector.shape_cast %swap3A_1228 : vector<1x1x16xf32> to vector<16xf32>
        %swap3A_1230 = vector.shape_cast %mul3A_1223 : vector<16xf32> to vector<1x1x16xf32>
        tpu.vector_store %arg9[%swap3A_1225, %swap3A_1226, %swap3A_1227], %swap3A_1230 {strides = array<i32>} : memref<2x128x64xf32, #tpu.memory_space<vmem>>, vector<1x1x16xf32>,
        %get3A_1231 = arith.constant 1 : i32
        %get3A_1232 = arith.index_cast %get3A_1231 : i32 to index
        %get3A_1233 = arith.index_cast %scan3A_1134 : i32 to index
        %get3A_1234 = arith.constant 32 : index
        %get3A_1235 = tpu.vector_load %arg9[%get3A_1232, %get3A_1233, %get3A_1234] {strides = array<i32>} : memref<2x128x64xf32, #tpu.memory_space<vmem>>, vector<1x1x16xf32>,
        %get3A_1236 = vector.shape_cast %get3A_1235 : vector<1x1x16xf32> to vector<16xf32>
        %mul3A_1237 = arith.constant 8.000000e+00 : f32
        %mul3A_1238 = vector.broadcast %mul3A_1237 : f32 to vector<16xf32>
        %mul3A_1239 = arith.mulf %get3A_1236, %mul3A_1238 : vector<16xf32>
        %swap3A_1240 = arith.constant 1 : i32
        %swap3A_1241 = arith.index_cast %swap3A_1240 : i32 to index
        %swap3A_1242 = arith.index_cast %scan3A_1134 : i32 to index
        %swap3A_1243 = arith.constant 32 : index
        %swap3A_1244 = tpu.vector_load %arg9[%swap3A_1241, %swap3A_1242, %swap3A_1243] {strides = array<i32>} : memref<2x128x64xf32, #tpu.memory_space<vmem>>, vector<1x1x16xf32>,
        %swap3A_1245 = vector.shape_cast %swap3A_1244 : vector<1x1x16xf32> to vector<16xf32>
        %swap3A_1246 = vector.shape_cast %mul3A_1239 : vector<16xf32> to vector<1x1x16xf32>
        tpu.vector_store %arg9[%swap3A_1241, %swap3A_1242, %swap3A_1243], %swap3A_1246 {strides = array<i32>} : memref<2x128x64xf32, #tpu.memory_space<vmem>>, vector<1x1x16xf32>,
        %get3A_1247 = arith.constant 1 : i32
        %get3A_1248 = arith.index_cast %get3A_1247 : i32 to index
        %get3A_1249 = arith.index_cast %scan3A_1134 : i32 to index
        %get3A_1250 = arith.constant 48 : index
        %get3A_1251 = tpu.vector_load %arg9[%get3A_1248, %get3A_1249, %get3A_1250] {strides = array<i32>} : memref<2x128x64xf32, #tpu.memory_space<vmem>>, vector<1x1x16xf32>,
        %get3A_1252 = vector.shape_cast %get3A_1251 : vector<1x1x16xf32> to vector<16xf32>
        %mul3A_1253 = arith.constant 8.000000e+00 : f32
        %mul3A_1254 = vector.broadcast %mul3A_1253 : f32 to vector<16xf32>
        %mul3A_1255 = arith.mulf %get3A_1252, %mul3A_1254 : vector<16xf32>
        %swap3A_1256 = arith.constant 1 : i32
        %swap3A_1257 = arith.index_cast %swap3A_1256 : i32 to index
        %swap3A_1258 = arith.index_cast %scan3A_1134 : i32 to index
        %swap3A_1259 = arith.constant 48 : index
        %swap3A_1260 = tpu.vector_load %arg9[%swap3A_1257, %swap3A_1258, %swap3A_1259] {strides = array<i32>} : memref<2x128x64xf32, #tpu.memory_space<vmem>>, vector<1x1x16xf32>,
        %swap3A_1261 = vector.shape_cast %swap3A_1260 : vector<1x1x16xf32> to vector<16xf32>
        %swap3A_1262 = vector.shape_cast %mul3A_1255 : vector<16xf32> to vector<1x1x16xf32>
        tpu.vector_store %arg9[%swap3A_1257, %swap3A_1258, %swap3A_1259], %swap3A_1262 {strides = array<i32>} : memref<2x128x64xf32, #tpu.memory_space<vmem>>, vector<1x1x16xf32>,
        %scan3A_1263 = arith.constant 7 : i32
        %scan3A_1264 = arith.addi %scan3A_356, %scan3A_1263 : i32
        %get3A_1265 = arith.constant 0 : i32
        %get3A_1266 = arith.index_cast %get3A_1265 : i32 to index
        %get3A_1267 = arith.index_cast %scan3A_1264 : i32 to index
        %get3A_1268 = arith.constant 0 : index
        %get3A_1269 = tpu.vector_load %arg9[%get3A_1266, %get3A_1267, %get3A_1268] {strides = array<i32>} : memref<2x128x64xf32, #tpu.memory_space<vmem>>, vector<1x1x16xf32>,
        %get3A_1270 = vector.shape_cast %get3A_1269 : vector<1x1x16xf32> to vector<16xf32>
        %mul3A_1271 = arith.constant 8.000000e+00 : f32
        %mul3A_1272 = vector.broadcast %mul3A_1271 : f32 to vector<16xf32>
        %mul3A_1273 = arith.mulf %get3A_1270, %mul3A_1272 : vector<16xf32>
        %swap3A_1274 = arith.constant 0 : i32
        %swap3A_1275 = arith.index_cast %swap3A_1274 : i32 to index
        %swap3A_1276 = arith.index_cast %scan3A_1264 : i32 to index
        %swap3A_1277 = arith.constant 0 : index
        %swap3A_1278 = tpu.vector_load %arg9[%swap3A_1275, %swap3A_1276, %swap3A_1277] {strides = array<i32>} : memref<2x128x64xf32, #tpu.memory_space<vmem>>, vector<1x1x16xf32>,
        %swap3A_1279 = vector.shape_cast %swap3A_1278 : vector<1x1x16xf32> to vector<16xf32>
        %swap3A_1280 = vector.shape_cast %mul3A_1273 : vector<16xf32> to vector<1x1x16xf32>
        tpu.vector_store %arg9[%swap3A_1275, %swap3A_1276, %swap3A_1277], %swap3A_1280 {strides = array<i32>} : memref<2x128x64xf32, #tpu.memory_space<vmem>>, vector<1x1x16xf32>,
        %get3A_1281 = arith.constant 0 : i32
        %get3A_1282 = arith.index_cast %get3A_1281 : i32 to index
        %get3A_1283 = arith.index_cast %scan3A_1264 : i32 to index
        %get3A_1284 = arith.constant 16 : index
        %get3A_1285 = tpu.vector_load %arg9[%get3A_1282, %get3A_1283, %get3A_1284] {strides = array<i32>} : memref<2x128x64xf32, #tpu.memory_space<vmem>>, vector<1x1x16xf32>,
        %get3A_1286 = vector.shape_cast %get3A_1285 : vector<1x1x16xf32> to vector<16xf32>
        %mul3A_1287 = arith.constant 8.000000e+00 : f32
        %mul3A_1288 = vector.broadcast %mul3A_1287 : f32 to vector<16xf32>
        %mul3A_1289 = arith.mulf %get3A_1286, %mul3A_1288 : vector<16xf32>
        %swap3A_1290 = arith.constant 0 : i32
        %swap3A_1291 = arith.index_cast %swap3A_1290 : i32 to index
        %swap3A_1292 = arith.index_cast %scan3A_1264 : i32 to index
        %swap3A_1293 = arith.constant 16 : index
        %swap3A_1294 = tpu.vector_load %arg9[%swap3A_1291, %swap3A_1292, %swap3A_1293] {strides = array<i32>} : memref<2x128x64xf32, #tpu.memory_space<vmem>>, vector<1x1x16xf32>,
        %swap3A_1295 = vector.shape_cast %swap3A_1294 : vector<1x1x16xf32> to vector<16xf32>
        %swap3A_1296 = vector.shape_cast %mul3A_1289 : vector<16xf32> to vector<1x1x16xf32>
        tpu.vector_store %arg9[%swap3A_1291, %swap3A_1292, %swap3A_1293], %swap3A_1296 {strides = array<i32>} : memref<2x128x64xf32, #tpu.memory_space<vmem>>, vector<1x1x16xf32>,
        %get3A_1297 = arith.constant 0 : i32
        %get3A_1298 = arith.index_cast %get3A_1297 : i32 to index
        %get3A_1299 = arith.index_cast %scan3A_1264 : i32 to index
        %get3A_1300 = arith.constant 32 : index
        %get3A_1301 = tpu.vector_load %arg9[%get3A_1298, %get3A_1299, %get3A_1300] {strides = array<i32>} : memref<2x128x64xf32, #tpu.memory_space<vmem>>, vector<1x1x16xf32>,
        %get3A_1302 = vector.shape_cast %get3A_1301 : vector<1x1x16xf32> to vector<16xf32>
        %mul3A_1303 = arith.constant 8.000000e+00 : f32
        %mul3A_1304 = vector.broadcast %mul3A_1303 : f32 to vector<16xf32>
        %mul3A_1305 = arith.mulf %get3A_1302, %mul3A_1304 : vector<16xf32>
        %swap3A_1306 = arith.constant 0 : i32
        %swap3A_1307 = arith.index_cast %swap3A_1306 : i32 to index
        %swap3A_1308 = arith.index_cast %scan3A_1264 : i32 to index
        %swap3A_1309 = arith.constant 32 : index
        %swap3A_1310 = tpu.vector_load %arg9[%swap3A_1307, %swap3A_1308, %swap3A_1309] {strides = array<i32>} : memref<2x128x64xf32, #tpu.memory_space<vmem>>, vector<1x1x16xf32>,
        %swap3A_1311 = vector.shape_cast %swap3A_1310 : vector<1x1x16xf32> to vector<16xf32>
        %swap3A_1312 = vector.shape_cast %mul3A_1305 : vector<16xf32> to vector<1x1x16xf32>
        tpu.vector_store %arg9[%swap3A_1307, %swap3A_1308, %swap3A_1309], %swap3A_1312 {strides = array<i32>} : memref<2x128x64xf32, #tpu.memory_space<vmem>>, vector<1x1x16xf32>,
        %get3A_1313 = arith.constant 0 : i32
        %get3A_1314 = arith.index_cast %get3A_1313 : i32 to index
        %get3A_1315 = arith.index_cast %scan3A_1264 : i32 to index
        %get3A_1316 = arith.constant 48 : index
        %get3A_1317 = tpu.vector_load %arg9[%get3A_1314, %get3A_1315, %get3A_1316] {strides = array<i32>} : memref<2x128x64xf32, #tpu.memory_space<vmem>>, vector<1x1x16xf32>,
        %get3A_1318 = vector.shape_cast %get3A_1317 : vector<1x1x16xf32> to vector<16xf32>
        %mul3A_1319 = arith.constant 8.000000e+00 : f32
        %mul3A_1320 = vector.broadcast %mul3A_1319 : f32 to vector<16xf32>
        %mul3A_1321 = arith.mulf %get3A_1318, %mul3A_1320 : vector<16xf32>
        %swap3A_1322 = arith.constant 0 : i32
        %swap3A_1323 = arith.index_cast %swap3A_1322 : i32 to index
        %swap3A_1324 = arith.index_cast %scan3A_1264 : i32 to index
        %swap3A_1325 = arith.constant 48 : index
        %swap3A_1326 = tpu.vector_load %arg9[%swap3A_1323, %swap3A_1324, %swap3A_1325] {strides = array<i32>} : memref<2x128x64xf32, #tpu.memory_space<vmem>>, vector<1x1x16xf32>,
        %swap3A_1327 = vector.shape_cast %swap3A_1326 : vector<1x1x16xf32> to vector<16xf32>
        %swap3A_1328 = vector.shape_cast %mul3A_1321 : vector<16xf32> to vector<1x1x16xf32>
        tpu.vector_store %arg9[%swap3A_1323, %swap3A_1324, %swap3A_1325], %swap3A_1328 {strides = array<i32>} : memref<2x128x64xf32, #tpu.memory_space<vmem>>, vector<1x1x16xf32>,
        %get3A_1329 = arith.constant 1 : i32
        %get3A_1330 = arith.index_cast %get3A_1329 : i32 to index
        %get3A_1331 = arith.index_cast %scan3A_1264 : i32 to index
        %get3A_1332 = arith.constant 0 : index
        %get3A_1333 = tpu.vector_load %arg9[%get3A_1330, %get3A_1331, %get3A_1332] {strides = array<i32>} : memref<2x128x64xf32, #tpu.memory_space<vmem>>, vector<1x1x16xf32>,
        %get3A_1334 = vector.shape_cast %get3A_1333 : vector<1x1x16xf32> to vector<16xf32>
        %mul3A_1335 = arith.constant 8.000000e+00 : f32
        %mul3A_1336 = vector.broadcast %mul3A_1335 : f32 to vector<16xf32>
        %mul3A_1337 = arith.mulf %get3A_1334, %mul3A_1336 : vector<16xf32>
        %swap3A_1338 = arith.constant 1 : i32
        %swap3A_1339 = arith.index_cast %swap3A_1338 : i32 to index
        %swap3A_1340 = arith.index_cast %scan3A_1264 : i32 to index
        %swap3A_1341 = arith.constant 0 : index
        %swap3A_1342 = tpu.vector_load %arg9[%swap3A_1339, %swap3A_1340, %swap3A_1341] {strides = array<i32>} : memref<2x128x64xf32, #tpu.memory_space<vmem>>, vector<1x1x16xf32>,
        %swap3A_1343 = vector.shape_cast %swap3A_1342 : vector<1x1x16xf32> to vector<16xf32>
        %swap3A_1344 = vector.shape_cast %mul3A_1337 : vector<16xf32> to vector<1x1x16xf32>
        tpu.vector_store %arg9[%swap3A_1339, %swap3A_1340, %swap3A_1341], %swap3A_1344 {strides = array<i32>} : memref<2x128x64xf32, #tpu.memory_space<vmem>>, vector<1x1x16xf32>,
        %get3A_1345 = arith.constant 1 : i32
        %get3A_1346 = arith.index_cast %get3A_1345 : i32 to index
        %get3A_1347 = arith.index_cast %scan3A_1264 : i32 to index
        %get3A_1348 = arith.constant 16 : index
        %get3A_1349 = tpu.vector_load %arg9[%get3A_1346, %get3A_1347, %get3A_1348] {strides = array<i32>} : memref<2x128x64xf32, #tpu.memory_space<vmem>>, vector<1x1x16xf32>,
        %get3A_1350 = vector.shape_cast %get3A_1349 : vector<1x1x16xf32> to vector<16xf32>
        %mul3A_1351 = arith.constant 8.000000e+00 : f32
        %mul3A_1352 = vector.broadcast %mul3A_1351 : f32 to vector<16xf32>
        %mul3A_1353 = arith.mulf %get3A_1350, %mul3A_1352 : vector<16xf32>
        %swap3A_1354 = arith.constant 1 : i32
        %swap3A_1355 = arith.index_cast %swap3A_1354 : i32 to index
        %swap3A_1356 = arith.index_cast %scan3A_1264 : i32 to index
        %swap3A_1357 = arith.constant 16 : index
        %swap3A_1358 = tpu.vector_load %arg9[%swap3A_1355, %swap3A_1356, %swap3A_1357] {strides = array<i32>} : memref<2x128x64xf32, #tpu.memory_space<vmem>>, vector<1x1x16xf32>,
        %swap3A_1359 = vector.shape_cast %swap3A_1358 : vector<1x1x16xf32> to vector<16xf32>
        %swap3A_1360 = vector.shape_cast %mul3A_1353 : vector<16xf32> to vector<1x1x16xf32>
        tpu.vector_store %arg9[%swap3A_1355, %swap3A_1356, %swap3A_1357], %swap3A_1360 {strides = array<i32>} : memref<2x128x64xf32, #tpu.memory_space<vmem>>, vector<1x1x16xf32>,
        %get3A_1361 = arith.constant 1 : i32
        %get3A_1362 = arith.index_cast %get3A_1361 : i32 to index
        %get3A_1363 = arith.index_cast %scan3A_1264 : i32 to index
        %get3A_1364 = arith.constant 32 : index
        %get3A_1365 = tpu.vector_load %arg9[%get3A_1362, %get3A_1363, %get3A_1364] {strides = array<i32>} : memref<2x128x64xf32, #tpu.memory_space<vmem>>, vector<1x1x16xf32>,
        %get3A_1366 = vector.shape_cast %get3A_1365 : vector<1x1x16xf32> to vector<16xf32>
        %mul3A_1367 = arith.constant 8.000000e+00 : f32
        %mul3A_1368 = vector.broadcast %mul3A_1367 : f32 to vector<16xf32>
        %mul3A_1369 = arith.mulf %get3A_1366, %mul3A_1368 : vector<16xf32>
        %swap3A_1370 = arith.constant 1 : i32
        %swap3A_1371 = arith.index_cast %swap3A_1370 : i32 to index
        %swap3A_1372 = arith.index_cast %scan3A_1264 : i32 to index
        %swap3A_1373 = arith.constant 32 : index
        %swap3A_1374 = tpu.vector_load %arg9[%swap3A_1371, %swap3A_1372, %swap3A_1373] {strides = array<i32>} : memref<2x128x64xf32, #tpu.memory_space<vmem>>, vector<1x1x16xf32>,
        %swap3A_1375 = vector.shape_cast %swap3A_1374 : vector<1x1x16xf32> to vector<16xf32>
        %swap3A_1376 = vector.shape_cast %mul3A_1369 : vector<16xf32> to vector<1x1x16xf32>
        tpu.vector_store %arg9[%swap3A_1371, %swap3A_1372, %swap3A_1373], %swap3A_1376 {strides = array<i32>} : memref<2x128x64xf32, #tpu.memory_space<vmem>>, vector<1x1x16xf32>,
        %get3A_1377 = arith.constant 1 : i32
        %get3A_1378 = arith.index_cast %get3A_1377 : i32 to index
        %get3A_1379 = arith.index_cast %scan3A_1264 : i32 to index
        %get3A_1380 = arith.constant 48 : index
        %get3A_1381 = tpu.vector_load %arg9[%get3A_1378, %get3A_1379, %get3A_1380] {strides = array<i32>} : memref<2x128x64xf32, #tpu.memory_space<vmem>>, vector<1x1x16xf32>,
        %get3A_1382 = vector.shape_cast %get3A_1381 : vector<1x1x16xf32> to vector<16xf32>
        %mul3A_1383 = arith.constant 8.000000e+00 : f32
        %mul3A_1384 = vector.broadcast %mul3A_1383 : f32 to vector<16xf32>
        %mul3A_1385 = arith.mulf %get3A_1382, %mul3A_1384 : vector<16xf32>
        %swap3A_1386 = arith.constant 1 : i32
        %swap3A_1387 = arith.index_cast %swap3A_1386 : i32 to index
        %swap3A_1388 = arith.index_cast %scan3A_1264 : i32 to index
        %swap3A_1389 = arith.constant 48 : index
        %swap3A_1390 = tpu.vector_load %arg9[%swap3A_1387, %swap3A_1388, %swap3A_1389] {strides = array<i32>} : memref<2x128x64xf32, #tpu.memory_space<vmem>>, vector<1x1x16xf32>,
        %swap3A_1391 = vector.shape_cast %swap3A_1390 : vector<1x1x16xf32> to vector<16xf32>
        %swap3A_1392 = vector.shape_cast %mul3A_1385 : vector<16xf32> to vector<1x1x16xf32>
        tpu.vector_store %arg9[%swap3A_1387, %swap3A_1388, %swap3A_1389], %swap3A_1392 {strides = array<i32>} : memref<2x128x64xf32, #tpu.memory_space<vmem>>, vector<1x1x16xf32>,
      }
      %scan3A_343 = arith.constant 128 : i32
      %mul3A_344 = arith.constant 2 : i32
      %mul3A_345 = arith.muli %add3A_290, %mul3A_344 : i32
      %add3A_346 = arith.addi %mul3A_2, %mul3A_345 : i32
      %dma_start3A_347 = arith.constant 3 : i32
      %dma_start3A_348 = arith.constant 0 : i32
      %dma_start3A_349 = arith.constant 0 : i32
      %dma_start3A_350 = tpu.memref_slice %arg4[%add3A_346, %dma_start3A_348, %dma_start3A_349] : memref<6400x128x64xf32, #tpu.memory_space<hbm>> -> memref<2x128x64xf32, #tpu.memory_space<hbm>>
      %dma_start3A_351 = tpu.memref_slice %arg11[%dma_start3A_347] : memref<4x!tpu.dma_semaphore, #tpu.memory_space<semaphore_mem>> -> memref<1x!tpu.dma_semaphore, #tpu.memory_space<semaphore_mem>>
      %dma_start3A_352 = tpu.memref_squeeze %dma_start3A_351 : memref<1x!tpu.dma_semaphore, #tpu.memory_space<semaphore_mem>> -> memref<!tpu.dma_semaphore, #tpu.memory_space<semaphore_mem>>
      %dma_start3A_353 = arith.constant 0 : i32
      %dma_start3A_354 = arith.constant 0 : i32
      %dma_start3A_355 = tpu.memref_slice %arg4[%add3A_346, %dma_start3A_353, %dma_start3A_354] : memref<6400x128x64xf32, #tpu.memory_space<hbm>> -> memref<2x128x64xf32, #tpu.memory_space<hbm>>
      tpu.enqueue_dma source(%arg9 : memref<2x128x64xf32, #tpu.memory_space<vmem>>) target(%dma_start3A_355 : memref<2x128x64xf32, #tpu.memory_space<hbm>>) target_semaphore(%dma_start3A_352 : memref<!tpu.dma_semaphore, #tpu.memory_space<semaphore_mem>>)
    }
    %scan3A_65 = arith.constant 25 : i32
    %add3A_66 = arith.constant 196 : i32
    %add3A_67 = arith.addi %mul3A_2, %add3A_66 : i32
    %dma_wait3A = arith.constant 2 : i32
    %dma_wait3A_68 = arith.constant 0 : i32
    %dma_wait3A_69 = arith.constant 0 : i32
    %dma_wait3A_70 = tpu.memref_slice %arg4[%add3A_67, %dma_wait3A_68, %dma_wait3A_69] : memref<6400x128x64xf32, #tpu.memory_space<hbm>> -> memref<2x128x64xf32, #tpu.memory_space<hbm>>
    %dma_wait3A_71 = tpu.memref_slice %arg11[%dma_wait3A] : memref<4x!tpu.dma_semaphore, #tpu.memory_space<semaphore_mem>> -> memref<1x!tpu.dma_semaphore, #tpu.memory_space<semaphore_mem>>
    %dma_wait3A_72 = tpu.memref_squeeze %dma_wait3A_71 : memref<1x!tpu.dma_semaphore, #tpu.memory_space<semaphore_mem>> -> memref<!tpu.dma_semaphore, #tpu.memory_space<semaphore_mem>>
    %dma_wait3A_73 = arith.constant 0 : i32
    %dma_wait3A_74 = arith.constant 0 : i32
    %dma_wait3A_75 = tpu.memref_slice %arg4[%add3A_67, %dma_wait3A_73, %dma_wait3A_74] : memref<6400x128x64xf32, #tpu.memory_space<hbm>> -> memref<2x128x64xf32, #tpu.memory_space<hbm>>
    tpu.wait_dma2 semaphore(%dma_wait3A_72 : memref<!tpu.dma_semaphore, #tpu.memory_space<semaphore_mem>>) src(%arg8 : memref<2x128x64xf32, #tpu.memory_space<vmem>>) dst(%dma_wait3A_75 : memref<2x128x64xf32, #tpu.memory_space<hbm>>)
    %add3A_76 = arith.constant 198 : i32
    %add3A_77 = arith.addi %mul3A_2, %add3A_76 : i32
    %dma_wait3A_78 = arith.constant 3 : i32
    %dma_wait3A_79 = arith.constant 0 : i32
    %dma_wait3A_80 = arith.constant 0 : i32
    %dma_wait3A_81 = tpu.memref_slice %arg4[%add3A_77, %dma_wait3A_79, %dma_wait3A_80] : memref<6400x128x64xf32, #tpu.memory_space<hbm>> -> memref<2x128x64xf32, #tpu.memory_space<hbm>>
    %dma_wait3A_82 = tpu.memref_slice %arg11[%dma_wait3A_78] : memref<4x!tpu.dma_semaphore, #tpu.memory_space<semaphore_mem>> -> memref<1x!tpu.dma_semaphore, #tpu.memory_space<semaphore_mem>>
    %dma_wait3A_83 = tpu.memref_squeeze %dma_wait3A_82 : memref<1x!tpu.dma_semaphore, #tpu.memory_space<semaphore_mem>> -> memref<!tpu.dma_semaphore, #tpu.memory_space<semaphore_mem>>
    %dma_wait3A_84 = arith.constant 0 : i32
    %dma_wait3A_85 = arith.constant 0 : i32
    %dma_wait3A_86 = tpu.memref_slice %arg4[%add3A_77, %dma_wait3A_84, %dma_wait3A_85] : memref<6400x128x64xf32, #tpu.memory_space<hbm>> -> memref<2x128x64xf32, #tpu.memory_space<hbm>>
    tpu.wait_dma2 semaphore(%dma_wait3A_83 : memref<!tpu.dma_semaphore, #tpu.memory_space<semaphore_mem>>) src(%arg9 : memref<2x128x64xf32, #tpu.memory_space<vmem>>) dst(%dma_wait3A_86 : memref<2x128x64xf32, #tpu.memory_space<hbm>>)
    return
  }
}

</mosaic_0001>

<sc_bundles>
// kernel: kernel.3.cloned.1.call-start
scs
__scs_entry_jumppad:
0x0: {  	(pc) =	sbr.rel $0x88, $3  }
0x1: {  	(tag) =	ssettag $0x0;
	lr =	simm.s32 $0x1  }
0x2: {  	[smem:$0x3F9F] =	sst lr;
	_ =	strace $0xD0000000  }
0x3: {  	_ = 	snop  }
0x4: {  	_ = 	snop  }
0x5: {  	_ = 	snop  }
0x6: {  	_ = 	snop  }
0x7: {  	_ = 	snop  }
__scs_overlays_trampoline_lowered:
0x8: {  	[smem:$0x3FAE] =	sst s0  }
0x9: {  	[smem:$0x3FAF] =	sst s1  }
0xa: {  	[smem:$0x3FB0] =	sst s2  }
0xb: {  	[smem:$0x3FB1] =	sst s3  }
0xc: {  	[smem:$0x3FB2] =	sst s4  }
0xd: {  	[smem:$0x3FB3] =	sst s5  }
0xe: {  	[smem:$0x3FB4] =	sst s6  }
0xf: {  	[smem:$0x3FB5] =	sst s7  }
0x10: {  	[smem:$0x3FB6] =	sst s8  }
0x11: {  	[smem:$0x3FB7] =	sst s9;
	s0 =	simm.s32 @!p0 $0x0  }
0x12: {  	s1 =	sld [smem:$0x3F9D];
	s0 =	simm.s32 @p0 $0x1  }
0x13: {  	[smem:$0x3FB8] =	sst s0;
	s0 =	simm.s32 @!p1 $0x0  }
0x14: {  	s2 =	sld [smem:$0x3F9C];
	s0 =	simm.s32 @p1 $0x1  }
0x15: {  	[smem:$0x3FB9] =	sst s0;
	s0 =	simm.s32 @!p2 $0x0  }
0x16: {  	s3 =	sld [smem:$0x3FDB];
	s0 =	simm.s32 @p2 $0x1  }
0x17: {  	s4 =	simm.s32 $0x1BF5;
	[smem:$0x3FBB] =	sst s0  }
0x18: {  	s0 =	sld [smem:$0x3F9E];
	_ =	swait.ge [sflag:s4], $0x0  }
0x19: {  	s7 =	sld [smem:$0x3F9F]  }
0x1a: {  	s8 =	sadd.s32 $0xFFFFE003, lr  }
0x1b: {  	s9 =	sadd.s32 $0xFFFFFEF7, lr;
	s5 =	simm.s32 $0xFFFFFFFF;
	p2 =	slt.u32 s8, $0xFFFFF086  }
0x1c: {  	p1 =	slt.u32 s9, $0xF7A;
	s5 =	simm.s32 @!p2 $0x0  }
0x1d: {  	s5 =	simm.s32 @p1 $0x1;
	p0 =	seq.s32 s7, s2  }
0x1e: {  	s7 =	smul.u32 @!p0 $0xF7A, s2;
	p2 =	seq.s32 @!p0 s5, $0x0  }
0x1f: {  	s9 =	smul.u32 $0xF7A, s1;
	s8 =	simm.s32 @!p0 $0x1BF5;
	p2 =	por !p2, p0  }
0x20: {  	[sflag:s8] =	ssyncset.s32 @!p0 $0xFFFFF086;
	s6 =	sadd.s32 @!p0 s3, s7;
	s7 =	simm.s32 @!p0 $0x108  }
0x21: {  	s3 =	sadd.s32 s3, s9;
	s6 =	sadd.s32 @!p0 $0x88, s6;
	s7 =	simm.s32 @p2 $0x1082  }
0x22: {  	[simem:s7], [sflag:s8] =	dma.local @!p0 [hbm:s6], $0xF7A  }
0x23: {  	s9 =	sor.u32 $0xD0000000, s2;
	s6 =	simm.s32 $0x108;
	_ =	swait.ge @!p0 [sflag:s8], $0x0  }
0x24: {  	s3 =	sadd.s32 $0x88, s3;
	s6 =	simm.s32 @!p1 $0x1082;
	[sflag:s4] =	ssyncset.s32 $0xFFFFF086  }
0x25: {  	[simem:s6], [sflag:s4] =	dma.local [hbm:s3], $0xF7A  }
0x26: {  	[smem:$0x3F9F] =	sst s1;
	(tag) =	ssettag s2;
	_ =	strace s9  }
0x27: {  	s1 =	sld [smem:$0x3FAF]  }
0x28: {  	s2 =	sld [smem:$0x3FB0]  }
0x29: {  	s4 =	sld [smem:$0x3FB2]  }
0x2a: {  	p0 =	seq.s32 s5, $0x0;
	s5 =	sld [smem:$0x3FB3]  }
0x2b: {  	s6 =	sld [smem:$0x3FB4]  }
0x2c: {  	s7 =	sld [smem:$0x3FB5]  }
0x2d: {  	s3 =	simm.s32 $0x108;
	s8 =	sld [smem:$0x3FB6]  }
0x2e: {  	s3 =	simm.s32 @!p0 $0x1082;
	s9 =	sld [smem:$0x3FB7]  }
0x2f: {  	lr =	sadd.s32 s0, s3;
	s0 =	sld [smem:$0x3FAE]  }
0x30: {  	s3 =	sld [smem:$0x3FB1]  }
0x31: {  	[smem:$0x3FBA] =	sst s10  }
0x32: {  	s10 =	sld [smem:$0x3FB8];
	_ =	sdelay $0x3  }
0x33: {  	p0 =	seq.s32 s10, $0x1;
	s10 =	sld [smem:$0x3FBA];
	_ =	sdelay $0x3  }
0x34: {  	[smem:$0x3FBA] =	sst s10  }
0x35: {  	s10 =	sld [smem:$0x3FB9];
	_ =	sdelay $0x3  }
0x36: {  	p1 =	seq.s32 s10, $0x1;
	s10 =	sld [smem:$0x3FBA];
	_ =	sdelay $0x3  }
0x37: {  	[smem:$0x3FBA] =	sst s10  }
0x38: {  	s10 =	sld [smem:$0x3FBB]  }
0x39: {  	_ = 	snop;
	(pc) =	sbr.ind lr, $3  }
0x3a: {  	_ = 	snop  }
0x3b: {  	_ = 	snop  }
0x3c: {  	p2 =	seq.s32 s10, $0x1;
	s10 =	sld [smem:$0x3FBA]  }
0x3d: {  	_ =	shalt  }
0x3e: {  	_ =	shalt  }
0x3f: {  	_ =	shalt  }
0x40: {  	_ =	shalt  }
0x41: {  	_ =	shalt  }
0x42: {  	_ =	shalt  }
0x43: {  	_ =	shalt  }
0x44: {  	_ =	shalt  }
0x45: {  	_ =	shalt  }
0x46: {  	_ =	shalt  }
0x47: {  	_ =	shalt  }
0x48: {  	_ =	shalt  }
0x49: {  	_ =	shalt  }
0x4a: {  	_ =	shalt  }
0x4b: {  	_ =	shalt  }
0x4c: {  	_ =	shalt  }
0x4d: {  	_ =	shalt  }
0x4e: {  	_ =	shalt  }
0x4f: {  	_ =	shalt  }
0x50: {  	_ =	shalt  }
0x51: {  	_ =	shalt  }
0x52: {  	_ =	shalt  }
0x53: {  	_ =	shalt  }
0x54: {  	_ =	shalt  }
0x55: {  	_ =	shalt  }
0x56: {  	_ =	shalt  }
0x57: {  	_ =	shalt  }
0x58: {  	_ =	shalt  }
0x59: {  	_ =	shalt  }
0x5a: {  	_ =	shalt  }
0x5b: {  	_ =	shalt  }
0x5c: {  	_ =	shalt  }
0x5d: {  	_ =	shalt  }
0x5e: {  	_ =	shalt  }
0x5f: {  	_ =	shalt  }
0x60: {  	_ =	shalt  }
0x61: {  	_ =	shalt  }
0x62: {  	_ =	shalt  }
0x63: {  	_ =	shalt  }
0x64: {  	_ =	shalt  }
0x65: {  	_ =	shalt  }
0x66: {  	_ =	shalt  }
0x67: {  	_ =	shalt  }
0x68: {  	_ =	shalt  }
0x69: {  	_ =	shalt  }
0x6a: {  	_ =	shalt  }
0x6b: {  	_ =	shalt  }
0x6c: {  	_ =	shalt  }
0x6d: {  	_ =	shalt  }
0x6e: {  	_ =	shalt  }
0x6f: {  	_ =	shalt  }
0x70: {  	_ =	shalt  }
0x71: {  	_ =	shalt  }
0x72: {  	_ =	shalt  }
0x73: {  	_ =	shalt  }
0x74: {  	_ =	shalt  }
0x75: {  	_ =	shalt  }
0x76: {  	_ =	shalt  }
0x77: {  	_ =	shalt  }
0x78: {  	_ =	shalt  }
0x79: {  	_ =	shalt  }
0x7a: {  	_ =	shalt  }
0x7b: {  	_ =	shalt  }
0x7c: {  	_ =	shalt  }
0x7d: {  	_ =	shalt  }
0x7e: {  	_ =	shalt  }
0x7f: {  	_ =	shalt  }
0x80: {  	_ =	shalt  }
0x81: {  	_ =	shalt  }
0x82: {  	_ =	shalt  }
0x83: {  	_ =	shalt  }
0x84: {  	_ =	shalt  }
0x85: {  	_ =	shalt  }
0x86: {  	_ =	shalt  }
0x87: {  	_ =	shalt  }
.Lfunc_end0:
.L_simem_size_0:
called_computation.1_lowered:
.L_overlay_start_0:
0x88: {  	s2 =	sld [smem:$0x3FD9]  }
0x89: {  	s3 =	sld [smem:$0x3FFE];
	_ =	sdelay $0x1  }
0x8a: {  	s1 =	srdreg.scid  }
0x8b: {  	s0 =	sand.u32 $0x1, s1  }
0x8c: {  	s17 =	sshll.u32 s0, $0xA;
	s2 =	sadd.s32 s3, s2  }
0x8d: {  	s2 =	sadd.s32 s2, s17  }
0x8e: {  	[smem:$0x3FC6] =	sst s2  }
0x8f: {  	_ = 	snop  }
0x90: {  	s2 =	sld [smem:$0x3FD0];
	(tm) =	ssettm $0x1  }
0x91: {  	s18 =	sld [smem:$0x3FFB];
	_ =	sdelay $0x3  }
0x92: {  	_ =	strace s18  }
0x93: {  	s3 =	sld [smem:$0x3FFC];
	_ =	sdelay $0x3  }
0x94: {  	_ =	strace s3  }
0x95: {  	s3 =	sld [smem:$0x3FFD];
	_ =	sdelay $0x3  }
0x96: {  	_ =	strace s3  }
0x97: {  	_ =	strace $0x8FFFFFFF  }
0x98: {  	s19 =	sld [smem:$0x3FDB];
	_ =	sdelay $0x1  }
0x99: {  	s4 =	simm.s32 $_scs_section_size  }
0x9a: {  	s5 =	simm.s32 $_size__tile_overlayer_lowered;
	s6 =	simm.s32 $_tile_overlayer_lowered  }
0x9b: {  	s22 =	simm.s32 $0x1BFF;
	s21 =	sshll.u32 s6, $0x1;
	s3 =	sadd.s32 s4, s19  }
0x9c: {  	s7 =	simm.s32 $0x0;
	s20 =	sshll.u32 s5, $0x1;
	s5 =	sadd.s32 s21, s3  }
0x9d: {  	[timem:s7], [sflag:s22] =	dma.local [hbm:s5], s20  }
0x9e: {  	_ =	swait.ge [sflag:s22], s20  }
0x9f: {  	s4 =	ssub.s32 $0x0, s20;
	[sflag:s22] =	ssyncset.done $0x0  }
0xa0: {  	[sflag:s22] =	ssyncadd.s32 s4;
	_ =	sdelay $0x1  }
0xa1: {  	s23 =	simm.s32 $0x1B8B  }
0xa2: {  	_ =	swait.ge [sflag:s23], $0x1  }
0xa3: {  	[sflag:s23] =	ssyncset.done $0x0  }
0xa4: {  	s25 =	simm.s32 $0x1B8E;
	s24 =	sld [smem:$0x3FFE];
	[sflag:s23] =	ssyncadd.s32 $0xFFFFFFFF  }
0xa5: {  	s26 =	simm.s32 $execute0_lowered;
	[smem:$0x3FD2] =	sst s25  }
0xa6: {  	s5 =	sshll.u32 s26, $0x1;
	_ =	strace $0x80000046;
	[dreg:$0x1] =	wrdreg $0xFFFFFFFF  }
0xa7: {  	s28 =	simm.s32 $_size_execute0_lowered;
	s3 =	sadd.s32 s3, s5;
	[dreg:$0x0] =	wrdreg $0x0  }
0xa8: {  	s5 =	sshll.u32 s28, $0x1;
	[dreg:$0x2] =	wrdreg s3  }
0xa9: {  	[dreg:$0x3] =	wrdreg s5  }
0xaa: {  	[dreg:$0x4] =	wrdreg $0xC0  }
0xab: {  	_ =	task [dreg:s7], $0x5FFFF  }
0xac: {  	[dreg:$0x1] =	wrdreg $0xFFFFFFFF  }
0xad: {  	[dreg:$0x0] =	wrdreg $0x60  }
0xae: {  	[dreg:$0x2] =	wrdreg s24  }
0xaf: {  	[dreg:$0x3] =	wrdreg s2  }
0xb0: {  	[dreg:$0x4] =	wrdreg $0x9  }
0xb1: {  	_ =	task.clear_ibuf [dreg:s7], $0x5FFFF;
	_ =	strace $0x90000046  }
0xb2: {  	s29 =	simm.s32 $0x9;
	_ =	strace $0x80000048  }
0xb3: {  	_ =	swait.ge [sflag:s29], $0x1  }
0xb4: {  	[sflag:s29] =	ssyncadd.s32 $0xFFFFFFFF  }
0xb5: {  	_ =	strace $0x90000048  }
0xb6: {  	_ =	sfence  }
0xb7: {  	s30 =	sld [smem:$0x0];
	_ =	sdelay $0x2  }
0xb8: {  	s31 =	sshll.u32 s1, $0xD;
	s1 =	sshrl.u32 s1, $0x2  }
0xb9: {  	s3 =	sand.u32 $0x4000, s31;
	s1 =	sadd.s32 s1, s30  }
0xba: {  	s0 =	sor.u32 s3, s0;
	s1 =	sshll.u32 s1, $0x11  }
0xbb: {  	s0 =	sor.u32 s1, s0  }
0xbc: {  	s0 =	sadd.s32 $0x8F2B, s0  }
0xbd: {  	[sflag:s0] =	ssyncadd.remote.s32 $0x1  }
0xbe: {  	_ =	sfence.sel $0xFFFF  }
0xbf: {  	[dreg:$0x0] =	wrdreg $0xFFFFFFFF;
	(pc) =	sbr.abs _section_cstart, $3  }
0xc0: {  	[dreg:$0x1] =	wrdreg $0xFFFFFFFF  }
0xc1: {  	_ =	task.clear_ibuf [dreg:s7], $0x2FFFF;
	_ =	strace $0x9FFFFFFF  }
0xc2: {  	(tm) =	ssettm $0x7FFFFFFF  }
0xc3: {  	_ =	shalt  }
tec
execute0_lowered:
.L_overlay_start_1:
0x0: {  	(tag) =	ssettag $0x1  }
0x1: {  	s0 =	rddreg [dreg:$0x0];
	s1 =	srdreg.scid  }
0x2: {  	s3 =	stileid.u32;
	s2 =	rddreg [dreg:$0x1]  }
0x3: {  	s10 =	simm.s32 $0x80;
	s11 =	simm.s32 $0x6400;
	s14 =	simm.s32 $0xA400  }
0x4: {  	s17 =	simm.s32 $0xE400;
	s18 =	simm.s32 $0x10400;
	s19 =	simm.s32 $0x1  }
0x5: {  	s20 =	simm.s32 $0x2;
	s21 =	simm.s32 $0x12400;
	s22 =	simm.s32 $0x14400  }
0x6: {  	s23 =	simm.s32 $0x3;
	s28 =	simm.s32 $0x6;
	s29 =	simm.s32 $0xA  }
0x7: {  	s30 =	simm.s32 $0x7;
	s1 =	sand.u32 $0x1, s1;
	s4 =	sshll.u32 s3, $0x1  }
0x8: {  	s31 =	simm.s32 $0x8;
	s12 =	simm.s32 $0x0;
	s5 =	sor.u32 s1, s4  }
0x9: {  	s3 =	simm.s32 $0x0;
	s1 =	ssub.s32 $0x2, s1;
	s4 =	smul.u32 $0xC80, s5  }
0xa: {  	[smem:$0x7FF] =	sst s3;
	s6 =	sshrl.u32 s1, $0x1;
	s7 =	smul.u32 $0x32000, s5  }
0xb: {  	_ =	strace $0x80000047;
	s24 =	ssub.s32 s1, s6;
	s6 =	smul.u32 $0x190000, s5  }
0xc: {  	s8 =	sadd.s32 s4, s0;
	s4 =	sadd.s32 $0xF42E00, s0;
	s26 =	sadd.s32 s7, s2  }
0xd: {  	s0 =	smax.u32 s24, $0x1;
	s24 =	simm.s32 $0x4;
	s25 =	sadd.s32 $0xA00, s8  }
0xe: {  	[dreg:$0x4] =	wrdreg s0;
	s8 =	sadd.s32 $0x800, s26;
	s26 =	simm.s32 $0x5  }
0xf: {  	s0 =	simm.s32 $0xC;
	[dreg:$0x3] =	wrdreg s25;
	s25 =	simm.s32 $0x9  }
.LBB2_1:
0x10: {  	s1 =	rddreg [dreg:$0x3];
	s9 =	simm.s32 $0xD  }
0x11: {  	[tilespmem:s3], [sflag:$0xD] =	stream.linear.gather [hbm4b:s1+s3], $0x6400, $0x38;
	[tilespmem:$0x16400] =	vst v63  }
0x12: {  	_ =	swait.ge [sflag:s9], $0x6400  }
0x13: {  	[sflag:s9] =	ssyncset.done $0x0  }
0x14: {  	[sflag:s9] =	ssyncadd.s32 $0xFFFF9C00  }
0x15: {  	[tilespmem:s11], [sflag:$0x1] =	stream.indirect.gather [hbm4b:s4+s10], $0x40, s3, s10, $0xb8;
	[tilespmem:$0x16400] =	vst v63  }
0x16: {  	s13 =	simm.s32 $0x8400  }
0x17: {  	[tilespmem:s13], [sflag:$0x2] =	stream.indirect.gather [hbm4b:s4+s10], $0x40, s10, s10, $0xb8;
	[tilespmem:$0x16400] =	vst v63  }
0x18: {  	s15 =	simm.s32 $0x100  }
0x19: {  	[tilespmem:s14], [sflag:$0x3] =	stream.indirect.gather [hbm4b:s4+s10], $0x40, s15, s10, $0xb8;
	[tilespmem:$0x16400] =	vst v63  }
0x1a: {  	s16 =	simm.s32 $0x180;
	s5 =	simm.s32 $0xC400;
	s13 =	simm.s32 $0x0  }
0x1b: {  	[tilespmem:s5], [sflag:$0x4] =	stream.indirect.gather [hbm4b:s4+s10], $0x40, s16, s10, $0xb8;
	[tilespmem:$0x16400] =	vst v63  }
.LBB2_2:
0x1c: {  	p0 =	seq.s32 s13, $0x0  }
0x1d: {  	s5 =	sshll.u32 s13, $0x2;
	s1 =	simm.s32 @!p0 $0xB  }
0x1e: {  	s15 =	sor.u32 $0x2, s5;
	_ =	swait.ge @!p0 [sflag:s1], $0x4000  }
0x1f: {  	s7 =	sshll.u32 s15, $0x8;
	[sflag:s1] =	ssyncset.done @!p0 $0x0  }
0x20: {  	s16 =	sand.u32 $0x3FFFFF00, s7;
	[sflag:s1] =	ssyncadd.s32 @!p0 $0xFFFFC000  }
0x21: {  	[tilespmem:s17], [sflag:$0x5] =	stream.indirect.gather [hbm4b:s4+s10], $0x40, s16, s10, $0xb8;
	[tilespmem:$0x16400] =	vst v63  }
0x22: {  	s1 =	sor.u32 $0x80, s16  }
0x23: {  	[tilespmem:s18], [sflag:$0x6] =	stream.indirect.gather [hbm4b:s4+s10], $0x40, s1, s10, $0xb8;
	[tilespmem:$0x16400] =	vst v63  }
0x24: {  	_ =	swait.ge [sflag:s19], $0x2000  }
0x25: {  	[sflag:s19] =	ssyncset.done $0x0  }
0x26: {  	[sflag:s19] =	ssyncadd.s32 $0xFFFFE000  }
0x27: {  	_ =	swait.ge [sflag:s20], $0x2000  }
0x28: {  	[sflag:s20] =	ssyncset.done $0x0  }
0x29: {  	s16 =	simm.s32 $0x8400;
	[sflag:s20] =	ssyncadd.s32 $0xFFFFE000  }
0x2a: {  	v0 =	vld [tilespmem:s16+$0xFFFFE000];
	_ =	sdelay $0x1  }
0x2b: {  	v1 =	vld [tilespmem:s16+$0xFFFFE010]  }
0x2c: {  	v2 =	vld [tilespmem:s16+$0xFFFFE020]  }
0x2d: {  	v3 =	vld [tilespmem:s16+$0xFFFFE030]  }
0x2e: {  	v4 =	vld [tilespmem:s16+$0x0];
	v0 =	vmul.f32 $8.000000000e+00, v0  }
0x2f: {  	v5 =	vld [tilespmem:s16+$0x10]  }
0x30: {  	v1 =	vmul.f32 $8.000000000e+00, v1;
	[tilespmem:s16+$0xFFFFE000] =	vst v0;
	v0 =	vld [tilespmem:s16+$0x20]  }
0x31: {  	v2 =	vmul.f32 $8.000000000e+00, v2  }
0x32: {  	v3 =	vmul.f32 $8.000000000e+00, v3;
	[tilespmem:s16+$0xFFFFE010] =	vst v1;
	v1 =	vld [tilespmem:s16+$0xFFFFE040]  }
0x33: {  	v6 =	vld [tilespmem:s16+$0x30];
	[tilespmem:s16+$0xFFFFE020] =	vst v2;
	v2 =	vmul.f32 $8.000000000e+00, v4  }
0x34: {  	v4 =	vld [tilespmem:s16+$0xFFFFE050];
	[tilespmem:s16+$0xFFFFE030] =	vst v3;
	v3 =	vmul.f32 $8.000000000e+00, v5  }
0x35: {  	[tilespmem:s16+$0x0] =	vst v2;
	v2 =	vld [tilespmem:s16+$0xFFFFE060];
	v0 =	vmul.f32 $8.000000000e+00, v0  }
0x36: {  	v5 =	vld [tilespmem:s16+$0xFFFFE070];
	[tilespmem:s16+$0x10] =	vst v3  }
0x37: {  	v3 =	vld [tilespmem:s16+$0x40];
	[tilespmem:s16+$0x20] =	vst v0;
	v0 =	vmul.f32 $8.000000000e+00, v1  }
0x38: {  	v6 =	vmul.f32 $8.000000000e+00, v6;
	v1 =	vld [tilespmem:s16+$0x50]  }
0x39: {  	v4 =	vmul.f32 $8.000000000e+00, v4;
	[tilespmem:s16+$0xFFFFE040] =	vst v0;
	v0 =	vld [tilespmem:s16+$0x60]  }
0x3a: {  	[tilespmem:s16+$0x30] =	vst v6;
	v2 =	vmul.f32 $8.000000000e+00, v2  }
0x3b: {  	v5 =	vmul.f32 $8.000000000e+00, v5;
	[tilespmem:s16+$0xFFFFE050] =	vst v4;
	v4 =	vld [tilespmem:s16+$0xFFFFE080]  }
0x3c: {  	v6 =	vld [tilespmem:s16+$0x70];
	[tilespmem:s16+$0xFFFFE060] =	vst v2;
	v2 =	vmul.f32 $8.000000000e+00, v3  }
0x3d: {  	[tilespmem:s16+$0xFFFFE070] =	vst v5;
	v3 =	vld [tilespmem:s16+$0xFFFFE090];
	v1 =	vmul.f32 $8.000000000e+00, v1  }
0x3e: {  	v5 =	vld [tilespmem:s16+$0xFFFFE0B0];
	[tilespmem:s16+$0x40] =	vst v2;
	v0 =	vmul.f32 $8.000000000e+00, v0  }
0x3f: {  	v2 =	vld [tilespmem:s16+$0xFFFFE0A0];
	[tilespmem:s16+$0x50] =	vst v1  }
0x40: {  	v1 =	vld [tilespmem:s16+$0x80];
	[tilespmem:s16+$0x60] =	vst v0;
	v0 =	vmul.f32 $8.000000000e+00, v4  }
0x41: {  	v6 =	vmul.f32 $8.000000000e+00, v6;
	v4 =	vld [tilespmem:s16+$0x90]  }
0x42: {  	v3 =	vmul.f32 $8.000000000e+00, v3;
	[tilespmem:s16+$0xFFFFE080] =	vst v0;
	v0 =	vld [tilespmem:s16+$0xA0]  }
0x43: {  	[tilespmem:s16+$0x70] =	vst v6;
	v5 =	vmul.f32 $8.000000000e+00, v5  }
0x44: {  	v2 =	vmul.f32 $8.000000000e+00, v2;
	[tilespmem:s16+$0xFFFFE090] =	vst v3;
	v3 =	vld [tilespmem:s16+$0xFFFFE0C0]  }
0x45: {  	v6 =	vld [tilespmem:s16+$0xB0];
	[tilespmem:s16+$0xFFFFE0B0] =	vst v5;
	v1 =	vmul.f32 $8.000000000e+00, v1  }
0x46: {  	[tilespmem:s16+$0xFFFFE0A0] =	vst v2;
	v2 =	vld [tilespmem:s16+$0xFFFFE0D0];
	v4 =	vmul.f32 $8.000000000e+00, v4  }
0x47: {  	[tilespmem:s16+$0x80] =	vst v1;
	v1 =	vld [tilespmem:s16+$0xFFFFE0E0];
	v0 =	vmul.f32 $8.000000000e+00, v0  }
0x48: {  	v5 =	vld [tilespmem:s16+$0xFFFFE0F0];
	[tilespmem:s16+$0x90] =	vst v4  }
0x49: {  	v4 =	vld [tilespmem:s16+$0xC0];
	[tilespmem:s16+$0xA0] =	vst v0;
	v0 =	vmul.f32 $8.000000000e+00, v3  }
0x4a: {  	v6 =	vmul.f32 $8.000000000e+00, v6;
	v3 =	vld [tilespmem:s16+$0xD0]  }
0x4b: {  	v2 =	vmul.f32 $8.000000000e+00, v2;
	[tilespmem:s16+$0xFFFFE0C0] =	vst v0;
	v0 =	vld [tilespmem:s16+$0xE0]  }
0x4c: {  	[tilespmem:s16+$0xB0] =	vst v6;
	v1 =	vmul.f32 $8.000000000e+00, v1  }
0x4d: {  	v5 =	vmul.f32 $8.000000000e+00, v5;
	[tilespmem:s16+$0xFFFFE0D0] =	vst v2;
	v2 =	vld [tilespmem:s16+$0xFFFFE100]  }
0x4e: {  	v6 =	vld [tilespmem:s16+$0xF0];
	[tilespmem:s16+$0xFFFFE0E0] =	vst v1;
	v1 =	vmul.f32 $8.000000000e+00, v4  }
0x4f: {  	[tilespmem:s16+$0xFFFFE0F0] =	vst v5;
	v4 =	vld [tilespmem:s16+$0xFFFFE110];
	v3 =	vmul.f32 $8.000000000e+00, v3  }
0x50: {  	[tilespmem:s16+$0xC0] =	vst v1;
	v1 =	vld [tilespmem:s16+$0xFFFFE120];
	v0 =	vmul.f32 $8.000000000e+00, v0  }
0x51: {  	v5 =	vld [tilespmem:s16+$0xFFFFE130];
	[tilespmem:s16+$0xD0] =	vst v3  }
0x52: {  	v3 =	vld [tilespmem:s16+$0x100];
	[tilespmem:s16+$0xE0] =	vst v0;
	v0 =	vmul.f32 $8.000000000e+00, v2  }
0x53: {  	v6 =	vmul.f32 $8.000000000e+00, v6;
	v2 =	vld [tilespmem:s16+$0x110]  }
0x54: {  	v4 =	vmul.f32 $8.000000000e+00, v4;
	[tilespmem:s16+$0xFFFFE100] =	vst v0;
	v0 =	vld [tilespmem:s16+$0x120]  }
0x55: {  	[tilespmem:s16+$0xF0] =	vst v6;
	v1 =	vmul.f32 $8.000000000e+00, v1  }
0x56: {  	v5 =	vmul.f32 $8.000000000e+00, v5;
	[tilespmem:s16+$0xFFFFE110] =	vst v4;
	v4 =	vld [tilespmem:s16+$0xFFFFE140]  }
0x57: {  	v6 =	vld [tilespmem:s16+$0x130];
	[tilespmem:s16+$0xFFFFE120] =	vst v1;
	v1 =	vmul.f32 $8.000000000e+00, v3  }
0x58: {  	[tilespmem:s16+$0xFFFFE130] =	vst v5;
	v3 =	vld [tilespmem:s16+$0xFFFFE150];
	v2 =	vmul.f32 $8.000000000e+00, v2  }
0x59: {  	[tilespmem:s16+$0x100] =	vst v1;
	v1 =	vld [tilespmem:s16+$0xFFFFE160];
	v0 =	vmul.f32 $8.000000000e+00, v0  }
0x5a: {  	v5 =	vld [tilespmem:s16+$0xFFFFE170];
	[tilespmem:s16+$0x110] =	vst v2  }
0x5b: {  	v2 =	vld [tilespmem:s16+$0x140];
	[tilespmem:s16+$0x120] =	vst v0;
	v0 =	vmul.f32 $8.000000000e+00, v4  }
0x5c: {  	v6 =	vmul.f32 $8.000000000e+00, v6;
	v4 =	vld [tilespmem:s16+$0x150]  }
0x5d: {  	v3 =	vmul.f32 $8.000000000e+00, v3;
	[tilespmem:s16+$0xFFFFE140] =	vst v0;
	v0 =	vld [tilespmem:s16+$0x160]  }
0x5e: {  	[tilespmem:s16+$0x130] =	vst v6;
	v1 =	vmul.f32 $8.000000000e+00, v1  }
0x5f: {  	v5 =	vmul.f32 $8.000000000e+00, v5;
	[tilespmem:s16+$0xFFFFE150] =	vst v3;
	v3 =	vld [tilespmem:s16+$0xFFFFE180]  }
0x60: {  	v6 =	vld [tilespmem:s16+$0x170];
	[tilespmem:s16+$0xFFFFE160] =	vst v1;
	v1 =	vmul.f32 $8.000000000e+00, v2  }
0x61: {  	[tilespmem:s16+$0xFFFFE170] =	vst v5;
	v2 =	vld [tilespmem:s16+$0xFFFFE190];
	v4 =	vmul.f32 $8.000000000e+00, v4  }
0x62: {  	[tilespmem:s16+$0x140] =	vst v1;
	v1 =	vld [tilespmem:s16+$0xFFFFE1A0];
	v0 =	vmul.f32 $8.000000000e+00, v0  }
0x63: {  	v5 =	vld [tilespmem:s16+$0xFFFFE1B0];
	[tilespmem:s16+$0x150] =	vst v4  }
0x64: {  	v4 =	vld [tilespmem:s16+$0x180];
	[tilespmem:s16+$0x160] =	vst v0;
	v0 =	vmul.f32 $8.000000000e+00, v3  }
0x65: {  	v6 =	vmul.f32 $8.000000000e+00, v6;
	v3 =	vld [tilespmem:s16+$0x190]  }
0x66: {  	v2 =	vmul.f32 $8.000000000e+00, v2;
	[tilespmem:s16+$0xFFFFE180] =	vst v0;
	v0 =	vld [tilespmem:s16+$0x1A0]  }
0x67: {  	[tilespmem:s16+$0x170] =	vst v6;
	v6 =	vld [tilespmem:s16+$0x1B0];
	v1 =	vmul.f32 $8.000000000e+00, v1  }
0x68: {  	v5 =	vmul.f32 $8.000000000e+00, v5;
	[tilespmem:s16+$0xFFFFE190] =	vst v2;
	v2 =	vld [tilespmem:s16+$0xFFFFE1C0]  }
0x69: {  	[tilespmem:s16+$0xFFFFE1A0] =	vst v1;
	v1 =	vmul.f32 $8.000000000e+00, v4;
	v4 =	vld [tilespmem:s16+$0xFFFFE1D0]  }
0x6a: {  	[tilespmem:s16+$0xFFFFE1B0] =	vst v5;
	v5 =	vld [tilespmem:s16+$0xFFFFE1E0];
	v3 =	vmul.f32 $8.000000000e+00, v3  }
0x6b: {  	v7 =	vld [tilespmem:s16+$0xFFFFE1F0];
	[tilespmem:s16+$0x180] =	vst v1;
	v1 =	vmul.f32 $8.000000000e+00, v0  }
0x6c: {  	[tilespmem:s16+$0x190] =	vst v3;
	v0 =	vld [tilespmem:s16+$0x1C0];
	v3 =	vmul.f32 $8.000000000e+00, v6  }
0x6d: {  	v6 =	vmul.f32 $8.000000000e+00, v2;
	[tilespmem:s16+$0x1A0] =	vst v1;
	v1 =	vld [tilespmem:s16+$0x1D0]  }
0x6e: {  	v2 =	vld [tilespmem:s16+$0x1E0];
	v8 =	vmul.f32 $8.000000000e+00, v4;
	[tilespmem:s16+$0x1B0] =	vst v3  }
0x6f: {  	v4 =	vmul.f32 $8.000000000e+00, v5;
	[tilespmem:s16+$0xFFFFE1C0] =	vst v6;
	v3 =	vld [tilespmem:s16+$0x1F0]  }
0x70: {  	s9 =	simm.s32 $0x8600;
	s7 =	simm.s32 $0x0;
	v5 =	vmul.f32 $8.000000000e+00, v7;
	[tilespmem:s16+$0xFFFFE1D0] =	vst v8  }
.LBB2_3:
0x71: {  	v6 =	vld [tilespmem:s9+$0xFFFFE000];
	[tilespmem:s16+$0xFFFFE1E0] =	vst v4;
	v0 =	vmul.f32 $8.000000000e+00, v0  }
0x72: {  	v4 =	vld [tilespmem:s9+$0xFFFFE010];
	[tilespmem:s16+$0xFFFFE1F0] =	vst v5;
	v1 =	vmul.f32 $8.000000000e+00, v1  }
0x73: {  	v5 =	vld [tilespmem:s9+$0xFFFFE020];
	[tilespmem:s16+$0x1C0] =	vst v0;
	v0 =	vmul.f32 $8.000000000e+00, v2  }
0x74: {  	v2 =	vld [tilespmem:s9+$0xFFFFE030];
	[tilespmem:s16+$0x1D0] =	vst v1;
	v1 =	vmul.f32 $8.000000000e+00, v3  }
0x75: {  	v3 =	vld [tilespmem:s9+$0x0];
	[tilespmem:s16+$0x1E0] =	vst v0  }
0x76: {  	v0 =	vmul.f32 $8.000000000e+00, v6;
	v6 =	vld [tilespmem:s9+$0x10];
	[tilespmem:s16+$0x1F0] =	vst v1;
	s16 =	smov.u32 s9  }
0x77: {  	v1 =	vmul.f32 $8.000000000e+00, v4;
	v4 =	vld [tilespmem:s9+$0x20]  }
0x78: {  	[tilespmem:s9+$0xFFFFE000] =	vst v0;
	v0 =	vmul.f32 $8.000000000e+00, v5;
	v5 =	vld [tilespmem:s9+$0x30]  }
0x79: {  	[tilespmem:s9+$0xFFFFE010] =	vst v1;
	v1 =	vmul.f32 $8.000000000e+00, v2;
	v2 =	vld [tilespmem:s9+$0xFFFFE040]  }
0x7a: {  	[tilespmem:s9+$0xFFFFE020] =	vst v0;
	v0 =	vmul.f32 $8.000000000e+00, v3;
	v3 =	vld [tilespmem:s9+$0xFFFFE050]  }
0x7b: {  	[tilespmem:s9+$0xFFFFE030] =	vst v1;
	v1 =	vmul.f32 $8.000000000e+00, v6;
	v6 =	vld [tilespmem:s9+$0xFFFFE060]  }
0x7c: {  	[tilespmem:s9+$0x0] =	vst v0;
	v0 =	vmul.f32 $8.000000000e+00, v4;
	v4 =	vld [tilespmem:s9+$0xFFFFE070]  }
0x7d: {  	[tilespmem:s9+$0x10] =	vst v1;
	v1 =	vmul.f32 $8.000000000e+00, v5;
	v5 =	vld [tilespmem:s9+$0x40]  }
0x7e: {  	[tilespmem:s9+$0x20] =	vst v0;
	v0 =	vmul.f32 $8.000000000e+00, v2;
	v2 =	vld [tilespmem:s9+$0x50]  }
0x7f: {  	[tilespmem:s9+$0x30] =	vst v1;
	v1 =	vmul.f32 $8.000000000e+00, v3;
	v3 =	vld [tilespmem:s9+$0x60]  }
0x80: {  	[tilespmem:s9+$0xFFFFE040] =	vst v0;
	v0 =	vmul.f32 $8.000000000e+00, v6;
	v6 =	vld [tilespmem:s9+$0x70]  }
0x81: {  	[tilespmem:s9+$0xFFFFE050] =	vst v1;
	v1 =	vmul.f32 $8.000000000e+00, v4;
	v4 =	vld [tilespmem:s9+$0xFFFFE080]  }
0x82: {  	[tilespmem:s9+$0xFFFFE060] =	vst v0;
	v0 =	vmul.f32 $8.000000000e+00, v5;
	v5 =	vld [tilespmem:s9+$0xFFFFE090]  }
0x83: {  	[tilespmem:s9+$0xFFFFE070] =	vst v1;
	v1 =	vmul.f32 $8.000000000e+00, v2;
	v2 =	vld [tilespmem:s9+$0xFFFFE0A0]  }
0x84: {  	[tilespmem:s9+$0x40] =	vst v0;
	v0 =	vmul.f32 $8.000000000e+00, v3;
	v3 =	vld [tilespmem:s9+$0xFFFFE0B0]  }
0x85: {  	[tilespmem:s9+$0x50] =	vst v1;
	v1 =	vmul.f32 $8.000000000e+00, v6;
	v6 =	vld [tilespmem:s9+$0x80]  }
0x86: {  	[tilespmem:s9+$0x60] =	vst v0;
	v0 =	vmul.f32 $8.000000000e+00, v4;
	v4 =	vld [tilespmem:s9+$0x90]  }
0x87: {  	[tilespmem:s9+$0x70] =	vst v1;
	v1 =	vmul.f32 $8.000000000e+00, v5;
	v5 =	vld [tilespmem:s9+$0xA0]  }
0x88: {  	[tilespmem:s9+$0xFFFFE080] =	vst v0;
	v0 =	vmul.f32 $8.000000000e+00, v2;
	v2 =	vld [tilespmem:s9+$0xB0]  }
0x89: {  	[tilespmem:s9+$0xFFFFE090] =	vst v1;
	v1 =	vmul.f32 $8.000000000e+00, v3;
	v3 =	vld [tilespmem:s9+$0xFFFFE0C0]  }
0x8a: {  	[tilespmem:s9+$0xFFFFE0A0] =	vst v0;
	v0 =	vmul.f32 $8.000000000e+00, v6;
	v6 =	vld [tilespmem:s9+$0xFFFFE0D0]  }
0x8b: {  	[tilespmem:s9+$0xFFFFE0B0] =	vst v1;
	v1 =	vmul.f32 $8.000000000e+00, v4;
	v4 =	vld [tilespmem:s9+$0xFFFFE0E0]  }
0x8c: {  	[tilespmem:s9+$0x80] =	vst v0;
	v0 =	vmul.f32 $8.000000000e+00, v5;
	v5 =	vld [tilespmem:s9+$0xFFFFE0F0]  }
0x8d: {  	[tilespmem:s9+$0x90] =	vst v1;
	v1 =	vmul.f32 $8.000000000e+00, v2;
	v2 =	vld [tilespmem:s9+$0xC0]  }
0x8e: {  	[tilespmem:s9+$0xA0] =	vst v0;
	v0 =	vmul.f32 $8.000000000e+00, v3;
	v3 =	vld [tilespmem:s9+$0xD0]  }
0x8f: {  	[tilespmem:s9+$0xB0] =	vst v1;
	v1 =	vmul.f32 $8.000000000e+00, v6;
	v6 =	vld [tilespmem:s9+$0xE0]  }
0x90: {  	[tilespmem:s9+$0xFFFFE0C0] =	vst v0;
	v0 =	vmul.f32 $8.000000000e+00, v4;
	v4 =	vld [tilespmem:s9+$0xF0]  }
0x91: {  	[tilespmem:s9+$0xFFFFE0D0] =	vst v1;
	v1 =	vmul.f32 $8.000000000e+00, v5;
	v5 =	vld [tilespmem:s9+$0xFFFFE100]  }
0x92: {  	[tilespmem:s9+$0xFFFFE0E0] =	vst v0;
	v0 =	vmul.f32 $8.000000000e+00, v2;
	v2 =	vld [tilespmem:s9+$0xFFFFE110]  }
0x93: {  	[tilespmem:s9+$0xFFFFE0F0] =	vst v1;
	v1 =	vmul.f32 $8.000000000e+00, v3;
	v3 =	vld [tilespmem:s9+$0xFFFFE120]  }
0x94: {  	[tilespmem:s9+$0xC0] =	vst v0;
	v0 =	vmul.f32 $8.000000000e+00, v6;
	v6 =	vld [tilespmem:s9+$0xFFFFE130]  }
0x95: {  	[tilespmem:s9+$0xD0] =	vst v1;
	v1 =	vmul.f32 $8.000000000e+00, v4;
	v4 =	vld [tilespmem:s9+$0x100]  }
0x96: {  	[tilespmem:s9+$0xE0] =	vst v0;
	v0 =	vmul.f32 $8.000000000e+00, v5;
	v5 =	vld [tilespmem:s9+$0x110]  }
0x97: {  	[tilespmem:s9+$0xF0] =	vst v1;
	v1 =	vmul.f32 $8.000000000e+00, v2;
	v2 =	vld [tilespmem:s9+$0x120]  }
0x98: {  	[tilespmem:s9+$0xFFFFE100] =	vst v0;
	v0 =	vmul.f32 $8.000000000e+00, v3;
	v3 =	vld [tilespmem:s9+$0x130]  }
0x99: {  	[tilespmem:s9+$0xFFFFE110] =	vst v1;
	v1 =	vmul.f32 $8.000000000e+00, v6;
	v6 =	vld [tilespmem:s9+$0xFFFFE140]  }
0x9a: {  	[tilespmem:s9+$0xFFFFE120] =	vst v0;
	v0 =	vmul.f32 $8.000000000e+00, v4;
	v4 =	vld [tilespmem:s9+$0xFFFFE150]  }
0x9b: {  	[tilespmem:s9+$0xFFFFE130] =	vst v1;
	v1 =	vmul.f32 $8.000000000e+00, v5;
	v5 =	vld [tilespmem:s9+$0xFFFFE160]  }
0x9c: {  	[tilespmem:s9+$0x100] =	vst v0;
	v0 =	vmul.f32 $8.000000000e+00, v2;
	v2 =	vld [tilespmem:s9+$0xFFFFE170]  }
0x9d: {  	[tilespmem:s9+$0x110] =	vst v1;
	v1 =	vmul.f32 $8.000000000e+00, v3;
	v3 =	vld [tilespmem:s9+$0x140]  }
0x9e: {  	[tilespmem:s9+$0x120] =	vst v0;
	v0 =	vmul.f32 $8.000000000e+00, v6;
	v6 =	vld [tilespmem:s9+$0x150]  }
0x9f: {  	[tilespmem:s9+$0x130] =	vst v1;
	v1 =	vmul.f32 $8.000000000e+00, v4;
	v4 =	vld [tilespmem:s9+$0x160]  }
0xa0: {  	[tilespmem:s9+$0xFFFFE140] =	vst v0;
	v0 =	vmul.f32 $8.000000000e+00, v5;
	v5 =	vld [tilespmem:s9+$0x170]  }
0xa1: {  	[tilespmem:s9+$0xFFFFE150] =	vst v1;
	v1 =	vmul.f32 $8.000000000e+00, v2;
	v2 =	vld [tilespmem:s9+$0xFFFFE180]  }
0xa2: {  	[tilespmem:s9+$0xFFFFE160] =	vst v0;
	v0 =	vmul.f32 $8.000000000e+00, v3;
	v3 =	vld [tilespmem:s9+$0xFFFFE190]  }
0xa3: {  	[tilespmem:s9+$0xFFFFE170] =	vst v1;
	v1 =	vmul.f32 $8.000000000e+00, v6;
	v6 =	vld [tilespmem:s9+$0xFFFFE1A0]  }
0xa4: {  	[tilespmem:s9+$0x140] =	vst v0;
	v0 =	vmul.f32 $8.000000000e+00, v4;
	v4 =	vld [tilespmem:s9+$0xFFFFE1B0]  }
0xa5: {  	[tilespmem:s9+$0x150] =	vst v1;
	v1 =	vmul.f32 $8.000000000e+00, v5;
	v5 =	vld [tilespmem:s9+$0x180]  }
0xa6: {  	[tilespmem:s9+$0x160] =	vst v0;
	v0 =	vmul.f32 $8.000000000e+00, v2;
	v2 =	vld [tilespmem:s9+$0x190]  }
0xa7: {  	[tilespmem:s9+$0x170] =	vst v1;
	v1 =	vmul.f32 $8.000000000e+00, v3;
	v3 =	vld [tilespmem:s9+$0x1A0]  }
0xa8: {  	[tilespmem:s9+$0xFFFFE180] =	vst v0;
	v0 =	vmul.f32 $8.000000000e+00, v6;
	v6 =	vld [tilespmem:s9+$0x1B0]  }
0xa9: {  	[tilespmem:s9+$0xFFFFE190] =	vst v1;
	v1 =	vmul.f32 $8.000000000e+00, v4;
	v4 =	vld [tilespmem:s9+$0xFFFFE1C0]  }
0xaa: {  	[tilespmem:s9+$0xFFFFE1A0] =	vst v0;
	v0 =	vmul.f32 $8.000000000e+00, v5;
	v5 =	vld [tilespmem:s9+$0xFFFFE1D0]  }
0xab: {  	s7 =	sadd.s32 $0x8, s7;
	[tilespmem:s9+$0xFFFFE1B0] =	vst v1;
	v1 =	vmul.f32 $8.000000000e+00, v2;
	v7 =	vld [tilespmem:s9+$0xFFFFE1E0]  }
0xac: {  	p1 =	slt.u32 s7, $0x78;
	[tilespmem:s9+$0x180] =	vst v0;
	v2 =	vmul.f32 $8.000000000e+00, v3;
	v8 =	vld [tilespmem:s9+$0xFFFFE1F0]  }
.Ltmp0:
0xad: {  	[tilespmem:s9+$0x190] =	vst v1;
	v3 =	vmul.f32 $8.000000000e+00, v6;
	v0 =	vld [tilespmem:s9+$0x1C0];
	(pc) =	sbr.rel @p1 .LBB2_3-.Ltmp0, $4  }
0xae: {  	[tilespmem:s9+$0x1A0] =	vst v2;
	v4 =	vmul.f32 $8.000000000e+00, v4;
	v1 =	vld [tilespmem:s9+$0x1D0]  }
0xaf: {  	[tilespmem:s9+$0x1B0] =	vst v3;
	v5 =	vmul.f32 $8.000000000e+00, v5;
	v2 =	vld [tilespmem:s9+$0x1E0]  }
0xb0: {  	[tilespmem:s9+$0xFFFFE1C0] =	vst v4;
	v4 =	vmul.f32 $8.000000000e+00, v7;
	v3 =	vld [tilespmem:s9+$0x1F0]  }
0xb1: {  	s9 =	sadd.s32 $0x200, s9;
	[tilespmem:s16+$0xFFFFE1D0] =	vst v5;
	v5 =	vmul.f32 $8.000000000e+00, v8  }
0xb2: {  	[tilespmem:s16+$0xFFFFE1E0] =	vst v4;
	v0 =	vmul.f32 $8.000000000e+00, v0  }
0xb3: {  	[tilespmem:s16+$0xFFFFE1F0] =	vst v5;
	v1 =	vmul.f32 $8.000000000e+00, v1  }
0xb4: {  	s1 =	sshll.u32 s13, $0x10;
	[tilespmem:s16+$0x1C0] =	vst v0;
	v0 =	vmul.f32 $8.000000000e+00, v2  }
0xb5: {  	s1 =	sadd.s32 s6, s1;
	[tilespmem:s16+$0x1D0] =	vst v1;
	v1 =	vmul.f32 $8.000000000e+00, v3  }
0xb6: {  	s1 =	sshrl.u32 s1, $0x3;
	[tilespmem:s16+$0x1E0] =	vst v0  }
0xb7: {  	s1 =	sadd.s32 s2, s1;
	[tilespmem:s16+$0x1F0] =	vst v1  }
0xb8: {  	[hbm4b:s1+s3] =	stream.linear.scatter [tilespmem:s11], [sflag:$0x9], $0x4000, $0x38;
	[tilespmem:$0x16400] =	vst v63  }
0xb9: {  	s1 =	simm.s32 @!p0 $0xC  }
0xba: {  	s16 =	sor.u32 $0x3, s5;
	_ =	swait.ge @!p0 [sflag:s1], $0x4000  }
0xbb: {  	s5 =	sshll.u32 s16, $0x8;
	[sflag:s1] =	ssyncset.done @!p0 $0x0  }
0xbc: {  	s9 =	sand.u32 $0x3FFFFF00, s5;
	[sflag:s1] =	ssyncadd.s32 @!p0 $0xFFFFC000  }
0xbd: {  	[tilespmem:s21], [sflag:$0x7] =	stream.indirect.gather [hbm4b:s4+s10], $0x40, s9, s10, $0xb8;
	[tilespmem:$0x16400] =	vst v63  }
0xbe: {  	s1 =	sor.u32 $0x80, s9  }
0xbf: {  	[tilespmem:s22], [sflag:$0x8] =	stream.indirect.gather [hbm4b:s4+s10], $0x40, s1, s10, $0xb8;
	[tilespmem:$0x16400] =	vst v63  }
0xc0: {  	_ =	swait.ge [sflag:s23], $0x2000  }
0xc1: {  	[sflag:s23] =	ssyncset.done $0x0  }
0xc2: {  	[sflag:s23] =	ssyncadd.s32 $0xFFFFE000  }
0xc3: {  	_ =	swait.ge [sflag:s24], $0x2000  }
0xc4: {  	[sflag:s24] =	ssyncset.done $0x0  }
0xc5: {  	s5 =	simm.s32 $0xC400;
	[sflag:s24] =	ssyncadd.s32 $0xFFFFE000  }
0xc6: {  	v0 =	vld [tilespmem:s5+$0xFFFFE000];
	_ =	sdelay $0x1  }
0xc7: {  	v1 =	vld [tilespmem:s5+$0xFFFFE010]  }
0xc8: {  	v2 =	vld [tilespmem:s5+$0xFFFFE020]  }
0xc9: {  	v3 =	vld [tilespmem:s5+$0xFFFFE030]  }
0xca: {  	v4 =	vld [tilespmem:s5+$0x0];
	v0 =	vmul.f32 $8.000000000e+00, v0  }
0xcb: {  	v5 =	vld [tilespmem:s5+$0x10]  }
0xcc: {  	v1 =	vmul.f32 $8.000000000e+00, v1;
	[tilespmem:s5+$0xFFFFE000] =	vst v0;
	v0 =	vld [tilespmem:s5+$0x20]  }
0xcd: {  	v2 =	vmul.f32 $8.000000000e+00, v2  }
0xce: {  	v3 =	vmul.f32 $8.000000000e+00, v3;
	[tilespmem:s5+$0xFFFFE010] =	vst v1;
	v1 =	vld [tilespmem:s5+$0xFFFFE040]  }
0xcf: {  	v6 =	vld [tilespmem:s5+$0x30];
	[tilespmem:s5+$0xFFFFE020] =	vst v2;
	v2 =	vmul.f32 $8.000000000e+00, v4  }
0xd0: {  	v4 =	vld [tilespmem:s5+$0xFFFFE050];
	[tilespmem:s5+$0xFFFFE030] =	vst v3;
	v3 =	vmul.f32 $8.000000000e+00, v5  }
0xd1: {  	[tilespmem:s5+$0x0] =	vst v2;
	v2 =	vld [tilespmem:s5+$0xFFFFE060];
	v0 =	vmul.f32 $8.000000000e+00, v0  }
0xd2: {  	v5 =	vld [tilespmem:s5+$0xFFFFE070];
	[tilespmem:s5+$0x10] =	vst v3  }
0xd3: {  	v3 =	vld [tilespmem:s5+$0x40];
	[tilespmem:s5+$0x20] =	vst v0;
	v0 =	vmul.f32 $8.000000000e+00, v1  }
0xd4: {  	v6 =	vmul.f32 $8.000000000e+00, v6;
	v1 =	vld [tilespmem:s5+$0x50]  }
0xd5: {  	v4 =	vmul.f32 $8.000000000e+00, v4;
	[tilespmem:s5+$0xFFFFE040] =	vst v0;
	v0 =	vld [tilespmem:s5+$0x60]  }
0xd6: {  	[tilespmem:s5+$0x30] =	vst v6;
	v2 =	vmul.f32 $8.000000000e+00, v2  }
0xd7: {  	v5 =	vmul.f32 $8.000000000e+00, v5;
	[tilespmem:s5+$0xFFFFE050] =	vst v4;
	v4 =	vld [tilespmem:s5+$0xFFFFE080]  }
0xd8: {  	v6 =	vld [tilespmem:s5+$0x70];
	[tilespmem:s5+$0xFFFFE060] =	vst v2;
	v2 =	vmul.f32 $8.000000000e+00, v3  }
0xd9: {  	[tilespmem:s5+$0xFFFFE070] =	vst v5;
	v3 =	vld [tilespmem:s5+$0xFFFFE090];
	v1 =	vmul.f32 $8.000000000e+00, v1  }
0xda: {  	v5 =	vld [tilespmem:s5+$0xFFFFE0B0];
	[tilespmem:s5+$0x40] =	vst v2;
	v0 =	vmul.f32 $8.000000000e+00, v0  }
0xdb: {  	v2 =	vld [tilespmem:s5+$0xFFFFE0A0];
	[tilespmem:s5+$0x50] =	vst v1  }
0xdc: {  	v1 =	vld [tilespmem:s5+$0x80];
	[tilespmem:s5+$0x60] =	vst v0;
	v0 =	vmul.f32 $8.000000000e+00, v4  }
0xdd: {  	v6 =	vmul.f32 $8.000000000e+00, v6;
	v4 =	vld [tilespmem:s5+$0x90]  }
0xde: {  	v3 =	vmul.f32 $8.000000000e+00, v3;
	[tilespmem:s5+$0xFFFFE080] =	vst v0;
	v0 =	vld [tilespmem:s5+$0xA0]  }
0xdf: {  	[tilespmem:s5+$0x70] =	vst v6;
	v5 =	vmul.f32 $8.000000000e+00, v5  }
0xe0: {  	v2 =	vmul.f32 $8.000000000e+00, v2;
	[tilespmem:s5+$0xFFFFE090] =	vst v3;
	v3 =	vld [tilespmem:s5+$0xFFFFE0C0]  }
0xe1: {  	v6 =	vld [tilespmem:s5+$0xB0];
	[tilespmem:s5+$0xFFFFE0B0] =	vst v5;
	v1 =	vmul.f32 $8.000000000e+00, v1  }
0xe2: {  	[tilespmem:s5+$0xFFFFE0A0] =	vst v2;
	v2 =	vld [tilespmem:s5+$0xFFFFE0D0];
	v4 =	vmul.f32 $8.000000000e+00, v4  }
0xe3: {  	[tilespmem:s5+$0x80] =	vst v1;
	v1 =	vld [tilespmem:s5+$0xFFFFE0E0];
	v0 =	vmul.f32 $8.000000000e+00, v0  }
0xe4: {  	v5 =	vld [tilespmem:s5+$0xFFFFE0F0];
	[tilespmem:s5+$0x90] =	vst v4  }
0xe5: {  	v4 =	vld [tilespmem:s5+$0xC0];
	[tilespmem:s5+$0xA0] =	vst v0;
	v0 =	vmul.f32 $8.000000000e+00, v3  }
0xe6: {  	v6 =	vmul.f32 $8.000000000e+00, v6;
	v3 =	vld [tilespmem:s5+$0xD0]  }
0xe7: {  	v2 =	vmul.f32 $8.000000000e+00, v2;
	[tilespmem:s5+$0xFFFFE0C0] =	vst v0;
	v0 =	vld [tilespmem:s5+$0xE0]  }
0xe8: {  	[tilespmem:s5+$0xB0] =	vst v6;
	v1 =	vmul.f32 $8.000000000e+00, v1  }
0xe9: {  	v5 =	vmul.f32 $8.000000000e+00, v5;
	[tilespmem:s5+$0xFFFFE0D0] =	vst v2;
	v2 =	vld [tilespmem:s5+$0xFFFFE100]  }
0xea: {  	v6 =	vld [tilespmem:s5+$0xF0];
	[tilespmem:s5+$0xFFFFE0E0] =	vst v1;
	v1 =	vmul.f32 $8.000000000e+00, v4  }
0xeb: {  	[tilespmem:s5+$0xFFFFE0F0] =	vst v5;
	v4 =	vld [tilespmem:s5+$0xFFFFE110];
	v3 =	vmul.f32 $8.000000000e+00, v3  }
0xec: {  	[tilespmem:s5+$0xC0] =	vst v1;
	v1 =	vld [tilespmem:s5+$0xFFFFE120];
	v0 =	vmul.f32 $8.000000000e+00, v0  }
0xed: {  	v5 =	vld [tilespmem:s5+$0xFFFFE130];
	[tilespmem:s5+$0xD0] =	vst v3  }
0xee: {  	v3 =	vld [tilespmem:s5+$0x100];
	[tilespmem:s5+$0xE0] =	vst v0;
	v0 =	vmul.f32 $8.000000000e+00, v2  }
0xef: {  	v6 =	vmul.f32 $8.000000000e+00, v6;
	v2 =	vld [tilespmem:s5+$0x110]  }
0xf0: {  	v4 =	vmul.f32 $8.000000000e+00, v4;
	[tilespmem:s5+$0xFFFFE100] =	vst v0;
	v0 =	vld [tilespmem:s5+$0x120]  }
0xf1: {  	[tilespmem:s5+$0xF0] =	vst v6;
	v1 =	vmul.f32 $8.000000000e+00, v1  }
0xf2: {  	v5 =	vmul.f32 $8.000000000e+00, v5;
	[tilespmem:s5+$0xFFFFE110] =	vst v4;
	v4 =	vld [tilespmem:s5+$0xFFFFE140]  }
0xf3: {  	v6 =	vld [tilespmem:s5+$0x130];
	[tilespmem:s5+$0xFFFFE120] =	vst v1;
	v1 =	vmul.f32 $8.000000000e+00, v3  }
0xf4: {  	[tilespmem:s5+$0xFFFFE130] =	vst v5;
	v3 =	vld [tilespmem:s5+$0xFFFFE150];
	v2 =	vmul.f32 $8.000000000e+00, v2  }
0xf5: {  	[tilespmem:s5+$0x100] =	vst v1;
	v1 =	vld [tilespmem:s5+$0xFFFFE160];
	v0 =	vmul.f32 $8.000000000e+00, v0  }
0xf6: {  	v5 =	vld [tilespmem:s5+$0xFFFFE170];
	[tilespmem:s5+$0x110] =	vst v2  }
0xf7: {  	v2 =	vld [tilespmem:s5+$0x140];
	[tilespmem:s5+$0x120] =	vst v0;
	v0 =	vmul.f32 $8.000000000e+00, v4  }
0xf8: {  	v6 =	vmul.f32 $8.000000000e+00, v6;
	v4 =	vld [tilespmem:s5+$0x150]  }
0xf9: {  	v3 =	vmul.f32 $8.000000000e+00, v3;
	[tilespmem:s5+$0xFFFFE140] =	vst v0;
	v0 =	vld [tilespmem:s5+$0x160]  }
0xfa: {  	[tilespmem:s5+$0x130] =	vst v6;
	v1 =	vmul.f32 $8.000000000e+00, v1  }
0xfb: {  	v5 =	vmul.f32 $8.000000000e+00, v5;
	[tilespmem:s5+$0xFFFFE150] =	vst v3;
	v3 =	vld [tilespmem:s5+$0xFFFFE180]  }
0xfc: {  	v6 =	vld [tilespmem:s5+$0x170];
	[tilespmem:s5+$0xFFFFE160] =	vst v1;
	v1 =	vmul.f32 $8.000000000e+00, v2  }
0xfd: {  	[tilespmem:s5+$0xFFFFE170] =	vst v5;
	v2 =	vld [tilespmem:s5+$0xFFFFE190];
	v4 =	vmul.f32 $8.000000000e+00, v4  }
0xfe: {  	[tilespmem:s5+$0x140] =	vst v1;
	v1 =	vld [tilespmem:s5+$0xFFFFE1A0];
	v0 =	vmul.f32 $8.000000000e+00, v0  }
0xff: {  	v5 =	vld [tilespmem:s5+$0xFFFFE1B0];
	[tilespmem:s5+$0x150] =	vst v4  }
0x100: {  	v4 =	vld [tilespmem:s5+$0x180];
	[tilespmem:s5+$0x160] =	vst v0;
	v0 =	vmul.f32 $8.000000000e+00, v3  }
0x101: {  	v6 =	vmul.f32 $8.000000000e+00, v6;
	v3 =	vld [tilespmem:s5+$0x190]  }
0x102: {  	v2 =	vmul.f32 $8.000000000e+00, v2;
	[tilespmem:s5+$0xFFFFE180] =	vst v0;
	v0 =	vld [tilespmem:s5+$0x1A0]  }
0x103: {  	[tilespmem:s5+$0x170] =	vst v6;
	v6 =	vld [tilespmem:s5+$0x1B0];
	v1 =	vmul.f32 $8.000000000e+00, v1  }
0x104: {  	v5 =	vmul.f32 $8.000000000e+00, v5;
	[tilespmem:s5+$0xFFFFE190] =	vst v2;
	v2 =	vld [tilespmem:s5+$0xFFFFE1C0]  }
0x105: {  	[tilespmem:s5+$0xFFFFE1A0] =	vst v1;
	v1 =	vmul.f32 $8.000000000e+00, v4;
	v4 =	vld [tilespmem:s5+$0xFFFFE1D0]  }
0x106: {  	[tilespmem:s5+$0xFFFFE1B0] =	vst v5;
	v5 =	vld [tilespmem:s5+$0xFFFFE1E0];
	v3 =	vmul.f32 $8.000000000e+00, v3  }
0x107: {  	v7 =	vld [tilespmem:s5+$0xFFFFE1F0];
	[tilespmem:s5+$0x180] =	vst v1;
	v1 =	vmul.f32 $8.000000000e+00, v0  }
0x108: {  	[tilespmem:s5+$0x190] =	vst v3;
	v0 =	vld [tilespmem:s5+$0x1C0];
	v3 =	vmul.f32 $8.000000000e+00, v6  }
0x109: {  	v6 =	vmul.f32 $8.000000000e+00, v2;
	[tilespmem:s5+$0x1A0] =	vst v1;
	v1 =	vld [tilespmem:s5+$0x1D0]  }
0x10a: {  	v2 =	vld [tilespmem:s5+$0x1E0];
	v8 =	vmul.f32 $8.000000000e+00, v4;
	[tilespmem:s5+$0x1B0] =	vst v3  }
0x10b: {  	v4 =	vmul.f32 $8.000000000e+00, v5;
	[tilespmem:s5+$0xFFFFE1C0] =	vst v6;
	v3 =	vld [tilespmem:s5+$0x1F0]  }
0x10c: {  	s7 =	simm.s32 $0x0;
	s9 =	simm.s32 $0xC600;
	v5 =	vmul.f32 $8.000000000e+00, v7;
	[tilespmem:s5+$0xFFFFE1D0] =	vst v8  }
.LBB2_5:
0x10d: {  	v6 =	vld [tilespmem:s9+$0xFFFFE000];
	[tilespmem:s5+$0xFFFFE1E0] =	vst v4;
	v0 =	vmul.f32 $8.000000000e+00, v0  }
0x10e: {  	v4 =	vld [tilespmem:s9+$0xFFFFE010];
	[tilespmem:s5+$0xFFFFE1F0] =	vst v5;
	v1 =	vmul.f32 $8.000000000e+00, v1  }
0x10f: {  	v5 =	vld [tilespmem:s9+$0xFFFFE020];
	[tilespmem:s5+$0x1C0] =	vst v0;
	v0 =	vmul.f32 $8.000000000e+00, v2  }
0x110: {  	v2 =	vld [tilespmem:s9+$0xFFFFE030];
	[tilespmem:s5+$0x1D0] =	vst v1;
	v1 =	vmul.f32 $8.000000000e+00, v3  }
0x111: {  	v3 =	vld [tilespmem:s9+$0x0];
	[tilespmem:s5+$0x1E0] =	vst v0  }
0x112: {  	v0 =	vmul.f32 $8.000000000e+00, v6;
	v6 =	vld [tilespmem:s9+$0x10];
	[tilespmem:s5+$0x1F0] =	vst v1;
	s5 =	smov.u32 s9  }
0x113: {  	v1 =	vmul.f32 $8.000000000e+00, v4;
	v4 =	vld [tilespmem:s9+$0x20]  }
0x114: {  	[tilespmem:s9+$0xFFFFE000] =	vst v0;
	v0 =	vmul.f32 $8.000000000e+00, v5;
	v5 =	vld [tilespmem:s9+$0x30]  }
0x115: {  	[tilespmem:s9+$0xFFFFE010] =	vst v1;
	v1 =	vmul.f32 $8.000000000e+00, v2;
	v2 =	vld [tilespmem:s9+$0xFFFFE040]  }
0x116: {  	[tilespmem:s9+$0xFFFFE020] =	vst v0;
	v0 =	vmul.f32 $8.000000000e+00, v3;
	v3 =	vld [tilespmem:s9+$0xFFFFE050]  }
0x117: {  	[tilespmem:s9+$0xFFFFE030] =	vst v1;
	v1 =	vmul.f32 $8.000000000e+00, v6;
	v6 =	vld [tilespmem:s9+$0xFFFFE060]  }
0x118: {  	[tilespmem:s9+$0x0] =	vst v0;
	v0 =	vmul.f32 $8.000000000e+00, v4;
	v4 =	vld [tilespmem:s9+$0xFFFFE070]  }
0x119: {  	[tilespmem:s9+$0x10] =	vst v1;
	v1 =	vmul.f32 $8.000000000e+00, v5;
	v5 =	vld [tilespmem:s9+$0x40]  }
0x11a: {  	[tilespmem:s9+$0x20] =	vst v0;
	v0 =	vmul.f32 $8.000000000e+00, v2;
	v2 =	vld [tilespmem:s9+$0x50]  }
0x11b: {  	[tilespmem:s9+$0x30] =	vst v1;
	v1 =	vmul.f32 $8.000000000e+00, v3;
	v3 =	vld [tilespmem:s9+$0x60]  }
0x11c: {  	[tilespmem:s9+$0xFFFFE040] =	vst v0;
	v0 =	vmul.f32 $8.000000000e+00, v6;
	v6 =	vld [tilespmem:s9+$0x70]  }
0x11d: {  	[tilespmem:s9+$0xFFFFE050] =	vst v1;
	v1 =	vmul.f32 $8.000000000e+00, v4;
	v4 =	vld [tilespmem:s9+$0xFFFFE080]  }
0x11e: {  	[tilespmem:s9+$0xFFFFE060] =	vst v0;
	v0 =	vmul.f32 $8.000000000e+00, v5;
	v5 =	vld [tilespmem:s9+$0xFFFFE090]  }
0x11f: {  	[tilespmem:s9+$0xFFFFE070] =	vst v1;
	v1 =	vmul.f32 $8.000000000e+00, v2;
	v2 =	vld [tilespmem:s9+$0xFFFFE0A0]  }
0x120: {  	[tilespmem:s9+$0x40] =	vst v0;
	v0 =	vmul.f32 $8.000000000e+00, v3;
	v3 =	vld [tilespmem:s9+$0xFFFFE0B0]  }
0x121: {  	[tilespmem:s9+$0x50] =	vst v1;
	v1 =	vmul.f32 $8.000000000e+00, v6;
	v6 =	vld [tilespmem:s9+$0x80]  }
0x122: {  	[tilespmem:s9+$0x60] =	vst v0;
	v0 =	vmul.f32 $8.000000000e+00, v4;
	v4 =	vld [tilespmem:s9+$0x90]  }
0x123: {  	[tilespmem:s9+$0x70] =	vst v1;
	v1 =	vmul.f32 $8.000000000e+00, v5;
	v5 =	vld [tilespmem:s9+$0xA0]  }
0x124: {  	[tilespmem:s9+$0xFFFFE080] =	vst v0;
	v0 =	vmul.f32 $8.000000000e+00, v2;
	v2 =	vld [tilespmem:s9+$0xB0]  }
0x125: {  	[tilespmem:s9+$0xFFFFE090] =	vst v1;
	v1 =	vmul.f32 $8.000000000e+00, v3;
	v3 =	vld [tilespmem:s9+$0xFFFFE0C0]  }
0x126: {  	[tilespmem:s9+$0xFFFFE0A0] =	vst v0;
	v0 =	vmul.f32 $8.000000000e+00, v6;
	v6 =	vld [tilespmem:s9+$0xFFFFE0D0]  }
0x127: {  	[tilespmem:s9+$0xFFFFE0B0] =	vst v1;
	v1 =	vmul.f32 $8.000000000e+00, v4;
	v4 =	vld [tilespmem:s9+$0xFFFFE0E0]  }
0x128: {  	[tilespmem:s9+$0x80] =	vst v0;
	v0 =	vmul.f32 $8.000000000e+00, v5;
	v5 =	vld [tilespmem:s9+$0xFFFFE0F0]  }
0x129: {  	[tilespmem:s9+$0x90] =	vst v1;
	v1 =	vmul.f32 $8.000000000e+00, v2;
	v2 =	vld [tilespmem:s9+$0xC0]  }
0x12a: {  	[tilespmem:s9+$0xA0] =	vst v0;
	v0 =	vmul.f32 $8.000000000e+00, v3;
	v3 =	vld [tilespmem:s9+$0xD0]  }
0x12b: {  	[tilespmem:s9+$0xB0] =	vst v1;
	v1 =	vmul.f32 $8.000000000e+00, v6;
	v6 =	vld [tilespmem:s9+$0xE0]  }
0x12c: {  	[tilespmem:s9+$0xFFFFE0C0] =	vst v0;
	v0 =	vmul.f32 $8.000000000e+00, v4;
	v4 =	vld [tilespmem:s9+$0xF0]  }
0x12d: {  	[tilespmem:s9+$0xFFFFE0D0] =	vst v1;
	v1 =	vmul.f32 $8.000000000e+00, v5;
	v5 =	vld [tilespmem:s9+$0xFFFFE100]  }
0x12e: {  	[tilespmem:s9+$0xFFFFE0E0] =	vst v0;
	v0 =	vmul.f32 $8.000000000e+00, v2;
	v2 =	vld [tilespmem:s9+$0xFFFFE110]  }
0x12f: {  	[tilespmem:s9+$0xFFFFE0F0] =	vst v1;
	v1 =	vmul.f32 $8.000000000e+00, v3;
	v3 =	vld [tilespmem:s9+$0xFFFFE120]  }
0x130: {  	[tilespmem:s9+$0xC0] =	vst v0;
	v0 =	vmul.f32 $8.000000000e+00, v6;
	v6 =	vld [tilespmem:s9+$0xFFFFE130]  }
0x131: {  	[tilespmem:s9+$0xD0] =	vst v1;
	v1 =	vmul.f32 $8.000000000e+00, v4;
	v4 =	vld [tilespmem:s9+$0x100]  }
0x132: {  	[tilespmem:s9+$0xE0] =	vst v0;
	v0 =	vmul.f32 $8.000000000e+00, v5;
	v5 =	vld [tilespmem:s9+$0x110]  }
0x133: {  	[tilespmem:s9+$0xF0] =	vst v1;
	v1 =	vmul.f32 $8.000000000e+00, v2;
	v2 =	vld [tilespmem:s9+$0x120]  }
0x134: {  	[tilespmem:s9+$0xFFFFE100] =	vst v0;
	v0 =	vmul.f32 $8.000000000e+00, v3;
	v3 =	vld [tilespmem:s9+$0x130]  }
0x135: {  	[tilespmem:s9+$0xFFFFE110] =	vst v1;
	v1 =	vmul.f32 $8.000000000e+00, v6;
	v6 =	vld [tilespmem:s9+$0xFFFFE140]  }
0x136: {  	[tilespmem:s9+$0xFFFFE120] =	vst v0;
	v0 =	vmul.f32 $8.000000000e+00, v4;
	v4 =	vld [tilespmem:s9+$0xFFFFE150]  }
0x137: {  	[tilespmem:s9+$0xFFFFE130] =	vst v1;
	v1 =	vmul.f32 $8.000000000e+00, v5;
	v5 =	vld [tilespmem:s9+$0xFFFFE160]  }
0x138: {  	[tilespmem:s9+$0x100] =	vst v0;
	v0 =	vmul.f32 $8.000000000e+00, v2;
	v2 =	vld [tilespmem:s9+$0xFFFFE170]  }
0x139: {  	[tilespmem:s9+$0x110] =	vst v1;
	v1 =	vmul.f32 $8.000000000e+00, v3;
	v3 =	vld [tilespmem:s9+$0x140]  }
0x13a: {  	[tilespmem:s9+$0x120] =	vst v0;
	v0 =	vmul.f32 $8.000000000e+00, v6;
	v6 =	vld [tilespmem:s9+$0x150]  }
0x13b: {  	[tilespmem:s9+$0x130] =	vst v1;
	v1 =	vmul.f32 $8.000000000e+00, v4;
	v4 =	vld [tilespmem:s9+$0x160]  }
0x13c: {  	[tilespmem:s9+$0xFFFFE140] =	vst v0;
	v0 =	vmul.f32 $8.000000000e+00, v5;
	v5 =	vld [tilespmem:s9+$0x170]  }
0x13d: {  	[tilespmem:s9+$0xFFFFE150] =	vst v1;
	v1 =	vmul.f32 $8.000000000e+00, v2;
	v2 =	vld [tilespmem:s9+$0xFFFFE180]  }
0x13e: {  	[tilespmem:s9+$0xFFFFE160] =	vst v0;
	v0 =	vmul.f32 $8.000000000e+00, v3;
	v3 =	vld [tilespmem:s9+$0xFFFFE190]  }
0x13f: {  	[tilespmem:s9+$0xFFFFE170] =	vst v1;
	v1 =	vmul.f32 $8.000000000e+00, v6;
	v6 =	vld [tilespmem:s9+$0xFFFFE1A0]  }
0x140: {  	[tilespmem:s9+$0x140] =	vst v0;
	v0 =	vmul.f32 $8.000000000e+00, v4;
	v4 =	vld [tilespmem:s9+$0xFFFFE1B0]  }
0x141: {  	[tilespmem:s9+$0x150] =	vst v1;
	v1 =	vmul.f32 $8.000000000e+00, v5;
	v5 =	vld [tilespmem:s9+$0x180]  }
0x142: {  	[tilespmem:s9+$0x160] =	vst v0;
	v0 =	vmul.f32 $8.000000000e+00, v2;
	v2 =	vld [tilespmem:s9+$0x190]  }
0x143: {  	[tilespmem:s9+$0x170] =	vst v1;
	v1 =	vmul.f32 $8.000000000e+00, v3;
	v3 =	vld [tilespmem:s9+$0x1A0]  }
0x144: {  	[tilespmem:s9+$0xFFFFE180] =	vst v0;
	v0 =	vmul.f32 $8.000000000e+00, v6;
	v6 =	vld [tilespmem:s9+$0x1B0]  }
0x145: {  	[tilespmem:s9+$0xFFFFE190] =	vst v1;
	v1 =	vmul.f32 $8.000000000e+00, v4;
	v4 =	vld [tilespmem:s9+$0xFFFFE1C0]  }
0x146: {  	[tilespmem:s9+$0xFFFFE1A0] =	vst v0;
	v0 =	vmul.f32 $8.000000000e+00, v5;
	v5 =	vld [tilespmem:s9+$0xFFFFE1D0]  }
0x147: {  	s7 =	sadd.s32 $0x8, s7;
	[tilespmem:s9+$0xFFFFE1B0] =	vst v1;
	v1 =	vmul.f32 $8.000000000e+00, v2;
	v7 =	vld [tilespmem:s9+$0xFFFFE1E0]  }
0x148: {  	p0 =	slt.u32 s7, $0x78;
	[tilespmem:s9+$0x180] =	vst v0;
	v2 =	vmul.f32 $8.000000000e+00, v3;
	v8 =	vld [tilespmem:s9+$0xFFFFE1F0]  }
.Ltmp1:
0x149: {  	[tilespmem:s9+$0x190] =	vst v1;
	v3 =	vmul.f32 $8.000000000e+00, v6;
	v0 =	vld [tilespmem:s9+$0x1C0];
	(pc) =	sbr.rel @p0 .LBB2_5-.Ltmp1, $4  }
0x14a: {  	[tilespmem:s9+$0x1A0] =	vst v2;
	v4 =	vmul.f32 $8.000000000e+00, v4;
	v1 =	vld [tilespmem:s9+$0x1D0]  }
0x14b: {  	[tilespmem:s9+$0x1B0] =	vst v3;
	v5 =	vmul.f32 $8.000000000e+00, v5;
	v2 =	vld [tilespmem:s9+$0x1E0]  }
0x14c: {  	[tilespmem:s9+$0xFFFFE1C0] =	vst v4;
	v4 =	vmul.f32 $8.000000000e+00, v7;
	v3 =	vld [tilespmem:s9+$0x1F0]  }
0x14d: {  	s9 =	sadd.s32 $0x200, s9;
	[tilespmem:s5+$0xFFFFE1D0] =	vst v5;
	v5 =	vmul.f32 $8.000000000e+00, v8  }
0x14e: {  	[tilespmem:s5+$0xFFFFE1E0] =	vst v4;
	v0 =	vmul.f32 $8.000000000e+00, v0  }
0x14f: {  	[tilespmem:s5+$0xFFFFE1F0] =	vst v5;
	v1 =	vmul.f32 $8.000000000e+00, v1  }
0x150: {  	[tilespmem:s5+$0x1C0] =	vst v0;
	v0 =	vmul.f32 $8.000000000e+00, v2  }
0x151: {  	[tilespmem:s5+$0x1D0] =	vst v1;
	v1 =	vmul.f32 $8.000000000e+00, v3  }
0x152: {  	s1 =	sshll.u32 s13, $0xD;
	[tilespmem:s5+$0x1E0] =	vst v0  }
0x153: {  	p0 =	seq.s32 s13, $0x18;
	s1 =	sadd.s32 s8, s1;
	[tilespmem:s5+$0x1F0] =	vst v1  }
0x154: {  	[hbm4b:s1+s3] =	stream.linear.scatter [tilespmem:s14], [sflag:$0xA], $0x4000, $0x38;
	[tilespmem:$0x16400] =	vst v63  }
0x155: {  	s1 =	sshll.u32 @!p0 s13, $0xA;
	_ =	swait.ge [sflag:s25], $0x4000  }
0x156: {  	s7 =	simm.s32 @!p0 $0x80;
	s5 =	sand.u32 @!p0 $0x3FFFFC00, s1;
	[sflag:s25] =	ssyncset.done $0x0  }
0x157: {  	s9 =	simm.s32 @!p0 $0x6400;
	s1 =	sadd.s32 @!p0 $0x400, s5;
	[sflag:s25] =	ssyncadd.s32 $0xFFFFC000  }
0x158: {  	[tilespmem:s9], [sflag:$0x1] =	stream.indirect.gather @!p0 [hbm4b:s4+s7], $0x40, s1, s7, $0xb8;
	[tilespmem:$0x16400] =	vst v63  }
0x159: {  	s1 =	sadd.s32 @!p0 $0x480, s5;
	s9 =	simm.s32 @!p0 $0x8400  }
0x15a: {  	[tilespmem:s9], [sflag:$0x2] =	stream.indirect.gather @!p0 [hbm4b:s4+s7], $0x40, s1, s7, $0xb8;
	[tilespmem:$0x16400] =	vst v63  }
0x15b: {  	_ =	swait.ge [sflag:s26], $0x2000  }
0x15c: {  	[sflag:s26] =	ssyncset.done $0x0  }
0x15d: {  	[sflag:s26] =	ssyncadd.s32 $0xFFFFE000  }
0x15e: {  	_ =	swait.ge [sflag:s28], $0x2000  }
0x15f: {  	[sflag:s28] =	ssyncset.done $0x0  }
0x160: {  	s7 =	simm.s32 $0x10400;
	[sflag:s28] =	ssyncadd.s32 $0xFFFFE000  }
0x161: {  	v0 =	vld [tilespmem:s7+$0xFFFFE000];
	_ =	sdelay $0x1  }
0x162: {  	v1 =	vld [tilespmem:s7+$0xFFFFE010]  }
0x163: {  	v2 =	vld [tilespmem:s7+$0xFFFFE020]  }
0x164: {  	v3 =	vld [tilespmem:s7+$0xFFFFE030]  }
0x165: {  	v4 =	vld [tilespmem:s7+$0x0];
	v0 =	vmul.f32 $8.000000000e+00, v0  }
0x166: {  	v5 =	vld [tilespmem:s7+$0x10]  }
0x167: {  	v1 =	vmul.f32 $8.000000000e+00, v1;
	[tilespmem:s7+$0xFFFFE000] =	vst v0;
	v0 =	vld [tilespmem:s7+$0x20]  }
0x168: {  	v2 =	vmul.f32 $8.000000000e+00, v2  }
0x169: {  	v3 =	vmul.f32 $8.000000000e+00, v3;
	[tilespmem:s7+$0xFFFFE010] =	vst v1;
	v1 =	vld [tilespmem:s7+$0xFFFFE040]  }
0x16a: {  	v6 =	vld [tilespmem:s7+$0x30];
	[tilespmem:s7+$0xFFFFE020] =	vst v2;
	v2 =	vmul.f32 $8.000000000e+00, v4  }
0x16b: {  	v4 =	vld [tilespmem:s7+$0xFFFFE050];
	[tilespmem:s7+$0xFFFFE030] =	vst v3;
	v3 =	vmul.f32 $8.000000000e+00, v5  }
0x16c: {  	[tilespmem:s7+$0x0] =	vst v2;
	v2 =	vld [tilespmem:s7+$0xFFFFE060];
	v0 =	vmul.f32 $8.000000000e+00, v0  }
0x16d: {  	v5 =	vld [tilespmem:s7+$0xFFFFE070];
	[tilespmem:s7+$0x10] =	vst v3  }
0x16e: {  	v3 =	vld [tilespmem:s7+$0x40];
	[tilespmem:s7+$0x20] =	vst v0;
	v0 =	vmul.f32 $8.000000000e+00, v1  }
0x16f: {  	v6 =	vmul.f32 $8.000000000e+00, v6;
	v1 =	vld [tilespmem:s7+$0x50]  }
0x170: {  	v4 =	vmul.f32 $8.000000000e+00, v4;
	[tilespmem:s7+$0xFFFFE040] =	vst v0;
	v0 =	vld [tilespmem:s7+$0x60]  }
0x171: {  	[tilespmem:s7+$0x30] =	vst v6;
	v2 =	vmul.f32 $8.000000000e+00, v2  }
0x172: {  	v5 =	vmul.f32 $8.000000000e+00, v5;
	[tilespmem:s7+$0xFFFFE050] =	vst v4;
	v4 =	vld [tilespmem:s7+$0xFFFFE080]  }
0x173: {  	v6 =	vld [tilespmem:s7+$0x70];
	[tilespmem:s7+$0xFFFFE060] =	vst v2;
	v2 =	vmul.f32 $8.000000000e+00, v3  }
0x174: {  	[tilespmem:s7+$0xFFFFE070] =	vst v5;
	v3 =	vld [tilespmem:s7+$0xFFFFE090];
	v1 =	vmul.f32 $8.000000000e+00, v1  }
0x175: {  	v5 =	vld [tilespmem:s7+$0xFFFFE0B0];
	[tilespmem:s7+$0x40] =	vst v2;
	v0 =	vmul.f32 $8.000000000e+00, v0  }
0x176: {  	v2 =	vld [tilespmem:s7+$0xFFFFE0A0];
	[tilespmem:s7+$0x50] =	vst v1  }
0x177: {  	v1 =	vld [tilespmem:s7+$0x80];
	[tilespmem:s7+$0x60] =	vst v0;
	v0 =	vmul.f32 $8.000000000e+00, v4  }
0x178: {  	v6 =	vmul.f32 $8.000000000e+00, v6;
	v4 =	vld [tilespmem:s7+$0x90]  }
0x179: {  	v3 =	vmul.f32 $8.000000000e+00, v3;
	[tilespmem:s7+$0xFFFFE080] =	vst v0;
	v0 =	vld [tilespmem:s7+$0xA0]  }
0x17a: {  	[tilespmem:s7+$0x70] =	vst v6;
	v5 =	vmul.f32 $8.000000000e+00, v5  }
0x17b: {  	v2 =	vmul.f32 $8.000000000e+00, v2;
	[tilespmem:s7+$0xFFFFE090] =	vst v3;
	v3 =	vld [tilespmem:s7+$0xFFFFE0C0]  }
0x17c: {  	v6 =	vld [tilespmem:s7+$0xB0];
	[tilespmem:s7+$0xFFFFE0B0] =	vst v5;
	v1 =	vmul.f32 $8.000000000e+00, v1  }
0x17d: {  	[tilespmem:s7+$0xFFFFE0A0] =	vst v2;
	v2 =	vld [tilespmem:s7+$0xFFFFE0D0];
	v4 =	vmul.f32 $8.000000000e+00, v4  }
0x17e: {  	[tilespmem:s7+$0x80] =	vst v1;
	v1 =	vld [tilespmem:s7+$0xFFFFE0E0];
	v0 =	vmul.f32 $8.000000000e+00, v0  }
0x17f: {  	v5 =	vld [tilespmem:s7+$0xFFFFE0F0];
	[tilespmem:s7+$0x90] =	vst v4  }
0x180: {  	v4 =	vld [tilespmem:s7+$0xC0];
	[tilespmem:s7+$0xA0] =	vst v0;
	v0 =	vmul.f32 $8.000000000e+00, v3  }
0x181: {  	v6 =	vmul.f32 $8.000000000e+00, v6;
	v3 =	vld [tilespmem:s7+$0xD0]  }
0x182: {  	v2 =	vmul.f32 $8.000000000e+00, v2;
	[tilespmem:s7+$0xFFFFE0C0] =	vst v0;
	v0 =	vld [tilespmem:s7+$0xE0]  }
0x183: {  	[tilespmem:s7+$0xB0] =	vst v6;
	v1 =	vmul.f32 $8.000000000e+00, v1  }
0x184: {  	v5 =	vmul.f32 $8.000000000e+00, v5;
	[tilespmem:s7+$0xFFFFE0D0] =	vst v2;
	v2 =	vld [tilespmem:s7+$0xFFFFE100]  }
0x185: {  	v6 =	vld [tilespmem:s7+$0xF0];
	[tilespmem:s7+$0xFFFFE0E0] =	vst v1;
	v1 =	vmul.f32 $8.000000000e+00, v4  }
0x186: {  	[tilespmem:s7+$0xFFFFE0F0] =	vst v5;
	v4 =	vld [tilespmem:s7+$0xFFFFE110];
	v3 =	vmul.f32 $8.000000000e+00, v3  }
0x187: {  	[tilespmem:s7+$0xC0] =	vst v1;
	v1 =	vld [tilespmem:s7+$0xFFFFE120];
	v0 =	vmul.f32 $8.000000000e+00, v0  }
0x188: {  	v5 =	vld [tilespmem:s7+$0xFFFFE130];
	[tilespmem:s7+$0xD0] =	vst v3  }
0x189: {  	v3 =	vld [tilespmem:s7+$0x100];
	[tilespmem:s7+$0xE0] =	vst v0;
	v0 =	vmul.f32 $8.000000000e+00, v2  }
0x18a: {  	v6 =	vmul.f32 $8.000000000e+00, v6;
	v2 =	vld [tilespmem:s7+$0x110]  }
0x18b: {  	v4 =	vmul.f32 $8.000000000e+00, v4;
	[tilespmem:s7+$0xFFFFE100] =	vst v0;
	v0 =	vld [tilespmem:s7+$0x120]  }
0x18c: {  	[tilespmem:s7+$0xF0] =	vst v6;
	v1 =	vmul.f32 $8.000000000e+00, v1  }
0x18d: {  	v5 =	vmul.f32 $8.000000000e+00, v5;
	[tilespmem:s7+$0xFFFFE110] =	vst v4;
	v4 =	vld [tilespmem:s7+$0xFFFFE140]  }
0x18e: {  	v6 =	vld [tilespmem:s7+$0x130];
	[tilespmem:s7+$0xFFFFE120] =	vst v1;
	v1 =	vmul.f32 $8.000000000e+00, v3  }
0x18f: {  	[tilespmem:s7+$0xFFFFE130] =	vst v5;
	v3 =	vld [tilespmem:s7+$0xFFFFE150];
	v2 =	vmul.f32 $8.000000000e+00, v2  }
0x190: {  	[tilespmem:s7+$0x100] =	vst v1;
	v1 =	vld [tilespmem:s7+$0xFFFFE160];
	v0 =	vmul.f32 $8.000000000e+00, v0  }
0x191: {  	v5 =	vld [tilespmem:s7+$0xFFFFE170];
	[tilespmem:s7+$0x110] =	vst v2  }
0x192: {  	v2 =	vld [tilespmem:s7+$0x140];
	[tilespmem:s7+$0x120] =	vst v0;
	v0 =	vmul.f32 $8.000000000e+00, v4  }
0x193: {  	v6 =	vmul.f32 $8.000000000e+00, v6;
	v4 =	vld [tilespmem:s7+$0x150]  }
0x194: {  	v3 =	vmul.f32 $8.000000000e+00, v3;
	[tilespmem:s7+$0xFFFFE140] =	vst v0;
	v0 =	vld [tilespmem:s7+$0x160]  }
0x195: {  	[tilespmem:s7+$0x130] =	vst v6;
	v1 =	vmul.f32 $8.000000000e+00, v1  }
0x196: {  	v5 =	vmul.f32 $8.000000000e+00, v5;
	[tilespmem:s7+$0xFFFFE150] =	vst v3;
	v3 =	vld [tilespmem:s7+$0xFFFFE180]  }
0x197: {  	v6 =	vld [tilespmem:s7+$0x170];
	[tilespmem:s7+$0xFFFFE160] =	vst v1;
	v1 =	vmul.f32 $8.000000000e+00, v2  }
0x198: {  	[tilespmem:s7+$0xFFFFE170] =	vst v5;
	v2 =	vld [tilespmem:s7+$0xFFFFE190];
	v4 =	vmul.f32 $8.000000000e+00, v4  }
0x199: {  	[tilespmem:s7+$0x140] =	vst v1;
	v1 =	vld [tilespmem:s7+$0xFFFFE1A0];
	v0 =	vmul.f32 $8.000000000e+00, v0  }
0x19a: {  	v5 =	vld [tilespmem:s7+$0xFFFFE1B0];
	[tilespmem:s7+$0x150] =	vst v4  }
0x19b: {  	v4 =	vld [tilespmem:s7+$0x180];
	[tilespmem:s7+$0x160] =	vst v0;
	v0 =	vmul.f32 $8.000000000e+00, v3  }
0x19c: {  	v6 =	vmul.f32 $8.000000000e+00, v6;
	v3 =	vld [tilespmem:s7+$0x190]  }
0x19d: {  	v2 =	vmul.f32 $8.000000000e+00, v2;
	[tilespmem:s7+$0xFFFFE180] =	vst v0;
	v0 =	vld [tilespmem:s7+$0x1A0]  }
0x19e: {  	[tilespmem:s7+$0x170] =	vst v6;
	v6 =	vld [tilespmem:s7+$0x1B0];
	v1 =	vmul.f32 $8.000000000e+00, v1  }
0x19f: {  	v5 =	vmul.f32 $8.000000000e+00, v5;
	[tilespmem:s7+$0xFFFFE190] =	vst v2;
	v2 =	vld [tilespmem:s7+$0xFFFFE1C0]  }
0x1a0: {  	[tilespmem:s7+$0xFFFFE1A0] =	vst v1;
	v1 =	vmul.f32 $8.000000000e+00, v4;
	v4 =	vld [tilespmem:s7+$0xFFFFE1D0]  }
0x1a1: {  	[tilespmem:s7+$0xFFFFE1B0] =	vst v5;
	v5 =	vld [tilespmem:s7+$0xFFFFE1E0];
	v3 =	vmul.f32 $8.000000000e+00, v3  }
0x1a2: {  	v7 =	vld [tilespmem:s7+$0xFFFFE1F0];
	[tilespmem:s7+$0x180] =	vst v1;
	v1 =	vmul.f32 $8.000000000e+00, v0  }
0x1a3: {  	[tilespmem:s7+$0x190] =	vst v3;
	v0 =	vld [tilespmem:s7+$0x1C0];
	v3 =	vmul.f32 $8.000000000e+00, v6  }
0x1a4: {  	v6 =	vmul.f32 $8.000000000e+00, v2;
	[tilespmem:s7+$0x1A0] =	vst v1;
	v1 =	vld [tilespmem:s7+$0x1D0]  }
0x1a5: {  	v2 =	vld [tilespmem:s7+$0x1E0];
	v8 =	vmul.f32 $8.000000000e+00, v4;
	[tilespmem:s7+$0x1B0] =	vst v3  }
0x1a6: {  	v4 =	vmul.f32 $8.000000000e+00, v5;
	[tilespmem:s7+$0xFFFFE1C0] =	vst v6;
	v3 =	vld [tilespmem:s7+$0x1F0]  }
0x1a7: {  	s9 =	simm.s32 $0x0;
	s1 =	simm.s32 $0x10600;
	v5 =	vmul.f32 $8.000000000e+00, v7;
	[tilespmem:s7+$0xFFFFE1D0] =	vst v8  }
.LBB2_7:
0x1a8: {  	v6 =	vld [tilespmem:s1+$0xFFFFE000];
	[tilespmem:s7+$0xFFFFE1E0] =	vst v4;
	v0 =	vmul.f32 $8.000000000e+00, v0  }
0x1a9: {  	v4 =	vld [tilespmem:s1+$0xFFFFE010];
	[tilespmem:s7+$0xFFFFE1F0] =	vst v5;
	v1 =	vmul.f32 $8.000000000e+00, v1  }
0x1aa: {  	v5 =	vld [tilespmem:s1+$0xFFFFE020];
	[tilespmem:s7+$0x1C0] =	vst v0;
	v0 =	vmul.f32 $8.000000000e+00, v2  }
0x1ab: {  	v2 =	vld [tilespmem:s1+$0xFFFFE030];
	[tilespmem:s7+$0x1D0] =	vst v1;
	v1 =	vmul.f32 $8.000000000e+00, v3  }
0x1ac: {  	v3 =	vld [tilespmem:s1+$0x0];
	[tilespmem:s7+$0x1E0] =	vst v0  }
0x1ad: {  	v0 =	vmul.f32 $8.000000000e+00, v6;
	v6 =	vld [tilespmem:s1+$0x10];
	[tilespmem:s7+$0x1F0] =	vst v1;
	s7 =	smov.u32 s1  }
0x1ae: {  	v1 =	vmul.f32 $8.000000000e+00, v4;
	v4 =	vld [tilespmem:s1+$0x20]  }
0x1af: {  	[tilespmem:s1+$0xFFFFE000] =	vst v0;
	v0 =	vmul.f32 $8.000000000e+00, v5;
	v5 =	vld [tilespmem:s1+$0x30]  }
0x1b0: {  	[tilespmem:s1+$0xFFFFE010] =	vst v1;
	v1 =	vmul.f32 $8.000000000e+00, v2;
	v2 =	vld [tilespmem:s1+$0xFFFFE040]  }
0x1b1: {  	[tilespmem:s1+$0xFFFFE020] =	vst v0;
	v0 =	vmul.f32 $8.000000000e+00, v3;
	v3 =	vld [tilespmem:s1+$0xFFFFE050]  }
0x1b2: {  	[tilespmem:s1+$0xFFFFE030] =	vst v1;
	v1 =	vmul.f32 $8.000000000e+00, v6;
	v6 =	vld [tilespmem:s1+$0xFFFFE060]  }
0x1b3: {  	[tilespmem:s1+$0x0] =	vst v0;
	v0 =	vmul.f32 $8.000000000e+00, v4;
	v4 =	vld [tilespmem:s1+$0xFFFFE070]  }
0x1b4: {  	[tilespmem:s1+$0x10] =	vst v1;
	v1 =	vmul.f32 $8.000000000e+00, v5;
	v5 =	vld [tilespmem:s1+$0x40]  }
0x1b5: {  	[tilespmem:s1+$0x20] =	vst v0;
	v0 =	vmul.f32 $8.000000000e+00, v2;
	v2 =	vld [tilespmem:s1+$0x50]  }
0x1b6: {  	[tilespmem:s1+$0x30] =	vst v1;
	v1 =	vmul.f32 $8.000000000e+00, v3;
	v3 =	vld [tilespmem:s1+$0x60]  }
0x1b7: {  	[tilespmem:s1+$0xFFFFE040] =	vst v0;
	v0 =	vmul.f32 $8.000000000e+00, v6;
	v6 =	vld [tilespmem:s1+$0x70]  }
0x1b8: {  	[tilespmem:s1+$0xFFFFE050] =	vst v1;
	v1 =	vmul.f32 $8.000000000e+00, v4;
	v4 =	vld [tilespmem:s1+$0xFFFFE080]  }
0x1b9: {  	[tilespmem:s1+$0xFFFFE060] =	vst v0;
	v0 =	vmul.f32 $8.000000000e+00, v5;
	v5 =	vld [tilespmem:s1+$0xFFFFE090]  }
0x1ba: {  	[tilespmem:s1+$0xFFFFE070] =	vst v1;
	v1 =	vmul.f32 $8.000000000e+00, v2;
	v2 =	vld [tilespmem:s1+$0xFFFFE0A0]  }
0x1bb: {  	[tilespmem:s1+$0x40] =	vst v0;
	v0 =	vmul.f32 $8.000000000e+00, v3;
	v3 =	vld [tilespmem:s1+$0xFFFFE0B0]  }
0x1bc: {  	[tilespmem:s1+$0x50] =	vst v1;
	v1 =	vmul.f32 $8.000000000e+00, v6;
	v6 =	vld [tilespmem:s1+$0x80]  }
0x1bd: {  	[tilespmem:s1+$0x60] =	vst v0;
	v0 =	vmul.f32 $8.000000000e+00, v4;
	v4 =	vld [tilespmem:s1+$0x90]  }
0x1be: {  	[tilespmem:s1+$0x70] =	vst v1;
	v1 =	vmul.f32 $8.000000000e+00, v5;
	v5 =	vld [tilespmem:s1+$0xA0]  }
0x1bf: {  	[tilespmem:s1+$0xFFFFE080] =	vst v0;
	v0 =	vmul.f32 $8.000000000e+00, v2;
	v2 =	vld [tilespmem:s1+$0xB0]  }
0x1c0: {  	[tilespmem:s1+$0xFFFFE090] =	vst v1;
	v1 =	vmul.f32 $8.000000000e+00, v3;
	v3 =	vld [tilespmem:s1+$0xFFFFE0C0]  }
0x1c1: {  	[tilespmem:s1+$0xFFFFE0A0] =	vst v0;
	v0 =	vmul.f32 $8.000000000e+00, v6;
	v6 =	vld [tilespmem:s1+$0xFFFFE0D0]  }
0x1c2: {  	[tilespmem:s1+$0xFFFFE0B0] =	vst v1;
	v1 =	vmul.f32 $8.000000000e+00, v4;
	v4 =	vld [tilespmem:s1+$0xFFFFE0E0]  }
0x1c3: {  	[tilespmem:s1+$0x80] =	vst v0;
	v0 =	vmul.f32 $8.000000000e+00, v5;
	v5 =	vld [tilespmem:s1+$0xFFFFE0F0]  }
0x1c4: {  	[tilespmem:s1+$0x90] =	vst v1;
	v1 =	vmul.f32 $8.000000000e+00, v2;
	v2 =	vld [tilespmem:s1+$0xC0]  }
0x1c5: {  	[tilespmem:s1+$0xA0] =	vst v0;
	v0 =	vmul.f32 $8.000000000e+00, v3;
	v3 =	vld [tilespmem:s1+$0xD0]  }
0x1c6: {  	[tilespmem:s1+$0xB0] =	vst v1;
	v1 =	vmul.f32 $8.000000000e+00, v6;
	v6 =	vld [tilespmem:s1+$0xE0]  }
0x1c7: {  	[tilespmem:s1+$0xFFFFE0C0] =	vst v0;
	v0 =	vmul.f32 $8.000000000e+00, v4;
	v4 =	vld [tilespmem:s1+$0xF0]  }
0x1c8: {  	[tilespmem:s1+$0xFFFFE0D0] =	vst v1;
	v1 =	vmul.f32 $8.000000000e+00, v5;
	v5 =	vld [tilespmem:s1+$0xFFFFE100]  }
0x1c9: {  	[tilespmem:s1+$0xFFFFE0E0] =	vst v0;
	v0 =	vmul.f32 $8.000000000e+00, v2;
	v2 =	vld [tilespmem:s1+$0xFFFFE110]  }
0x1ca: {  	[tilespmem:s1+$0xFFFFE0F0] =	vst v1;
	v1 =	vmul.f32 $8.000000000e+00, v3;
	v3 =	vld [tilespmem:s1+$0xFFFFE120]  }
0x1cb: {  	[tilespmem:s1+$0xC0] =	vst v0;
	v0 =	vmul.f32 $8.000000000e+00, v6;
	v6 =	vld [tilespmem:s1+$0xFFFFE130]  }
0x1cc: {  	[tilespmem:s1+$0xD0] =	vst v1;
	v1 =	vmul.f32 $8.000000000e+00, v4;
	v4 =	vld [tilespmem:s1+$0x100]  }
0x1cd: {  	[tilespmem:s1+$0xE0] =	vst v0;
	v0 =	vmul.f32 $8.000000000e+00, v5;
	v5 =	vld [tilespmem:s1+$0x110]  }
0x1ce: {  	[tilespmem:s1+$0xF0] =	vst v1;
	v1 =	vmul.f32 $8.000000000e+00, v2;
	v2 =	vld [tilespmem:s1+$0x120]  }
0x1cf: {  	[tilespmem:s1+$0xFFFFE100] =	vst v0;
	v0 =	vmul.f32 $8.000000000e+00, v3;
	v3 =	vld [tilespmem:s1+$0x130]  }
0x1d0: {  	[tilespmem:s1+$0xFFFFE110] =	vst v1;
	v1 =	vmul.f32 $8.000000000e+00, v6;
	v6 =	vld [tilespmem:s1+$0xFFFFE140]  }
0x1d1: {  	[tilespmem:s1+$0xFFFFE120] =	vst v0;
	v0 =	vmul.f32 $8.000000000e+00, v4;
	v4 =	vld [tilespmem:s1+$0xFFFFE150]  }
0x1d2: {  	[tilespmem:s1+$0xFFFFE130] =	vst v1;
	v1 =	vmul.f32 $8.000000000e+00, v5;
	v5 =	vld [tilespmem:s1+$0xFFFFE160]  }
0x1d3: {  	[tilespmem:s1+$0x100] =	vst v0;
	v0 =	vmul.f32 $8.000000000e+00, v2;
	v2 =	vld [tilespmem:s1+$0xFFFFE170]  }
0x1d4: {  	[tilespmem:s1+$0x110] =	vst v1;
	v1 =	vmul.f32 $8.000000000e+00, v3;
	v3 =	vld [tilespmem:s1+$0x140]  }
0x1d5: {  	[tilespmem:s1+$0x120] =	vst v0;
	v0 =	vmul.f32 $8.000000000e+00, v6;
	v6 =	vld [tilespmem:s1+$0x150]  }
0x1d6: {  	[tilespmem:s1+$0x130] =	vst v1;
	v1 =	vmul.f32 $8.000000000e+00, v4;
	v4 =	vld [tilespmem:s1+$0x160]  }
0x1d7: {  	[tilespmem:s1+$0xFFFFE140] =	vst v0;
	v0 =	vmul.f32 $8.000000000e+00, v5;
	v5 =	vld [tilespmem:s1+$0x170]  }
0x1d8: {  	[tilespmem:s1+$0xFFFFE150] =	vst v1;
	v1 =	vmul.f32 $8.000000000e+00, v2;
	v2 =	vld [tilespmem:s1+$0xFFFFE180]  }
0x1d9: {  	[tilespmem:s1+$0xFFFFE160] =	vst v0;
	v0 =	vmul.f32 $8.000000000e+00, v3;
	v3 =	vld [tilespmem:s1+$0xFFFFE190]  }
0x1da: {  	[tilespmem:s1+$0xFFFFE170] =	vst v1;
	v1 =	vmul.f32 $8.000000000e+00, v6;
	v6 =	vld [tilespmem:s1+$0xFFFFE1A0]  }
0x1db: {  	[tilespmem:s1+$0x140] =	vst v0;
	v0 =	vmul.f32 $8.000000000e+00, v4;
	v4 =	vld [tilespmem:s1+$0xFFFFE1B0]  }
0x1dc: {  	[tilespmem:s1+$0x150] =	vst v1;
	v1 =	vmul.f32 $8.000000000e+00, v5;
	v5 =	vld [tilespmem:s1+$0x180]  }
0x1dd: {  	[tilespmem:s1+$0x160] =	vst v0;
	v0 =	vmul.f32 $8.000000000e+00, v2;
	v2 =	vld [tilespmem:s1+$0x190]  }
0x1de: {  	[tilespmem:s1+$0x170] =	vst v1;
	v1 =	vmul.f32 $8.000000000e+00, v3;
	v3 =	vld [tilespmem:s1+$0x1A0]  }
0x1df: {  	[tilespmem:s1+$0xFFFFE180] =	vst v0;
	v0 =	vmul.f32 $8.000000000e+00, v6;
	v6 =	vld [tilespmem:s1+$0x1B0]  }
0x1e0: {  	[tilespmem:s1+$0xFFFFE190] =	vst v1;
	v1 =	vmul.f32 $8.000000000e+00, v4;
	v4 =	vld [tilespmem:s1+$0xFFFFE1C0]  }
0x1e1: {  	[tilespmem:s1+$0xFFFFE1A0] =	vst v0;
	v0 =	vmul.f32 $8.000000000e+00, v5;
	v5 =	vld [tilespmem:s1+$0xFFFFE1D0]  }
0x1e2: {  	s9 =	sadd.s32 $0x8, s9;
	[tilespmem:s1+$0xFFFFE1B0] =	vst v1;
	v1 =	vmul.f32 $8.000000000e+00, v2;
	v7 =	vld [tilespmem:s1+$0xFFFFE1E0]  }
0x1e3: {  	p1 =	slt.u32 s9, $0x78;
	[tilespmem:s1+$0x180] =	vst v0;
	v2 =	vmul.f32 $8.000000000e+00, v3;
	v8 =	vld [tilespmem:s1+$0xFFFFE1F0]  }
.Ltmp2:
0x1e4: {  	[tilespmem:s1+$0x190] =	vst v1;
	v3 =	vmul.f32 $8.000000000e+00, v6;
	v0 =	vld [tilespmem:s1+$0x1C0];
	(pc) =	sbr.rel @p1 .LBB2_7-.Ltmp2, $4  }
0x1e5: {  	[tilespmem:s1+$0x1A0] =	vst v2;
	v4 =	vmul.f32 $8.000000000e+00, v4;
	v1 =	vld [tilespmem:s1+$0x1D0]  }
0x1e6: {  	[tilespmem:s1+$0x1B0] =	vst v3;
	v5 =	vmul.f32 $8.000000000e+00, v5;
	v2 =	vld [tilespmem:s1+$0x1E0]  }
0x1e7: {  	[tilespmem:s1+$0xFFFFE1C0] =	vst v4;
	v4 =	vmul.f32 $8.000000000e+00, v7;
	v3 =	vld [tilespmem:s1+$0x1F0]  }
0x1e8: {  	s1 =	sadd.s32 $0x200, s1;
	[tilespmem:s7+$0xFFFFE1D0] =	vst v5;
	v5 =	vmul.f32 $8.000000000e+00, v8  }
0x1e9: {  	[tilespmem:s7+$0xFFFFE1E0] =	vst v4;
	v0 =	vmul.f32 $8.000000000e+00, v0  }
0x1ea: {  	[tilespmem:s7+$0xFFFFE1F0] =	vst v5;
	v1 =	vmul.f32 $8.000000000e+00, v1  }
0x1eb: {  	s1 =	sshll.u32 s15, $0xE;
	[tilespmem:s7+$0x1C0] =	vst v0;
	v0 =	vmul.f32 $8.000000000e+00, v2  }
0x1ec: {  	s1 =	sadd.s32 s6, s1;
	[tilespmem:s7+$0x1D0] =	vst v1;
	v1 =	vmul.f32 $8.000000000e+00, v3  }
0x1ed: {  	s1 =	sshrl.u32 s1, $0x3;
	[tilespmem:s7+$0x1E0] =	vst v0  }
0x1ee: {  	s1 =	sadd.s32 s2, s1;
	[tilespmem:s7+$0x1F0] =	vst v1  }
0x1ef: {  	[hbm4b:s1+s3] =	stream.linear.scatter [tilespmem:s17], [sflag:$0xB], $0x4000, $0x38;
	[tilespmem:$0x16400] =	vst v63  }
0x1f0: {  	_ =	swait.ge [sflag:s29], $0x4000  }
0x1f1: {  	s9 =	simm.s32 @!p0 $0xA400;
	[sflag:s29] =	ssyncset.done $0x0  }
0x1f2: {  	s7 =	simm.s32 @!p0 $0x80;
	s1 =	sadd.s32 @!p0 $0x500, s5;
	[sflag:s29] =	ssyncadd.s32 $0xFFFFC000  }
0x1f3: {  	[tilespmem:s9], [sflag:$0x3] =	stream.indirect.gather @!p0 [hbm4b:s4+s7], $0x40, s1, s7, $0xb8;
	[tilespmem:$0x16400] =	vst v63  }
0x1f4: {  	s1 =	sadd.s32 @!p0 $0x580, s5;
	s5 =	simm.s32 @!p0 $0xC400  }
0x1f5: {  	[tilespmem:s5], [sflag:$0x4] =	stream.indirect.gather @!p0 [hbm4b:s4+s7], $0x40, s1, s7, $0xb8;
	[tilespmem:$0x16400] =	vst v63  }
0x1f6: {  	_ =	swait.ge [sflag:s30], $0x2000  }
0x1f7: {  	[sflag:s30] =	ssyncset.done $0x0  }
0x1f8: {  	[sflag:s30] =	ssyncadd.s32 $0xFFFFE000  }
0x1f9: {  	_ =	swait.ge [sflag:s31], $0x2000  }
0x1fa: {  	[sflag:s31] =	ssyncset.done $0x0  }
0x1fb: {  	s5 =	simm.s32 $0x14400;
	[sflag:s31] =	ssyncadd.s32 $0xFFFFE000  }
0x1fc: {  	v0 =	vld [tilespmem:s5+$0xFFFFE000];
	_ =	sdelay $0x1  }
0x1fd: {  	v1 =	vld [tilespmem:s5+$0xFFFFE010]  }
0x1fe: {  	v2 =	vld [tilespmem:s5+$0xFFFFE020]  }
0x1ff: {  	v3 =	vld [tilespmem:s5+$0xFFFFE030]  }
0x200: {  	v4 =	vld [tilespmem:s5+$0x0];
	v0 =	vmul.f32 $8.000000000e+00, v0  }
0x201: {  	v5 =	vld [tilespmem:s5+$0x10]  }
0x202: {  	v1 =	vmul.f32 $8.000000000e+00, v1;
	[tilespmem:s5+$0xFFFFE000] =	vst v0;
	v0 =	vld [tilespmem:s5+$0x20]  }
0x203: {  	v2 =	vmul.f32 $8.000000000e+00, v2  }
0x204: {  	v3 =	vmul.f32 $8.000000000e+00, v3;
	[tilespmem:s5+$0xFFFFE010] =	vst v1;
	v1 =	vld [tilespmem:s5+$0xFFFFE040]  }
0x205: {  	v6 =	vld [tilespmem:s5+$0x30];
	[tilespmem:s5+$0xFFFFE020] =	vst v2;
	v2 =	vmul.f32 $8.000000000e+00, v4  }
0x206: {  	v4 =	vld [tilespmem:s5+$0xFFFFE050];
	[tilespmem:s5+$0xFFFFE030] =	vst v3;
	v3 =	vmul.f32 $8.000000000e+00, v5  }
0x207: {  	[tilespmem:s5+$0x0] =	vst v2;
	v2 =	vld [tilespmem:s5+$0xFFFFE060];
	v0 =	vmul.f32 $8.000000000e+00, v0  }
0x208: {  	v5 =	vld [tilespmem:s5+$0xFFFFE070];
	[tilespmem:s5+$0x10] =	vst v3  }
0x209: {  	v3 =	vld [tilespmem:s5+$0x40];
	[tilespmem:s5+$0x20] =	vst v0;
	v0 =	vmul.f32 $8.000000000e+00, v1  }
0x20a: {  	v6 =	vmul.f32 $8.000000000e+00, v6;
	v1 =	vld [tilespmem:s5+$0x50]  }
0x20b: {  	v4 =	vmul.f32 $8.000000000e+00, v4;
	[tilespmem:s5+$0xFFFFE040] =	vst v0;
	v0 =	vld [tilespmem:s5+$0x60]  }
0x20c: {  	[tilespmem:s5+$0x30] =	vst v6;
	v2 =	vmul.f32 $8.000000000e+00, v2  }
0x20d: {  	v5 =	vmul.f32 $8.000000000e+00, v5;
	[tilespmem:s5+$0xFFFFE050] =	vst v4;
	v4 =	vld [tilespmem:s5+$0xFFFFE080]  }
0x20e: {  	v6 =	vld [tilespmem:s5+$0x70];
	[tilespmem:s5+$0xFFFFE060] =	vst v2;
	v2 =	vmul.f32 $8.000000000e+00, v3  }
0x20f: {  	[tilespmem:s5+$0xFFFFE070] =	vst v5;
	v3 =	vld [tilespmem:s5+$0xFFFFE090];
	v1 =	vmul.f32 $8.000000000e+00, v1  }
0x210: {  	v5 =	vld [tilespmem:s5+$0xFFFFE0B0];
	[tilespmem:s5+$0x40] =	vst v2;
	v0 =	vmul.f32 $8.000000000e+00, v0  }
0x211: {  	v2 =	vld [tilespmem:s5+$0xFFFFE0A0];
	[tilespmem:s5+$0x50] =	vst v1  }
0x212: {  	v1 =	vld [tilespmem:s5+$0x80];
	[tilespmem:s5+$0x60] =	vst v0;
	v0 =	vmul.f32 $8.000000000e+00, v4  }
0x213: {  	v6 =	vmul.f32 $8.000000000e+00, v6;
	v4 =	vld [tilespmem:s5+$0x90]  }
0x214: {  	v3 =	vmul.f32 $8.000000000e+00, v3;
	[tilespmem:s5+$0xFFFFE080] =	vst v0;
	v0 =	vld [tilespmem:s5+$0xA0]  }
0x215: {  	[tilespmem:s5+$0x70] =	vst v6;
	v5 =	vmul.f32 $8.000000000e+00, v5  }
0x216: {  	v2 =	vmul.f32 $8.000000000e+00, v2;
	[tilespmem:s5+$0xFFFFE090] =	vst v3;
	v3 =	vld [tilespmem:s5+$0xFFFFE0C0]  }
0x217: {  	v6 =	vld [tilespmem:s5+$0xB0];
	[tilespmem:s5+$0xFFFFE0B0] =	vst v5;
	v1 =	vmul.f32 $8.000000000e+00, v1  }
0x218: {  	[tilespmem:s5+$0xFFFFE0A0] =	vst v2;
	v2 =	vld [tilespmem:s5+$0xFFFFE0D0];
	v4 =	vmul.f32 $8.000000000e+00, v4  }
0x219: {  	[tilespmem:s5+$0x80] =	vst v1;
	v1 =	vld [tilespmem:s5+$0xFFFFE0E0];
	v0 =	vmul.f32 $8.000000000e+00, v0  }
0x21a: {  	v5 =	vld [tilespmem:s5+$0xFFFFE0F0];
	[tilespmem:s5+$0x90] =	vst v4  }
0x21b: {  	v4 =	vld [tilespmem:s5+$0xC0];
	[tilespmem:s5+$0xA0] =	vst v0;
	v0 =	vmul.f32 $8.000000000e+00, v3  }
0x21c: {  	v6 =	vmul.f32 $8.000000000e+00, v6;
	v3 =	vld [tilespmem:s5+$0xD0]  }
0x21d: {  	v2 =	vmul.f32 $8.000000000e+00, v2;
	[tilespmem:s5+$0xFFFFE0C0] =	vst v0;
	v0 =	vld [tilespmem:s5+$0xE0]  }
0x21e: {  	[tilespmem:s5+$0xB0] =	vst v6;
	v1 =	vmul.f32 $8.000000000e+00, v1  }
0x21f: {  	v5 =	vmul.f32 $8.000000000e+00, v5;
	[tilespmem:s5+$0xFFFFE0D0] =	vst v2;
	v2 =	vld [tilespmem:s5+$0xFFFFE100]  }
0x220: {  	v6 =	vld [tilespmem:s5+$0xF0];
	[tilespmem:s5+$0xFFFFE0E0] =	vst v1;
	v1 =	vmul.f32 $8.000000000e+00, v4  }
0x221: {  	[tilespmem:s5+$0xFFFFE0F0] =	vst v5;
	v4 =	vld [tilespmem:s5+$0xFFFFE110];
	v3 =	vmul.f32 $8.000000000e+00, v3  }
0x222: {  	[tilespmem:s5+$0xC0] =	vst v1;
	v1 =	vld [tilespmem:s5+$0xFFFFE120];
	v0 =	vmul.f32 $8.000000000e+00, v0  }
0x223: {  	v5 =	vld [tilespmem:s5+$0xFFFFE130];
	[tilespmem:s5+$0xD0] =	vst v3  }
0x224: {  	v3 =	vld [tilespmem:s5+$0x100];
	[tilespmem:s5+$0xE0] =	vst v0;
	v0 =	vmul.f32 $8.000000000e+00, v2  }
0x225: {  	v6 =	vmul.f32 $8.000000000e+00, v6;
	v2 =	vld [tilespmem:s5+$0x110]  }
0x226: {  	v4 =	vmul.f32 $8.000000000e+00, v4;
	[tilespmem:s5+$0xFFFFE100] =	vst v0;
	v0 =	vld [tilespmem:s5+$0x120]  }
0x227: {  	[tilespmem:s5+$0xF0] =	vst v6;
	v1 =	vmul.f32 $8.000000000e+00, v1  }
0x228: {  	v5 =	vmul.f32 $8.000000000e+00, v5;
	[tilespmem:s5+$0xFFFFE110] =	vst v4;
	v4 =	vld [tilespmem:s5+$0xFFFFE140]  }
0x229: {  	v6 =	vld [tilespmem:s5+$0x130];
	[tilespmem:s5+$0xFFFFE120] =	vst v1;
	v1 =	vmul.f32 $8.000000000e+00, v3  }
0x22a: {  	[tilespmem:s5+$0xFFFFE130] =	vst v5;
	v3 =	vld [tilespmem:s5+$0xFFFFE150];
	v2 =	vmul.f32 $8.000000000e+00, v2  }
0x22b: {  	[tilespmem:s5+$0x100] =	vst v1;
	v1 =	vld [tilespmem:s5+$0xFFFFE160];
	v0 =	vmul.f32 $8.000000000e+00, v0  }
0x22c: {  	v5 =	vld [tilespmem:s5+$0xFFFFE170];
	[tilespmem:s5+$0x110] =	vst v2  }
0x22d: {  	v2 =	vld [tilespmem:s5+$0x140];
	[tilespmem:s5+$0x120] =	vst v0;
	v0 =	vmul.f32 $8.000000000e+00, v4  }
0x22e: {  	v6 =	vmul.f32 $8.000000000e+00, v6;
	v4 =	vld [tilespmem:s5+$0x150]  }
0x22f: {  	v3 =	vmul.f32 $8.000000000e+00, v3;
	[tilespmem:s5+$0xFFFFE140] =	vst v0;
	v0 =	vld [tilespmem:s5+$0x160]  }
0x230: {  	[tilespmem:s5+$0x130] =	vst v6;
	v1 =	vmul.f32 $8.000000000e+00, v1  }
0x231: {  	v5 =	vmul.f32 $8.000000000e+00, v5;
	[tilespmem:s5+$0xFFFFE150] =	vst v3;
	v3 =	vld [tilespmem:s5+$0xFFFFE180]  }
0x232: {  	v6 =	vld [tilespmem:s5+$0x170];
	[tilespmem:s5+$0xFFFFE160] =	vst v1;
	v1 =	vmul.f32 $8.000000000e+00, v2  }
0x233: {  	[tilespmem:s5+$0xFFFFE170] =	vst v5;
	v2 =	vld [tilespmem:s5+$0xFFFFE190];
	v4 =	vmul.f32 $8.000000000e+00, v4  }
0x234: {  	[tilespmem:s5+$0x140] =	vst v1;
	v1 =	vld [tilespmem:s5+$0xFFFFE1A0];
	v0 =	vmul.f32 $8.000000000e+00, v0  }
0x235: {  	v5 =	vld [tilespmem:s5+$0xFFFFE1B0];
	[tilespmem:s5+$0x150] =	vst v4  }
0x236: {  	v4 =	vld [tilespmem:s5+$0x180];
	[tilespmem:s5+$0x160] =	vst v0;
	v0 =	vmul.f32 $8.000000000e+00, v3  }
0x237: {  	v6 =	vmul.f32 $8.000000000e+00, v6;
	v3 =	vld [tilespmem:s5+$0x190]  }
0x238: {  	v2 =	vmul.f32 $8.000000000e+00, v2;
	[tilespmem:s5+$0xFFFFE180] =	vst v0;
	v0 =	vld [tilespmem:s5+$0x1A0]  }
0x239: {  	[tilespmem:s5+$0x170] =	vst v6;
	v6 =	vld [tilespmem:s5+$0x1B0];
	v1 =	vmul.f32 $8.000000000e+00, v1  }
0x23a: {  	v5 =	vmul.f32 $8.000000000e+00, v5;
	[tilespmem:s5+$0xFFFFE190] =	vst v2;
	v2 =	vld [tilespmem:s5+$0xFFFFE1C0]  }
0x23b: {  	[tilespmem:s5+$0xFFFFE1A0] =	vst v1;
	v1 =	vmul.f32 $8.000000000e+00, v4;
	v4 =	vld [tilespmem:s5+$0xFFFFE1D0]  }
0x23c: {  	[tilespmem:s5+$0xFFFFE1B0] =	vst v5;
	v5 =	vld [tilespmem:s5+$0xFFFFE1E0];
	v3 =	vmul.f32 $8.000000000e+00, v3  }
0x23d: {  	v7 =	vld [tilespmem:s5+$0xFFFFE1F0];
	[tilespmem:s5+$0x180] =	vst v1;
	v1 =	vmul.f32 $8.000000000e+00, v0  }
0x23e: {  	[tilespmem:s5+$0x190] =	vst v3;
	v0 =	vld [tilespmem:s5+$0x1C0];
	v3 =	vmul.f32 $8.000000000e+00, v6  }
0x23f: {  	v6 =	vmul.f32 $8.000000000e+00, v2;
	[tilespmem:s5+$0x1A0] =	vst v1;
	v1 =	vld [tilespmem:s5+$0x1D0]  }
0x240: {  	v2 =	vld [tilespmem:s5+$0x1E0];
	v8 =	vmul.f32 $8.000000000e+00, v4;
	[tilespmem:s5+$0x1B0] =	vst v3  }
0x241: {  	v4 =	vmul.f32 $8.000000000e+00, v5;
	[tilespmem:s5+$0xFFFFE1C0] =	vst v6;
	v3 =	vld [tilespmem:s5+$0x1F0]  }
0x242: {  	s7 =	simm.s32 $0x0;
	s1 =	simm.s32 $0x14600;
	v5 =	vmul.f32 $8.000000000e+00, v7;
	[tilespmem:s5+$0xFFFFE1D0] =	vst v8  }
.LBB2_9:
0x243: {  	v6 =	vld [tilespmem:s1+$0xFFFFE000];
	[tilespmem:s5+$0xFFFFE1E0] =	vst v4;
	v0 =	vmul.f32 $8.000000000e+00, v0  }
0x244: {  	v4 =	vld [tilespmem:s1+$0xFFFFE010];
	[tilespmem:s5+$0xFFFFE1F0] =	vst v5;
	v1 =	vmul.f32 $8.000000000e+00, v1  }
0x245: {  	v5 =	vld [tilespmem:s1+$0xFFFFE020];
	[tilespmem:s5+$0x1C0] =	vst v0;
	v0 =	vmul.f32 $8.000000000e+00, v2  }
0x246: {  	v2 =	vld [tilespmem:s1+$0xFFFFE030];
	[tilespmem:s5+$0x1D0] =	vst v1;
	v1 =	vmul.f32 $8.000000000e+00, v3  }
0x247: {  	v3 =	vld [tilespmem:s1+$0x0];
	[tilespmem:s5+$0x1E0] =	vst v0  }
0x248: {  	v0 =	vmul.f32 $8.000000000e+00, v6;
	v6 =	vld [tilespmem:s1+$0x10];
	[tilespmem:s5+$0x1F0] =	vst v1;
	s5 =	smov.u32 s1  }
0x249: {  	v1 =	vmul.f32 $8.000000000e+00, v4;
	v4 =	vld [tilespmem:s1+$0x20]  }
0x24a: {  	[tilespmem:s1+$0xFFFFE000] =	vst v0;
	v0 =	vmul.f32 $8.000000000e+00, v5;
	v5 =	vld [tilespmem:s1+$0x30]  }
0x24b: {  	[tilespmem:s1+$0xFFFFE010] =	vst v1;
	v1 =	vmul.f32 $8.000000000e+00, v2;
	v2 =	vld [tilespmem:s1+$0xFFFFE040]  }
0x24c: {  	[tilespmem:s1+$0xFFFFE020] =	vst v0;
	v0 =	vmul.f32 $8.000000000e+00, v3;
	v3 =	vld [tilespmem:s1+$0xFFFFE050]  }
0x24d: {  	[tilespmem:s1+$0xFFFFE030] =	vst v1;
	v1 =	vmul.f32 $8.000000000e+00, v6;
	v6 =	vld [tilespmem:s1+$0xFFFFE060]  }
0x24e: {  	[tilespmem:s1+$0x0] =	vst v0;
	v0 =	vmul.f32 $8.000000000e+00, v4;
	v4 =	vld [tilespmem:s1+$0xFFFFE070]  }
0x24f: {  	[tilespmem:s1+$0x10] =	vst v1;
	v1 =	vmul.f32 $8.000000000e+00, v5;
	v5 =	vld [tilespmem:s1+$0x40]  }
0x250: {  	[tilespmem:s1+$0x20] =	vst v0;
	v0 =	vmul.f32 $8.000000000e+00, v2;
	v2 =	vld [tilespmem:s1+$0x50]  }
0x251: {  	[tilespmem:s1+$0x30] =	vst v1;
	v1 =	vmul.f32 $8.000000000e+00, v3;
	v3 =	vld [tilespmem:s1+$0x60]  }
0x252: {  	[tilespmem:s1+$0xFFFFE040] =	vst v0;
	v0 =	vmul.f32 $8.000000000e+00, v6;
	v6 =	vld [tilespmem:s1+$0x70]  }
0x253: {  	[tilespmem:s1+$0xFFFFE050] =	vst v1;
	v1 =	vmul.f32 $8.000000000e+00, v4;
	v4 =	vld [tilespmem:s1+$0xFFFFE080]  }
0x254: {  	[tilespmem:s1+$0xFFFFE060] =	vst v0;
	v0 =	vmul.f32 $8.000000000e+00, v5;
	v5 =	vld [tilespmem:s1+$0xFFFFE090]  }
0x255: {  	[tilespmem:s1+$0xFFFFE070] =	vst v1;
	v1 =	vmul.f32 $8.000000000e+00, v2;
	v2 =	vld [tilespmem:s1+$0xFFFFE0A0]  }
0x256: {  	[tilespmem:s1+$0x40] =	vst v0;
	v0 =	vmul.f32 $8.000000000e+00, v3;
	v3 =	vld [tilespmem:s1+$0xFFFFE0B0]  }
0x257: {  	[tilespmem:s1+$0x50] =	vst v1;
	v1 =	vmul.f32 $8.000000000e+00, v6;
	v6 =	vld [tilespmem:s1+$0x80]  }
0x258: {  	[tilespmem:s1+$0x60] =	vst v0;
	v0 =	vmul.f32 $8.000000000e+00, v4;
	v4 =	vld [tilespmem:s1+$0x90]  }
0x259: {  	[tilespmem:s1+$0x70] =	vst v1;
	v1 =	vmul.f32 $8.000000000e+00, v5;
	v5 =	vld [tilespmem:s1+$0xA0]  }
0x25a: {  	[tilespmem:s1+$0xFFFFE080] =	vst v0;
	v0 =	vmul.f32 $8.000000000e+00, v2;
	v2 =	vld [tilespmem:s1+$0xB0]  }
0x25b: {  	[tilespmem:s1+$0xFFFFE090] =	vst v1;
	v1 =	vmul.f32 $8.000000000e+00, v3;
	v3 =	vld [tilespmem:s1+$0xFFFFE0C0]  }
0x25c: {  	[tilespmem:s1+$0xFFFFE0A0] =	vst v0;
	v0 =	vmul.f32 $8.000000000e+00, v6;
	v6 =	vld [tilespmem:s1+$0xFFFFE0D0]  }
0x25d: {  	[tilespmem:s1+$0xFFFFE0B0] =	vst v1;
	v1 =	vmul.f32 $8.000000000e+00, v4;
	v4 =	vld [tilespmem:s1+$0xFFFFE0E0]  }
0x25e: {  	[tilespmem:s1+$0x80] =	vst v0;
	v0 =	vmul.f32 $8.000000000e+00, v5;
	v5 =	vld [tilespmem:s1+$0xFFFFE0F0]  }
0x25f: {  	[tilespmem:s1+$0x90] =	vst v1;
	v1 =	vmul.f32 $8.000000000e+00, v2;
	v2 =	vld [tilespmem:s1+$0xC0]  }
0x260: {  	[tilespmem:s1+$0xA0] =	vst v0;
	v0 =	vmul.f32 $8.000000000e+00, v3;
	v3 =	vld [tilespmem:s1+$0xD0]  }
0x261: {  	[tilespmem:s1+$0xB0] =	vst v1;
	v1 =	vmul.f32 $8.000000000e+00, v6;
	v6 =	vld [tilespmem:s1+$0xE0]  }
0x262: {  	[tilespmem:s1+$0xFFFFE0C0] =	vst v0;
	v0 =	vmul.f32 $8.000000000e+00, v4;
	v4 =	vld [tilespmem:s1+$0xF0]  }
0x263: {  	[tilespmem:s1+$0xFFFFE0D0] =	vst v1;
	v1 =	vmul.f32 $8.000000000e+00, v5;
	v5 =	vld [tilespmem:s1+$0xFFFFE100]  }
0x264: {  	[tilespmem:s1+$0xFFFFE0E0] =	vst v0;
	v0 =	vmul.f32 $8.000000000e+00, v2;
	v2 =	vld [tilespmem:s1+$0xFFFFE110]  }
0x265: {  	[tilespmem:s1+$0xFFFFE0F0] =	vst v1;
	v1 =	vmul.f32 $8.000000000e+00, v3;
	v3 =	vld [tilespmem:s1+$0xFFFFE120]  }
0x266: {  	[tilespmem:s1+$0xC0] =	vst v0;
	v0 =	vmul.f32 $8.000000000e+00, v6;
	v6 =	vld [tilespmem:s1+$0xFFFFE130]  }
0x267: {  	[tilespmem:s1+$0xD0] =	vst v1;
	v1 =	vmul.f32 $8.000000000e+00, v4;
	v4 =	vld [tilespmem:s1+$0x100]  }
0x268: {  	[tilespmem:s1+$0xE0] =	vst v0;
	v0 =	vmul.f32 $8.000000000e+00, v5;
	v5 =	vld [tilespmem:s1+$0x110]  }
0x269: {  	[tilespmem:s1+$0xF0] =	vst v1;
	v1 =	vmul.f32 $8.000000000e+00, v2;
	v2 =	vld [tilespmem:s1+$0x120]  }
0x26a: {  	[tilespmem:s1+$0xFFFFE100] =	vst v0;
	v0 =	vmul.f32 $8.000000000e+00, v3;
	v3 =	vld [tilespmem:s1+$0x130]  }
0x26b: {  	[tilespmem:s1+$0xFFFFE110] =	vst v1;
	v1 =	vmul.f32 $8.000000000e+00, v6;
	v6 =	vld [tilespmem:s1+$0xFFFFE140]  }
0x26c: {  	[tilespmem:s1+$0xFFFFE120] =	vst v0;
	v0 =	vmul.f32 $8.000000000e+00, v4;
	v4 =	vld [tilespmem:s1+$0xFFFFE150]  }
0x26d: {  	[tilespmem:s1+$0xFFFFE130] =	vst v1;
	v1 =	vmul.f32 $8.000000000e+00, v5;
	v5 =	vld [tilespmem:s1+$0xFFFFE160]  }
0x26e: {  	[tilespmem:s1+$0x100] =	vst v0;
	v0 =	vmul.f32 $8.000000000e+00, v2;
	v2 =	vld [tilespmem:s1+$0xFFFFE170]  }
0x26f: {  	[tilespmem:s1+$0x110] =	vst v1;
	v1 =	vmul.f32 $8.000000000e+00, v3;
	v3 =	vld [tilespmem:s1+$0x140]  }
0x270: {  	[tilespmem:s1+$0x120] =	vst v0;
	v0 =	vmul.f32 $8.000000000e+00, v6;
	v6 =	vld [tilespmem:s1+$0x150]  }
0x271: {  	[tilespmem:s1+$0x130] =	vst v1;
	v1 =	vmul.f32 $8.000000000e+00, v4;
	v4 =	vld [tilespmem:s1+$0x160]  }
0x272: {  	[tilespmem:s1+$0xFFFFE140] =	vst v0;
	v0 =	vmul.f32 $8.000000000e+00, v5;
	v5 =	vld [tilespmem:s1+$0x170]  }
0x273: {  	[tilespmem:s1+$0xFFFFE150] =	vst v1;
	v1 =	vmul.f32 $8.000000000e+00, v2;
	v2 =	vld [tilespmem:s1+$0xFFFFE180]  }
0x274: {  	[tilespmem:s1+$0xFFFFE160] =	vst v0;
	v0 =	vmul.f32 $8.000000000e+00, v3;
	v3 =	vld [tilespmem:s1+$0xFFFFE190]  }
0x275: {  	[tilespmem:s1+$0xFFFFE170] =	vst v1;
	v1 =	vmul.f32 $8.000000000e+00, v6;
	v6 =	vld [tilespmem:s1+$0xFFFFE1A0]  }
0x276: {  	[tilespmem:s1+$0x140] =	vst v0;
	v0 =	vmul.f32 $8.000000000e+00, v4;
	v4 =	vld [tilespmem:s1+$0xFFFFE1B0]  }
0x277: {  	[tilespmem:s1+$0x150] =	vst v1;
	v1 =	vmul.f32 $8.000000000e+00, v5;
	v5 =	vld [tilespmem:s1+$0x180]  }
0x278: {  	[tilespmem:s1+$0x160] =	vst v0;
	v0 =	vmul.f32 $8.000000000e+00, v2;
	v2 =	vld [tilespmem:s1+$0x190]  }
0x279: {  	[tilespmem:s1+$0x170] =	vst v1;
	v1 =	vmul.f32 $8.000000000e+00, v3;
	v3 =	vld [tilespmem:s1+$0x1A0]  }
0x27a: {  	[tilespmem:s1+$0xFFFFE180] =	vst v0;
	v0 =	vmul.f32 $8.000000000e+00, v6;
	v6 =	vld [tilespmem:s1+$0x1B0]  }
0x27b: {  	[tilespmem:s1+$0xFFFFE190] =	vst v1;
	v1 =	vmul.f32 $8.000000000e+00, v4;
	v4 =	vld [tilespmem:s1+$0xFFFFE1C0]  }
0x27c: {  	[tilespmem:s1+$0xFFFFE1A0] =	vst v0;
	v0 =	vmul.f32 $8.000000000e+00, v5;
	v5 =	vld [tilespmem:s1+$0xFFFFE1D0]  }
0x27d: {  	s7 =	sadd.s32 $0x8, s7;
	[tilespmem:s1+$0xFFFFE1B0] =	vst v1;
	v1 =	vmul.f32 $8.000000000e+00, v2;
	v7 =	vld [tilespmem:s1+$0xFFFFE1E0]  }
0x27e: {  	p0 =	slt.u32 s7, $0x78;
	[tilespmem:s1+$0x180] =	vst v0;
	v2 =	vmul.f32 $8.000000000e+00, v3;
	v8 =	vld [tilespmem:s1+$0xFFFFE1F0]  }
.Ltmp3:
0x27f: {  	[tilespmem:s1+$0x190] =	vst v1;
	v3 =	vmul.f32 $8.000000000e+00, v6;
	v0 =	vld [tilespmem:s1+$0x1C0];
	(pc) =	sbr.rel @p0 .LBB2_9-.Ltmp3, $4  }
0x280: {  	[tilespmem:s1+$0x1A0] =	vst v2;
	v4 =	vmul.f32 $8.000000000e+00, v4;
	v1 =	vld [tilespmem:s1+$0x1D0]  }
0x281: {  	[tilespmem:s1+$0x1B0] =	vst v3;
	v5 =	vmul.f32 $8.000000000e+00, v5;
	v2 =	vld [tilespmem:s1+$0x1E0]  }
0x282: {  	[tilespmem:s1+$0xFFFFE1C0] =	vst v4;
	v4 =	vmul.f32 $8.000000000e+00, v7;
	v3 =	vld [tilespmem:s1+$0x1F0]  }
0x283: {  	s1 =	sadd.s32 $0x200, s1;
	[tilespmem:s5+$0xFFFFE1D0] =	vst v5;
	v5 =	vmul.f32 $8.000000000e+00, v8  }
0x284: {  	[tilespmem:s5+$0xFFFFE1E0] =	vst v4;
	v0 =	vmul.f32 $8.000000000e+00, v0;
	s13 =	sadd.s32 $0x1, s13  }
0x285: {  	[tilespmem:s5+$0xFFFFE1F0] =	vst v5;
	v1 =	vmul.f32 $8.000000000e+00, v1;
	p0 =	sne.s32 s13, $0x19  }
.Ltmp4:
0x286: {  	s1 =	sshll.u32 s16, $0xE;
	[tilespmem:s5+$0x1C0] =	vst v0;
	v62 =	vmul.f32 $8.000000000e+00, v2;
	(pc) =	sbr.rel @p0 .LBB2_2-.Ltmp4, $4  }
0x287: {  	s1 =	sadd.s32 s6, s1;
	[tilespmem:s5+$0x1D0] =	vst v1;
	v63 =	vmul.f32 $8.000000000e+00, v3  }
0x288: {  	s1 =	sshrl.u32 s1, $0x3;
	[tilespmem:s5+$0x1E0] =	vst v62  }
0x289: {  	s1 =	sadd.s32 s2, s1;
	[tilespmem:s5+$0x1F0] =	vst v63  }
0x28a: {  	[hbm4b:s1+s3] =	stream.linear.scatter [tilespmem:s21], [sflag:$0xC], $0x4000, $0x38;
	[tilespmem:$0x16400] =	vst v63  }
0x28b: {  	s1 =	simm.s32 $0xB  }
0x28c: {  	_ =	swait.ge [sflag:s1], $0x4000  }
0x28d: {  	[sflag:s1] =	ssyncset.done $0x0  }
0x28e: {  	[sflag:s1] =	ssyncadd.s32 $0xFFFFC000  }
0x28f: {  	_ =	swait.ge [sflag:s0], $0x4000  }
0x290: {  	s12 =	sadd.s32 $0x1, s12;
	s16 =	rddreg [dreg:$0x4]  }
0x291: {  	p0 =	sne.s32 s12, s16  }
.Ltmp5:
0x292: {  	_ = 	snop;
	(pc) =	sbr.rel @p0 .LBB2_1-.Ltmp5, $3  }
0x293: {  	_ =	sdelay $0x1  }
0x294: {  	[sflag:s0] =	ssyncset.done $0x0  }
0x295: {  	[sflag:s0] =	ssyncadd.s32 $0xFFFFC000  }
0x296: {  	_ =	sfence.sel $0x180000  }
0x297: {  	[bflag:$0x0] =	sbarrier.arrive $0xFFFF  }
0x298: {  	_ =	strace $0x90000047  }
0x299: {  	s0 =	stileid.u32;
	[bflag:$0x2] =	sbarrier.arrive $0xFFFF  }
0x29a: {  	p0 =	sne.s32 s0, $0x0;
	s0 =	rddreg [dreg:$0x2]  }
0x29b: {  	s0 =	sadd.s32 @!p0 $0x100000, s0  }
0x29c: {  	[sflag:s0] =	ssyncadd.tile.s32 @!p0 $0x1;
	_ =	shalt  }
.Lfunc_end2:
_tile_overlayer_lowered:
.L_overlay_start_2:
0x29d: {  	(tag) =	ssettag $0x2  }
0x29e: {  	s0 =	rddreg [dreg:$0x0];
	s2 =	stileid.u32  }
0x29f: {  	s1 =	rddreg [dreg:$0x1];
	p0 =	sne.s32 s2, $0x0  }
0x2a0: {  	s3 =	rddreg [dreg:$0x2];
	[bflag:$0x3] =	sbarrier.arrive $0xFFFF;
	s2 =	simm.s32 @!p0 $0x1C0D  }
0x2a1: {  	[timem:s3], [sflag:s2] =	dma.local @!p0 [hbm:s0], s1  }
0x2a2: {  	s0 =	simm.s32 @!p0 $0xD  }
0x2a3: {  	_ =	swait.ge @!p0 [sflag:s0], s1  }
0x2a4: {  	s1 =	ssub.s32 @!p0 $0x0, s1;
	[sflag:s0] =	ssyncset.done @!p0 $0x0  }
0x2a5: {  	[sflag:s0] =	ssyncadd.s32 @!p0 s1  }
0x2a6: {  	[bflag:$0x3] =	sbarrier.arrive $0xFFFF  }
0x2a7: {  	_ =	shalt  }

// kernel: sparse-core-data-format-call.cloned.1.call-start
scs
called_computation_lowered:
.L_overlay_start_0:
0x0: {  	s2 =	sld [smem:$0x3FD9]  }
0x1: {  	s3 =	sld [smem:$0x3FFE];
	_ =	sdelay $0x1  }
0x2: {  	s1 =	srdreg.scid  }
0x3: {  	s0 =	sand.u32 $0x1, s1  }
0x4: {  	s18 =	sshll.u32 s0, $0xA;
	s2 =	sadd.s32 s3, s2  }
0x5: {  	s2 =	sadd.s32 s2, s18  }
0x6: {  	[smem:$0x3FC6] =	sst s2  }
0x7: {  	_ = 	snop  }
0x8: {  	s2 =	sld [smem:$0x3FD0];
	(tm) =	ssettm $0x1  }
0x9: {  	s19 =	sld [smem:$0x3FFB];
	_ =	sdelay $0x3  }
0xa: {  	_ =	strace s19  }
0xb: {  	s3 =	sld [smem:$0x3FFC];
	_ =	sdelay $0x3  }
0xc: {  	_ =	strace s3  }
0xd: {  	s3 =	sld [smem:$0x3FFD];
	_ =	sdelay $0x3  }
0xe: {  	_ =	strace s3  }
0xf: {  	_ =	strace $0x8FFFFFFF  }
0x10: {  	s20 =	sld [smem:$0x3FDB];
	_ =	sdelay $0x1  }
0x11: {  	s4 =	simm.s32 $_scs_section_size  }
0x12: {  	s5 =	simm.s32 $_size__tile_overlayer_lowered;
	s6 =	simm.s32 $_tile_overlayer_lowered  }
0x13: {  	s23 =	simm.s32 $0x1BFF;
	s22 =	sshll.u32 s6, $0x1;
	s3 =	sadd.s32 s4, s20  }
0x14: {  	s7 =	simm.s32 $0x0;
	s21 =	sshll.u32 s5, $0x1;
	s5 =	sadd.s32 s22, s3  }
0x15: {  	[timem:s7], [sflag:s23] =	dma.local [hbm:s5], s21  }
0x16: {  	_ =	swait.ge [sflag:s23], s21  }
0x17: {  	s4 =	ssub.s32 $0x0, s21;
	[sflag:s23] =	ssyncset.done $0x0  }
0x18: {  	[sflag:s23] =	ssyncadd.s32 s4;
	_ =	sdelay $0x1  }
0x19: {  	s24 =	simm.s32 $0x1B8B  }
0x1a: {  	_ =	swait.ge [sflag:s24], $0x1  }
0x1b: {  	[sflag:s24] =	ssyncset.done $0x0  }
0x1c: {  	s26 =	simm.s32 $0x1B8E;
	s25 =	sld [smem:$0x3FFE];
	[sflag:s24] =	ssyncadd.s32 $0xFFFFFFFF  }
0x1d: {  	s27 =	simm.s32 $execute0_lowered;
	[smem:$0x3FD2] =	sst s26  }
0x1e: {  	s5 =	sshll.u32 s27, $0x1;
	_ =	strace $0x80000049;
	[dreg:$0x1] =	wrdreg $0xFFFFFFFF  }
0x1f: {  	s28 =	simm.s32 $_size_execute0_lowered;
	s3 =	sadd.s32 s3, s5;
	[dreg:$0x0] =	wrdreg $0x0  }
0x20: {  	s5 =	sshll.u32 s28, $0x1;
	[dreg:$0x2] =	wrdreg s3  }
0x21: {  	[dreg:$0x3] =	wrdreg s5  }
0x22: {  	[dreg:$0x4] =	wrdreg $0xC0  }
0x23: {  	_ =	task [dreg:s7], $0x5FFFF  }
0x24: {  	[dreg:$0x1] =	wrdreg $0xFFFFFFFF  }
0x25: {  	[dreg:$0x0] =	wrdreg $0x60  }
0x26: {  	[dreg:$0x2] =	wrdreg s25  }
0x27: {  	[dreg:$0x3] =	wrdreg s2  }
0x28: {  	[dreg:$0x4] =	wrdreg $0x9  }
0x29: {  	_ =	task.clear_ibuf [dreg:s7], $0x5FFFF;
	_ =	strace $0x90000049  }
0x2a: {  	s29 =	simm.s32 $0x9;
	_ =	strace $0x8000004B  }
0x2b: {  	_ =	swait.ge [sflag:s29], $0x1  }
0x2c: {  	[sflag:s29] =	ssyncadd.s32 $0xFFFFFFFF  }
0x2d: {  	_ =	strace $0x9000004B  }
0x2e: {  	_ =	sfence  }
0x2f: {  	s30 =	sld [smem:$0x0];
	_ =	sdelay $0x2  }
0x30: {  	s31 =	sshll.u32 s1, $0xD;
	s1 =	sshrl.u32 s1, $0x2  }
0x31: {  	s3 =	sand.u32 $0x4000, s31;
	s1 =	sadd.s32 s1, s30  }
0x32: {  	s0 =	sor.u32 s3, s0;
	s1 =	sshll.u32 s1, $0x11  }
0x33: {  	s0 =	sor.u32 s1, s0  }
0x34: {  	s0 =	sadd.s32 $0x8F2B, s0  }
0x35: {  	[sflag:s0] =	ssyncadd.remote.s32 $0x1  }
0x36: {  	_ =	sfence.sel $0xFFFF  }
0x37: {  	[dreg:$0x0] =	wrdreg $0xFFFFFFFF;
	(pc) =	sbr.abs _section_cstart, $3  }
0x38: {  	[dreg:$0x1] =	wrdreg $0xFFFFFFFF  }
0x39: {  	_ =	task.clear_ibuf [dreg:s7], $0x2FFFF;
	_ =	strace $0x9FFFFFFF  }
0x3a: {  	(tm) =	ssettm $0x7FFFFFFF  }
0x3b: {  	_ =	shalt  }
tec
execute0_lowered:
.L_overlay_start_1:
0x0: {  	(tag) =	ssettag $0x1  }
0x1: {  	s0 =	srdreg.scid  }
0x2: {  	s1 =	sshll.u32 s0, $0x4  }
0x3: {  	s0 =	stileid.u32;
	s1 =	sand.u32 $0x10, s1  }
0x4: {  	s1 =	sor.u32 s0, s1  }
0x5: {  	s6 =	rddreg [dreg:$0x0];
	s4 =	simm.s32 $0x1;
	s2 =	sshll.u32 s1, $0x7  }
0x6: {  	s7 =	simm.s32 $0x2;
	s12 =	simm.s32 $0x0;
	s1 =	ssub.s32 $0x1000, s2  }
0x7: {  	s8 =	simm.s32 $0x8000;
	s13 =	simm.s32 $0x0;
	s3 =	sand.u32 $0xF80, s1  }
0x8: {  	s9 =	simm.s32 $0x0;
	s5 =	sshrl.u32 s1, $0xC;
	p0 =	sne.s32 s3, $0x0  }
.Ltmp0:
0x9: {  	s1 =	rddreg [dreg:$0x2];
	s4 =	simm.s32 @!p0 $0x0;
	(pc) =	sbr.rel .LBB1_1-.Ltmp0, $4  }
0xa: {  	s11 =	simm.s32 $0x0;
	s3 =	rddreg [dreg:$0x1];
	s5 =	sadd.s32 s4, s5  }
0xb: {  	_ =	strace $0x8000004A;
	s4 =	simm.s32 $0x1;
	s5 =	smul.u32 $0xC8, s5  }
0xc: {  	s6 =	sadd.s32 $0xA00, s6;
	s10 =	smov.u32 s2;
	[sflag:s4] =	ssyncpa.u1 $0x0  }
0xd: {  	p0 =	por $0x0, $0x0;
	[sflag:s7] =	ssyncpa.u1 $0x0;
	s7 =	sor.u32 $0x1, s5  }
.LBB1_4:
0xe: {  	s16 =	sshll.u32 s13, $0x3;
	s17 =	sand.u32 $0x78, s13  }
0xf: {  	s30 =	sand.u32 $0x7E00, s13;
	s12 =	sshll.u32 s12, $0xF;
	s16 =	sand.u32 $0xC00, s16  }
0x10: {  	[tilespmem:s15+$0x810 ss:$0x81] =	vst.msk $0xffff, v2;
	s31 =	sand.u32 $0x7, s13;
	s16 =	sor.u32 s17, s16;
	s17 =	sadd.s32 s3, s30  }
0x11: {  	[tilespmem:s15+$0x1020 ss:$0x81] =	vst.msk $0xffff, v0;
	s13 =	sshll.u32 s31, $0x12;
	s12 =	sadd.s32 s12, s17;
	s16 =	sshrl.u32 s16, $0x3  }
0x12: {  	[tilespmem:s15+$0x0 ss:$0x81] =	vst.msk $0xffff, v1;
	s13 =	sor.u32 $0x400, s13;
	s12 =	sadd.s32 s16, s12  }
0x13: {  	[hbm4b:s12+s13] =	stream.strided.scatter [tilespmem:s14], [sflag:$0x2], $0x2000, s8, s13, $0x20;
	[tilespmem:$0x8080] =	vst v63  }
.LBB1_5:
0x14: {  	s14 =	sadd.s32 $0x1, s9  }
0x15: {  	s12 =	sadd.s32 $0x1000, s10;
	s16 =	smov.u32 s10;
	p2 =	sgt.s32 s14, $0xC7  }
0x16: {  	s16 =	smov.u32 @p2 s12  }
0x17: {  	s14 =	simm.s32 @p2 $0x0;
	p2 =	sgt.s32 s16, $0xFFF  }
0x18: {  	s16 =	smov.u32 @p2 s2;
	p2 =	sne.s32 s11, s7  }
.Ltmp1:
0x19: {  	p1 =	slt.u32 s11, $0x2;
	(pc) =	sbr.rel @!p2 .LBB1_6-.Ltmp1, $4  }
0x1a: {  	s15 =	simm.s32 @!p1 $0x2  }
0x1b: {  	s13 =	smov.u32 s10;
	p0 =	por !p0, !p0;
	_ =	swait.ge @!p1 [sflag:s15], $0x2000  }
0x1c: {  	s12 =	smov.u32 s9;
	[sflag:s15] =	ssyncset.done @!p1 $0x0;
	s9 =	smov.u32 s14  }
0x1d: {  	s11 =	sadd.s32 $0x1, s11;
	[sflag:s15] =	ssyncadd.s32 @!p1 $0xFFFFE000;
	s10 =	smov.u32 s16  }
.LBB1_1:
0x1e: {  	p1 =	sge.u32 s11, s5  }
0x1f: {  	s14 =	sand.u32 @!p1 $0x1FFFFFF, s9  }
0x20: {  	s15 =	smulhi.u32 @!p1 $0x147AE15, s14;
	_ =	sdelay $0x1  }
0x21: {  	s15 =	smul.u32 @!p1 $0xC8, s15  }
0x22: {  	s16 =	sxor.u32 @!p1 $0xFFFFFFFF, s11;
	s17 =	smul.u32 @!p1 $0xC80, s10  }
0x23: {  	s31 =	sadd.s32 $0xFFFFFFFF, s11;
	s16 =	sshll.u32 @!p1 s16, $0xD;
	s14 =	ssub.s32 @!p1 s14, s15  }
0x24: {  	s15 =	sand.u32 @!p1 $0x2000, s16;
	s16 =	sadd.s32 @!p1 s6, s17;
	s14 =	sshll.u32 @!p1 s14, $0x4  }
0x25: {  	s17 =	simm.s32 @!p1 $0x6400;
	s14 =	sadd.s32 @!p1 s14, s16;
	s16 =	simm.s32 @!p1 $0x40  }
0x26: {  	[tilespmem:s15], [sflag:$0x1] =	stream.strided.gather @!p1 [hbm4b:s14+s16], $0x2000, s17, s16, $0x38;
	[tilespmem:$0x8080] =	vst v63  }
0x27: {  	p1 =	sge.u32 s31, s5  }
.Ltmp2:
0x28: {  	_ = 	snop;
	(pc) =	sbr.rel @p1 .LBB1_5-.Ltmp2, $1  }
0x29: {  	_ =	sdelay $0x3  }
0x2a: {  	s14 =	simm.s32 $0x1  }
0x2b: {  	_ =	swait.ge [sflag:s4], $0x2000;
	s14 =	simm.s32 @!p0 $0x0  }
0x2c: {  	[sflag:s4] =	ssyncset.done $0x0;
	s15 =	sshll.u32 s14, $0xD  }
0x2d: {  	[sflag:s4] =	ssyncadd.s32 $0xFFFFE000;
	s18 =	sor.u32 $0x20, s15  }
0x2e: {  	s14 =	smul.u32 $0x8100, s14;
	v3 =	vld [tilespmem:s18+$0x10]  }
0x2f: {  	s30 =	sand.u32 $0x1, s11;
	v2 =	vld [tilespmem:s18+$0xFFFFFFF0]  }
0x30: {  	s15 =	smul.u32 $0x8100, s30;
	s14 =	sshrl.u32 s14, $0x2;
	v0 =	vld [tilespmem:s18+$0x0]  }
0x31: {  	v1 =	vld [tilespmem:s18+$0xFFFFFFE0];
	s16 =	sor.u32 $0x4000, s14  }
0x32: {  	s31 =	sshrl.u32 s15, $0x2;
	s15 =	sadd.s32 $0x0, s16  }
0x33: {  	s17 =	simm.s32 $0x4;
	s18 =	sadd.s32 $0x40, s18;
	s14 =	sor.u32 $0x4000, s31;
	[tilespmem:s15+$0x1830 ss:$0x81] =	vst.msk $0xffff, v3  }
.LBB1_3:
0x34: {  	v3 =	vld [tilespmem:s18+$0x10];
	p1 =	sne.s32 s17, $0x1FC;
	[tilespmem:s15+$0x810 ss:$0x81] =	vst.msk $0xffff, v2;
	s19 =	smov.u32 s17;
	s17 =	sadd.s32 $0x4, s17  }
.Ltmp3:
0x35: {  	v2 =	vld [tilespmem:s18+$0xFFFFFFF0];
	[tilespmem:s15+$0x1020 ss:$0x81] =	vst.msk $0xffff, v0;
	(pc) =	sbr.rel @p1 .LBB1_3-.Ltmp3, $4  }
0x36: {  	v0 =	vld [tilespmem:s18+$0x0];
	[tilespmem:s15+$0x0 ss:$0x81] =	vst.msk $0xffff, v1  }
0x37: {  	s15 =	sshra.s32 s19, $0x2;
	v1 =	vld [tilespmem:s18+$0xFFFFFFE0]  }
0x38: {  	s15 =	sadd.s32 s15, s16  }
0x39: {  	s18 =	sadd.s32 $0x40, s18;
	[tilespmem:s15+$0x1830 ss:$0x81] =	vst.msk $0xffff, v3  }
.Ltmp4:
0x3a: {  	_ = 	snop;
	(pc) =	sbr.rel .LBB1_4-.Ltmp4, $1  }
0x3b: {  	_ =	sdelay $0x3  }
.LBB1_6:
0x3c: {  	_ =	sfence.sel $0x180000  }
0x3d: {  	s2 =	simm.s32 $0x1;
	[bflag:$0x0] =	sbarrier.arrive $0xFFFF  }
0x3e: {  	s31 =	simm.s32 $0x2;
	[sflag:s2] =	ssyncpa.u1 $0x1  }
0x3f: {  	[sflag:s31] =	ssyncpa.u1 $0x1  }
0x40: {  	p0 =	sne.s32 s0, $0x0;
	_ =	strace $0x9000004A  }
0x41: {  	s0 =	sadd.s32 @!p0 $0x100000, s1;
	[bflag:$0x2] =	sbarrier.arrive $0xFFFF  }
0x42: {  	[sflag:s0] =	ssyncadd.tile.s32 @!p0 $0x1;
	_ =	shalt  }
.Lfunc_end1:
_tile_overlayer_lowered:
.L_overlay_start_2:
0x43: {  	(tag) =	ssettag $0x2  }
0x44: {  	s0 =	rddreg [dreg:$0x0];
	s2 =	stileid.u32  }
0x45: {  	s1 =	rddreg [dreg:$0x1];
	p0 =	sne.s32 s2, $0x0  }
0x46: {  	s3 =	rddreg [dreg:$0x2];
	[bflag:$0x3] =	sbarrier.arrive $0xFFFF;
	s2 =	simm.s32 @!p0 $0x1C01  }
0x47: {  	[timem:s3], [sflag:s2] =	dma.local @!p0 [hbm:s0], s1  }
0x48: {  	s0 =	simm.s32 @!p0 $0x1  }
0x49: {  	_ =	swait.ge @!p0 [sflag:s0], s1  }
0x4a: {  	s1 =	ssub.s32 @!p0 $0x0, s1;
	[sflag:s0] =	ssyncset.done @!p0 $0x0  }
0x4b: {  	[sflag:s0] =	ssyncadd.s32 @!p0 s1  }
0x4c: {  	[bflag:$0x3] =	sbarrier.arrive $0xFFFF  }
0x4d: {  	_ =	shalt  }

</sc_bundles>
